<compile_context>
chip_gen: v7x
topology: tpu7x:2x2x1
jax: 0.10.2.dev20260603
libtpu: 0.0.44.dev20260713+nightly
codegen_flags: <defaults>
</compile_context>

<pallas_src>
import functools

import jax
import jax.numpy as jnp
from jax import lax
from jax.experimental import pallas as pl
from jax.experimental.pallas import tpu as pltpu
from jax.experimental.pallas import tpu_sc as plsc

N = 10000
E = 320000
NG = 64
NP = 10240
NC, NS = 2, 16
NW = NC * NS
EB = 128
NBLK = E // EB
BN_EPS = 1e-5
_PREC = None

_mesh = plsc.VectorSubcoreMesh(core_axis_name="c", subcore_axis_name="s")


def _elu(t):
    return jnp.where(t > 0, t, jnp.exp(t) - 1.0)


def _bn(t, g, b):
    mu = jnp.mean(t, axis=0)
    var = jnp.mean((t - mu) ** 2, axis=0)
    return g * (t - mu) * lax.rsqrt(var + BN_EPS) + b


@functools.partial(
    pl.kernel,
    out_type=jax.ShapeDtypeStruct((NC * NP, 128), jnp.float32),
    mesh=_mesh,
    compiler_params=pltpu.CompilerParams(needs_layout_passes=False),
    scratch_types=[
        pltpu.VMEM((EB,), jnp.int32),
        pltpu.VMEM((EB,), jnp.float32),
        pltpu.VMEM((EB, 128), jnp.float32),
        pltpu.VMEM((64, 128), jnp.float32),
        pltpu.VMEM_SHARED((NP, 128), jnp.float32),
    ],
)
def _sc_deg(col_hbm, w_hbm, out_hbm, cidx_v, w_v, rows_v, z_v, sc_acc):
    c = lax.axis_index("c")
    s = lax.axis_index("s")
    wid = s * NC + c
    rows_per_tile = NP // NS
    zero16 = jnp.zeros((16,), jnp.float32)

    def _z(i, _):
        for r in range(8):
            z_v[i, pl.ds(16 * r, 16)] = zero16
        return 0
    lax.fori_loop(0, 64, _z, 0)

    def _zr(e, _):
        for r in range(8):
            rows_v[e, pl.ds(16 * r, 16)] = zero16
        return 0
    lax.fori_loop(0, EB, _zr, 0)

    def _z2(k, _):
        pltpu.sync_copy(z_v, sc_acc.at[pl.ds(rows_per_tile * s + 64 * k, 64)])
        return 0
    lax.fori_loop(0, rows_per_tile // 64, _z2, 0)
    plsc.subcore_barrier()

    lo = wid * NBLK // NW
    hi = (wid + 1) * NBLK // NW

    def _blk(b, _):
        base = b * EB
        pltpu.sync_copy(col_hbm.at[pl.ds(base, EB)], cidx_v)
        pltpu.sync_copy(w_hbm.at[pl.ds(base, EB)], w_v)

        def _bc(e, _):
            wb = plsc.load_gather(w_v, [jnp.zeros((16,), jnp.int32) + e])
            rows_v[e, pl.ds(0, 16)] = wb
            return 0
        lax.fori_loop(0, EB, _bc, 0)
        pltpu.sync_copy(rows_v, sc_acc.at[cidx_v], add=True)
        return 0
    lax.fori_loop(lo, hi, _blk, 0)
    plsc.subcore_barrier()

    def _wo(k, _):
        off = rows_per_tile * s + 64 * k
        pltpu.sync_copy(sc_acc.at[pl.ds(off, 64)],
                        out_hbm.at[pl.ds(c * NP + off, 64)])
        return 0
    lax.fori_loop(0, rows_per_tile // 64, _wo, 0)


NBLKP = 2560


def _make_sc_agg(feat_split):
    rows_per_tile = NP // NS
    DC = 128

    @functools.partial(
        pl.kernel,
        out_type=jax.ShapeDtypeStruct((NC * NP, DC), jnp.float32),
        mesh=_mesh,
        compiler_params=pltpu.CompilerParams(needs_layout_passes=False),
        scratch_types=[
            pltpu.VMEM((EB,), jnp.int32),
            pltpu.VMEM((EB,), jnp.int32),
            pltpu.VMEM((EB,), jnp.float32),
            pltpu.VMEM((EB, DC), jnp.float32),
            pltpu.VMEM((64, DC), jnp.float32),
            pltpu.VMEM_SHARED((NP, DC), jnp.float32),
            pltpu.SemaphoreType.DMA,
        ],
    )
    def _sc_agg(row_hbm, col_hbm, w_hbm, y_hbm, out_hbm,
                ridx_v, cidx_v, w_v, rows_v, z_v, acc_sh, sem):
        c = lax.axis_index("c")
        s = lax.axis_index("s")
        zero16 = jnp.zeros((16,), jnp.float32)

        def _z(i, _):
            for r in range(DC // 16):
                z_v[i, pl.ds(16 * r, 16)] = zero16
            return 0
        lax.fori_loop(0, 64, _z, 0)

        def _z2(k, _):
            pltpu.sync_copy(z_v, acc_sh.at[pl.ds(rows_per_tile * s + 64 * k, 64)])
            return 0
        lax.fori_loop(0, rows_per_tile // 64, _z2, 0)
        plsc.subcore_barrier()

        if feat_split:
            lo = s * NBLK // NS
            hi = (s + 1) * NBLK // NS
            coff = c * N
        else:
            wid = s * NC + c
            lo = wid * NBLK // NW
            hi = (wid + 1) * NBLK // NW
            coff = 0

        def _blk(b, _):
            base = b * EB
            pltpu.sync_copy(row_hbm.at[pl.ds(base, EB)], ridx_v)
            pltpu.sync_copy(col_hbm.at[pl.ds(base, EB)], cidx_v)
            pltpu.sync_copy(w_hbm.at[pl.ds(base, EB)], w_v)
            if feat_split:
                for i in range(EB // 16):
                    ridx_v[pl.ds(16 * i, 16)] = ridx_v[pl.ds(16 * i, 16)] + coff
            pltpu.async_copy(y_hbm.at[ridx_v], rows_v, sem).wait()

            def _scale(e, _):
                wb = plsc.load_gather(w_v, [jnp.zeros((16,), jnp.int32) + e])
                for r in range(DC // 16):
                    rows_v[e, pl.ds(16 * r, 16)] = (
                        rows_v[e, pl.ds(16 * r, 16)] * wb)
                return 0
            lax.fori_loop(0, EB, _scale, 0)

            pltpu.sync_copy(rows_v, acc_sh.at[cidx_v], add=True)
            return 0
        lax.fori_loop(lo, hi, _blk, 0)
        plsc.subcore_barrier()

        def _wo(k, _):
            off = rows_per_tile * s + 64 * k
            pltpu.sync_copy(acc_sh.at[pl.ds(off, 64)],
                            out_hbm.at[pl.ds(c * NP + off, 64)])
            return 0
        lax.fori_loop(0, rows_per_tile // 64, _wo, 0)

    return _sc_agg


_sc_agg_edge = _make_sc_agg(False)
_sc_agg_feat = _make_sc_agg(True)


def _cat(y):
    return y.reshape(N, 2, 128).transpose(1, 0, 2).reshape(2 * N, 128)


def _uncat(o):
    return (o.reshape(2, NP, 128)[:, :N, :]
            .transpose(1, 0, 2).reshape(N, 256))


NB = 400
NGRID = N // NB


def _blk(d2):
    return pl.BlockSpec((NB, d2), lambda i: (i, 0))


def _full(d1, d2):
    return pl.BlockSpec((d1, d2), lambda i: (0, 0))


def _tc_dinv_body(p0_ref, p1_ref, dinv_ref):
    deg = p0_ref[:, 0:1] + p1_ref[:, 0:1] + 1.0
    dinv_ref[...] = jnp.where(deg > 0, lax.rsqrt(deg), 0.0)


def _accum_stats(i, t, stats_ref):
    @pl.when(i == 0)
    def _init():
        stats_ref[...] = jnp.zeros_like(stats_ref)
    stats_ref[0:1, :] += jnp.sum(t, axis=0, keepdims=True)
    stats_ref[1:2, :] += jnp.sum(t * t, axis=0, keepdims=True)


def _bn_coeffs(stats, g, be):
    mu = stats[0:1, :] / N
    var = stats[1:2, :] / N - mu * mu
    a = g * lax.rsqrt(var + BN_EPS)
    return a, be - a * mu


def _tc_xw_body(h_ref, dinv_ref, W_ref, xw_ref, y_ref):
    xw = jnp.dot(h_ref[...], W_ref[...],
                 preferred_element_type=jnp.float32, precision=_PREC)
    xw_ref[...] = xw
    y_ref[...] = dinv_ref[...] * xw


def _xw_call(h, dinv, W, din, dout):
    return pl.pallas_call(
        _tc_xw_body,
        grid=(NGRID,),
        in_specs=[_blk(din), _blk(1), _full(din, dout)],
        out_specs=[_blk(dout), _blk(dout)],
        out_shape=[jax.ShapeDtypeStruct((N, dout), jnp.float32),
                   jax.ShapeDtypeStruct((N, dout), jnp.float32)],
    )(h, dinv, W)


def _tc_pre_body(agg_ref, xw_ref, dinv_ref, b_ref, t_ref, stats_ref):
    dinv = dinv_ref[...]
    t = dinv * agg_ref[...] + (dinv * dinv) * xw_ref[...] + b_ref[...]
    t_ref[...] = t
    _accum_stats(pl.program_id(0), t, stats_ref)


def _tc_pre_split_body(p0_ref, p1_ref, xw_ref, dinv_ref, b_ref,
                       t_ref, stats_ref):
    dinv = dinv_ref[...]
    t = (dinv * (p0_ref[...] + p1_ref[...])
         + (dinv * dinv) * xw_ref[...] + b_ref[...])
    t_ref[...] = t
    _accum_stats(pl.program_id(0), t, stats_ref)


def _pre_call(split, agg_args, xw, dinv, b, d):
    body = _tc_pre_split_body if split else _tc_pre_body
    in_specs = ([_blk(d)] * len(agg_args)
                + [_blk(d), _blk(1), _full(1, d)])
    return pl.pallas_call(
        body,
        grid=(NGRID,),
        in_specs=in_specs,
        out_specs=[_blk(d), _full(8, d)],
        out_shape=[jax.ShapeDtypeStruct((N, d), jnp.float32),
                   jax.ShapeDtypeStruct((8, d), jnp.float32)],
    )(*agg_args, xw, dinv, b)


def _tc_bnapply_mm_body(t_ref, stats_ref, dinv_ref, g_ref, be_ref, W_ref,
                        xw_ref, y_ref):
    a, bb = _bn_coeffs(stats_ref[...], g_ref[...], be_ref[...])
    h = _elu(a * t_ref[...] + bb)
    xw = jnp.dot(h, W_ref[...],
                 preferred_element_type=jnp.float32, precision=_PREC)
    xw_ref[...] = xw
    y_ref[...] = dinv_ref[...] * xw


def _bnapply_mm_call(t, stats, dinv, g, be, W, din, dout):
    return pl.pallas_call(
        _tc_bnapply_mm_body,
        grid=(NGRID,),
        in_specs=[_blk(din), _full(8, din), _blk(1),
                  _full(1, din), _full(1, din), _full(din, dout)],
        out_specs=[_blk(dout), _blk(dout)],
        out_shape=[jax.ShapeDtypeStruct((N, dout), jnp.float32),
                   jax.ShapeDtypeStruct((N, dout), jnp.float32)],
    )(t, stats, dinv, g, be, W)


def _tc_pool_body(t3_ref, stats_ref, g3_ref, be3_ref, bcol_ref,
                  sums_ref, counts_ref, maxs_ref):
    i = pl.program_id(0)
    a, bb = _bn_coeffs(stats_ref[...], g3_ref[...], be3_ref[...])
    h3 = _elu(a * t3_ref[...] + bb)

    bcol = bcol_ref[...]
    gids_row = lax.broadcasted_iota(jnp.int32, (1, NG), 1)
    onehotf = (bcol == gids_row).astype(jnp.float32)

    @pl.when(i == 0)
    def _init():
        sums_ref[...] = jnp.zeros_like(sums_ref)
        counts_ref[...] = jnp.zeros_like(counts_ref)
        maxs_ref[...] = jnp.full_like(maxs_ref, -2.0)

    dnums = (((0,), (0,)), ((), ()))
    sums_ref[...] += lax.dot_general(
        onehotf, h3, dnums, preferred_element_type=jnp.float32, precision=_PREC)
    counts_ref[...] += lax.dot_general(
        onehotf, jnp.ones((NB, 1), jnp.float32), dnums,
        preferred_element_type=jnp.float32, precision=_PREC)

    mx_rows = []
    for g in range(NG):
        filled = jnp.where(bcol == g, h3, -2.0)
        mx_rows.append(jnp.max(filled, axis=0)[None, :])
    maxs_ref[...] = jnp.maximum(maxs_ref[...], jnp.concatenate(mx_rows, axis=0))


def _tc_final_body(sums_ref, counts_ref, maxs_ref, Wm_ref, bm_ref,
                   gm_ref, bem_ref, emb_ref):
    counts = counts_ref[...]
    x_mean = sums_ref[...] / jnp.maximum(counts, 1.0)
    x_max = maxs_ref[...]
    x_max = jnp.where(x_max == -2.0, 0.0, x_max)
    out = jnp.concatenate([x_mean, x_max], axis=1)
    t = jnp.dot(out, Wm_ref[...], preferred_element_type=jnp.float32, precision=_PREC) + bm_ref[...]
    mu = jnp.mean(t, axis=0)
    var = jnp.mean((t - mu) ** 2, axis=0)
    bn = gm_ref[...] * (t - mu) * lax.rsqrt(var + BN_EPS) + bem_ref[...]
    emb_ref[...] = jnp.maximum(bn, 0.0)


def kernel(x, edge_index, edge_attr, batch,
           W1, b1, g1, be1, W2, b2, g2, be2, W3, b3, g3, be3,
           Wm, bm, gm, bem):
    f32 = jnp.float32
    row = edge_index[0].astype(jnp.int32)
    col = edge_index[1].astype(jnp.int32)
    w = edge_attr.astype(f32)

    degp = _sc_deg(col, w)
    dinvp = pl.pallas_call(
        _tc_dinv_body,
        out_shape=jax.ShapeDtypeStruct((NP, 1), f32))(degp[:NP], degp[NP:])
    dinv = dinvp[:N]


    xw1, y1 = _xw_call(x, dinv, W1, 128, 256)
    agg1 = _uncat(_sc_agg_feat(row, col, w, _cat(y1)))
    t1, stats1 = _pre_call(False, (agg1,), xw1, dinv, b1.reshape(1, 256), 256)

    xw2, y2 = _bnapply_mm_call(t1, stats1, dinv, g1.reshape(1, 256),
                               be1.reshape(1, 256), W2, 256, 256)
    agg2 = _uncat(_sc_agg_feat(row, col, w, _cat(y2)))
    t2, stats2 = _pre_call(False, (agg2,), xw2, dinv, b2.reshape(1, 256), 256)

    xw3, y3 = _bnapply_mm_call(t2, stats2, dinv, g2.reshape(1, 256),
                               be2.reshape(1, 256), W3, 256, 128)
    agg3p = _sc_agg_edge(row, col, w, y3)
    t3, stats3 = _pre_call(True, (agg3p[:N], agg3p[NP:NP + N]), xw3, dinv,
                           b3.reshape(1, 128), 128)

    bcol = batch.astype(jnp.int32).reshape(N, 1)
    sums, counts, maxs = pl.pallas_call(
        _tc_pool_body,
        grid=(NGRID,),
        in_specs=[_blk(128), _full(8, 128), _full(1, 128), _full(1, 128),
                  _blk(1)],
        out_specs=[_full(NG, 128), _full(NG, 1), _full(NG, 128)],
        out_shape=[jax.ShapeDtypeStruct((NG, 128), f32),
                   jax.ShapeDtypeStruct((NG, 1), f32),
                   jax.ShapeDtypeStruct((NG, 128), f32)],
    )(t3, stats3, g3.reshape(1, 128), be3.reshape(1, 128), bcol)

    emb = pl.pallas_call(
        _tc_final_body,
        out_shape=jax.ShapeDtypeStruct((NG, 128), f32),
    )(sums, counts, maxs, Wm, bm.reshape(1, 128), gm.reshape(1, 128),
      bem.reshape(1, 128))
    return emb

# --- scband reference (transcript-rebuilt; emitter-appended) ---
"""Pipeline reference for scband-gcnencoder-82952998355435 (READ-ONLY COPY).

The authoritative reference and input builder live on the scoring server;
editing this copy changes nothing except your own understanding.
"""

import jax, jax.numpy as jnp
import numpy as np

N_NODES = 10000
N_EDGES = 320000
IN_DIM = 128
HID = 256
EMB = 128
N_GRAPHS = 64


def batch_norm(x, gamma, beta, eps=1e-5):
    mu = jnp.mean(x, axis=0)
    var = jnp.mean((x - mu) ** 2, axis=0)
    return gamma * (x - mu) / jnp.sqrt(var + eps) + beta


def gcn_conv(x, edge_index, edge_weight, W, b):
    N = x.shape[0]
    row = edge_index[0]
    col = edge_index[1]
    loop = jnp.arange(N, dtype=edge_index.dtype)
    row = jnp.concatenate([row, loop])
    col = jnp.concatenate([col, loop])
    w = jnp.concatenate([edge_weight, jnp.ones((N,), dtype=x.dtype)])
    deg = jax.ops.segment_sum(w, col, num_segments=N)
    dinv = jnp.where(deg > 0, deg ** -0.5, 0.0)
    norm = dinv[row] * w * dinv[col]
    xw = x @ W
    out = jax.ops.segment_sum(norm[:, None] * xw[row], col, num_segments=N)
    return out + b


def setup_inputs(seed: int = 0) -> dict:
    key = jax.random.key(seed)
    ks = jax.random.split(key, 24)
    x = jax.random.normal(ks[0], (N_NODES, IN_DIM), dtype=jnp.float32)
    edge_index = jax.random.randint(ks[1], (2, N_EDGES), 0, N_NODES, dtype=jnp.int64 if jax.config.jax_enable_x64 else jnp.int32)
    edge_attr = jax.random.uniform(ks[2], (N_EDGES,), dtype=jnp.float32)
    batch = jnp.sort(jax.random.randint(ks[3], (N_NODES,), 0, N_GRAPHS))
    def glorot(k, fan_in, fan_out):
        s = (6.0 / (fan_in + fan_out)) ** 0.5
        return jax.random.uniform(k, (fan_in, fan_out), minval=-s, maxval=s, dtype=jnp.float32)
    return {
        "x": x, "edge_index": edge_index, "edge_attr": edge_attr, "batch": batch,
        "W1": glorot(ks[4], IN_DIM, HID), "b1": jnp.zeros((HID,), jnp.float32),
        "g1": jnp.ones((HID,), jnp.float32), "be1": jnp.zeros((HID,), jnp.float32),
        "W2": glorot(ks[5], HID, HID), "b2": jnp.zeros((HID,), jnp.float32),
        "g2": jnp.ones((HID,), jnp.float32), "be2": jnp.zeros((HID,), jnp.float32),
        "W3": glorot(ks[6], HID, EMB), "b3": jnp.zeros((EMB,), jnp.float32),
        "g3": jnp.ones((EMB,), jnp.float32), "be3": jnp.zeros((EMB,), jnp.float32),
        "Wm": glorot(ks[7], 2 * EMB, EMB), "bm": jnp.zeros((EMB,), jnp.float32),
        "gm": jnp.ones((EMB,), jnp.float32), "bem": jnp.zeros((EMB,), jnp.float32),
    }


def reference(x, edge_index, edge_attr, batch, W1, b1, g1, be1, W2, b2, g2, be2, W3, b3, g3, be3, Wm, bm, gm, bem):
    # layer 1 (dropout is identity in eval)
    h = jax.nn.elu(batch_norm(gcn_conv(x, edge_index, edge_attr, W1, b1), g1, be1))
    h = jax.nn.elu(batch_norm(gcn_conv(h, edge_index, edge_attr, W2, b2), g2, be2))
    h = jax.nn.elu(batch_norm(gcn_conv(h, edge_index, edge_attr, W3, b3), g3, be3))
    # dual readout
    counts = jax.ops.segment_sum(jnp.ones((h.shape[0],), h.dtype), batch, num_segments=N_GRAPHS)
    x_mean = jax.ops.segment_sum(h, batch, num_segments=N_GRAPHS) / jnp.maximum(counts, 1.0)[:, None]
    x_max = jax.ops.segment_max(h, batch, num_segments=N_GRAPHS)
    x_max = jnp.where(jnp.isfinite(x_max), x_max, 0.0)
    out = jnp.concatenate([x_mean, x_max], axis=1)
    emb = jax.nn.relu(batch_norm(out @ Wm + bm, gm, bem))
    return emb

if __name__ == "__main__":
    import jax
    _d = setup_inputs()
    print(jax.jit(kernel)(*tuple(_d.values())))

</pallas_src>

<mosaic_0001>
#map = affine_map<(d0, d1) -> (0)>
#map1 = affine_map<(d0, d1) -> (0, 0)>
module attributes {stable_mosaic.version = 14 : i64} {
  func.func @_sc_agg(%arg0: i32, %arg1: i32, %arg2: memref<320000xi32, #tpu.memory_space<hbm>>, %arg3: memref<320000xi32, #tpu.memory_space<hbm>>, %arg4: memref<320000xf32, #tpu.memory_space<hbm>>, %arg5: memref<20000x128xf32, #tpu.memory_space<hbm>>, %arg6: memref<20480x128xf32, #tpu.memory_space<hbm>>, %arg7: memref<128xi32, #tpu.memory_space<vmem>>, %arg8: memref<128xi32, #tpu.memory_space<vmem>>, %arg9: memref<128xf32, #tpu.memory_space<vmem>>, %arg10: memref<128x128xf32, #tpu.memory_space<vmem>>, %arg11: memref<64x128xf32, #tpu.memory_space<vmem>>, %arg12: memref<10240x128xf32, #tpu.memory_space<vmem_shared>>, %arg13: memref<!tpu.dma_semaphore, #tpu.memory_space<semaphore_mem>>) attributes {dimension_semantics = [#tpu.dimension_semantics<core_parallel>, #tpu.dimension_semantics<subcore_parallel>], iteration_bounds = array<i64: 2, 16>, scalar_prefetch = 0 : i64, scratch_operands = 7 : i64, tpu.core_type = #tpu.core_type<sc_vector_subcore>, window_params = [{transform_indices = #map}, {transform_indices = #map}, {transform_indices = #map}, {transform_indices = #map1}, {transform_indices = #map1}]} {
    %broadcast_in_dim3A = arith.constant 0.000000e+00 : f32
    %broadcast_in_dim3A_0 = vector.broadcast %broadcast_in_dim3A : f32 to vector<16xf32>
    %scan3A = arith.constant 0 : i32
    %scan3A_1 = arith.constant 0 : i32
    %scan3A_2 = arith.constant 64 : i32
    %scan3A_3 = arith.addi %scan3A_1, %scan3A_2 : i32
    %scan3A_4 = arith.constant 1 : i32
    %scan3A_5 = scf.for %scan3A_78 = %scan3A_1 to %scan3A_3 step %scan3A_4 iter_args(%scan3A_79 = %scan3A) -> (i32)  : i32 {
      %swap3A = arith.index_cast %scan3A_78 : i32 to index
      %swap3A_80 = arith.constant 0 : index
      %swap3A_81 = tpu.vector_load %arg11[%swap3A, %swap3A_80] {strides = array<i32>} : memref<64x128xf32, #tpu.memory_space<vmem>>, vector<16xf32>,
      tpu.vector_store %arg11[%swap3A, %swap3A_80], %broadcast_in_dim3A_0 {strides = array<i32>} : memref<64x128xf32, #tpu.memory_space<vmem>>, vector<16xf32>,
      %swap3A_82 = arith.index_cast %scan3A_78 : i32 to index
      %swap3A_83 = arith.constant 16 : index
      %swap3A_84 = tpu.vector_load %arg11[%swap3A_82, %swap3A_83] {strides = array<i32>} : memref<64x128xf32, #tpu.memory_space<vmem>>, vector<16xf32>,
      tpu.vector_store %arg11[%swap3A_82, %swap3A_83], %broadcast_in_dim3A_0 {strides = array<i32>} : memref<64x128xf32, #tpu.memory_space<vmem>>, vector<16xf32>,
      %swap3A_85 = arith.index_cast %scan3A_78 : i32 to index
      %swap3A_86 = arith.constant 32 : index
      %swap3A_87 = tpu.vector_load %arg11[%swap3A_85, %swap3A_86] {strides = array<i32>} : memref<64x128xf32, #tpu.memory_space<vmem>>, vector<16xf32>,
      tpu.vector_store %arg11[%swap3A_85, %swap3A_86], %broadcast_in_dim3A_0 {strides = array<i32>} : memref<64x128xf32, #tpu.memory_space<vmem>>, vector<16xf32>,
      %swap3A_88 = arith.index_cast %scan3A_78 : i32 to index
      %swap3A_89 = arith.constant 48 : index
      %swap3A_90 = tpu.vector_load %arg11[%swap3A_88, %swap3A_89] {strides = array<i32>} : memref<64x128xf32, #tpu.memory_space<vmem>>, vector<16xf32>,
      tpu.vector_store %arg11[%swap3A_88, %swap3A_89], %broadcast_in_dim3A_0 {strides = array<i32>} : memref<64x128xf32, #tpu.memory_space<vmem>>, vector<16xf32>,
      %swap3A_91 = arith.index_cast %scan3A_78 : i32 to index
      %swap3A_92 = arith.constant 64 : index
      %swap3A_93 = tpu.vector_load %arg11[%swap3A_91, %swap3A_92] {strides = array<i32>} : memref<64x128xf32, #tpu.memory_space<vmem>>, vector<16xf32>,
      tpu.vector_store %arg11[%swap3A_91, %swap3A_92], %broadcast_in_dim3A_0 {strides = array<i32>} : memref<64x128xf32, #tpu.memory_space<vmem>>, vector<16xf32>,
      %swap3A_94 = arith.index_cast %scan3A_78 : i32 to index
      %swap3A_95 = arith.constant 80 : index
      %swap3A_96 = tpu.vector_load %arg11[%swap3A_94, %swap3A_95] {strides = array<i32>} : memref<64x128xf32, #tpu.memory_space<vmem>>, vector<16xf32>,
      tpu.vector_store %arg11[%swap3A_94, %swap3A_95], %broadcast_in_dim3A_0 {strides = array<i32>} : memref<64x128xf32, #tpu.memory_space<vmem>>, vector<16xf32>,
      %swap3A_97 = arith.index_cast %scan3A_78 : i32 to index
      %swap3A_98 = arith.constant 96 : index
      %swap3A_99 = tpu.vector_load %arg11[%swap3A_97, %swap3A_98] {strides = array<i32>} : memref<64x128xf32, #tpu.memory_space<vmem>>, vector<16xf32>,
      tpu.vector_store %arg11[%swap3A_97, %swap3A_98], %broadcast_in_dim3A_0 {strides = array<i32>} : memref<64x128xf32, #tpu.memory_space<vmem>>, vector<16xf32>,
      %swap3A_100 = arith.index_cast %scan3A_78 : i32 to index
      %swap3A_101 = arith.constant 112 : index
      %swap3A_102 = tpu.vector_load %arg11[%swap3A_100, %swap3A_101] {strides = array<i32>} : memref<64x128xf32, #tpu.memory_space<vmem>>, vector<16xf32>,
      tpu.vector_store %arg11[%swap3A_100, %swap3A_101], %broadcast_in_dim3A_0 {strides = array<i32>} : memref<64x128xf32, #tpu.memory_space<vmem>>, vector<16xf32>,
      %scan3A_103 = arith.constant 0 : i32
      scf.yield %scan3A_103 : i32
    }
    %scan3A_6 = arith.constant 64 : i32
    %scan3A_7 = arith.constant 0 : i32
    %scan3A_8 = arith.constant 0 : i32
    %scan3A_9 = arith.constant 10 : i32
    %scan3A_10 = arith.addi %scan3A_8, %scan3A_9 : i32
    %scan3A_11 = arith.constant 1 : i32
    %scan3A_12 = scf.for %scan3A_78 = %scan3A_8 to %scan3A_10 step %scan3A_11 iter_args(%scan3A_79 = %scan3A_7) -> (i32)  : i32 {
      %mul3A_80 = arith.constant 640 : i32
      %mul3A_81 = arith.muli %mul3A_80, %arg1 : i32
      %mul3A_82 = arith.constant 64 : i32
      %mul3A_83 = arith.muli %mul3A_82, %scan3A_78 : i32
      %add3A_84 = arith.addi %mul3A_81, %mul3A_83 : i32
      "tpu.region"() ({
        %run_scoped3A = tpu.sem_alloc : memref<!tpu.dma_semaphore, #tpu.memory_space<semaphore_mem>>
        %dma_start3A = arith.constant 0 : i32
        %dma_start3A_86 = tpu.memref_slice %arg12[%add3A_84, %dma_start3A] : memref<10240x128xf32, #tpu.memory_space<vmem_shared>> -> memref<64x128xf32, #tpu.memory_space<vmem_shared>>
        %dma_start3A_87 = arith.constant 0 : i32
        %dma_start3A_88 = tpu.memref_slice %arg12[%add3A_84, %dma_start3A_87] : memref<10240x128xf32, #tpu.memory_space<vmem_shared>> -> memref<64x128xf32, #tpu.memory_space<vmem_shared>>
        tpu.enqueue_dma source(%arg11 : memref<64x128xf32, #tpu.memory_space<vmem>>) target(%dma_start3A_88 : memref<64x128xf32, #tpu.memory_space<vmem_shared>>) target_semaphore(%run_scoped3A : memref<!tpu.dma_semaphore, #tpu.memory_space<semaphore_mem>>)
        %dma_wait3A = arith.constant 0 : i32
        %dma_wait3A_89 = tpu.memref_slice %arg12[%add3A_84, %dma_wait3A] : memref<10240x128xf32, #tpu.memory_space<vmem_shared>> -> memref<64x128xf32, #tpu.memory_space<vmem_shared>>
        %dma_wait3A_90 = arith.constant 0 : i32
        %dma_wait3A_91 = tpu.memref_slice %arg12[%add3A_84, %dma_wait3A_90] : memref<10240x128xf32, #tpu.memory_space<vmem_shared>> -> memref<64x128xf32, #tpu.memory_space<vmem_shared>>
        tpu.wait_dma2 semaphore(%run_scoped3A : memref<!tpu.dma_semaphore, #tpu.memory_space<semaphore_mem>>) src(%arg11 : memref<64x128xf32, #tpu.memory_space<vmem>>) dst(%dma_wait3A_91 : memref<64x128xf32, #tpu.memory_space<vmem_shared>>)
        tpu.yield
      }) : () -> ()
      %scan3A_85 = arith.constant 0 : i32
      scf.yield %scan3A_85 : i32
    }
    %scan3A_13 = arith.constant 10 : i32
    %barrier3A = arith.constant 0 : index
    tpu.barrier barrier_id(%barrier3A)
    %mul3A = arith.constant 2500 : i32
    %mul3A_14 = arith.muli %arg1, %mul3A : i32
    %jit3A = arith.constant 16 : i32
    %div3A = arith.divsi %mul3A_14, %jit3A : i32
    %sign3A = arith.constant 0 : i32
    %sign3A_15 = arith.cmpi sgt, %mul3A_14, %sign3A : i32
    %sign3A_16 = arith.extui %sign3A_15 : i1 to i32
    %sign3A_17 = arith.constant 0 : i32
    %sign3A_18 = arith.cmpi slt, %mul3A_14, %sign3A_17 : i32
    %sign3A_19 = arith.extui %sign3A_18 : i1 to i32
    %sign3A_20 = arith.subi %sign3A_16, %sign3A_19 : i32
    %sign3A_21 = arith.constant 0 : i32
    %sign3A_22 = arith.cmpi sgt, %jit3A, %sign3A_21 : i32
    %sign3A_23 = arith.extui %sign3A_22 : i1 to i32
    %sign3A_24 = arith.constant 0 : i32
    %sign3A_25 = arith.cmpi slt, %jit3A, %sign3A_24 : i32
    %sign3A_26 = arith.extui %sign3A_25 : i1 to i32
    %sign3A_27 = arith.subi %sign3A_23, %sign3A_26 : i32
    %ne3A = arith.cmpi ne, %sign3A_20, %sign3A_27 : i32
    %rem3A = arith.remsi %mul3A_14, %jit3A : i32
    %ne3A_28 = arith.constant 0 : i32
    %ne3A_29 = arith.cmpi ne, %rem3A, %ne3A_28 : i32
    %and3A = arith.andi %ne3A, %ne3A_29 : i1
    %sub3A = arith.constant 1 : i32
    %sub3A_30 = arith.subi %div3A, %sub3A : i32
    %select_n3A = arith.select %and3A, %sub3A_30, %div3A : i32
    %add3A = arith.constant 1 : i32
    %add3A_31 = arith.addi %arg1, %add3A : i32
    %mul3A_32 = arith.constant 2500 : i32
    %mul3A_33 = arith.muli %add3A_31, %mul3A_32 : i32
    %jit3A_34 = arith.constant 16 : i32
    %div3A_35 = arith.divsi %mul3A_33, %jit3A_34 : i32
    %sign3A_36 = arith.constant 0 : i32
    %sign3A_37 = arith.cmpi sgt, %mul3A_33, %sign3A_36 : i32
    %sign3A_38 = arith.extui %sign3A_37 : i1 to i32
    %sign3A_39 = arith.constant 0 : i32
    %sign3A_40 = arith.cmpi slt, %mul3A_33, %sign3A_39 : i32
    %sign3A_41 = arith.extui %sign3A_40 : i1 to i32
    %sign3A_42 = arith.subi %sign3A_38, %sign3A_41 : i32
    %sign3A_43 = arith.constant 0 : i32
    %sign3A_44 = arith.cmpi sgt, %jit3A_34, %sign3A_43 : i32
    %sign3A_45 = arith.extui %sign3A_44 : i1 to i32
    %sign3A_46 = arith.constant 0 : i32
    %sign3A_47 = arith.cmpi slt, %jit3A_34, %sign3A_46 : i32
    %sign3A_48 = arith.extui %sign3A_47 : i1 to i32
    %sign3A_49 = arith.subi %sign3A_45, %sign3A_48 : i32
    %ne3A_50 = arith.cmpi ne, %sign3A_42, %sign3A_49 : i32
    %rem3A_51 = arith.remsi %mul3A_33, %jit3A_34 : i32
    %ne3A_52 = arith.constant 0 : i32
    %ne3A_53 = arith.cmpi ne, %rem3A_51, %ne3A_52 : i32
    %and3A_54 = arith.andi %ne3A_50, %ne3A_53 : i1
    %sub3A_55 = arith.constant 1 : i32
    %sub3A_56 = arith.subi %div3A_35, %sub3A_55 : i32
    %select_n3A_57 = arith.select %and3A_54, %sub3A_56, %div3A_35 : i32
    %mul3A_58 = arith.constant 10000 : i32
    %mul3A_59 = arith.muli %arg0, %mul3A_58 : i32
    %while3A = arith.constant 0 : i32
    %while3A_60 = arith.subi %select_n3A_57, %select_n3A : i32
    %while3A_61 = arith.addi %select_n3A, %while3A_60 : i32
    %while3A_62 = arith.constant 1 : i32
    %while3A_63 = arith.divsi %while3A_60, %while3A_62 : i32
    %while3A_64 = arith.muli %while3A_63, %while3A_62 : i32
    %while3A_65 = arith.addi %select_n3A, %while3A_64 : i32
    %while3A_66 = arith.constant 1 : i32
    %while3A_67 = scf.for %while3A_78 = %select_n3A to %while3A_65 step %while3A_66 iter_args(%while3A_79 = %while3A) -> (i32)  : i32 {
      %mul3A_80 = arith.constant 128 : i32
      %mul3A_81 = arith.muli %while3A_78, %mul3A_80 : i32
      "tpu.region"() ({
        %run_scoped3A = tpu.sem_alloc : memref<!tpu.dma_semaphore, #tpu.memory_space<semaphore_mem>>
        %dma_start3A_140 = tpu.memref_slice %arg2[%mul3A_81] : memref<320000xi32, #tpu.memory_space<hbm>> -> memref<128xi32, #tpu.memory_space<hbm>>
        %dma_start3A_141 = tpu.memref_slice %arg2[%mul3A_81] : memref<320000xi32, #tpu.memory_space<hbm>> -> memref<128xi32, #tpu.memory_space<hbm>>
        tpu.enqueue_dma source(%dma_start3A_141 : memref<128xi32, #tpu.memory_space<hbm>>) target(%arg7 : memref<128xi32, #tpu.memory_space<vmem>>) target_semaphore(%run_scoped3A : memref<!tpu.dma_semaphore, #tpu.memory_space<semaphore_mem>>)
        %dma_wait3A_142 = tpu.memref_slice %arg2[%mul3A_81] : memref<320000xi32, #tpu.memory_space<hbm>> -> memref<128xi32, #tpu.memory_space<hbm>>
        %dma_wait3A_143 = tpu.memref_slice %arg2[%mul3A_81] : memref<320000xi32, #tpu.memory_space<hbm>> -> memref<128xi32, #tpu.memory_space<hbm>>
        tpu.wait_dma2 semaphore(%run_scoped3A : memref<!tpu.dma_semaphore, #tpu.memory_space<semaphore_mem>>) src(%dma_wait3A_143 : memref<128xi32, #tpu.memory_space<hbm>>) dst(%arg7 : memref<128xi32, #tpu.memory_space<vmem>>)
        tpu.yield
      }) : () -> ()
      "tpu.region"() ({
        %run_scoped3A = tpu.sem_alloc : memref<!tpu.dma_semaphore, #tpu.memory_space<semaphore_mem>>
        %dma_start3A_140 = tpu.memref_slice %arg3[%mul3A_81] : memref<320000xi32, #tpu.memory_space<hbm>> -> memref<128xi32, #tpu.memory_space<hbm>>
        %dma_start3A_141 = tpu.memref_slice %arg3[%mul3A_81] : memref<320000xi32, #tpu.memory_space<hbm>> -> memref<128xi32, #tpu.memory_space<hbm>>
        tpu.enqueue_dma source(%dma_start3A_141 : memref<128xi32, #tpu.memory_space<hbm>>) target(%arg8 : memref<128xi32, #tpu.memory_space<vmem>>) target_semaphore(%run_scoped3A : memref<!tpu.dma_semaphore, #tpu.memory_space<semaphore_mem>>)
        %dma_wait3A_142 = tpu.memref_slice %arg3[%mul3A_81] : memref<320000xi32, #tpu.memory_space<hbm>> -> memref<128xi32, #tpu.memory_space<hbm>>
        %dma_wait3A_143 = tpu.memref_slice %arg3[%mul3A_81] : memref<320000xi32, #tpu.memory_space<hbm>> -> memref<128xi32, #tpu.memory_space<hbm>>
        tpu.wait_dma2 semaphore(%run_scoped3A : memref<!tpu.dma_semaphore, #tpu.memory_space<semaphore_mem>>) src(%dma_wait3A_143 : memref<128xi32, #tpu.memory_space<hbm>>) dst(%arg8 : memref<128xi32, #tpu.memory_space<vmem>>)
        tpu.yield
      }) : () -> ()
      "tpu.region"() ({
        %run_scoped3A = tpu.sem_alloc : memref<!tpu.dma_semaphore, #tpu.memory_space<semaphore_mem>>
        %dma_start3A_140 = tpu.memref_slice %arg4[%mul3A_81] : memref<320000xf32, #tpu.memory_space<hbm>> -> memref<128xf32, #tpu.memory_space<hbm>>
        %dma_start3A_141 = tpu.memref_slice %arg4[%mul3A_81] : memref<320000xf32, #tpu.memory_space<hbm>> -> memref<128xf32, #tpu.memory_space<hbm>>
        tpu.enqueue_dma source(%dma_start3A_141 : memref<128xf32, #tpu.memory_space<hbm>>) target(%arg9 : memref<128xf32, #tpu.memory_space<vmem>>) target_semaphore(%run_scoped3A : memref<!tpu.dma_semaphore, #tpu.memory_space<semaphore_mem>>)
        %dma_wait3A_142 = tpu.memref_slice %arg4[%mul3A_81] : memref<320000xf32, #tpu.memory_space<hbm>> -> memref<128xf32, #tpu.memory_space<hbm>>
        %dma_wait3A_143 = tpu.memref_slice %arg4[%mul3A_81] : memref<320000xf32, #tpu.memory_space<hbm>> -> memref<128xf32, #tpu.memory_space<hbm>>
        tpu.wait_dma2 semaphore(%run_scoped3A : memref<!tpu.dma_semaphore, #tpu.memory_space<semaphore_mem>>) src(%dma_wait3A_143 : memref<128xf32, #tpu.memory_space<hbm>>) dst(%arg9 : memref<128xf32, #tpu.memory_space<vmem>>)
        tpu.yield
      }) : () -> ()
      %get3A = arith.constant 0 : index
      %get3A_82 = tpu.vector_load %arg7[%get3A] {strides = array<i32>} : memref<128xi32, #tpu.memory_space<vmem>>, vector<16xi32>,
      %add3A_83 = vector.broadcast %mul3A_59 : i32 to vector<16xi32>
      %add3A_84 = arith.addi %get3A_82, %add3A_83 : vector<16xi32>
      %swap3A = arith.constant 0 : index
      %swap3A_85 = tpu.vector_load %arg7[%swap3A] {strides = array<i32>} : memref<128xi32, #tpu.memory_space<vmem>>, vector<16xi32>,
      tpu.vector_store %arg7[%swap3A], %add3A_84 {strides = array<i32>} : memref<128xi32, #tpu.memory_space<vmem>>, vector<16xi32>,
      %get3A_86 = arith.constant 16 : index
      %get3A_87 = tpu.vector_load %arg7[%get3A_86] {strides = array<i32>} : memref<128xi32, #tpu.memory_space<vmem>>, vector<16xi32>,
      %add3A_88 = vector.broadcast %mul3A_59 : i32 to vector<16xi32>
      %add3A_89 = arith.addi %get3A_87, %add3A_88 : vector<16xi32>
      %swap3A_90 = arith.constant 16 : index
      %swap3A_91 = tpu.vector_load %arg7[%swap3A_90] {strides = array<i32>} : memref<128xi32, #tpu.memory_space<vmem>>, vector<16xi32>,
      tpu.vector_store %arg7[%swap3A_90], %add3A_89 {strides = array<i32>} : memref<128xi32, #tpu.memory_space<vmem>>, vector<16xi32>,
      %get3A_92 = arith.constant 32 : index
      %get3A_93 = tpu.vector_load %arg7[%get3A_92] {strides = array<i32>} : memref<128xi32, #tpu.memory_space<vmem>>, vector<16xi32>,
      %add3A_94 = vector.broadcast %mul3A_59 : i32 to vector<16xi32>
      %add3A_95 = arith.addi %get3A_93, %add3A_94 : vector<16xi32>
      %swap3A_96 = arith.constant 32 : index
      %swap3A_97 = tpu.vector_load %arg7[%swap3A_96] {strides = array<i32>} : memref<128xi32, #tpu.memory_space<vmem>>, vector<16xi32>,
      tpu.vector_store %arg7[%swap3A_96], %add3A_95 {strides = array<i32>} : memref<128xi32, #tpu.memory_space<vmem>>, vector<16xi32>,
      %get3A_98 = arith.constant 48 : index
      %get3A_99 = tpu.vector_load %arg7[%get3A_98] {strides = array<i32>} : memref<128xi32, #tpu.memory_space<vmem>>, vector<16xi32>,
      %add3A_100 = vector.broadcast %mul3A_59 : i32 to vector<16xi32>
      %add3A_101 = arith.addi %get3A_99, %add3A_100 : vector<16xi32>
      %swap3A_102 = arith.constant 48 : index
      %swap3A_103 = tpu.vector_load %arg7[%swap3A_102] {strides = array<i32>} : memref<128xi32, #tpu.memory_space<vmem>>, vector<16xi32>,
      tpu.vector_store %arg7[%swap3A_102], %add3A_101 {strides = array<i32>} : memref<128xi32, #tpu.memory_space<vmem>>, vector<16xi32>,
      %get3A_104 = arith.constant 64 : index
      %get3A_105 = tpu.vector_load %arg7[%get3A_104] {strides = array<i32>} : memref<128xi32, #tpu.memory_space<vmem>>, vector<16xi32>,
      %add3A_106 = vector.broadcast %mul3A_59 : i32 to vector<16xi32>
      %add3A_107 = arith.addi %get3A_105, %add3A_106 : vector<16xi32>
      %swap3A_108 = arith.constant 64 : index
      %swap3A_109 = tpu.vector_load %arg7[%swap3A_108] {strides = array<i32>} : memref<128xi32, #tpu.memory_space<vmem>>, vector<16xi32>,
      tpu.vector_store %arg7[%swap3A_108], %add3A_107 {strides = array<i32>} : memref<128xi32, #tpu.memory_space<vmem>>, vector<16xi32>,
      %get3A_110 = arith.constant 80 : index
      %get3A_111 = tpu.vector_load %arg7[%get3A_110] {strides = array<i32>} : memref<128xi32, #tpu.memory_space<vmem>>, vector<16xi32>,
      %add3A_112 = vector.broadcast %mul3A_59 : i32 to vector<16xi32>
      %add3A_113 = arith.addi %get3A_111, %add3A_112 : vector<16xi32>
      %swap3A_114 = arith.constant 80 : index
      %swap3A_115 = tpu.vector_load %arg7[%swap3A_114] {strides = array<i32>} : memref<128xi32, #tpu.memory_space<vmem>>, vector<16xi32>,
      tpu.vector_store %arg7[%swap3A_114], %add3A_113 {strides = array<i32>} : memref<128xi32, #tpu.memory_space<vmem>>, vector<16xi32>,
      %get3A_116 = arith.constant 96 : index
      %get3A_117 = tpu.vector_load %arg7[%get3A_116] {strides = array<i32>} : memref<128xi32, #tpu.memory_space<vmem>>, vector<16xi32>,
      %add3A_118 = vector.broadcast %mul3A_59 : i32 to vector<16xi32>
      %add3A_119 = arith.addi %get3A_117, %add3A_118 : vector<16xi32>
      %swap3A_120 = arith.constant 96 : index
      %swap3A_121 = tpu.vector_load %arg7[%swap3A_120] {strides = array<i32>} : memref<128xi32, #tpu.memory_space<vmem>>, vector<16xi32>,
      tpu.vector_store %arg7[%swap3A_120], %add3A_119 {strides = array<i32>} : memref<128xi32, #tpu.memory_space<vmem>>, vector<16xi32>,
      %get3A_122 = arith.constant 112 : index
      %get3A_123 = tpu.vector_load %arg7[%get3A_122] {strides = array<i32>} : memref<128xi32, #tpu.memory_space<vmem>>, vector<16xi32>,
      %add3A_124 = vector.broadcast %mul3A_59 : i32 to vector<16xi32>
      %add3A_125 = arith.addi %get3A_123, %add3A_124 : vector<16xi32>
      %swap3A_126 = arith.constant 112 : index
      %swap3A_127 = tpu.vector_load %arg7[%swap3A_126] {strides = array<i32>} : memref<128xi32, #tpu.memory_space<vmem>>, vector<16xi32>,
      tpu.vector_store %arg7[%swap3A_126], %add3A_125 {strides = array<i32>} : memref<128xi32, #tpu.memory_space<vmem>>, vector<16xi32>,
      %dma_start3A = arith.constant 0 : i32
      %dma_start3A_128 = arith.constant 0 : i32
      %dma_start3A_129 = tpu.memref_slice %arg5[%dma_start3A, %dma_start3A_128] : memref<20000x128xf32, #tpu.memory_space<hbm>> -> memref<20000x128xf32, #tpu.memory_space<hbm>>
      tpu.enqueue_indirect_dma source(%dma_start3A_129 : memref<20000x128xf32, #tpu.memory_space<hbm>>) target(%arg10 : memref<128x128xf32, #tpu.memory_space<vmem>>) offsets(%arg7 : memref<128xi32, #tpu.memory_space<vmem>>) semaphore(%arg13 : memref<!tpu.dma_semaphore, #tpu.memory_space<semaphore_mem>>)
      %dma_wait3A = arith.constant 0 : i32
      %dma_wait3A_130 = arith.constant 0 : i32
      %dma_wait3A_131 = tpu.memref_slice %arg5[%dma_wait3A, %dma_wait3A_130] : memref<20000x128xf32, #tpu.memory_space<hbm>> -> memref<20000x128xf32, #tpu.memory_space<hbm>>
      tpu.wait_indirect_dma semaphore(%arg13 : memref<!tpu.dma_semaphore, #tpu.memory_space<semaphore_mem>>) src(%dma_wait3A_131 : memref<20000x128xf32, #tpu.memory_space<hbm>>) dst(%arg10 : memref<128x128xf32, #tpu.memory_space<vmem>>)
      %scan3A_132 = arith.constant 0 : i32
      %scan3A_133 = arith.constant 0 : i32
      %scan3A_134 = arith.constant 128 : i32
      %scan3A_135 = arith.addi %scan3A_133, %scan3A_134 : i32
      %scan3A_136 = arith.constant 1 : i32
      %scan3A_137 = scf.for %scan3A_140 = %scan3A_133 to %scan3A_135 step %scan3A_136 iter_args(%scan3A_141 = %scan3A_132) -> (i32)  : i32 {
        %broadcast_in_dim3A_142 = arith.constant 0 : i32
        %broadcast_in_dim3A_143 = vector.broadcast %broadcast_in_dim3A_142 : i32 to vector<16xi32>
        %add3A_144 = vector.broadcast %scan3A_140 : i32 to vector<16xi32>
        %add3A_145 = arith.addi %broadcast_in_dim3A_143, %add3A_144 : vector<16xi32>
        %gather3A = tpu.vector_load_idx %arg9[%add3A_145] : memref<128xf32, #tpu.memory_space<vmem>>[vector<16xi32>], vector<16xf32>,
        %get3A_146 = arith.index_cast %scan3A_140 : i32 to index
        %get3A_147 = arith.constant 0 : index
        %get3A_148 = tpu.vector_load %arg10[%get3A_146, %get3A_147] {strides = array<i32>} : memref<128x128xf32, #tpu.memory_space<vmem>>, vector<16xf32>,
        %mul3A_149 = arith.mulf %get3A_148, %gather3A : vector<16xf32>
        %swap3A_150 = arith.index_cast %scan3A_140 : i32 to index
        %swap3A_151 = arith.constant 0 : index
        %swap3A_152 = tpu.vector_load %arg10[%swap3A_150, %swap3A_151] {strides = array<i32>} : memref<128x128xf32, #tpu.memory_space<vmem>>, vector<16xf32>,
        tpu.vector_store %arg10[%swap3A_150, %swap3A_151], %mul3A_149 {strides = array<i32>} : memref<128x128xf32, #tpu.memory_space<vmem>>, vector<16xf32>,
        %get3A_153 = arith.index_cast %scan3A_140 : i32 to index
        %get3A_154 = arith.constant 16 : index
        %get3A_155 = tpu.vector_load %arg10[%get3A_153, %get3A_154] {strides = array<i32>} : memref<128x128xf32, #tpu.memory_space<vmem>>, vector<16xf32>,
        %mul3A_156 = arith.mulf %get3A_155, %gather3A : vector<16xf32>
        %swap3A_157 = arith.index_cast %scan3A_140 : i32 to index
        %swap3A_158 = arith.constant 16 : index
        %swap3A_159 = tpu.vector_load %arg10[%swap3A_157, %swap3A_158] {strides = array<i32>} : memref<128x128xf32, #tpu.memory_space<vmem>>, vector<16xf32>,
        tpu.vector_store %arg10[%swap3A_157, %swap3A_158], %mul3A_156 {strides = array<i32>} : memref<128x128xf32, #tpu.memory_space<vmem>>, vector<16xf32>,
        %get3A_160 = arith.index_cast %scan3A_140 : i32 to index
        %get3A_161 = arith.constant 32 : index
        %get3A_162 = tpu.vector_load %arg10[%get3A_160, %get3A_161] {strides = array<i32>} : memref<128x128xf32, #tpu.memory_space<vmem>>, vector<16xf32>,
        %mul3A_163 = arith.mulf %get3A_162, %gather3A : vector<16xf32>
        %swap3A_164 = arith.index_cast %scan3A_140 : i32 to index
        %swap3A_165 = arith.constant 32 : index
        %swap3A_166 = tpu.vector_load %arg10[%swap3A_164, %swap3A_165] {strides = array<i32>} : memref<128x128xf32, #tpu.memory_space<vmem>>, vector<16xf32>,
        tpu.vector_store %arg10[%swap3A_164, %swap3A_165], %mul3A_163 {strides = array<i32>} : memref<128x128xf32, #tpu.memory_space<vmem>>, vector<16xf32>,
        %get3A_167 = arith.index_cast %scan3A_140 : i32 to index
        %get3A_168 = arith.constant 48 : index
        %get3A_169 = tpu.vector_load %arg10[%get3A_167, %get3A_168] {strides = array<i32>} : memref<128x128xf32, #tpu.memory_space<vmem>>, vector<16xf32>,
        %mul3A_170 = arith.mulf %get3A_169, %gather3A : vector<16xf32>
        %swap3A_171 = arith.index_cast %scan3A_140 : i32 to index
        %swap3A_172 = arith.constant 48 : index
        %swap3A_173 = tpu.vector_load %arg10[%swap3A_171, %swap3A_172] {strides = array<i32>} : memref<128x128xf32, #tpu.memory_space<vmem>>, vector<16xf32>,
        tpu.vector_store %arg10[%swap3A_171, %swap3A_172], %mul3A_170 {strides = array<i32>} : memref<128x128xf32, #tpu.memory_space<vmem>>, vector<16xf32>,
        %get3A_174 = arith.index_cast %scan3A_140 : i32 to index
        %get3A_175 = arith.constant 64 : index
        %get3A_176 = tpu.vector_load %arg10[%get3A_174, %get3A_175] {strides = array<i32>} : memref<128x128xf32, #tpu.memory_space<vmem>>, vector<16xf32>,
        %mul3A_177 = arith.mulf %get3A_176, %gather3A : vector<16xf32>
        %swap3A_178 = arith.index_cast %scan3A_140 : i32 to index
        %swap3A_179 = arith.constant 64 : index
        %swap3A_180 = tpu.vector_load %arg10[%swap3A_178, %swap3A_179] {strides = array<i32>} : memref<128x128xf32, #tpu.memory_space<vmem>>, vector<16xf32>,
        tpu.vector_store %arg10[%swap3A_178, %swap3A_179], %mul3A_177 {strides = array<i32>} : memref<128x128xf32, #tpu.memory_space<vmem>>, vector<16xf32>,
        %get3A_181 = arith.index_cast %scan3A_140 : i32 to index
        %get3A_182 = arith.constant 80 : index
        %get3A_183 = tpu.vector_load %arg10[%get3A_181, %get3A_182] {strides = array<i32>} : memref<128x128xf32, #tpu.memory_space<vmem>>, vector<16xf32>,
        %mul3A_184 = arith.mulf %get3A_183, %gather3A : vector<16xf32>
        %swap3A_185 = arith.index_cast %scan3A_140 : i32 to index
        %swap3A_186 = arith.constant 80 : index
        %swap3A_187 = tpu.vector_load %arg10[%swap3A_185, %swap3A_186] {strides = array<i32>} : memref<128x128xf32, #tpu.memory_space<vmem>>, vector<16xf32>,
        tpu.vector_store %arg10[%swap3A_185, %swap3A_186], %mul3A_184 {strides = array<i32>} : memref<128x128xf32, #tpu.memory_space<vmem>>, vector<16xf32>,
        %get3A_188 = arith.index_cast %scan3A_140 : i32 to index
        %get3A_189 = arith.constant 96 : index
        %get3A_190 = tpu.vector_load %arg10[%get3A_188, %get3A_189] {strides = array<i32>} : memref<128x128xf32, #tpu.memory_space<vmem>>, vector<16xf32>,
        %mul3A_191 = arith.mulf %get3A_190, %gather3A : vector<16xf32>
        %swap3A_192 = arith.index_cast %scan3A_140 : i32 to index
        %swap3A_193 = arith.constant 96 : index
        %swap3A_194 = tpu.vector_load %arg10[%swap3A_192, %swap3A_193] {strides = array<i32>} : memref<128x128xf32, #tpu.memory_space<vmem>>, vector<16xf32>,
        tpu.vector_store %arg10[%swap3A_192, %swap3A_193], %mul3A_191 {strides = array<i32>} : memref<128x128xf32, #tpu.memory_space<vmem>>, vector<16xf32>,
        %get3A_195 = arith.index_cast %scan3A_140 : i32 to index
        %get3A_196 = arith.constant 112 : index
        %get3A_197 = tpu.vector_load %arg10[%get3A_195, %get3A_196] {strides = array<i32>} : memref<128x128xf32, #tpu.memory_space<vmem>>, vector<16xf32>,
        %mul3A_198 = arith.mulf %get3A_197, %gather3A : vector<16xf32>
        %swap3A_199 = arith.index_cast %scan3A_140 : i32 to index
        %swap3A_200 = arith.constant 112 : index
        %swap3A_201 = tpu.vector_load %arg10[%swap3A_199, %swap3A_200] {strides = array<i32>} : memref<128x128xf32, #tpu.memory_space<vmem>>, vector<16xf32>,
        tpu.vector_store %arg10[%swap3A_199, %swap3A_200], %mul3A_198 {strides = array<i32>} : memref<128x128xf32, #tpu.memory_space<vmem>>, vector<16xf32>,
        %scan3A_202 = arith.constant 0 : i32
        scf.yield %scan3A_202 : i32
      }
      %scan3A_138 = arith.constant 128 : i32
      "tpu.region"() ({
        %run_scoped3A = tpu.sem_alloc : memref<!tpu.dma_semaphore, #tpu.memory_space<semaphore_mem>>
        %dma_start3A_140 = arith.constant 0 : i32
        %dma_start3A_141 = arith.constant 0 : i32
        %dma_start3A_142 = tpu.memref_slice %arg12[%dma_start3A_140, %dma_start3A_141] : memref<10240x128xf32, #tpu.memory_space<vmem_shared>> -> memref<10240x128xf32, #tpu.memory_space<vmem_shared>>
        tpu.enqueue_indirect_dma source(%arg10 : memref<128x128xf32, #tpu.memory_space<vmem>>) target(%dma_start3A_142 : memref<10240x128xf32, #tpu.memory_space<vmem_shared>>) offsets(%arg8 : memref<128xi32, #tpu.memory_space<vmem>>) semaphore(%run_scoped3A : memref<!tpu.dma_semaphore, #tpu.memory_space<semaphore_mem>>) {add = true}
        %dma_wait3A_143 = arith.constant 0 : i32
        %dma_wait3A_144 = arith.constant 0 : i32
        %dma_wait3A_145 = tpu.memref_slice %arg12[%dma_wait3A_143, %dma_wait3A_144] : memref<10240x128xf32, #tpu.memory_space<vmem_shared>> -> memref<10240x128xf32, #tpu.memory_space<vmem_shared>>
        tpu.wait_indirect_dma semaphore(%run_scoped3A : memref<!tpu.dma_semaphore, #tpu.memory_space<semaphore_mem>>) src(%arg10 : memref<128x128xf32, #tpu.memory_space<vmem>>) dst(%dma_wait3A_145 : memref<10240x128xf32, #tpu.memory_space<vmem_shared>>)
        tpu.yield
      }) : () -> ()
      %while3A_139 = arith.constant 0 : i32
      scf.yield %while3A_139 : i32
    }
    %while3A_68 = arith.constant 1 : i32
    %while3A_69 = scf.for %while3A_78 = %while3A_65 to %while3A_61 step %while3A_68 iter_args(%while3A_79 = %while3A_67) -> (i32)  : i32 {
      %mul3A_80 = arith.constant 128 : i32
      %mul3A_81 = arith.muli %while3A_78, %mul3A_80 : i32
      "tpu.region"() ({
        %run_scoped3A = tpu.sem_alloc : memref<!tpu.dma_semaphore, #tpu.memory_space<semaphore_mem>>
        %dma_start3A_140 = tpu.memref_slice %arg2[%mul3A_81] : memref<320000xi32, #tpu.memory_space<hbm>> -> memref<128xi32, #tpu.memory_space<hbm>>
        %dma_start3A_141 = tpu.memref_slice %arg2[%mul3A_81] : memref<320000xi32, #tpu.memory_space<hbm>> -> memref<128xi32, #tpu.memory_space<hbm>>
        tpu.enqueue_dma source(%dma_start3A_141 : memref<128xi32, #tpu.memory_space<hbm>>) target(%arg7 : memref<128xi32, #tpu.memory_space<vmem>>) target_semaphore(%run_scoped3A : memref<!tpu.dma_semaphore, #tpu.memory_space<semaphore_mem>>)
        %dma_wait3A_142 = tpu.memref_slice %arg2[%mul3A_81] : memref<320000xi32, #tpu.memory_space<hbm>> -> memref<128xi32, #tpu.memory_space<hbm>>
        %dma_wait3A_143 = tpu.memref_slice %arg2[%mul3A_81] : memref<320000xi32, #tpu.memory_space<hbm>> -> memref<128xi32, #tpu.memory_space<hbm>>
        tpu.wait_dma2 semaphore(%run_scoped3A : memref<!tpu.dma_semaphore, #tpu.memory_space<semaphore_mem>>) src(%dma_wait3A_143 : memref<128xi32, #tpu.memory_space<hbm>>) dst(%arg7 : memref<128xi32, #tpu.memory_space<vmem>>)
        tpu.yield
      }) : () -> ()
      "tpu.region"() ({
        %run_scoped3A = tpu.sem_alloc : memref<!tpu.dma_semaphore, #tpu.memory_space<semaphore_mem>>
        %dma_start3A_140 = tpu.memref_slice %arg3[%mul3A_81] : memref<320000xi32, #tpu.memory_space<hbm>> -> memref<128xi32, #tpu.memory_space<hbm>>
        %dma_start3A_141 = tpu.memref_slice %arg3[%mul3A_81] : memref<320000xi32, #tpu.memory_space<hbm>> -> memref<128xi32, #tpu.memory_space<hbm>>
        tpu.enqueue_dma source(%dma_start3A_141 : memref<128xi32, #tpu.memory_space<hbm>>) target(%arg8 : memref<128xi32, #tpu.memory_space<vmem>>) target_semaphore(%run_scoped3A : memref<!tpu.dma_semaphore, #tpu.memory_space<semaphore_mem>>)
        %dma_wait3A_142 = tpu.memref_slice %arg3[%mul3A_81] : memref<320000xi32, #tpu.memory_space<hbm>> -> memref<128xi32, #tpu.memory_space<hbm>>
        %dma_wait3A_143 = tpu.memref_slice %arg3[%mul3A_81] : memref<320000xi32, #tpu.memory_space<hbm>> -> memref<128xi32, #tpu.memory_space<hbm>>
        tpu.wait_dma2 semaphore(%run_scoped3A : memref<!tpu.dma_semaphore, #tpu.memory_space<semaphore_mem>>) src(%dma_wait3A_143 : memref<128xi32, #tpu.memory_space<hbm>>) dst(%arg8 : memref<128xi32, #tpu.memory_space<vmem>>)
        tpu.yield
      }) : () -> ()
      "tpu.region"() ({
        %run_scoped3A = tpu.sem_alloc : memref<!tpu.dma_semaphore, #tpu.memory_space<semaphore_mem>>
        %dma_start3A_140 = tpu.memref_slice %arg4[%mul3A_81] : memref<320000xf32, #tpu.memory_space<hbm>> -> memref<128xf32, #tpu.memory_space<hbm>>
        %dma_start3A_141 = tpu.memref_slice %arg4[%mul3A_81] : memref<320000xf32, #tpu.memory_space<hbm>> -> memref<128xf32, #tpu.memory_space<hbm>>
        tpu.enqueue_dma source(%dma_start3A_141 : memref<128xf32, #tpu.memory_space<hbm>>) target(%arg9 : memref<128xf32, #tpu.memory_space<vmem>>) target_semaphore(%run_scoped3A : memref<!tpu.dma_semaphore, #tpu.memory_space<semaphore_mem>>)
        %dma_wait3A_142 = tpu.memref_slice %arg4[%mul3A_81] : memref<320000xf32, #tpu.memory_space<hbm>> -> memref<128xf32, #tpu.memory_space<hbm>>
        %dma_wait3A_143 = tpu.memref_slice %arg4[%mul3A_81] : memref<320000xf32, #tpu.memory_space<hbm>> -> memref<128xf32, #tpu.memory_space<hbm>>
        tpu.wait_dma2 semaphore(%run_scoped3A : memref<!tpu.dma_semaphore, #tpu.memory_space<semaphore_mem>>) src(%dma_wait3A_143 : memref<128xf32, #tpu.memory_space<hbm>>) dst(%arg9 : memref<128xf32, #tpu.memory_space<vmem>>)
        tpu.yield
      }) : () -> ()
      %get3A = arith.constant 0 : index
      %get3A_82 = tpu.vector_load %arg7[%get3A] {strides = array<i32>} : memref<128xi32, #tpu.memory_space<vmem>>, vector<16xi32>,
      %add3A_83 = vector.broadcast %mul3A_59 : i32 to vector<16xi32>
      %add3A_84 = arith.addi %get3A_82, %add3A_83 : vector<16xi32>
      %swap3A = arith.constant 0 : index
      %swap3A_85 = tpu.vector_load %arg7[%swap3A] {strides = array<i32>} : memref<128xi32, #tpu.memory_space<vmem>>, vector<16xi32>,
      tpu.vector_store %arg7[%swap3A], %add3A_84 {strides = array<i32>} : memref<128xi32, #tpu.memory_space<vmem>>, vector<16xi32>,
      %get3A_86 = arith.constant 16 : index
      %get3A_87 = tpu.vector_load %arg7[%get3A_86] {strides = array<i32>} : memref<128xi32, #tpu.memory_space<vmem>>, vector<16xi32>,
      %add3A_88 = vector.broadcast %mul3A_59 : i32 to vector<16xi32>
      %add3A_89 = arith.addi %get3A_87, %add3A_88 : vector<16xi32>
      %swap3A_90 = arith.constant 16 : index
      %swap3A_91 = tpu.vector_load %arg7[%swap3A_90] {strides = array<i32>} : memref<128xi32, #tpu.memory_space<vmem>>, vector<16xi32>,
      tpu.vector_store %arg7[%swap3A_90], %add3A_89 {strides = array<i32>} : memref<128xi32, #tpu.memory_space<vmem>>, vector<16xi32>,
      %get3A_92 = arith.constant 32 : index
      %get3A_93 = tpu.vector_load %arg7[%get3A_92] {strides = array<i32>} : memref<128xi32, #tpu.memory_space<vmem>>, vector<16xi32>,
      %add3A_94 = vector.broadcast %mul3A_59 : i32 to vector<16xi32>
      %add3A_95 = arith.addi %get3A_93, %add3A_94 : vector<16xi32>
      %swap3A_96 = arith.constant 32 : index
      %swap3A_97 = tpu.vector_load %arg7[%swap3A_96] {strides = array<i32>} : memref<128xi32, #tpu.memory_space<vmem>>, vector<16xi32>,
      tpu.vector_store %arg7[%swap3A_96], %add3A_95 {strides = array<i32>} : memref<128xi32, #tpu.memory_space<vmem>>, vector<16xi32>,
      %get3A_98 = arith.constant 48 : index
      %get3A_99 = tpu.vector_load %arg7[%get3A_98] {strides = array<i32>} : memref<128xi32, #tpu.memory_space<vmem>>, vector<16xi32>,
      %add3A_100 = vector.broadcast %mul3A_59 : i32 to vector<16xi32>
      %add3A_101 = arith.addi %get3A_99, %add3A_100 : vector<16xi32>
      %swap3A_102 = arith.constant 48 : index
      %swap3A_103 = tpu.vector_load %arg7[%swap3A_102] {strides = array<i32>} : memref<128xi32, #tpu.memory_space<vmem>>, vector<16xi32>,
      tpu.vector_store %arg7[%swap3A_102], %add3A_101 {strides = array<i32>} : memref<128xi32, #tpu.memory_space<vmem>>, vector<16xi32>,
      %get3A_104 = arith.constant 64 : index
      %get3A_105 = tpu.vector_load %arg7[%get3A_104] {strides = array<i32>} : memref<128xi32, #tpu.memory_space<vmem>>, vector<16xi32>,
      %add3A_106 = vector.broadcast %mul3A_59 : i32 to vector<16xi32>
      %add3A_107 = arith.addi %get3A_105, %add3A_106 : vector<16xi32>
      %swap3A_108 = arith.constant 64 : index
      %swap3A_109 = tpu.vector_load %arg7[%swap3A_108] {strides = array<i32>} : memref<128xi32, #tpu.memory_space<vmem>>, vector<16xi32>,
      tpu.vector_store %arg7[%swap3A_108], %add3A_107 {strides = array<i32>} : memref<128xi32, #tpu.memory_space<vmem>>, vector<16xi32>,
      %get3A_110 = arith.constant 80 : index
      %get3A_111 = tpu.vector_load %arg7[%get3A_110] {strides = array<i32>} : memref<128xi32, #tpu.memory_space<vmem>>, vector<16xi32>,
      %add3A_112 = vector.broadcast %mul3A_59 : i32 to vector<16xi32>
      %add3A_113 = arith.addi %get3A_111, %add3A_112 : vector<16xi32>
      %swap3A_114 = arith.constant 80 : index
      %swap3A_115 = tpu.vector_load %arg7[%swap3A_114] {strides = array<i32>} : memref<128xi32, #tpu.memory_space<vmem>>, vector<16xi32>,
      tpu.vector_store %arg7[%swap3A_114], %add3A_113 {strides = array<i32>} : memref<128xi32, #tpu.memory_space<vmem>>, vector<16xi32>,
      %get3A_116 = arith.constant 96 : index
      %get3A_117 = tpu.vector_load %arg7[%get3A_116] {strides = array<i32>} : memref<128xi32, #tpu.memory_space<vmem>>, vector<16xi32>,
      %add3A_118 = vector.broadcast %mul3A_59 : i32 to vector<16xi32>
      %add3A_119 = arith.addi %get3A_117, %add3A_118 : vector<16xi32>
      %swap3A_120 = arith.constant 96 : index
      %swap3A_121 = tpu.vector_load %arg7[%swap3A_120] {strides = array<i32>} : memref<128xi32, #tpu.memory_space<vmem>>, vector<16xi32>,
      tpu.vector_store %arg7[%swap3A_120], %add3A_119 {strides = array<i32>} : memref<128xi32, #tpu.memory_space<vmem>>, vector<16xi32>,
      %get3A_122 = arith.constant 112 : index
      %get3A_123 = tpu.vector_load %arg7[%get3A_122] {strides = array<i32>} : memref<128xi32, #tpu.memory_space<vmem>>, vector<16xi32>,
      %add3A_124 = vector.broadcast %mul3A_59 : i32 to vector<16xi32>
      %add3A_125 = arith.addi %get3A_123, %add3A_124 : vector<16xi32>
      %swap3A_126 = arith.constant 112 : index
      %swap3A_127 = tpu.vector_load %arg7[%swap3A_126] {strides = array<i32>} : memref<128xi32, #tpu.memory_space<vmem>>, vector<16xi32>,
      tpu.vector_store %arg7[%swap3A_126], %add3A_125 {strides = array<i32>} : memref<128xi32, #tpu.memory_space<vmem>>, vector<16xi32>,
      %dma_start3A = arith.constant 0 : i32
      %dma_start3A_128 = arith.constant 0 : i32
      %dma_start3A_129 = tpu.memref_slice %arg5[%dma_start3A, %dma_start3A_128] : memref<20000x128xf32, #tpu.memory_space<hbm>> -> memref<20000x128xf32, #tpu.memory_space<hbm>>
      tpu.enqueue_indirect_dma source(%dma_start3A_129 : memref<20000x128xf32, #tpu.memory_space<hbm>>) target(%arg10 : memref<128x128xf32, #tpu.memory_space<vmem>>) offsets(%arg7 : memref<128xi32, #tpu.memory_space<vmem>>) semaphore(%arg13 : memref<!tpu.dma_semaphore, #tpu.memory_space<semaphore_mem>>)
      %dma_wait3A = arith.constant 0 : i32
      %dma_wait3A_130 = arith.constant 0 : i32
      %dma_wait3A_131 = tpu.memref_slice %arg5[%dma_wait3A, %dma_wait3A_130] : memref<20000x128xf32, #tpu.memory_space<hbm>> -> memref<20000x128xf32, #tpu.memory_space<hbm>>
      tpu.wait_indirect_dma semaphore(%arg13 : memref<!tpu.dma_semaphore, #tpu.memory_space<semaphore_mem>>) src(%dma_wait3A_131 : memref<20000x128xf32, #tpu.memory_space<hbm>>) dst(%arg10 : memref<128x128xf32, #tpu.memory_space<vmem>>)
      %scan3A_132 = arith.constant 0 : i32
      %scan3A_133 = arith.constant 0 : i32
      %scan3A_134 = arith.constant 128 : i32
      %scan3A_135 = arith.addi %scan3A_133, %scan3A_134 : i32
      %scan3A_136 = arith.constant 1 : i32
      %scan3A_137 = scf.for %scan3A_140 = %scan3A_133 to %scan3A_135 step %scan3A_136 iter_args(%scan3A_141 = %scan3A_132) -> (i32)  : i32 {
        %broadcast_in_dim3A_142 = arith.constant 0 : i32
        %broadcast_in_dim3A_143 = vector.broadcast %broadcast_in_dim3A_142 : i32 to vector<16xi32>
        %add3A_144 = vector.broadcast %scan3A_140 : i32 to vector<16xi32>
        %add3A_145 = arith.addi %broadcast_in_dim3A_143, %add3A_144 : vector<16xi32>
        %gather3A = tpu.vector_load_idx %arg9[%add3A_145] : memref<128xf32, #tpu.memory_space<vmem>>[vector<16xi32>], vector<16xf32>,
        %get3A_146 = arith.index_cast %scan3A_140 : i32 to index
        %get3A_147 = arith.constant 0 : index
        %get3A_148 = tpu.vector_load %arg10[%get3A_146, %get3A_147] {strides = array<i32>} : memref<128x128xf32, #tpu.memory_space<vmem>>, vector<16xf32>,
        %mul3A_149 = arith.mulf %get3A_148, %gather3A : vector<16xf32>
        %swap3A_150 = arith.index_cast %scan3A_140 : i32 to index
        %swap3A_151 = arith.constant 0 : index
        %swap3A_152 = tpu.vector_load %arg10[%swap3A_150, %swap3A_151] {strides = array<i32>} : memref<128x128xf32, #tpu.memory_space<vmem>>, vector<16xf32>,
        tpu.vector_store %arg10[%swap3A_150, %swap3A_151], %mul3A_149 {strides = array<i32>} : memref<128x128xf32, #tpu.memory_space<vmem>>, vector<16xf32>,
        %get3A_153 = arith.index_cast %scan3A_140 : i32 to index
        %get3A_154 = arith.constant 16 : index
        %get3A_155 = tpu.vector_load %arg10[%get3A_153, %get3A_154] {strides = array<i32>} : memref<128x128xf32, #tpu.memory_space<vmem>>, vector<16xf32>,
        %mul3A_156 = arith.mulf %get3A_155, %gather3A : vector<16xf32>
        %swap3A_157 = arith.index_cast %scan3A_140 : i32 to index
        %swap3A_158 = arith.constant 16 : index
        %swap3A_159 = tpu.vector_load %arg10[%swap3A_157, %swap3A_158] {strides = array<i32>} : memref<128x128xf32, #tpu.memory_space<vmem>>, vector<16xf32>,
        tpu.vector_store %arg10[%swap3A_157, %swap3A_158], %mul3A_156 {strides = array<i32>} : memref<128x128xf32, #tpu.memory_space<vmem>>, vector<16xf32>,
        %get3A_160 = arith.index_cast %scan3A_140 : i32 to index
        %get3A_161 = arith.constant 32 : index
        %get3A_162 = tpu.vector_load %arg10[%get3A_160, %get3A_161] {strides = array<i32>} : memref<128x128xf32, #tpu.memory_space<vmem>>, vector<16xf32>,
        %mul3A_163 = arith.mulf %get3A_162, %gather3A : vector<16xf32>
        %swap3A_164 = arith.index_cast %scan3A_140 : i32 to index
        %swap3A_165 = arith.constant 32 : index
        %swap3A_166 = tpu.vector_load %arg10[%swap3A_164, %swap3A_165] {strides = array<i32>} : memref<128x128xf32, #tpu.memory_space<vmem>>, vector<16xf32>,
        tpu.vector_store %arg10[%swap3A_164, %swap3A_165], %mul3A_163 {strides = array<i32>} : memref<128x128xf32, #tpu.memory_space<vmem>>, vector<16xf32>,
        %get3A_167 = arith.index_cast %scan3A_140 : i32 to index
        %get3A_168 = arith.constant 48 : index
        %get3A_169 = tpu.vector_load %arg10[%get3A_167, %get3A_168] {strides = array<i32>} : memref<128x128xf32, #tpu.memory_space<vmem>>, vector<16xf32>,
        %mul3A_170 = arith.mulf %get3A_169, %gather3A : vector<16xf32>
        %swap3A_171 = arith.index_cast %scan3A_140 : i32 to index
        %swap3A_172 = arith.constant 48 : index
        %swap3A_173 = tpu.vector_load %arg10[%swap3A_171, %swap3A_172] {strides = array<i32>} : memref<128x128xf32, #tpu.memory_space<vmem>>, vector<16xf32>,
        tpu.vector_store %arg10[%swap3A_171, %swap3A_172], %mul3A_170 {strides = array<i32>} : memref<128x128xf32, #tpu.memory_space<vmem>>, vector<16xf32>,
        %get3A_174 = arith.index_cast %scan3A_140 : i32 to index
        %get3A_175 = arith.constant 64 : index
        %get3A_176 = tpu.vector_load %arg10[%get3A_174, %get3A_175] {strides = array<i32>} : memref<128x128xf32, #tpu.memory_space<vmem>>, vector<16xf32>,
        %mul3A_177 = arith.mulf %get3A_176, %gather3A : vector<16xf32>
        %swap3A_178 = arith.index_cast %scan3A_140 : i32 to index
        %swap3A_179 = arith.constant 64 : index
        %swap3A_180 = tpu.vector_load %arg10[%swap3A_178, %swap3A_179] {strides = array<i32>} : memref<128x128xf32, #tpu.memory_space<vmem>>, vector<16xf32>,
        tpu.vector_store %arg10[%swap3A_178, %swap3A_179], %mul3A_177 {strides = array<i32>} : memref<128x128xf32, #tpu.memory_space<vmem>>, vector<16xf32>,
        %get3A_181 = arith.index_cast %scan3A_140 : i32 to index
        %get3A_182 = arith.constant 80 : index
        %get3A_183 = tpu.vector_load %arg10[%get3A_181, %get3A_182] {strides = array<i32>} : memref<128x128xf32, #tpu.memory_space<vmem>>, vector<16xf32>,
        %mul3A_184 = arith.mulf %get3A_183, %gather3A : vector<16xf32>
        %swap3A_185 = arith.index_cast %scan3A_140 : i32 to index
        %swap3A_186 = arith.constant 80 : index
        %swap3A_187 = tpu.vector_load %arg10[%swap3A_185, %swap3A_186] {strides = array<i32>} : memref<128x128xf32, #tpu.memory_space<vmem>>, vector<16xf32>,
        tpu.vector_store %arg10[%swap3A_185, %swap3A_186], %mul3A_184 {strides = array<i32>} : memref<128x128xf32, #tpu.memory_space<vmem>>, vector<16xf32>,
        %get3A_188 = arith.index_cast %scan3A_140 : i32 to index
        %get3A_189 = arith.constant 96 : index
        %get3A_190 = tpu.vector_load %arg10[%get3A_188, %get3A_189] {strides = array<i32>} : memref<128x128xf32, #tpu.memory_space<vmem>>, vector<16xf32>,
        %mul3A_191 = arith.mulf %get3A_190, %gather3A : vector<16xf32>
        %swap3A_192 = arith.index_cast %scan3A_140 : i32 to index
        %swap3A_193 = arith.constant 96 : index
        %swap3A_194 = tpu.vector_load %arg10[%swap3A_192, %swap3A_193] {strides = array<i32>} : memref<128x128xf32, #tpu.memory_space<vmem>>, vector<16xf32>,
        tpu.vector_store %arg10[%swap3A_192, %swap3A_193], %mul3A_191 {strides = array<i32>} : memref<128x128xf32, #tpu.memory_space<vmem>>, vector<16xf32>,
        %get3A_195 = arith.index_cast %scan3A_140 : i32 to index
        %get3A_196 = arith.constant 112 : index
        %get3A_197 = tpu.vector_load %arg10[%get3A_195, %get3A_196] {strides = array<i32>} : memref<128x128xf32, #tpu.memory_space<vmem>>, vector<16xf32>,
        %mul3A_198 = arith.mulf %get3A_197, %gather3A : vector<16xf32>
        %swap3A_199 = arith.index_cast %scan3A_140 : i32 to index
        %swap3A_200 = arith.constant 112 : index
        %swap3A_201 = tpu.vector_load %arg10[%swap3A_199, %swap3A_200] {strides = array<i32>} : memref<128x128xf32, #tpu.memory_space<vmem>>, vector<16xf32>,
        tpu.vector_store %arg10[%swap3A_199, %swap3A_200], %mul3A_198 {strides = array<i32>} : memref<128x128xf32, #tpu.memory_space<vmem>>, vector<16xf32>,
        %scan3A_202 = arith.constant 0 : i32
        scf.yield %scan3A_202 : i32
      }
      %scan3A_138 = arith.constant 128 : i32
      "tpu.region"() ({
        %run_scoped3A = tpu.sem_alloc : memref<!tpu.dma_semaphore, #tpu.memory_space<semaphore_mem>>
        %dma_start3A_140 = arith.constant 0 : i32
        %dma_start3A_141 = arith.constant 0 : i32
        %dma_start3A_142 = tpu.memref_slice %arg12[%dma_start3A_140, %dma_start3A_141] : memref<10240x128xf32, #tpu.memory_space<vmem_shared>> -> memref<10240x128xf32, #tpu.memory_space<vmem_shared>>
        tpu.enqueue_indirect_dma source(%arg10 : memref<128x128xf32, #tpu.memory_space<vmem>>) target(%dma_start3A_142 : memref<10240x128xf32, #tpu.memory_space<vmem_shared>>) offsets(%arg8 : memref<128xi32, #tpu.memory_space<vmem>>) semaphore(%run_scoped3A : memref<!tpu.dma_semaphore, #tpu.memory_space<semaphore_mem>>) {add = true}
        %dma_wait3A_143 = arith.constant 0 : i32
        %dma_wait3A_144 = arith.constant 0 : i32
        %dma_wait3A_145 = tpu.memref_slice %arg12[%dma_wait3A_143, %dma_wait3A_144] : memref<10240x128xf32, #tpu.memory_space<vmem_shared>> -> memref<10240x128xf32, #tpu.memory_space<vmem_shared>>
        tpu.wait_indirect_dma semaphore(%run_scoped3A : memref<!tpu.dma_semaphore, #tpu.memory_space<semaphore_mem>>) src(%arg10 : memref<128x128xf32, #tpu.memory_space<vmem>>) dst(%dma_wait3A_145 : memref<10240x128xf32, #tpu.memory_space<vmem_shared>>)
        tpu.yield
      }) : () -> ()
      %while3A_139 = arith.constant 0 : i32
      scf.yield %while3A_139 : i32
    }
    %barrier3A_70 = arith.constant 0 : index
    tpu.barrier barrier_id(%barrier3A_70)
    %scan3A_71 = arith.constant 0 : i32
    %scan3A_72 = arith.constant 0 : i32
    %scan3A_73 = arith.constant 10 : i32
    %scan3A_74 = arith.addi %scan3A_72, %scan3A_73 : i32
    %scan3A_75 = arith.constant 1 : i32
    %scan3A_76 = scf.for %scan3A_78 = %scan3A_72 to %scan3A_74 step %scan3A_75 iter_args(%scan3A_79 = %scan3A_71) -> (i32)  : i32 {
      %mul3A_80 = arith.constant 640 : i32
      %mul3A_81 = arith.muli %mul3A_80, %arg1 : i32
      %mul3A_82 = arith.constant 64 : i32
      %mul3A_83 = arith.muli %mul3A_82, %scan3A_78 : i32
      %add3A_84 = arith.addi %mul3A_81, %mul3A_83 : i32
      %mul3A_85 = arith.constant 10240 : i32
      %mul3A_86 = arith.muli %arg0, %mul3A_85 : i32
      %add3A_87 = arith.addi %mul3A_86, %add3A_84 : i32
      "tpu.region"() ({
        %run_scoped3A = tpu.sem_alloc : memref<!tpu.dma_semaphore, #tpu.memory_space<semaphore_mem>>
        %dma_start3A = arith.constant 0 : i32
        %dma_start3A_89 = tpu.memref_slice %arg6[%add3A_87, %dma_start3A] : memref<20480x128xf32, #tpu.memory_space<hbm>> -> memref<64x128xf32, #tpu.memory_space<hbm>>
        %dma_start3A_90 = arith.constant 0 : i32
        %dma_start3A_91 = tpu.memref_slice %arg12[%add3A_84, %dma_start3A_90] : memref<10240x128xf32, #tpu.memory_space<vmem_shared>> -> memref<64x128xf32, #tpu.memory_space<vmem_shared>>
        tpu.enqueue_dma source(%dma_start3A_91 : memref<64x128xf32, #tpu.memory_space<vmem_shared>>) target(%dma_start3A_89 : memref<64x128xf32, #tpu.memory_space<hbm>>) target_semaphore(%run_scoped3A : memref<!tpu.dma_semaphore, #tpu.memory_space<semaphore_mem>>)
        %dma_wait3A = arith.constant 0 : i32
        %dma_wait3A_92 = tpu.memref_slice %arg6[%add3A_87, %dma_wait3A] : memref<20480x128xf32, #tpu.memory_space<hbm>> -> memref<64x128xf32, #tpu.memory_space<hbm>>
        %dma_wait3A_93 = arith.constant 0 : i32
        %dma_wait3A_94 = tpu.memref_slice %arg12[%add3A_84, %dma_wait3A_93] : memref<10240x128xf32, #tpu.memory_space<vmem_shared>> -> memref<64x128xf32, #tpu.memory_space<vmem_shared>>
        tpu.wait_dma2 semaphore(%run_scoped3A : memref<!tpu.dma_semaphore, #tpu.memory_space<semaphore_mem>>) src(%dma_wait3A_94 : memref<64x128xf32, #tpu.memory_space<vmem_shared>>) dst(%dma_wait3A_92 : memref<64x128xf32, #tpu.memory_space<hbm>>)
        tpu.yield
      }) : () -> ()
      %scan3A_88 = arith.constant 0 : i32
      scf.yield %scan3A_88 : i32
    }
    %scan3A_77 = arith.constant 10 : i32
    return
  }
}

#map = affine_map<(d0, d1) -> (0)>
#map1 = affine_map<(d0, d1) -> (0, 0)>
module attributes {stable_mosaic.version = 14 : i64} {
  func.func @_sc_agg(%arg0: i32, %arg1: i32, %arg2: memref<320000xi32, #tpu.memory_space<hbm>>, %arg3: memref<320000xi32, #tpu.memory_space<hbm>>, %arg4: memref<320000xf32, #tpu.memory_space<hbm>>, %arg5: memref<20000x128xf32, #tpu.memory_space<hbm>>, %arg6: memref<20480x128xf32, #tpu.memory_space<hbm>>, %arg7: memref<128xi32, #tpu.memory_space<vmem>>, %arg8: memref<128xi32, #tpu.memory_space<vmem>>, %arg9: memref<128xf32, #tpu.memory_space<vmem>>, %arg10: memref<128x128xf32, #tpu.memory_space<vmem>>, %arg11: memref<64x128xf32, #tpu.memory_space<vmem>>, %arg12: memref<10240x128xf32, #tpu.memory_space<vmem_shared>>, %arg13: memref<!tpu.dma_semaphore, #tpu.memory_space<semaphore_mem>>) attributes {dimension_semantics = [#tpu.dimension_semantics<core_parallel>, #tpu.dimension_semantics<subcore_parallel>], iteration_bounds = array<i64: 2, 16>, scalar_prefetch = 0 : i64, scratch_operands = 7 : i64, tpu.core_type = #tpu.core_type<sc_vector_subcore>, window_params = [{transform_indices = #map}, {transform_indices = #map}, {transform_indices = #map}, {transform_indices = #map1}, {transform_indices = #map1}]} {
    %broadcast_in_dim3A = arith.constant 0.000000e+00 : f32
    %broadcast_in_dim3A_0 = vector.broadcast %broadcast_in_dim3A : f32 to vector<16xf32>
    %scan3A = arith.constant 0 : i32
    %scan3A_1 = arith.constant 0 : i32
    %scan3A_2 = arith.constant 64 : i32
    %scan3A_3 = arith.addi %scan3A_1, %scan3A_2 : i32
    %scan3A_4 = arith.constant 1 : i32
    %scan3A_5 = scf.for %scan3A_78 = %scan3A_1 to %scan3A_3 step %scan3A_4 iter_args(%scan3A_79 = %scan3A) -> (i32)  : i32 {
      %swap3A = arith.index_cast %scan3A_78 : i32 to index
      %swap3A_80 = arith.constant 0 : index
      %swap3A_81 = tpu.vector_load %arg11[%swap3A, %swap3A_80] {strides = array<i32>} : memref<64x128xf32, #tpu.memory_space<vmem>>, vector<16xf32>,
      tpu.vector_store %arg11[%swap3A, %swap3A_80], %broadcast_in_dim3A_0 {strides = array<i32>} : memref<64x128xf32, #tpu.memory_space<vmem>>, vector<16xf32>,
      %swap3A_82 = arith.index_cast %scan3A_78 : i32 to index
      %swap3A_83 = arith.constant 16 : index
      %swap3A_84 = tpu.vector_load %arg11[%swap3A_82, %swap3A_83] {strides = array<i32>} : memref<64x128xf32, #tpu.memory_space<vmem>>, vector<16xf32>,
      tpu.vector_store %arg11[%swap3A_82, %swap3A_83], %broadcast_in_dim3A_0 {strides = array<i32>} : memref<64x128xf32, #tpu.memory_space<vmem>>, vector<16xf32>,
      %swap3A_85 = arith.index_cast %scan3A_78 : i32 to index
      %swap3A_86 = arith.constant 32 : index
      %swap3A_87 = tpu.vector_load %arg11[%swap3A_85, %swap3A_86] {strides = array<i32>} : memref<64x128xf32, #tpu.memory_space<vmem>>, vector<16xf32>,
      tpu.vector_store %arg11[%swap3A_85, %swap3A_86], %broadcast_in_dim3A_0 {strides = array<i32>} : memref<64x128xf32, #tpu.memory_space<vmem>>, vector<16xf32>,
      %swap3A_88 = arith.index_cast %scan3A_78 : i32 to index
      %swap3A_89 = arith.constant 48 : index
      %swap3A_90 = tpu.vector_load %arg11[%swap3A_88, %swap3A_89] {strides = array<i32>} : memref<64x128xf32, #tpu.memory_space<vmem>>, vector<16xf32>,
      tpu.vector_store %arg11[%swap3A_88, %swap3A_89], %broadcast_in_dim3A_0 {strides = array<i32>} : memref<64x128xf32, #tpu.memory_space<vmem>>, vector<16xf32>,
      %swap3A_91 = arith.index_cast %scan3A_78 : i32 to index
      %swap3A_92 = arith.constant 64 : index
      %swap3A_93 = tpu.vector_load %arg11[%swap3A_91, %swap3A_92] {strides = array<i32>} : memref<64x128xf32, #tpu.memory_space<vmem>>, vector<16xf32>,
      tpu.vector_store %arg11[%swap3A_91, %swap3A_92], %broadcast_in_dim3A_0 {strides = array<i32>} : memref<64x128xf32, #tpu.memory_space<vmem>>, vector<16xf32>,
      %swap3A_94 = arith.index_cast %scan3A_78 : i32 to index
      %swap3A_95 = arith.constant 80 : index
      %swap3A_96 = tpu.vector_load %arg11[%swap3A_94, %swap3A_95] {strides = array<i32>} : memref<64x128xf32, #tpu.memory_space<vmem>>, vector<16xf32>,
      tpu.vector_store %arg11[%swap3A_94, %swap3A_95], %broadcast_in_dim3A_0 {strides = array<i32>} : memref<64x128xf32, #tpu.memory_space<vmem>>, vector<16xf32>,
      %swap3A_97 = arith.index_cast %scan3A_78 : i32 to index
      %swap3A_98 = arith.constant 96 : index
      %swap3A_99 = tpu.vector_load %arg11[%swap3A_97, %swap3A_98] {strides = array<i32>} : memref<64x128xf32, #tpu.memory_space<vmem>>, vector<16xf32>,
      tpu.vector_store %arg11[%swap3A_97, %swap3A_98], %broadcast_in_dim3A_0 {strides = array<i32>} : memref<64x128xf32, #tpu.memory_space<vmem>>, vector<16xf32>,
      %swap3A_100 = arith.index_cast %scan3A_78 : i32 to index
      %swap3A_101 = arith.constant 112 : index
      %swap3A_102 = tpu.vector_load %arg11[%swap3A_100, %swap3A_101] {strides = array<i32>} : memref<64x128xf32, #tpu.memory_space<vmem>>, vector<16xf32>,
      tpu.vector_store %arg11[%swap3A_100, %swap3A_101], %broadcast_in_dim3A_0 {strides = array<i32>} : memref<64x128xf32, #tpu.memory_space<vmem>>, vector<16xf32>,
      %scan3A_103 = arith.constant 0 : i32
      scf.yield %scan3A_103 : i32
    }
    %scan3A_6 = arith.constant 64 : i32
    %scan3A_7 = arith.constant 0 : i32
    %scan3A_8 = arith.constant 0 : i32
    %scan3A_9 = arith.constant 10 : i32
    %scan3A_10 = arith.addi %scan3A_8, %scan3A_9 : i32
    %scan3A_11 = arith.constant 1 : i32
    %scan3A_12 = scf.for %scan3A_78 = %scan3A_8 to %scan3A_10 step %scan3A_11 iter_args(%scan3A_79 = %scan3A_7) -> (i32)  : i32 {
      %mul3A_80 = arith.constant 640 : i32
      %mul3A_81 = arith.muli %mul3A_80, %arg1 : i32
      %mul3A_82 = arith.constant 64 : i32
      %mul3A_83 = arith.muli %mul3A_82, %scan3A_78 : i32
      %add3A_84 = arith.addi %mul3A_81, %mul3A_83 : i32
      "tpu.region"() ({
        %run_scoped3A = tpu.sem_alloc : memref<!tpu.dma_semaphore, #tpu.memory_space<semaphore_mem>>
        %dma_start3A = arith.constant 0 : i32
        %dma_start3A_86 = tpu.memref_slice %arg12[%add3A_84, %dma_start3A] : memref<10240x128xf32, #tpu.memory_space<vmem_shared>> -> memref<64x128xf32, #tpu.memory_space<vmem_shared>>
        %dma_start3A_87 = arith.constant 0 : i32
        %dma_start3A_88 = tpu.memref_slice %arg12[%add3A_84, %dma_start3A_87] : memref<10240x128xf32, #tpu.memory_space<vmem_shared>> -> memref<64x128xf32, #tpu.memory_space<vmem_shared>>
        tpu.enqueue_dma source(%arg11 : memref<64x128xf32, #tpu.memory_space<vmem>>) target(%dma_start3A_88 : memref<64x128xf32, #tpu.memory_space<vmem_shared>>) target_semaphore(%run_scoped3A : memref<!tpu.dma_semaphore, #tpu.memory_space<semaphore_mem>>)
        %dma_wait3A = arith.constant 0 : i32
        %dma_wait3A_89 = tpu.memref_slice %arg12[%add3A_84, %dma_wait3A] : memref<10240x128xf32, #tpu.memory_space<vmem_shared>> -> memref<64x128xf32, #tpu.memory_space<vmem_shared>>
        %dma_wait3A_90 = arith.constant 0 : i32
        %dma_wait3A_91 = tpu.memref_slice %arg12[%add3A_84, %dma_wait3A_90] : memref<10240x128xf32, #tpu.memory_space<vmem_shared>> -> memref<64x128xf32, #tpu.memory_space<vmem_shared>>
        tpu.wait_dma2 semaphore(%run_scoped3A : memref<!tpu.dma_semaphore, #tpu.memory_space<semaphore_mem>>) src(%arg11 : memref<64x128xf32, #tpu.memory_space<vmem>>) dst(%dma_wait3A_91 : memref<64x128xf32, #tpu.memory_space<vmem_shared>>)
        tpu.yield
      }) : () -> ()
      %scan3A_85 = arith.constant 0 : i32
      scf.yield %scan3A_85 : i32
    }
    %scan3A_13 = arith.constant 10 : i32
    %barrier3A = arith.constant 0 : index
    tpu.barrier barrier_id(%barrier3A)
    %mul3A = arith.constant 2500 : i32
    %mul3A_14 = arith.muli %arg1, %mul3A : i32
    %jit3A = arith.constant 16 : i32
    %div3A = arith.divsi %mul3A_14, %jit3A : i32
    %sign3A = arith.constant 0 : i32
    %sign3A_15 = arith.cmpi sgt, %mul3A_14, %sign3A : i32
    %sign3A_16 = arith.extui %sign3A_15 : i1 to i32
    %sign3A_17 = arith.constant 0 : i32
    %sign3A_18 = arith.cmpi slt, %mul3A_14, %sign3A_17 : i32
    %sign3A_19 = arith.extui %sign3A_18 : i1 to i32
    %sign3A_20 = arith.subi %sign3A_16, %sign3A_19 : i32
    %sign3A_21 = arith.constant 0 : i32
    %sign3A_22 = arith.cmpi sgt, %jit3A, %sign3A_21 : i32
    %sign3A_23 = arith.extui %sign3A_22 : i1 to i32
    %sign3A_24 = arith.constant 0 : i32
    %sign3A_25 = arith.cmpi slt, %jit3A, %sign3A_24 : i32
    %sign3A_26 = arith.extui %sign3A_25 : i1 to i32
    %sign3A_27 = arith.subi %sign3A_23, %sign3A_26 : i32
    %ne3A = arith.cmpi ne, %sign3A_20, %sign3A_27 : i32
    %rem3A = arith.remsi %mul3A_14, %jit3A : i32
    %ne3A_28 = arith.constant 0 : i32
    %ne3A_29 = arith.cmpi ne, %rem3A, %ne3A_28 : i32
    %and3A = arith.andi %ne3A, %ne3A_29 : i1
    %sub3A = arith.constant 1 : i32
    %sub3A_30 = arith.subi %div3A, %sub3A : i32
    %select_n3A = arith.select %and3A, %sub3A_30, %div3A : i32
    %add3A = arith.constant 1 : i32
    %add3A_31 = arith.addi %arg1, %add3A : i32
    %mul3A_32 = arith.constant 2500 : i32
    %mul3A_33 = arith.muli %add3A_31, %mul3A_32 : i32
    %jit3A_34 = arith.constant 16 : i32
    %div3A_35 = arith.divsi %mul3A_33, %jit3A_34 : i32
    %sign3A_36 = arith.constant 0 : i32
    %sign3A_37 = arith.cmpi sgt, %mul3A_33, %sign3A_36 : i32
    %sign3A_38 = arith.extui %sign3A_37 : i1 to i32
    %sign3A_39 = arith.constant 0 : i32
    %sign3A_40 = arith.cmpi slt, %mul3A_33, %sign3A_39 : i32
    %sign3A_41 = arith.extui %sign3A_40 : i1 to i32
    %sign3A_42 = arith.subi %sign3A_38, %sign3A_41 : i32
    %sign3A_43 = arith.constant 0 : i32
    %sign3A_44 = arith.cmpi sgt, %jit3A_34, %sign3A_43 : i32
    %sign3A_45 = arith.extui %sign3A_44 : i1 to i32
    %sign3A_46 = arith.constant 0 : i32
    %sign3A_47 = arith.cmpi slt, %jit3A_34, %sign3A_46 : i32
    %sign3A_48 = arith.extui %sign3A_47 : i1 to i32
    %sign3A_49 = arith.subi %sign3A_45, %sign3A_48 : i32
    %ne3A_50 = arith.cmpi ne, %sign3A_42, %sign3A_49 : i32
    %rem3A_51 = arith.remsi %mul3A_33, %jit3A_34 : i32
    %ne3A_52 = arith.constant 0 : i32
    %ne3A_53 = arith.cmpi ne, %rem3A_51, %ne3A_52 : i32
    %and3A_54 = arith.andi %ne3A_50, %ne3A_53 : i1
    %sub3A_55 = arith.constant 1 : i32
    %sub3A_56 = arith.subi %div3A_35, %sub3A_55 : i32
    %select_n3A_57 = arith.select %and3A_54, %sub3A_56, %div3A_35 : i32
    %mul3A_58 = arith.constant 10000 : i32
    %mul3A_59 = arith.muli %arg0, %mul3A_58 : i32
    %while3A = arith.constant 0 : i32
    %while3A_60 = arith.subi %select_n3A_57, %select_n3A : i32
    %while3A_61 = arith.addi %select_n3A, %while3A_60 : i32
    %while3A_62 = arith.constant 1 : i32
    %while3A_63 = arith.divsi %while3A_60, %while3A_62 : i32
    %while3A_64 = arith.muli %while3A_63, %while3A_62 : i32
    %while3A_65 = arith.addi %select_n3A, %while3A_64 : i32
    %while3A_66 = arith.constant 1 : i32
    %while3A_67 = scf.for %while3A_78 = %select_n3A to %while3A_65 step %while3A_66 iter_args(%while3A_79 = %while3A) -> (i32)  : i32 {
      %mul3A_80 = arith.constant 128 : i32
      %mul3A_81 = arith.muli %while3A_78, %mul3A_80 : i32
      "tpu.region"() ({
        %run_scoped3A = tpu.sem_alloc : memref<!tpu.dma_semaphore, #tpu.memory_space<semaphore_mem>>
        %dma_start3A_140 = tpu.memref_slice %arg2[%mul3A_81] : memref<320000xi32, #tpu.memory_space<hbm>> -> memref<128xi32, #tpu.memory_space<hbm>>
        %dma_start3A_141 = tpu.memref_slice %arg2[%mul3A_81] : memref<320000xi32, #tpu.memory_space<hbm>> -> memref<128xi32, #tpu.memory_space<hbm>>
        tpu.enqueue_dma source(%dma_start3A_141 : memref<128xi32, #tpu.memory_space<hbm>>) target(%arg7 : memref<128xi32, #tpu.memory_space<vmem>>) target_semaphore(%run_scoped3A : memref<!tpu.dma_semaphore, #tpu.memory_space<semaphore_mem>>)
        %dma_wait3A_142 = tpu.memref_slice %arg2[%mul3A_81] : memref<320000xi32, #tpu.memory_space<hbm>> -> memref<128xi32, #tpu.memory_space<hbm>>
        %dma_wait3A_143 = tpu.memref_slice %arg2[%mul3A_81] : memref<320000xi32, #tpu.memory_space<hbm>> -> memref<128xi32, #tpu.memory_space<hbm>>
        tpu.wait_dma2 semaphore(%run_scoped3A : memref<!tpu.dma_semaphore, #tpu.memory_space<semaphore_mem>>) src(%dma_wait3A_143 : memref<128xi32, #tpu.memory_space<hbm>>) dst(%arg7 : memref<128xi32, #tpu.memory_space<vmem>>)
        tpu.yield
      }) : () -> ()
      "tpu.region"() ({
        %run_scoped3A = tpu.sem_alloc : memref<!tpu.dma_semaphore, #tpu.memory_space<semaphore_mem>>
        %dma_start3A_140 = tpu.memref_slice %arg3[%mul3A_81] : memref<320000xi32, #tpu.memory_space<hbm>> -> memref<128xi32, #tpu.memory_space<hbm>>
        %dma_start3A_141 = tpu.memref_slice %arg3[%mul3A_81] : memref<320000xi32, #tpu.memory_space<hbm>> -> memref<128xi32, #tpu.memory_space<hbm>>
        tpu.enqueue_dma source(%dma_start3A_141 : memref<128xi32, #tpu.memory_space<hbm>>) target(%arg8 : memref<128xi32, #tpu.memory_space<vmem>>) target_semaphore(%run_scoped3A : memref<!tpu.dma_semaphore, #tpu.memory_space<semaphore_mem>>)
        %dma_wait3A_142 = tpu.memref_slice %arg3[%mul3A_81] : memref<320000xi32, #tpu.memory_space<hbm>> -> memref<128xi32, #tpu.memory_space<hbm>>
        %dma_wait3A_143 = tpu.memref_slice %arg3[%mul3A_81] : memref<320000xi32, #tpu.memory_space<hbm>> -> memref<128xi32, #tpu.memory_space<hbm>>
        tpu.wait_dma2 semaphore(%run_scoped3A : memref<!tpu.dma_semaphore, #tpu.memory_space<semaphore_mem>>) src(%dma_wait3A_143 : memref<128xi32, #tpu.memory_space<hbm>>) dst(%arg8 : memref<128xi32, #tpu.memory_space<vmem>>)
        tpu.yield
      }) : () -> ()
      "tpu.region"() ({
        %run_scoped3A = tpu.sem_alloc : memref<!tpu.dma_semaphore, #tpu.memory_space<semaphore_mem>>
        %dma_start3A_140 = tpu.memref_slice %arg4[%mul3A_81] : memref<320000xf32, #tpu.memory_space<hbm>> -> memref<128xf32, #tpu.memory_space<hbm>>
        %dma_start3A_141 = tpu.memref_slice %arg4[%mul3A_81] : memref<320000xf32, #tpu.memory_space<hbm>> -> memref<128xf32, #tpu.memory_space<hbm>>
        tpu.enqueue_dma source(%dma_start3A_141 : memref<128xf32, #tpu.memory_space<hbm>>) target(%arg9 : memref<128xf32, #tpu.memory_space<vmem>>) target_semaphore(%run_scoped3A : memref<!tpu.dma_semaphore, #tpu.memory_space<semaphore_mem>>)
        %dma_wait3A_142 = tpu.memref_slice %arg4[%mul3A_81] : memref<320000xf32, #tpu.memory_space<hbm>> -> memref<128xf32, #tpu.memory_space<hbm>>
        %dma_wait3A_143 = tpu.memref_slice %arg4[%mul3A_81] : memref<320000xf32, #tpu.memory_space<hbm>> -> memref<128xf32, #tpu.memory_space<hbm>>
        tpu.wait_dma2 semaphore(%run_scoped3A : memref<!tpu.dma_semaphore, #tpu.memory_space<semaphore_mem>>) src(%dma_wait3A_143 : memref<128xf32, #tpu.memory_space<hbm>>) dst(%arg9 : memref<128xf32, #tpu.memory_space<vmem>>)
        tpu.yield
      }) : () -> ()
      %get3A = arith.constant 0 : index
      %get3A_82 = tpu.vector_load %arg7[%get3A] {strides = array<i32>} : memref<128xi32, #tpu.memory_space<vmem>>, vector<16xi32>,
      %add3A_83 = vector.broadcast %mul3A_59 : i32 to vector<16xi32>
      %add3A_84 = arith.addi %get3A_82, %add3A_83 : vector<16xi32>
      %swap3A = arith.constant 0 : index
      %swap3A_85 = tpu.vector_load %arg7[%swap3A] {strides = array<i32>} : memref<128xi32, #tpu.memory_space<vmem>>, vector<16xi32>,
      tpu.vector_store %arg7[%swap3A], %add3A_84 {strides = array<i32>} : memref<128xi32, #tpu.memory_space<vmem>>, vector<16xi32>,
      %get3A_86 = arith.constant 16 : index
      %get3A_87 = tpu.vector_load %arg7[%get3A_86] {strides = array<i32>} : memref<128xi32, #tpu.memory_space<vmem>>, vector<16xi32>,
      %add3A_88 = vector.broadcast %mul3A_59 : i32 to vector<16xi32>
      %add3A_89 = arith.addi %get3A_87, %add3A_88 : vector<16xi32>
      %swap3A_90 = arith.constant 16 : index
      %swap3A_91 = tpu.vector_load %arg7[%swap3A_90] {strides = array<i32>} : memref<128xi32, #tpu.memory_space<vmem>>, vector<16xi32>,
      tpu.vector_store %arg7[%swap3A_90], %add3A_89 {strides = array<i32>} : memref<128xi32, #tpu.memory_space<vmem>>, vector<16xi32>,
      %get3A_92 = arith.constant 32 : index
      %get3A_93 = tpu.vector_load %arg7[%get3A_92] {strides = array<i32>} : memref<128xi32, #tpu.memory_space<vmem>>, vector<16xi32>,
      %add3A_94 = vector.broadcast %mul3A_59 : i32 to vector<16xi32>
      %add3A_95 = arith.addi %get3A_93, %add3A_94 : vector<16xi32>
      %swap3A_96 = arith.constant 32 : index
      %swap3A_97 = tpu.vector_load %arg7[%swap3A_96] {strides = array<i32>} : memref<128xi32, #tpu.memory_space<vmem>>, vector<16xi32>,
      tpu.vector_store %arg7[%swap3A_96], %add3A_95 {strides = array<i32>} : memref<128xi32, #tpu.memory_space<vmem>>, vector<16xi32>,
      %get3A_98 = arith.constant 48 : index
      %get3A_99 = tpu.vector_load %arg7[%get3A_98] {strides = array<i32>} : memref<128xi32, #tpu.memory_space<vmem>>, vector<16xi32>,
      %add3A_100 = vector.broadcast %mul3A_59 : i32 to vector<16xi32>
      %add3A_101 = arith.addi %get3A_99, %add3A_100 : vector<16xi32>
      %swap3A_102 = arith.constant 48 : index
      %swap3A_103 = tpu.vector_load %arg7[%swap3A_102] {strides = array<i32>} : memref<128xi32, #tpu.memory_space<vmem>>, vector<16xi32>,
      tpu.vector_store %arg7[%swap3A_102], %add3A_101 {strides = array<i32>} : memref<128xi32, #tpu.memory_space<vmem>>, vector<16xi32>,
      %get3A_104 = arith.constant 64 : index
      %get3A_105 = tpu.vector_load %arg7[%get3A_104] {strides = array<i32>} : memref<128xi32, #tpu.memory_space<vmem>>, vector<16xi32>,
      %add3A_106 = vector.broadcast %mul3A_59 : i32 to vector<16xi32>
      %add3A_107 = arith.addi %get3A_105, %add3A_106 : vector<16xi32>
      %swap3A_108 = arith.constant 64 : index
      %swap3A_109 = tpu.vector_load %arg7[%swap3A_108] {strides = array<i32>} : memref<128xi32, #tpu.memory_space<vmem>>, vector<16xi32>,
      tpu.vector_store %arg7[%swap3A_108], %add3A_107 {strides = array<i32>} : memref<128xi32, #tpu.memory_space<vmem>>, vector<16xi32>,
      %get3A_110 = arith.constant 80 : index
      %get3A_111 = tpu.vector_load %arg7[%get3A_110] {strides = array<i32>} : memref<128xi32, #tpu.memory_space<vmem>>, vector<16xi32>,
      %add3A_112 = vector.broadcast %mul3A_59 : i32 to vector<16xi32>
      %add3A_113 = arith.addi %get3A_111, %add3A_112 : vector<16xi32>
      %swap3A_114 = arith.constant 80 : index
      %swap3A_115 = tpu.vector_load %arg7[%swap3A_114] {strides = array<i32>} : memref<128xi32, #tpu.memory_space<vmem>>, vector<16xi32>,
      tpu.vector_store %arg7[%swap3A_114], %add3A_113 {strides = array<i32>} : memref<128xi32, #tpu.memory_space<vmem>>, vector<16xi32>,
      %get3A_116 = arith.constant 96 : index
      %get3A_117 = tpu.vector_load %arg7[%get3A_116] {strides = array<i32>} : memref<128xi32, #tpu.memory_space<vmem>>, vector<16xi32>,
      %add3A_118 = vector.broadcast %mul3A_59 : i32 to vector<16xi32>
      %add3A_119 = arith.addi %get3A_117, %add3A_118 : vector<16xi32>
      %swap3A_120 = arith.constant 96 : index
      %swap3A_121 = tpu.vector_load %arg7[%swap3A_120] {strides = array<i32>} : memref<128xi32, #tpu.memory_space<vmem>>, vector<16xi32>,
      tpu.vector_store %arg7[%swap3A_120], %add3A_119 {strides = array<i32>} : memref<128xi32, #tpu.memory_space<vmem>>, vector<16xi32>,
      %get3A_122 = arith.constant 112 : index
      %get3A_123 = tpu.vector_load %arg7[%get3A_122] {strides = array<i32>} : memref<128xi32, #tpu.memory_space<vmem>>, vector<16xi32>,
      %add3A_124 = vector.broadcast %mul3A_59 : i32 to vector<16xi32>
      %add3A_125 = arith.addi %get3A_123, %add3A_124 : vector<16xi32>
      %swap3A_126 = arith.constant 112 : index
      %swap3A_127 = tpu.vector_load %arg7[%swap3A_126] {strides = array<i32>} : memref<128xi32, #tpu.memory_space<vmem>>, vector<16xi32>,
      tpu.vector_store %arg7[%swap3A_126], %add3A_125 {strides = array<i32>} : memref<128xi32, #tpu.memory_space<vmem>>, vector<16xi32>,
      %dma_start3A = arith.constant 0 : i32
      %dma_start3A_128 = arith.constant 0 : i32
      %dma_start3A_129 = tpu.memref_slice %arg5[%dma_start3A, %dma_start3A_128] : memref<20000x128xf32, #tpu.memory_space<hbm>> -> memref<20000x128xf32, #tpu.memory_space<hbm>>
      tpu.enqueue_indirect_dma source(%dma_start3A_129 : memref<20000x128xf32, #tpu.memory_space<hbm>>) target(%arg10 : memref<128x128xf32, #tpu.memory_space<vmem>>) offsets(%arg7 : memref<128xi32, #tpu.memory_space<vmem>>) semaphore(%arg13 : memref<!tpu.dma_semaphore, #tpu.memory_space<semaphore_mem>>)
      %dma_wait3A = arith.constant 0 : i32
      %dma_wait3A_130 = arith.constant 0 : i32
      %dma_wait3A_131 = tpu.memref_slice %arg5[%dma_wait3A, %dma_wait3A_130] : memref<20000x128xf32, #tpu.memory_space<hbm>> -> memref<20000x128xf32, #tpu.memory_space<hbm>>
      tpu.wait_indirect_dma semaphore(%arg13 : memref<!tpu.dma_semaphore, #tpu.memory_space<semaphore_mem>>) src(%dma_wait3A_131 : memref<20000x128xf32, #tpu.memory_space<hbm>>) dst(%arg10 : memref<128x128xf32, #tpu.memory_space<vmem>>)
      %scan3A_132 = arith.constant 0 : i32
      %scan3A_133 = arith.constant 0 : i32
      %scan3A_134 = arith.constant 128 : i32
      %scan3A_135 = arith.addi %scan3A_133, %scan3A_134 : i32
      %scan3A_136 = arith.constant 1 : i32
      %scan3A_137 = scf.for %scan3A_140 = %scan3A_133 to %scan3A_135 step %scan3A_136 iter_args(%scan3A_141 = %scan3A_132) -> (i32)  : i32 {
        %broadcast_in_dim3A_142 = arith.constant 0 : i32
        %broadcast_in_dim3A_143 = vector.broadcast %broadcast_in_dim3A_142 : i32 to vector<16xi32>
        %add3A_144 = vector.broadcast %scan3A_140 : i32 to vector<16xi32>
        %add3A_145 = arith.addi %broadcast_in_dim3A_143, %add3A_144 : vector<16xi32>
        %gather3A = tpu.vector_load_idx %arg9[%add3A_145] : memref<128xf32, #tpu.memory_space<vmem>>[vector<16xi32>], vector<16xf32>,
        %get3A_146 = arith.index_cast %scan3A_140 : i32 to index
        %get3A_147 = arith.constant 0 : index
        %get3A_148 = tpu.vector_load %arg10[%get3A_146, %get3A_147] {strides = array<i32>} : memref<128x128xf32, #tpu.memory_space<vmem>>, vector<16xf32>,
        %mul3A_149 = arith.mulf %get3A_148, %gather3A : vector<16xf32>
        %swap3A_150 = arith.index_cast %scan3A_140 : i32 to index
        %swap3A_151 = arith.constant 0 : index
        %swap3A_152 = tpu.vector_load %arg10[%swap3A_150, %swap3A_151] {strides = array<i32>} : memref<128x128xf32, #tpu.memory_space<vmem>>, vector<16xf32>,
        tpu.vector_store %arg10[%swap3A_150, %swap3A_151], %mul3A_149 {strides = array<i32>} : memref<128x128xf32, #tpu.memory_space<vmem>>, vector<16xf32>,
        %get3A_153 = arith.index_cast %scan3A_140 : i32 to index
        %get3A_154 = arith.constant 16 : index
        %get3A_155 = tpu.vector_load %arg10[%get3A_153, %get3A_154] {strides = array<i32>} : memref<128x128xf32, #tpu.memory_space<vmem>>, vector<16xf32>,
        %mul3A_156 = arith.mulf %get3A_155, %gather3A : vector<16xf32>
        %swap3A_157 = arith.index_cast %scan3A_140 : i32 to index
        %swap3A_158 = arith.constant 16 : index
        %swap3A_159 = tpu.vector_load %arg10[%swap3A_157, %swap3A_158] {strides = array<i32>} : memref<128x128xf32, #tpu.memory_space<vmem>>, vector<16xf32>,
        tpu.vector_store %arg10[%swap3A_157, %swap3A_158], %mul3A_156 {strides = array<i32>} : memref<128x128xf32, #tpu.memory_space<vmem>>, vector<16xf32>,
        %get3A_160 = arith.index_cast %scan3A_140 : i32 to index
        %get3A_161 = arith.constant 32 : index
        %get3A_162 = tpu.vector_load %arg10[%get3A_160, %get3A_161] {strides = array<i32>} : memref<128x128xf32, #tpu.memory_space<vmem>>, vector<16xf32>,
        %mul3A_163 = arith.mulf %get3A_162, %gather3A : vector<16xf32>
        %swap3A_164 = arith.index_cast %scan3A_140 : i32 to index
        %swap3A_165 = arith.constant 32 : index
        %swap3A_166 = tpu.vector_load %arg10[%swap3A_164, %swap3A_165] {strides = array<i32>} : memref<128x128xf32, #tpu.memory_space<vmem>>, vector<16xf32>,
        tpu.vector_store %arg10[%swap3A_164, %swap3A_165], %mul3A_163 {strides = array<i32>} : memref<128x128xf32, #tpu.memory_space<vmem>>, vector<16xf32>,
        %get3A_167 = arith.index_cast %scan3A_140 : i32 to index
        %get3A_168 = arith.constant 48 : index
        %get3A_169 = tpu.vector_load %arg10[%get3A_167, %get3A_168] {strides = array<i32>} : memref<128x128xf32, #tpu.memory_space<vmem>>, vector<16xf32>,
        %mul3A_170 = arith.mulf %get3A_169, %gather3A : vector<16xf32>
        %swap3A_171 = arith.index_cast %scan3A_140 : i32 to index
        %swap3A_172 = arith.constant 48 : index
        %swap3A_173 = tpu.vector_load %arg10[%swap3A_171, %swap3A_172] {strides = array<i32>} : memref<128x128xf32, #tpu.memory_space<vmem>>, vector<16xf32>,
        tpu.vector_store %arg10[%swap3A_171, %swap3A_172], %mul3A_170 {strides = array<i32>} : memref<128x128xf32, #tpu.memory_space<vmem>>, vector<16xf32>,
        %get3A_174 = arith.index_cast %scan3A_140 : i32 to index
        %get3A_175 = arith.constant 64 : index
        %get3A_176 = tpu.vector_load %arg10[%get3A_174, %get3A_175] {strides = array<i32>} : memref<128x128xf32, #tpu.memory_space<vmem>>, vector<16xf32>,
        %mul3A_177 = arith.mulf %get3A_176, %gather3A : vector<16xf32>
        %swap3A_178 = arith.index_cast %scan3A_140 : i32 to index
        %swap3A_179 = arith.constant 64 : index
        %swap3A_180 = tpu.vector_load %arg10[%swap3A_178, %swap3A_179] {strides = array<i32>} : memref<128x128xf32, #tpu.memory_space<vmem>>, vector<16xf32>,
        tpu.vector_store %arg10[%swap3A_178, %swap3A_179], %mul3A_177 {strides = array<i32>} : memref<128x128xf32, #tpu.memory_space<vmem>>, vector<16xf32>,
        %get3A_181 = arith.index_cast %scan3A_140 : i32 to index
        %get3A_182 = arith.constant 80 : index
        %get3A_183 = tpu.vector_load %arg10[%get3A_181, %get3A_182] {strides = array<i32>} : memref<128x128xf32, #tpu.memory_space<vmem>>, vector<16xf32>,
        %mul3A_184 = arith.mulf %get3A_183, %gather3A : vector<16xf32>
        %swap3A_185 = arith.index_cast %scan3A_140 : i32 to index
        %swap3A_186 = arith.constant 80 : index
        %swap3A_187 = tpu.vector_load %arg10[%swap3A_185, %swap3A_186] {strides = array<i32>} : memref<128x128xf32, #tpu.memory_space<vmem>>, vector<16xf32>,
        tpu.vector_store %arg10[%swap3A_185, %swap3A_186], %mul3A_184 {strides = array<i32>} : memref<128x128xf32, #tpu.memory_space<vmem>>, vector<16xf32>,
        %get3A_188 = arith.index_cast %scan3A_140 : i32 to index
        %get3A_189 = arith.constant 96 : index
        %get3A_190 = tpu.vector_load %arg10[%get3A_188, %get3A_189] {strides = array<i32>} : memref<128x128xf32, #tpu.memory_space<vmem>>, vector<16xf32>,
        %mul3A_191 = arith.mulf %get3A_190, %gather3A : vector<16xf32>
        %swap3A_192 = arith.index_cast %scan3A_140 : i32 to index
        %swap3A_193 = arith.constant 96 : index
        %swap3A_194 = tpu.vector_load %arg10[%swap3A_192, %swap3A_193] {strides = array<i32>} : memref<128x128xf32, #tpu.memory_space<vmem>>, vector<16xf32>,
        tpu.vector_store %arg10[%swap3A_192, %swap3A_193], %mul3A_191 {strides = array<i32>} : memref<128x128xf32, #tpu.memory_space<vmem>>, vector<16xf32>,
        %get3A_195 = arith.index_cast %scan3A_140 : i32 to index
        %get3A_196 = arith.constant 112 : index
        %get3A_197 = tpu.vector_load %arg10[%get3A_195, %get3A_196] {strides = array<i32>} : memref<128x128xf32, #tpu.memory_space<vmem>>, vector<16xf32>,
        %mul3A_198 = arith.mulf %get3A_197, %gather3A : vector<16xf32>
        %swap3A_199 = arith.index_cast %scan3A_140 : i32 to index
        %swap3A_200 = arith.constant 112 : index
        %swap3A_201 = tpu.vector_load %arg10[%swap3A_199, %swap3A_200] {strides = array<i32>} : memref<128x128xf32, #tpu.memory_space<vmem>>, vector<16xf32>,
        tpu.vector_store %arg10[%swap3A_199, %swap3A_200], %mul3A_198 {strides = array<i32>} : memref<128x128xf32, #tpu.memory_space<vmem>>, vector<16xf32>,
        %scan3A_202 = arith.constant 0 : i32
        scf.yield %scan3A_202 : i32
      }
      %scan3A_138 = arith.constant 128 : i32
      "tpu.region"() ({
        %run_scoped3A = tpu.sem_alloc : memref<!tpu.dma_semaphore, #tpu.memory_space<semaphore_mem>>
        %dma_start3A_140 = arith.constant 0 : i32
        %dma_start3A_141 = arith.constant 0 : i32
        %dma_start3A_142 = tpu.memref_slice %arg12[%dma_start3A_140, %dma_start3A_141] : memref<10240x128xf32, #tpu.memory_space<vmem_shared>> -> memref<10240x128xf32, #tpu.memory_space<vmem_shared>>
        tpu.enqueue_indirect_dma source(%arg10 : memref<128x128xf32, #tpu.memory_space<vmem>>) target(%dma_start3A_142 : memref<10240x128xf32, #tpu.memory_space<vmem_shared>>) offsets(%arg8 : memref<128xi32, #tpu.memory_space<vmem>>) semaphore(%run_scoped3A : memref<!tpu.dma_semaphore, #tpu.memory_space<semaphore_mem>>) {add = true}
        %dma_wait3A_143 = arith.constant 0 : i32
        %dma_wait3A_144 = arith.constant 0 : i32
        %dma_wait3A_145 = tpu.memref_slice %arg12[%dma_wait3A_143, %dma_wait3A_144] : memref<10240x128xf32, #tpu.memory_space<vmem_shared>> -> memref<10240x128xf32, #tpu.memory_space<vmem_shared>>
        tpu.wait_indirect_dma semaphore(%run_scoped3A : memref<!tpu.dma_semaphore, #tpu.memory_space<semaphore_mem>>) src(%arg10 : memref<128x128xf32, #tpu.memory_space<vmem>>) dst(%dma_wait3A_145 : memref<10240x128xf32, #tpu.memory_space<vmem_shared>>)
        tpu.yield
      }) : () -> ()
      %while3A_139 = arith.constant 0 : i32
      scf.yield %while3A_139 : i32
    }
    %while3A_68 = arith.constant 1 : i32
    %while3A_69 = scf.for %while3A_78 = %while3A_65 to %while3A_61 step %while3A_68 iter_args(%while3A_79 = %while3A_67) -> (i32)  : i32 {
      %mul3A_80 = arith.constant 128 : i32
      %mul3A_81 = arith.muli %while3A_78, %mul3A_80 : i32
      "tpu.region"() ({
        %run_scoped3A = tpu.sem_alloc : memref<!tpu.dma_semaphore, #tpu.memory_space<semaphore_mem>>
        %dma_start3A_140 = tpu.memref_slice %arg2[%mul3A_81] : memref<320000xi32, #tpu.memory_space<hbm>> -> memref<128xi32, #tpu.memory_space<hbm>>
        %dma_start3A_141 = tpu.memref_slice %arg2[%mul3A_81] : memref<320000xi32, #tpu.memory_space<hbm>> -> memref<128xi32, #tpu.memory_space<hbm>>
        tpu.enqueue_dma source(%dma_start3A_141 : memref<128xi32, #tpu.memory_space<hbm>>) target(%arg7 : memref<128xi32, #tpu.memory_space<vmem>>) target_semaphore(%run_scoped3A : memref<!tpu.dma_semaphore, #tpu.memory_space<semaphore_mem>>)
        %dma_wait3A_142 = tpu.memref_slice %arg2[%mul3A_81] : memref<320000xi32, #tpu.memory_space<hbm>> -> memref<128xi32, #tpu.memory_space<hbm>>
        %dma_wait3A_143 = tpu.memref_slice %arg2[%mul3A_81] : memref<320000xi32, #tpu.memory_space<hbm>> -> memref<128xi32, #tpu.memory_space<hbm>>
        tpu.wait_dma2 semaphore(%run_scoped3A : memref<!tpu.dma_semaphore, #tpu.memory_space<semaphore_mem>>) src(%dma_wait3A_143 : memref<128xi32, #tpu.memory_space<hbm>>) dst(%arg7 : memref<128xi32, #tpu.memory_space<vmem>>)
        tpu.yield
      }) : () -> ()
      "tpu.region"() ({
        %run_scoped3A = tpu.sem_alloc : memref<!tpu.dma_semaphore, #tpu.memory_space<semaphore_mem>>
        %dma_start3A_140 = tpu.memref_slice %arg3[%mul3A_81] : memref<320000xi32, #tpu.memory_space<hbm>> -> memref<128xi32, #tpu.memory_space<hbm>>
        %dma_start3A_141 = tpu.memref_slice %arg3[%mul3A_81] : memref<320000xi32, #tpu.memory_space<hbm>> -> memref<128xi32, #tpu.memory_space<hbm>>
        tpu.enqueue_dma source(%dma_start3A_141 : memref<128xi32, #tpu.memory_space<hbm>>) target(%arg8 : memref<128xi32, #tpu.memory_space<vmem>>) target_semaphore(%run_scoped3A : memref<!tpu.dma_semaphore, #tpu.memory_space<semaphore_mem>>)
        %dma_wait3A_142 = tpu.memref_slice %arg3[%mul3A_81] : memref<320000xi32, #tpu.memory_space<hbm>> -> memref<128xi32, #tpu.memory_space<hbm>>
        %dma_wait3A_143 = tpu.memref_slice %arg3[%mul3A_81] : memref<320000xi32, #tpu.memory_space<hbm>> -> memref<128xi32, #tpu.memory_space<hbm>>
        tpu.wait_dma2 semaphore(%run_scoped3A : memref<!tpu.dma_semaphore, #tpu.memory_space<semaphore_mem>>) src(%dma_wait3A_143 : memref<128xi32, #tpu.memory_space<hbm>>) dst(%arg8 : memref<128xi32, #tpu.memory_space<vmem>>)
        tpu.yield
      }) : () -> ()
      "tpu.region"() ({
        %run_scoped3A = tpu.sem_alloc : memref<!tpu.dma_semaphore, #tpu.memory_space<semaphore_mem>>
        %dma_start3A_140 = tpu.memref_slice %arg4[%mul3A_81] : memref<320000xf32, #tpu.memory_space<hbm>> -> memref<128xf32, #tpu.memory_space<hbm>>
        %dma_start3A_141 = tpu.memref_slice %arg4[%mul3A_81] : memref<320000xf32, #tpu.memory_space<hbm>> -> memref<128xf32, #tpu.memory_space<hbm>>
        tpu.enqueue_dma source(%dma_start3A_141 : memref<128xf32, #tpu.memory_space<hbm>>) target(%arg9 : memref<128xf32, #tpu.memory_space<vmem>>) target_semaphore(%run_scoped3A : memref<!tpu.dma_semaphore, #tpu.memory_space<semaphore_mem>>)
        %dma_wait3A_142 = tpu.memref_slice %arg4[%mul3A_81] : memref<320000xf32, #tpu.memory_space<hbm>> -> memref<128xf32, #tpu.memory_space<hbm>>
        %dma_wait3A_143 = tpu.memref_slice %arg4[%mul3A_81] : memref<320000xf32, #tpu.memory_space<hbm>> -> memref<128xf32, #tpu.memory_space<hbm>>
        tpu.wait_dma2 semaphore(%run_scoped3A : memref<!tpu.dma_semaphore, #tpu.memory_space<semaphore_mem>>) src(%dma_wait3A_143 : memref<128xf32, #tpu.memory_space<hbm>>) dst(%arg9 : memref<128xf32, #tpu.memory_space<vmem>>)
        tpu.yield
      }) : () -> ()
      %get3A = arith.constant 0 : index
      %get3A_82 = tpu.vector_load %arg7[%get3A] {strides = array<i32>} : memref<128xi32, #tpu.memory_space<vmem>>, vector<16xi32>,
      %add3A_83 = vector.broadcast %mul3A_59 : i32 to vector<16xi32>
      %add3A_84 = arith.addi %get3A_82, %add3A_83 : vector<16xi32>
      %swap3A = arith.constant 0 : index
      %swap3A_85 = tpu.vector_load %arg7[%swap3A] {strides = array<i32>} : memref<128xi32, #tpu.memory_space<vmem>>, vector<16xi32>,
      tpu.vector_store %arg7[%swap3A], %add3A_84 {strides = array<i32>} : memref<128xi32, #tpu.memory_space<vmem>>, vector<16xi32>,
      %get3A_86 = arith.constant 16 : index
      %get3A_87 = tpu.vector_load %arg7[%get3A_86] {strides = array<i32>} : memref<128xi32, #tpu.memory_space<vmem>>, vector<16xi32>,
      %add3A_88 = vector.broadcast %mul3A_59 : i32 to vector<16xi32>
      %add3A_89 = arith.addi %get3A_87, %add3A_88 : vector<16xi32>
      %swap3A_90 = arith.constant 16 : index
      %swap3A_91 = tpu.vector_load %arg7[%swap3A_90] {strides = array<i32>} : memref<128xi32, #tpu.memory_space<vmem>>, vector<16xi32>,
      tpu.vector_store %arg7[%swap3A_90], %add3A_89 {strides = array<i32>} : memref<128xi32, #tpu.memory_space<vmem>>, vector<16xi32>,
      %get3A_92 = arith.constant 32 : index
      %get3A_93 = tpu.vector_load %arg7[%get3A_92] {strides = array<i32>} : memref<128xi32, #tpu.memory_space<vmem>>, vector<16xi32>,
      %add3A_94 = vector.broadcast %mul3A_59 : i32 to vector<16xi32>
      %add3A_95 = arith.addi %get3A_93, %add3A_94 : vector<16xi32>
      %swap3A_96 = arith.constant 32 : index
      %swap3A_97 = tpu.vector_load %arg7[%swap3A_96] {strides = array<i32>} : memref<128xi32, #tpu.memory_space<vmem>>, vector<16xi32>,
      tpu.vector_store %arg7[%swap3A_96], %add3A_95 {strides = array<i32>} : memref<128xi32, #tpu.memory_space<vmem>>, vector<16xi32>,
      %get3A_98 = arith.constant 48 : index
      %get3A_99 = tpu.vector_load %arg7[%get3A_98] {strides = array<i32>} : memref<128xi32, #tpu.memory_space<vmem>>, vector<16xi32>,
      %add3A_100 = vector.broadcast %mul3A_59 : i32 to vector<16xi32>
      %add3A_101 = arith.addi %get3A_99, %add3A_100 : vector<16xi32>
      %swap3A_102 = arith.constant 48 : index
      %swap3A_103 = tpu.vector_load %arg7[%swap3A_102] {strides = array<i32>} : memref<128xi32, #tpu.memory_space<vmem>>, vector<16xi32>,
      tpu.vector_store %arg7[%swap3A_102], %add3A_101 {strides = array<i32>} : memref<128xi32, #tpu.memory_space<vmem>>, vector<16xi32>,
      %get3A_104 = arith.constant 64 : index
      %get3A_105 = tpu.vector_load %arg7[%get3A_104] {strides = array<i32>} : memref<128xi32, #tpu.memory_space<vmem>>, vector<16xi32>,
      %add3A_106 = vector.broadcast %mul3A_59 : i32 to vector<16xi32>
      %add3A_107 = arith.addi %get3A_105, %add3A_106 : vector<16xi32>
      %swap3A_108 = arith.constant 64 : index
      %swap3A_109 = tpu.vector_load %arg7[%swap3A_108] {strides = array<i32>} : memref<128xi32, #tpu.memory_space<vmem>>, vector<16xi32>,
      tpu.vector_store %arg7[%swap3A_108], %add3A_107 {strides = array<i32>} : memref<128xi32, #tpu.memory_space<vmem>>, vector<16xi32>,
      %get3A_110 = arith.constant 80 : index
      %get3A_111 = tpu.vector_load %arg7[%get3A_110] {strides = array<i32>} : memref<128xi32, #tpu.memory_space<vmem>>, vector<16xi32>,
      %add3A_112 = vector.broadcast %mul3A_59 : i32 to vector<16xi32>
      %add3A_113 = arith.addi %get3A_111, %add3A_112 : vector<16xi32>
      %swap3A_114 = arith.constant 80 : index
      %swap3A_115 = tpu.vector_load %arg7[%swap3A_114] {strides = array<i32>} : memref<128xi32, #tpu.memory_space<vmem>>, vector<16xi32>,
      tpu.vector_store %arg7[%swap3A_114], %add3A_113 {strides = array<i32>} : memref<128xi32, #tpu.memory_space<vmem>>, vector<16xi32>,
      %get3A_116 = arith.constant 96 : index
      %get3A_117 = tpu.vector_load %arg7[%get3A_116] {strides = array<i32>} : memref<128xi32, #tpu.memory_space<vmem>>, vector<16xi32>,
      %add3A_118 = vector.broadcast %mul3A_59 : i32 to vector<16xi32>
      %add3A_119 = arith.addi %get3A_117, %add3A_118 : vector<16xi32>
      %swap3A_120 = arith.constant 96 : index
      %swap3A_121 = tpu.vector_load %arg7[%swap3A_120] {strides = array<i32>} : memref<128xi32, #tpu.memory_space<vmem>>, vector<16xi32>,
      tpu.vector_store %arg7[%swap3A_120], %add3A_119 {strides = array<i32>} : memref<128xi32, #tpu.memory_space<vmem>>, vector<16xi32>,
      %get3A_122 = arith.constant 112 : index
      %get3A_123 = tpu.vector_load %arg7[%get3A_122] {strides = array<i32>} : memref<128xi32, #tpu.memory_space<vmem>>, vector<16xi32>,
      %add3A_124 = vector.broadcast %mul3A_59 : i32 to vector<16xi32>
      %add3A_125 = arith.addi %get3A_123, %add3A_124 : vector<16xi32>
      %swap3A_126 = arith.constant 112 : index
      %swap3A_127 = tpu.vector_load %arg7[%swap3A_126] {strides = array<i32>} : memref<128xi32, #tpu.memory_space<vmem>>, vector<16xi32>,
      tpu.vector_store %arg7[%swap3A_126], %add3A_125 {strides = array<i32>} : memref<128xi32, #tpu.memory_space<vmem>>, vector<16xi32>,
      %dma_start3A = arith.constant 0 : i32
      %dma_start3A_128 = arith.constant 0 : i32
      %dma_start3A_129 = tpu.memref_slice %arg5[%dma_start3A, %dma_start3A_128] : memref<20000x128xf32, #tpu.memory_space<hbm>> -> memref<20000x128xf32, #tpu.memory_space<hbm>>
      tpu.enqueue_indirect_dma source(%dma_start3A_129 : memref<20000x128xf32, #tpu.memory_space<hbm>>) target(%arg10 : memref<128x128xf32, #tpu.memory_space<vmem>>) offsets(%arg7 : memref<128xi32, #tpu.memory_space<vmem>>) semaphore(%arg13 : memref<!tpu.dma_semaphore, #tpu.memory_space<semaphore_mem>>)
      %dma_wait3A = arith.constant 0 : i32
      %dma_wait3A_130 = arith.constant 0 : i32
      %dma_wait3A_131 = tpu.memref_slice %arg5[%dma_wait3A, %dma_wait3A_130] : memref<20000x128xf32, #tpu.memory_space<hbm>> -> memref<20000x128xf32, #tpu.memory_space<hbm>>
      tpu.wait_indirect_dma semaphore(%arg13 : memref<!tpu.dma_semaphore, #tpu.memory_space<semaphore_mem>>) src(%dma_wait3A_131 : memref<20000x128xf32, #tpu.memory_space<hbm>>) dst(%arg10 : memref<128x128xf32, #tpu.memory_space<vmem>>)
      %scan3A_132 = arith.constant 0 : i32
      %scan3A_133 = arith.constant 0 : i32
      %scan3A_134 = arith.constant 128 : i32
      %scan3A_135 = arith.addi %scan3A_133, %scan3A_134 : i32
      %scan3A_136 = arith.constant 1 : i32
      %scan3A_137 = scf.for %scan3A_140 = %scan3A_133 to %scan3A_135 step %scan3A_136 iter_args(%scan3A_141 = %scan3A_132) -> (i32)  : i32 {
        %broadcast_in_dim3A_142 = arith.constant 0 : i32
        %broadcast_in_dim3A_143 = vector.broadcast %broadcast_in_dim3A_142 : i32 to vector<16xi32>
        %add3A_144 = vector.broadcast %scan3A_140 : i32 to vector<16xi32>
        %add3A_145 = arith.addi %broadcast_in_dim3A_143, %add3A_144 : vector<16xi32>
        %gather3A = tpu.vector_load_idx %arg9[%add3A_145] : memref<128xf32, #tpu.memory_space<vmem>>[vector<16xi32>], vector<16xf32>,
        %get3A_146 = arith.index_cast %scan3A_140 : i32 to index
        %get3A_147 = arith.constant 0 : index
        %get3A_148 = tpu.vector_load %arg10[%get3A_146, %get3A_147] {strides = array<i32>} : memref<128x128xf32, #tpu.memory_space<vmem>>, vector<16xf32>,
        %mul3A_149 = arith.mulf %get3A_148, %gather3A : vector<16xf32>
        %swap3A_150 = arith.index_cast %scan3A_140 : i32 to index
        %swap3A_151 = arith.constant 0 : index
        %swap3A_152 = tpu.vector_load %arg10[%swap3A_150, %swap3A_151] {strides = array<i32>} : memref<128x128xf32, #tpu.memory_space<vmem>>, vector<16xf32>,
        tpu.vector_store %arg10[%swap3A_150, %swap3A_151], %mul3A_149 {strides = array<i32>} : memref<128x128xf32, #tpu.memory_space<vmem>>, vector<16xf32>,
        %get3A_153 = arith.index_cast %scan3A_140 : i32 to index
        %get3A_154 = arith.constant 16 : index
        %get3A_155 = tpu.vector_load %arg10[%get3A_153, %get3A_154] {strides = array<i32>} : memref<128x128xf32, #tpu.memory_space<vmem>>, vector<16xf32>,
        %mul3A_156 = arith.mulf %get3A_155, %gather3A : vector<16xf32>
        %swap3A_157 = arith.index_cast %scan3A_140 : i32 to index
        %swap3A_158 = arith.constant 16 : index
        %swap3A_159 = tpu.vector_load %arg10[%swap3A_157, %swap3A_158] {strides = array<i32>} : memref<128x128xf32, #tpu.memory_space<vmem>>, vector<16xf32>,
        tpu.vector_store %arg10[%swap3A_157, %swap3A_158], %mul3A_156 {strides = array<i32>} : memref<128x128xf32, #tpu.memory_space<vmem>>, vector<16xf32>,
        %get3A_160 = arith.index_cast %scan3A_140 : i32 to index
        %get3A_161 = arith.constant 32 : index
        %get3A_162 = tpu.vector_load %arg10[%get3A_160, %get3A_161] {strides = array<i32>} : memref<128x128xf32, #tpu.memory_space<vmem>>, vector<16xf32>,
        %mul3A_163 = arith.mulf %get3A_162, %gather3A : vector<16xf32>
        %swap3A_164 = arith.index_cast %scan3A_140 : i32 to index
        %swap3A_165 = arith.constant 32 : index
        %swap3A_166 = tpu.vector_load %arg10[%swap3A_164, %swap3A_165] {strides = array<i32>} : memref<128x128xf32, #tpu.memory_space<vmem>>, vector<16xf32>,
        tpu.vector_store %arg10[%swap3A_164, %swap3A_165], %mul3A_163 {strides = array<i32>} : memref<128x128xf32, #tpu.memory_space<vmem>>, vector<16xf32>,
        %get3A_167 = arith.index_cast %scan3A_140 : i32 to index
        %get3A_168 = arith.constant 48 : index
        %get3A_169 = tpu.vector_load %arg10[%get3A_167, %get3A_168] {strides = array<i32>} : memref<128x128xf32, #tpu.memory_space<vmem>>, vector<16xf32>,
        %mul3A_170 = arith.mulf %get3A_169, %gather3A : vector<16xf32>
        %swap3A_171 = arith.index_cast %scan3A_140 : i32 to index
        %swap3A_172 = arith.constant 48 : index
        %swap3A_173 = tpu.vector_load %arg10[%swap3A_171, %swap3A_172] {strides = array<i32>} : memref<128x128xf32, #tpu.memory_space<vmem>>, vector<16xf32>,
        tpu.vector_store %arg10[%swap3A_171, %swap3A_172], %mul3A_170 {strides = array<i32>} : memref<128x128xf32, #tpu.memory_space<vmem>>, vector<16xf32>,
        %get3A_174 = arith.index_cast %scan3A_140 : i32 to index
        %get3A_175 = arith.constant 64 : index
        %get3A_176 = tpu.vector_load %arg10[%get3A_174, %get3A_175] {strides = array<i32>} : memref<128x128xf32, #tpu.memory_space<vmem>>, vector<16xf32>,
        %mul3A_177 = arith.mulf %get3A_176, %gather3A : vector<16xf32>
        %swap3A_178 = arith.index_cast %scan3A_140 : i32 to index
        %swap3A_179 = arith.constant 64 : index
        %swap3A_180 = tpu.vector_load %arg10[%swap3A_178, %swap3A_179] {strides = array<i32>} : memref<128x128xf32, #tpu.memory_space<vmem>>, vector<16xf32>,
        tpu.vector_store %arg10[%swap3A_178, %swap3A_179], %mul3A_177 {strides = array<i32>} : memref<128x128xf32, #tpu.memory_space<vmem>>, vector<16xf32>,
        %get3A_181 = arith.index_cast %scan3A_140 : i32 to index
        %get3A_182 = arith.constant 80 : index
        %get3A_183 = tpu.vector_load %arg10[%get3A_181, %get3A_182] {strides = array<i32>} : memref<128x128xf32, #tpu.memory_space<vmem>>, vector<16xf32>,
        %mul3A_184 = arith.mulf %get3A_183, %gather3A : vector<16xf32>
        %swap3A_185 = arith.index_cast %scan3A_140 : i32 to index
        %swap3A_186 = arith.constant 80 : index
        %swap3A_187 = tpu.vector_load %arg10[%swap3A_185, %swap3A_186] {strides = array<i32>} : memref<128x128xf32, #tpu.memory_space<vmem>>, vector<16xf32>,
        tpu.vector_store %arg10[%swap3A_185, %swap3A_186], %mul3A_184 {strides = array<i32>} : memref<128x128xf32, #tpu.memory_space<vmem>>, vector<16xf32>,
        %get3A_188 = arith.index_cast %scan3A_140 : i32 to index
        %get3A_189 = arith.constant 96 : index
        %get3A_190 = tpu.vector_load %arg10[%get3A_188, %get3A_189] {strides = array<i32>} : memref<128x128xf32, #tpu.memory_space<vmem>>, vector<16xf32>,
        %mul3A_191 = arith.mulf %get3A_190, %gather3A : vector<16xf32>
        %swap3A_192 = arith.index_cast %scan3A_140 : i32 to index
        %swap3A_193 = arith.constant 96 : index
        %swap3A_194 = tpu.vector_load %arg10[%swap3A_192, %swap3A_193] {strides = array<i32>} : memref<128x128xf32, #tpu.memory_space<vmem>>, vector<16xf32>,
        tpu.vector_store %arg10[%swap3A_192, %swap3A_193], %mul3A_191 {strides = array<i32>} : memref<128x128xf32, #tpu.memory_space<vmem>>, vector<16xf32>,
        %get3A_195 = arith.index_cast %scan3A_140 : i32 to index
        %get3A_196 = arith.constant 112 : index
        %get3A_197 = tpu.vector_load %arg10[%get3A_195, %get3A_196] {strides = array<i32>} : memref<128x128xf32, #tpu.memory_space<vmem>>, vector<16xf32>,
        %mul3A_198 = arith.mulf %get3A_197, %gather3A : vector<16xf32>
        %swap3A_199 = arith.index_cast %scan3A_140 : i32 to index
        %swap3A_200 = arith.constant 112 : index
        %swap3A_201 = tpu.vector_load %arg10[%swap3A_199, %swap3A_200] {strides = array<i32>} : memref<128x128xf32, #tpu.memory_space<vmem>>, vector<16xf32>,
        tpu.vector_store %arg10[%swap3A_199, %swap3A_200], %mul3A_198 {strides = array<i32>} : memref<128x128xf32, #tpu.memory_space<vmem>>, vector<16xf32>,
        %scan3A_202 = arith.constant 0 : i32
        scf.yield %scan3A_202 : i32
      }
      %scan3A_138 = arith.constant 128 : i32
      "tpu.region"() ({
        %run_scoped3A = tpu.sem_alloc : memref<!tpu.dma_semaphore, #tpu.memory_space<semaphore_mem>>
        %dma_start3A_140 = arith.constant 0 : i32
        %dma_start3A_141 = arith.constant 0 : i32
        %dma_start3A_142 = tpu.memref_slice %arg12[%dma_start3A_140, %dma_start3A_141] : memref<10240x128xf32, #tpu.memory_space<vmem_shared>> -> memref<10240x128xf32, #tpu.memory_space<vmem_shared>>
        tpu.enqueue_indirect_dma source(%arg10 : memref<128x128xf32, #tpu.memory_space<vmem>>) target(%dma_start3A_142 : memref<10240x128xf32, #tpu.memory_space<vmem_shared>>) offsets(%arg8 : memref<128xi32, #tpu.memory_space<vmem>>) semaphore(%run_scoped3A : memref<!tpu.dma_semaphore, #tpu.memory_space<semaphore_mem>>) {add = true}
        %dma_wait3A_143 = arith.constant 0 : i32
        %dma_wait3A_144 = arith.constant 0 : i32
        %dma_wait3A_145 = tpu.memref_slice %arg12[%dma_wait3A_143, %dma_wait3A_144] : memref<10240x128xf32, #tpu.memory_space<vmem_shared>> -> memref<10240x128xf32, #tpu.memory_space<vmem_shared>>
        tpu.wait_indirect_dma semaphore(%run_scoped3A : memref<!tpu.dma_semaphore, #tpu.memory_space<semaphore_mem>>) src(%arg10 : memref<128x128xf32, #tpu.memory_space<vmem>>) dst(%dma_wait3A_145 : memref<10240x128xf32, #tpu.memory_space<vmem_shared>>)
        tpu.yield
      }) : () -> ()
      %while3A_139 = arith.constant 0 : i32
      scf.yield %while3A_139 : i32
    }
    %barrier3A_70 = arith.constant 0 : index
    tpu.barrier barrier_id(%barrier3A_70)
    %scan3A_71 = arith.constant 0 : i32
    %scan3A_72 = arith.constant 0 : i32
    %scan3A_73 = arith.constant 10 : i32
    %scan3A_74 = arith.addi %scan3A_72, %scan3A_73 : i32
    %scan3A_75 = arith.constant 1 : i32
    %scan3A_76 = scf.for %scan3A_78 = %scan3A_72 to %scan3A_74 step %scan3A_75 iter_args(%scan3A_79 = %scan3A_71) -> (i32)  : i32 {
      %mul3A_80 = arith.constant 640 : i32
      %mul3A_81 = arith.muli %mul3A_80, %arg1 : i32
      %mul3A_82 = arith.constant 64 : i32
      %mul3A_83 = arith.muli %mul3A_82, %scan3A_78 : i32
      %add3A_84 = arith.addi %mul3A_81, %mul3A_83 : i32
      %mul3A_85 = arith.constant 10240 : i32
      %mul3A_86 = arith.muli %arg0, %mul3A_85 : i32
      %add3A_87 = arith.addi %mul3A_86, %add3A_84 : i32
      "tpu.region"() ({
        %run_scoped3A = tpu.sem_alloc : memref<!tpu.dma_semaphore, #tpu.memory_space<semaphore_mem>>
        %dma_start3A = arith.constant 0 : i32
        %dma_start3A_89 = tpu.memref_slice %arg6[%add3A_87, %dma_start3A] : memref<20480x128xf32, #tpu.memory_space<hbm>> -> memref<64x128xf32, #tpu.memory_space<hbm>>
        %dma_start3A_90 = arith.constant 0 : i32
        %dma_start3A_91 = tpu.memref_slice %arg12[%add3A_84, %dma_start3A_90] : memref<10240x128xf32, #tpu.memory_space<vmem_shared>> -> memref<64x128xf32, #tpu.memory_space<vmem_shared>>
        tpu.enqueue_dma source(%dma_start3A_91 : memref<64x128xf32, #tpu.memory_space<vmem_shared>>) target(%dma_start3A_89 : memref<64x128xf32, #tpu.memory_space<hbm>>) target_semaphore(%run_scoped3A : memref<!tpu.dma_semaphore, #tpu.memory_space<semaphore_mem>>)
        %dma_wait3A = arith.constant 0 : i32
        %dma_wait3A_92 = tpu.memref_slice %arg6[%add3A_87, %dma_wait3A] : memref<20480x128xf32, #tpu.memory_space<hbm>> -> memref<64x128xf32, #tpu.memory_space<hbm>>
        %dma_wait3A_93 = arith.constant 0 : i32
        %dma_wait3A_94 = tpu.memref_slice %arg12[%add3A_84, %dma_wait3A_93] : memref<10240x128xf32, #tpu.memory_space<vmem_shared>> -> memref<64x128xf32, #tpu.memory_space<vmem_shared>>
        tpu.wait_dma2 semaphore(%run_scoped3A : memref<!tpu.dma_semaphore, #tpu.memory_space<semaphore_mem>>) src(%dma_wait3A_94 : memref<64x128xf32, #tpu.memory_space<vmem_shared>>) dst(%dma_wait3A_92 : memref<64x128xf32, #tpu.memory_space<hbm>>)
        tpu.yield
      }) : () -> ()
      %scan3A_88 = arith.constant 0 : i32
      scf.yield %scan3A_88 : i32
    }
    %scan3A_77 = arith.constant 10 : i32
    return
  }
}

#map = affine_map<(d0, d1) -> (0)>
#map1 = affine_map<(d0, d1) -> (0, 0)>
module attributes {stable_mosaic.version = 14 : i64} {
  func.func @_sc_agg(%arg0: i32, %arg1: i32, %arg2: memref<320000xi32, #tpu.memory_space<hbm>>, %arg3: memref<320000xi32, #tpu.memory_space<hbm>>, %arg4: memref<320000xf32, #tpu.memory_space<hbm>>, %arg5: memref<10000x128xf32, #tpu.memory_space<hbm>>, %arg6: memref<20480x128xf32, #tpu.memory_space<hbm>>, %arg7: memref<128xi32, #tpu.memory_space<vmem>>, %arg8: memref<128xi32, #tpu.memory_space<vmem>>, %arg9: memref<128xf32, #tpu.memory_space<vmem>>, %arg10: memref<128x128xf32, #tpu.memory_space<vmem>>, %arg11: memref<64x128xf32, #tpu.memory_space<vmem>>, %arg12: memref<10240x128xf32, #tpu.memory_space<vmem_shared>>, %arg13: memref<!tpu.dma_semaphore, #tpu.memory_space<semaphore_mem>>) attributes {dimension_semantics = [#tpu.dimension_semantics<core_parallel>, #tpu.dimension_semantics<subcore_parallel>], iteration_bounds = array<i64: 2, 16>, scalar_prefetch = 0 : i64, scratch_operands = 7 : i64, tpu.core_type = #tpu.core_type<sc_vector_subcore>, window_params = [{transform_indices = #map}, {transform_indices = #map}, {transform_indices = #map}, {transform_indices = #map1}, {transform_indices = #map1}]} {
    %broadcast_in_dim3A = arith.constant 0.000000e+00 : f32
    %broadcast_in_dim3A_0 = vector.broadcast %broadcast_in_dim3A : f32 to vector<16xf32>
    %scan3A = arith.constant 0 : i32
    %scan3A_1 = arith.constant 0 : i32
    %scan3A_2 = arith.constant 64 : i32
    %scan3A_3 = arith.addi %scan3A_1, %scan3A_2 : i32
    %scan3A_4 = arith.constant 1 : i32
    %scan3A_5 = scf.for %scan3A_79 = %scan3A_1 to %scan3A_3 step %scan3A_4 iter_args(%scan3A_80 = %scan3A) -> (i32)  : i32 {
      %swap3A = arith.index_cast %scan3A_79 : i32 to index
      %swap3A_81 = arith.constant 0 : index
      %swap3A_82 = tpu.vector_load %arg11[%swap3A, %swap3A_81] {strides = array<i32>} : memref<64x128xf32, #tpu.memory_space<vmem>>, vector<16xf32>,
      tpu.vector_store %arg11[%swap3A, %swap3A_81], %broadcast_in_dim3A_0 {strides = array<i32>} : memref<64x128xf32, #tpu.memory_space<vmem>>, vector<16xf32>,
      %swap3A_83 = arith.index_cast %scan3A_79 : i32 to index
      %swap3A_84 = arith.constant 16 : index
      %swap3A_85 = tpu.vector_load %arg11[%swap3A_83, %swap3A_84] {strides = array<i32>} : memref<64x128xf32, #tpu.memory_space<vmem>>, vector<16xf32>,
      tpu.vector_store %arg11[%swap3A_83, %swap3A_84], %broadcast_in_dim3A_0 {strides = array<i32>} : memref<64x128xf32, #tpu.memory_space<vmem>>, vector<16xf32>,
      %swap3A_86 = arith.index_cast %scan3A_79 : i32 to index
      %swap3A_87 = arith.constant 32 : index
      %swap3A_88 = tpu.vector_load %arg11[%swap3A_86, %swap3A_87] {strides = array<i32>} : memref<64x128xf32, #tpu.memory_space<vmem>>, vector<16xf32>,
      tpu.vector_store %arg11[%swap3A_86, %swap3A_87], %broadcast_in_dim3A_0 {strides = array<i32>} : memref<64x128xf32, #tpu.memory_space<vmem>>, vector<16xf32>,
      %swap3A_89 = arith.index_cast %scan3A_79 : i32 to index
      %swap3A_90 = arith.constant 48 : index
      %swap3A_91 = tpu.vector_load %arg11[%swap3A_89, %swap3A_90] {strides = array<i32>} : memref<64x128xf32, #tpu.memory_space<vmem>>, vector<16xf32>,
      tpu.vector_store %arg11[%swap3A_89, %swap3A_90], %broadcast_in_dim3A_0 {strides = array<i32>} : memref<64x128xf32, #tpu.memory_space<vmem>>, vector<16xf32>,
      %swap3A_92 = arith.index_cast %scan3A_79 : i32 to index
      %swap3A_93 = arith.constant 64 : index
      %swap3A_94 = tpu.vector_load %arg11[%swap3A_92, %swap3A_93] {strides = array<i32>} : memref<64x128xf32, #tpu.memory_space<vmem>>, vector<16xf32>,
      tpu.vector_store %arg11[%swap3A_92, %swap3A_93], %broadcast_in_dim3A_0 {strides = array<i32>} : memref<64x128xf32, #tpu.memory_space<vmem>>, vector<16xf32>,
      %swap3A_95 = arith.index_cast %scan3A_79 : i32 to index
      %swap3A_96 = arith.constant 80 : index
      %swap3A_97 = tpu.vector_load %arg11[%swap3A_95, %swap3A_96] {strides = array<i32>} : memref<64x128xf32, #tpu.memory_space<vmem>>, vector<16xf32>,
      tpu.vector_store %arg11[%swap3A_95, %swap3A_96], %broadcast_in_dim3A_0 {strides = array<i32>} : memref<64x128xf32, #tpu.memory_space<vmem>>, vector<16xf32>,
      %swap3A_98 = arith.index_cast %scan3A_79 : i32 to index
      %swap3A_99 = arith.constant 96 : index
      %swap3A_100 = tpu.vector_load %arg11[%swap3A_98, %swap3A_99] {strides = array<i32>} : memref<64x128xf32, #tpu.memory_space<vmem>>, vector<16xf32>,
      tpu.vector_store %arg11[%swap3A_98, %swap3A_99], %broadcast_in_dim3A_0 {strides = array<i32>} : memref<64x128xf32, #tpu.memory_space<vmem>>, vector<16xf32>,
      %swap3A_101 = arith.index_cast %scan3A_79 : i32 to index
      %swap3A_102 = arith.constant 112 : index
      %swap3A_103 = tpu.vector_load %arg11[%swap3A_101, %swap3A_102] {strides = array<i32>} : memref<64x128xf32, #tpu.memory_space<vmem>>, vector<16xf32>,
      tpu.vector_store %arg11[%swap3A_101, %swap3A_102], %broadcast_in_dim3A_0 {strides = array<i32>} : memref<64x128xf32, #tpu.memory_space<vmem>>, vector<16xf32>,
      %scan3A_104 = arith.constant 0 : i32
      scf.yield %scan3A_104 : i32
    }
    %scan3A_6 = arith.constant 64 : i32
    %scan3A_7 = arith.constant 0 : i32
    %scan3A_8 = arith.constant 0 : i32
    %scan3A_9 = arith.constant 10 : i32
    %scan3A_10 = arith.addi %scan3A_8, %scan3A_9 : i32
    %scan3A_11 = arith.constant 1 : i32
    %scan3A_12 = scf.for %scan3A_79 = %scan3A_8 to %scan3A_10 step %scan3A_11 iter_args(%scan3A_80 = %scan3A_7) -> (i32)  : i32 {
      %mul3A_81 = arith.constant 640 : i32
      %mul3A_82 = arith.muli %mul3A_81, %arg1 : i32
      %mul3A_83 = arith.constant 64 : i32
      %mul3A_84 = arith.muli %mul3A_83, %scan3A_79 : i32
      %add3A_85 = arith.addi %mul3A_82, %mul3A_84 : i32
      "tpu.region"() ({
        %run_scoped3A = tpu.sem_alloc : memref<!tpu.dma_semaphore, #tpu.memory_space<semaphore_mem>>
        %dma_start3A = arith.constant 0 : i32
        %dma_start3A_87 = tpu.memref_slice %arg12[%add3A_85, %dma_start3A] : memref<10240x128xf32, #tpu.memory_space<vmem_shared>> -> memref<64x128xf32, #tpu.memory_space<vmem_shared>>
        %dma_start3A_88 = arith.constant 0 : i32
        %dma_start3A_89 = tpu.memref_slice %arg12[%add3A_85, %dma_start3A_88] : memref<10240x128xf32, #tpu.memory_space<vmem_shared>> -> memref<64x128xf32, #tpu.memory_space<vmem_shared>>
        tpu.enqueue_dma source(%arg11 : memref<64x128xf32, #tpu.memory_space<vmem>>) target(%dma_start3A_89 : memref<64x128xf32, #tpu.memory_space<vmem_shared>>) target_semaphore(%run_scoped3A : memref<!tpu.dma_semaphore, #tpu.memory_space<semaphore_mem>>)
        %dma_wait3A = arith.constant 0 : i32
        %dma_wait3A_90 = tpu.memref_slice %arg12[%add3A_85, %dma_wait3A] : memref<10240x128xf32, #tpu.memory_space<vmem_shared>> -> memref<64x128xf32, #tpu.memory_space<vmem_shared>>
        %dma_wait3A_91 = arith.constant 0 : i32
        %dma_wait3A_92 = tpu.memref_slice %arg12[%add3A_85, %dma_wait3A_91] : memref<10240x128xf32, #tpu.memory_space<vmem_shared>> -> memref<64x128xf32, #tpu.memory_space<vmem_shared>>
        tpu.wait_dma2 semaphore(%run_scoped3A : memref<!tpu.dma_semaphore, #tpu.memory_space<semaphore_mem>>) src(%arg11 : memref<64x128xf32, #tpu.memory_space<vmem>>) dst(%dma_wait3A_92 : memref<64x128xf32, #tpu.memory_space<vmem_shared>>)
        tpu.yield
      }) : () -> ()
      %scan3A_86 = arith.constant 0 : i32
      scf.yield %scan3A_86 : i32
    }
    %scan3A_13 = arith.constant 10 : i32
    %barrier3A = arith.constant 0 : index
    tpu.barrier barrier_id(%barrier3A)
    %mul3A = arith.constant 2 : i32
    %mul3A_14 = arith.muli %arg1, %mul3A : i32
    %add3A = arith.addi %mul3A_14, %arg0 : i32
    %mul3A_15 = arith.constant 2500 : i32
    %mul3A_16 = arith.muli %add3A, %mul3A_15 : i32
    %jit3A = arith.constant 32 : i32
    %div3A = arith.divsi %mul3A_16, %jit3A : i32
    %sign3A = arith.constant 0 : i32
    %sign3A_17 = arith.cmpi sgt, %mul3A_16, %sign3A : i32
    %sign3A_18 = arith.extui %sign3A_17 : i1 to i32
    %sign3A_19 = arith.constant 0 : i32
    %sign3A_20 = arith.cmpi slt, %mul3A_16, %sign3A_19 : i32
    %sign3A_21 = arith.extui %sign3A_20 : i1 to i32
    %sign3A_22 = arith.subi %sign3A_18, %sign3A_21 : i32
    %sign3A_23 = arith.constant 0 : i32
    %sign3A_24 = arith.cmpi sgt, %jit3A, %sign3A_23 : i32
    %sign3A_25 = arith.extui %sign3A_24 : i1 to i32
    %sign3A_26 = arith.constant 0 : i32
    %sign3A_27 = arith.cmpi slt, %jit3A, %sign3A_26 : i32
    %sign3A_28 = arith.extui %sign3A_27 : i1 to i32
    %sign3A_29 = arith.subi %sign3A_25, %sign3A_28 : i32
    %ne3A = arith.cmpi ne, %sign3A_22, %sign3A_29 : i32
    %rem3A = arith.remsi %mul3A_16, %jit3A : i32
    %ne3A_30 = arith.constant 0 : i32
    %ne3A_31 = arith.cmpi ne, %rem3A, %ne3A_30 : i32
    %and3A = arith.andi %ne3A, %ne3A_31 : i1
    %sub3A = arith.constant 1 : i32
    %sub3A_32 = arith.subi %div3A, %sub3A : i32
    %select_n3A = arith.select %and3A, %sub3A_32, %div3A : i32
    %add3A_33 = arith.constant 1 : i32
    %add3A_34 = arith.addi %add3A, %add3A_33 : i32
    %mul3A_35 = arith.constant 2500 : i32
    %mul3A_36 = arith.muli %add3A_34, %mul3A_35 : i32
    %jit3A_37 = arith.constant 32 : i32
    %div3A_38 = arith.divsi %mul3A_36, %jit3A_37 : i32
    %sign3A_39 = arith.constant 0 : i32
    %sign3A_40 = arith.cmpi sgt, %mul3A_36, %sign3A_39 : i32
    %sign3A_41 = arith.extui %sign3A_40 : i1 to i32
    %sign3A_42 = arith.constant 0 : i32
    %sign3A_43 = arith.cmpi slt, %mul3A_36, %sign3A_42 : i32
    %sign3A_44 = arith.extui %sign3A_43 : i1 to i32
    %sign3A_45 = arith.subi %sign3A_41, %sign3A_44 : i32
    %sign3A_46 = arith.constant 0 : i32
    %sign3A_47 = arith.cmpi sgt, %jit3A_37, %sign3A_46 : i32
    %sign3A_48 = arith.extui %sign3A_47 : i1 to i32
    %sign3A_49 = arith.constant 0 : i32
    %sign3A_50 = arith.cmpi slt, %jit3A_37, %sign3A_49 : i32
    %sign3A_51 = arith.extui %sign3A_50 : i1 to i32
    %sign3A_52 = arith.subi %sign3A_48, %sign3A_51 : i32
    %ne3A_53 = arith.cmpi ne, %sign3A_45, %sign3A_52 : i32
    %rem3A_54 = arith.remsi %mul3A_36, %jit3A_37 : i32
    %ne3A_55 = arith.constant 0 : i32
    %ne3A_56 = arith.cmpi ne, %rem3A_54, %ne3A_55 : i32
    %and3A_57 = arith.andi %ne3A_53, %ne3A_56 : i1
    %sub3A_58 = arith.constant 1 : i32
    %sub3A_59 = arith.subi %div3A_38, %sub3A_58 : i32
    %select_n3A_60 = arith.select %and3A_57, %sub3A_59, %div3A_38 : i32
    %while3A = arith.constant 0 : i32
    %while3A_61 = arith.subi %select_n3A_60, %select_n3A : i32
    %while3A_62 = arith.addi %select_n3A, %while3A_61 : i32
    %while3A_63 = arith.constant 1 : i32
    %while3A_64 = arith.divsi %while3A_61, %while3A_63 : i32
    %while3A_65 = arith.muli %while3A_64, %while3A_63 : i32
    %while3A_66 = arith.addi %select_n3A, %while3A_65 : i32
    %while3A_67 = arith.constant 1 : i32
    %while3A_68 = scf.for %while3A_79 = %select_n3A to %while3A_66 step %while3A_67 iter_args(%while3A_80 = %while3A) -> (i32)  : i32 {
      %mul3A_81 = arith.constant 128 : i32
      %mul3A_82 = arith.muli %while3A_79, %mul3A_81 : i32
      "tpu.region"() ({
        %run_scoped3A = tpu.sem_alloc : memref<!tpu.dma_semaphore, #tpu.memory_space<semaphore_mem>>
        %dma_start3A_95 = tpu.memref_slice %arg2[%mul3A_82] : memref<320000xi32, #tpu.memory_space<hbm>> -> memref<128xi32, #tpu.memory_space<hbm>>
        %dma_start3A_96 = tpu.memref_slice %arg2[%mul3A_82] : memref<320000xi32, #tpu.memory_space<hbm>> -> memref<128xi32, #tpu.memory_space<hbm>>
        tpu.enqueue_dma source(%dma_start3A_96 : memref<128xi32, #tpu.memory_space<hbm>>) target(%arg7 : memref<128xi32, #tpu.memory_space<vmem>>) target_semaphore(%run_scoped3A : memref<!tpu.dma_semaphore, #tpu.memory_space<semaphore_mem>>)
        %dma_wait3A_97 = tpu.memref_slice %arg2[%mul3A_82] : memref<320000xi32, #tpu.memory_space<hbm>> -> memref<128xi32, #tpu.memory_space<hbm>>
        %dma_wait3A_98 = tpu.memref_slice %arg2[%mul3A_82] : memref<320000xi32, #tpu.memory_space<hbm>> -> memref<128xi32, #tpu.memory_space<hbm>>
        tpu.wait_dma2 semaphore(%run_scoped3A : memref<!tpu.dma_semaphore, #tpu.memory_space<semaphore_mem>>) src(%dma_wait3A_98 : memref<128xi32, #tpu.memory_space<hbm>>) dst(%arg7 : memref<128xi32, #tpu.memory_space<vmem>>)
        tpu.yield
      }) : () -> ()
      "tpu.region"() ({
        %run_scoped3A = tpu.sem_alloc : memref<!tpu.dma_semaphore, #tpu.memory_space<semaphore_mem>>
        %dma_start3A_95 = tpu.memref_slice %arg3[%mul3A_82] : memref<320000xi32, #tpu.memory_space<hbm>> -> memref<128xi32, #tpu.memory_space<hbm>>
        %dma_start3A_96 = tpu.memref_slice %arg3[%mul3A_82] : memref<320000xi32, #tpu.memory_space<hbm>> -> memref<128xi32, #tpu.memory_space<hbm>>
        tpu.enqueue_dma source(%dma_start3A_96 : memref<128xi32, #tpu.memory_space<hbm>>) target(%arg8 : memref<128xi32, #tpu.memory_space<vmem>>) target_semaphore(%run_scoped3A : memref<!tpu.dma_semaphore, #tpu.memory_space<semaphore_mem>>)
        %dma_wait3A_97 = tpu.memref_slice %arg3[%mul3A_82] : memref<320000xi32, #tpu.memory_space<hbm>> -> memref<128xi32, #tpu.memory_space<hbm>>
        %dma_wait3A_98 = tpu.memref_slice %arg3[%mul3A_82] : memref<320000xi32, #tpu.memory_space<hbm>> -> memref<128xi32, #tpu.memory_space<hbm>>
        tpu.wait_dma2 semaphore(%run_scoped3A : memref<!tpu.dma_semaphore, #tpu.memory_space<semaphore_mem>>) src(%dma_wait3A_98 : memref<128xi32, #tpu.memory_space<hbm>>) dst(%arg8 : memref<128xi32, #tpu.memory_space<vmem>>)
        tpu.yield
      }) : () -> ()
      "tpu.region"() ({
        %run_scoped3A = tpu.sem_alloc : memref<!tpu.dma_semaphore, #tpu.memory_space<semaphore_mem>>
        %dma_start3A_95 = tpu.memref_slice %arg4[%mul3A_82] : memref<320000xf32, #tpu.memory_space<hbm>> -> memref<128xf32, #tpu.memory_space<hbm>>
        %dma_start3A_96 = tpu.memref_slice %arg4[%mul3A_82] : memref<320000xf32, #tpu.memory_space<hbm>> -> memref<128xf32, #tpu.memory_space<hbm>>
        tpu.enqueue_dma source(%dma_start3A_96 : memref<128xf32, #tpu.memory_space<hbm>>) target(%arg9 : memref<128xf32, #tpu.memory_space<vmem>>) target_semaphore(%run_scoped3A : memref<!tpu.dma_semaphore, #tpu.memory_space<semaphore_mem>>)
        %dma_wait3A_97 = tpu.memref_slice %arg4[%mul3A_82] : memref<320000xf32, #tpu.memory_space<hbm>> -> memref<128xf32, #tpu.memory_space<hbm>>
        %dma_wait3A_98 = tpu.memref_slice %arg4[%mul3A_82] : memref<320000xf32, #tpu.memory_space<hbm>> -> memref<128xf32, #tpu.memory_space<hbm>>
        tpu.wait_dma2 semaphore(%run_scoped3A : memref<!tpu.dma_semaphore, #tpu.memory_space<semaphore_mem>>) src(%dma_wait3A_98 : memref<128xf32, #tpu.memory_space<hbm>>) dst(%arg9 : memref<128xf32, #tpu.memory_space<vmem>>)
        tpu.yield
      }) : () -> ()
      %dma_start3A = arith.constant 0 : i32
      %dma_start3A_83 = arith.constant 0 : i32
      %dma_start3A_84 = tpu.memref_slice %arg5[%dma_start3A, %dma_start3A_83] : memref<10000x128xf32, #tpu.memory_space<hbm>> -> memref<10000x128xf32, #tpu.memory_space<hbm>>
      tpu.enqueue_indirect_dma source(%dma_start3A_84 : memref<10000x128xf32, #tpu.memory_space<hbm>>) target(%arg10 : memref<128x128xf32, #tpu.memory_space<vmem>>) offsets(%arg7 : memref<128xi32, #tpu.memory_space<vmem>>) semaphore(%arg13 : memref<!tpu.dma_semaphore, #tpu.memory_space<semaphore_mem>>)
      %dma_wait3A = arith.constant 0 : i32
      %dma_wait3A_85 = arith.constant 0 : i32
      %dma_wait3A_86 = tpu.memref_slice %arg5[%dma_wait3A, %dma_wait3A_85] : memref<10000x128xf32, #tpu.memory_space<hbm>> -> memref<10000x128xf32, #tpu.memory_space<hbm>>
      tpu.wait_indirect_dma semaphore(%arg13 : memref<!tpu.dma_semaphore, #tpu.memory_space<semaphore_mem>>) src(%dma_wait3A_86 : memref<10000x128xf32, #tpu.memory_space<hbm>>) dst(%arg10 : memref<128x128xf32, #tpu.memory_space<vmem>>)
      %scan3A_87 = arith.constant 0 : i32
      %scan3A_88 = arith.constant 0 : i32
      %scan3A_89 = arith.constant 128 : i32
      %scan3A_90 = arith.addi %scan3A_88, %scan3A_89 : i32
      %scan3A_91 = arith.constant 1 : i32
      %scan3A_92 = scf.for %scan3A_95 = %scan3A_88 to %scan3A_90 step %scan3A_91 iter_args(%scan3A_96 = %scan3A_87) -> (i32)  : i32 {
        %broadcast_in_dim3A_97 = arith.constant 0 : i32
        %broadcast_in_dim3A_98 = vector.broadcast %broadcast_in_dim3A_97 : i32 to vector<16xi32>
        %add3A_99 = vector.broadcast %scan3A_95 : i32 to vector<16xi32>
        %add3A_100 = arith.addi %broadcast_in_dim3A_98, %add3A_99 : vector<16xi32>
        %gather3A = tpu.vector_load_idx %arg9[%add3A_100] : memref<128xf32, #tpu.memory_space<vmem>>[vector<16xi32>], vector<16xf32>,
        %get3A = arith.index_cast %scan3A_95 : i32 to index
        %get3A_101 = arith.constant 0 : index
        %get3A_102 = tpu.vector_load %arg10[%get3A, %get3A_101] {strides = array<i32>} : memref<128x128xf32, #tpu.memory_space<vmem>>, vector<16xf32>,
        %mul3A_103 = arith.mulf %get3A_102, %gather3A : vector<16xf32>
        %swap3A = arith.index_cast %scan3A_95 : i32 to index
        %swap3A_104 = arith.constant 0 : index
        %swap3A_105 = tpu.vector_load %arg10[%swap3A, %swap3A_104] {strides = array<i32>} : memref<128x128xf32, #tpu.memory_space<vmem>>, vector<16xf32>,
        tpu.vector_store %arg10[%swap3A, %swap3A_104], %mul3A_103 {strides = array<i32>} : memref<128x128xf32, #tpu.memory_space<vmem>>, vector<16xf32>,
        %get3A_106 = arith.index_cast %scan3A_95 : i32 to index
        %get3A_107 = arith.constant 16 : index
        %get3A_108 = tpu.vector_load %arg10[%get3A_106, %get3A_107] {strides = array<i32>} : memref<128x128xf32, #tpu.memory_space<vmem>>, vector<16xf32>,
        %mul3A_109 = arith.mulf %get3A_108, %gather3A : vector<16xf32>
        %swap3A_110 = arith.index_cast %scan3A_95 : i32 to index
        %swap3A_111 = arith.constant 16 : index
        %swap3A_112 = tpu.vector_load %arg10[%swap3A_110, %swap3A_111] {strides = array<i32>} : memref<128x128xf32, #tpu.memory_space<vmem>>, vector<16xf32>,
        tpu.vector_store %arg10[%swap3A_110, %swap3A_111], %mul3A_109 {strides = array<i32>} : memref<128x128xf32, #tpu.memory_space<vmem>>, vector<16xf32>,
        %get3A_113 = arith.index_cast %scan3A_95 : i32 to index
        %get3A_114 = arith.constant 32 : index
        %get3A_115 = tpu.vector_load %arg10[%get3A_113, %get3A_114] {strides = array<i32>} : memref<128x128xf32, #tpu.memory_space<vmem>>, vector<16xf32>,
        %mul3A_116 = arith.mulf %get3A_115, %gather3A : vector<16xf32>
        %swap3A_117 = arith.index_cast %scan3A_95 : i32 to index
        %swap3A_118 = arith.constant 32 : index
        %swap3A_119 = tpu.vector_load %arg10[%swap3A_117, %swap3A_118] {strides = array<i32>} : memref<128x128xf32, #tpu.memory_space<vmem>>, vector<16xf32>,
        tpu.vector_store %arg10[%swap3A_117, %swap3A_118], %mul3A_116 {strides = array<i32>} : memref<128x128xf32, #tpu.memory_space<vmem>>, vector<16xf32>,
        %get3A_120 = arith.index_cast %scan3A_95 : i32 to index
        %get3A_121 = arith.constant 48 : index
        %get3A_122 = tpu.vector_load %arg10[%get3A_120, %get3A_121] {strides = array<i32>} : memref<128x128xf32, #tpu.memory_space<vmem>>, vector<16xf32>,
        %mul3A_123 = arith.mulf %get3A_122, %gather3A : vector<16xf32>
        %swap3A_124 = arith.index_cast %scan3A_95 : i32 to index
        %swap3A_125 = arith.constant 48 : index
        %swap3A_126 = tpu.vector_load %arg10[%swap3A_124, %swap3A_125] {strides = array<i32>} : memref<128x128xf32, #tpu.memory_space<vmem>>, vector<16xf32>,
        tpu.vector_store %arg10[%swap3A_124, %swap3A_125], %mul3A_123 {strides = array<i32>} : memref<128x128xf32, #tpu.memory_space<vmem>>, vector<16xf32>,
        %get3A_127 = arith.index_cast %scan3A_95 : i32 to index
        %get3A_128 = arith.constant 64 : index
        %get3A_129 = tpu.vector_load %arg10[%get3A_127, %get3A_128] {strides = array<i32>} : memref<128x128xf32, #tpu.memory_space<vmem>>, vector<16xf32>,
        %mul3A_130 = arith.mulf %get3A_129, %gather3A : vector<16xf32>
        %swap3A_131 = arith.index_cast %scan3A_95 : i32 to index
        %swap3A_132 = arith.constant 64 : index
        %swap3A_133 = tpu.vector_load %arg10[%swap3A_131, %swap3A_132] {strides = array<i32>} : memref<128x128xf32, #tpu.memory_space<vmem>>, vector<16xf32>,
        tpu.vector_store %arg10[%swap3A_131, %swap3A_132], %mul3A_130 {strides = array<i32>} : memref<128x128xf32, #tpu.memory_space<vmem>>, vector<16xf32>,
        %get3A_134 = arith.index_cast %scan3A_95 : i32 to index
        %get3A_135 = arith.constant 80 : index
        %get3A_136 = tpu.vector_load %arg10[%get3A_134, %get3A_135] {strides = array<i32>} : memref<128x128xf32, #tpu.memory_space<vmem>>, vector<16xf32>,
        %mul3A_137 = arith.mulf %get3A_136, %gather3A : vector<16xf32>
        %swap3A_138 = arith.index_cast %scan3A_95 : i32 to index
        %swap3A_139 = arith.constant 80 : index
        %swap3A_140 = tpu.vector_load %arg10[%swap3A_138, %swap3A_139] {strides = array<i32>} : memref<128x128xf32, #tpu.memory_space<vmem>>, vector<16xf32>,
        tpu.vector_store %arg10[%swap3A_138, %swap3A_139], %mul3A_137 {strides = array<i32>} : memref<128x128xf32, #tpu.memory_space<vmem>>, vector<16xf32>,
        %get3A_141 = arith.index_cast %scan3A_95 : i32 to index
        %get3A_142 = arith.constant 96 : index
        %get3A_143 = tpu.vector_load %arg10[%get3A_141, %get3A_142] {strides = array<i32>} : memref<128x128xf32, #tpu.memory_space<vmem>>, vector<16xf32>,
        %mul3A_144 = arith.mulf %get3A_143, %gather3A : vector<16xf32>
        %swap3A_145 = arith.index_cast %scan3A_95 : i32 to index
        %swap3A_146 = arith.constant 96 : index
        %swap3A_147 = tpu.vector_load %arg10[%swap3A_145, %swap3A_146] {strides = array<i32>} : memref<128x128xf32, #tpu.memory_space<vmem>>, vector<16xf32>,
        tpu.vector_store %arg10[%swap3A_145, %swap3A_146], %mul3A_144 {strides = array<i32>} : memref<128x128xf32, #tpu.memory_space<vmem>>, vector<16xf32>,
        %get3A_148 = arith.index_cast %scan3A_95 : i32 to index
        %get3A_149 = arith.constant 112 : index
        %get3A_150 = tpu.vector_load %arg10[%get3A_148, %get3A_149] {strides = array<i32>} : memref<128x128xf32, #tpu.memory_space<vmem>>, vector<16xf32>,
        %mul3A_151 = arith.mulf %get3A_150, %gather3A : vector<16xf32>
        %swap3A_152 = arith.index_cast %scan3A_95 : i32 to index
        %swap3A_153 = arith.constant 112 : index
        %swap3A_154 = tpu.vector_load %arg10[%swap3A_152, %swap3A_153] {strides = array<i32>} : memref<128x128xf32, #tpu.memory_space<vmem>>, vector<16xf32>,
        tpu.vector_store %arg10[%swap3A_152, %swap3A_153], %mul3A_151 {strides = array<i32>} : memref<128x128xf32, #tpu.memory_space<vmem>>, vector<16xf32>,
        %scan3A_155 = arith.constant 0 : i32
        scf.yield %scan3A_155 : i32
      }
      %scan3A_93 = arith.constant 128 : i32
      "tpu.region"() ({
        %run_scoped3A = tpu.sem_alloc : memref<!tpu.dma_semaphore, #tpu.memory_space<semaphore_mem>>
        %dma_start3A_95 = arith.constant 0 : i32
        %dma_start3A_96 = arith.constant 0 : i32
        %dma_start3A_97 = tpu.memref_slice %arg12[%dma_start3A_95, %dma_start3A_96] : memref<10240x128xf32, #tpu.memory_space<vmem_shared>> -> memref<10240x128xf32, #tpu.memory_space<vmem_shared>>
        tpu.enqueue_indirect_dma source(%arg10 : memref<128x128xf32, #tpu.memory_space<vmem>>) target(%dma_start3A_97 : memref<10240x128xf32, #tpu.memory_space<vmem_shared>>) offsets(%arg8 : memref<128xi32, #tpu.memory_space<vmem>>) semaphore(%run_scoped3A : memref<!tpu.dma_semaphore, #tpu.memory_space<semaphore_mem>>) {add = true}
        %dma_wait3A_98 = arith.constant 0 : i32
        %dma_wait3A_99 = arith.constant 0 : i32
        %dma_wait3A_100 = tpu.memref_slice %arg12[%dma_wait3A_98, %dma_wait3A_99] : memref<10240x128xf32, #tpu.memory_space<vmem_shared>> -> memref<10240x128xf32, #tpu.memory_space<vmem_shared>>
        tpu.wait_indirect_dma semaphore(%run_scoped3A : memref<!tpu.dma_semaphore, #tpu.memory_space<semaphore_mem>>) src(%arg10 : memref<128x128xf32, #tpu.memory_space<vmem>>) dst(%dma_wait3A_100 : memref<10240x128xf32, #tpu.memory_space<vmem_shared>>)
        tpu.yield
      }) : () -> ()
      %while3A_94 = arith.constant 0 : i32
      scf.yield %while3A_94 : i32
    }
    %while3A_69 = arith.constant 1 : i32
    %while3A_70 = scf.for %while3A_79 = %while3A_66 to %while3A_62 step %while3A_69 iter_args(%while3A_80 = %while3A_68) -> (i32)  : i32 {
      %mul3A_81 = arith.constant 128 : i32
      %mul3A_82 = arith.muli %while3A_79, %mul3A_81 : i32
      "tpu.region"() ({
        %run_scoped3A = tpu.sem_alloc : memref<!tpu.dma_semaphore, #tpu.memory_space<semaphore_mem>>
        %dma_start3A_95 = tpu.memref_slice %arg2[%mul3A_82] : memref<320000xi32, #tpu.memory_space<hbm>> -> memref<128xi32, #tpu.memory_space<hbm>>
        %dma_start3A_96 = tpu.memref_slice %arg2[%mul3A_82] : memref<320000xi32, #tpu.memory_space<hbm>> -> memref<128xi32, #tpu.memory_space<hbm>>
        tpu.enqueue_dma source(%dma_start3A_96 : memref<128xi32, #tpu.memory_space<hbm>>) target(%arg7 : memref<128xi32, #tpu.memory_space<vmem>>) target_semaphore(%run_scoped3A : memref<!tpu.dma_semaphore, #tpu.memory_space<semaphore_mem>>)
        %dma_wait3A_97 = tpu.memref_slice %arg2[%mul3A_82] : memref<320000xi32, #tpu.memory_space<hbm>> -> memref<128xi32, #tpu.memory_space<hbm>>
        %dma_wait3A_98 = tpu.memref_slice %arg2[%mul3A_82] : memref<320000xi32, #tpu.memory_space<hbm>> -> memref<128xi32, #tpu.memory_space<hbm>>
        tpu.wait_dma2 semaphore(%run_scoped3A : memref<!tpu.dma_semaphore, #tpu.memory_space<semaphore_mem>>) src(%dma_wait3A_98 : memref<128xi32, #tpu.memory_space<hbm>>) dst(%arg7 : memref<128xi32, #tpu.memory_space<vmem>>)
        tpu.yield
      }) : () -> ()
      "tpu.region"() ({
        %run_scoped3A = tpu.sem_alloc : memref<!tpu.dma_semaphore, #tpu.memory_space<semaphore_mem>>
        %dma_start3A_95 = tpu.memref_slice %arg3[%mul3A_82] : memref<320000xi32, #tpu.memory_space<hbm>> -> memref<128xi32, #tpu.memory_space<hbm>>
        %dma_start3A_96 = tpu.memref_slice %arg3[%mul3A_82] : memref<320000xi32, #tpu.memory_space<hbm>> -> memref<128xi32, #tpu.memory_space<hbm>>
        tpu.enqueue_dma source(%dma_start3A_96 : memref<128xi32, #tpu.memory_space<hbm>>) target(%arg8 : memref<128xi32, #tpu.memory_space<vmem>>) target_semaphore(%run_scoped3A : memref<!tpu.dma_semaphore, #tpu.memory_space<semaphore_mem>>)
        %dma_wait3A_97 = tpu.memref_slice %arg3[%mul3A_82] : memref<320000xi32, #tpu.memory_space<hbm>> -> memref<128xi32, #tpu.memory_space<hbm>>
        %dma_wait3A_98 = tpu.memref_slice %arg3[%mul3A_82] : memref<320000xi32, #tpu.memory_space<hbm>> -> memref<128xi32, #tpu.memory_space<hbm>>
        tpu.wait_dma2 semaphore(%run_scoped3A : memref<!tpu.dma_semaphore, #tpu.memory_space<semaphore_mem>>) src(%dma_wait3A_98 : memref<128xi32, #tpu.memory_space<hbm>>) dst(%arg8 : memref<128xi32, #tpu.memory_space<vmem>>)
        tpu.yield
      }) : () -> ()
      "tpu.region"() ({
        %run_scoped3A = tpu.sem_alloc : memref<!tpu.dma_semaphore, #tpu.memory_space<semaphore_mem>>
        %dma_start3A_95 = tpu.memref_slice %arg4[%mul3A_82] : memref<320000xf32, #tpu.memory_space<hbm>> -> memref<128xf32, #tpu.memory_space<hbm>>
        %dma_start3A_96 = tpu.memref_slice %arg4[%mul3A_82] : memref<320000xf32, #tpu.memory_space<hbm>> -> memref<128xf32, #tpu.memory_space<hbm>>
        tpu.enqueue_dma source(%dma_start3A_96 : memref<128xf32, #tpu.memory_space<hbm>>) target(%arg9 : memref<128xf32, #tpu.memory_space<vmem>>) target_semaphore(%run_scoped3A : memref<!tpu.dma_semaphore, #tpu.memory_space<semaphore_mem>>)
        %dma_wait3A_97 = tpu.memref_slice %arg4[%mul3A_82] : memref<320000xf32, #tpu.memory_space<hbm>> -> memref<128xf32, #tpu.memory_space<hbm>>
        %dma_wait3A_98 = tpu.memref_slice %arg4[%mul3A_82] : memref<320000xf32, #tpu.memory_space<hbm>> -> memref<128xf32, #tpu.memory_space<hbm>>
        tpu.wait_dma2 semaphore(%run_scoped3A : memref<!tpu.dma_semaphore, #tpu.memory_space<semaphore_mem>>) src(%dma_wait3A_98 : memref<128xf32, #tpu.memory_space<hbm>>) dst(%arg9 : memref<128xf32, #tpu.memory_space<vmem>>)
        tpu.yield
      }) : () -> ()
      %dma_start3A = arith.constant 0 : i32
      %dma_start3A_83 = arith.constant 0 : i32
      %dma_start3A_84 = tpu.memref_slice %arg5[%dma_start3A, %dma_start3A_83] : memref<10000x128xf32, #tpu.memory_space<hbm>> -> memref<10000x128xf32, #tpu.memory_space<hbm>>
      tpu.enqueue_indirect_dma source(%dma_start3A_84 : memref<10000x128xf32, #tpu.memory_space<hbm>>) target(%arg10 : memref<128x128xf32, #tpu.memory_space<vmem>>) offsets(%arg7 : memref<128xi32, #tpu.memory_space<vmem>>) semaphore(%arg13 : memref<!tpu.dma_semaphore, #tpu.memory_space<semaphore_mem>>)
      %dma_wait3A = arith.constant 0 : i32
      %dma_wait3A_85 = arith.constant 0 : i32
      %dma_wait3A_86 = tpu.memref_slice %arg5[%dma_wait3A, %dma_wait3A_85] : memref<10000x128xf32, #tpu.memory_space<hbm>> -> memref<10000x128xf32, #tpu.memory_space<hbm>>
      tpu.wait_indirect_dma semaphore(%arg13 : memref<!tpu.dma_semaphore, #tpu.memory_space<semaphore_mem>>) src(%dma_wait3A_86 : memref<10000x128xf32, #tpu.memory_space<hbm>>) dst(%arg10 : memref<128x128xf32, #tpu.memory_space<vmem>>)
      %scan3A_87 = arith.constant 0 : i32
      %scan3A_88 = arith.constant 0 : i32
      %scan3A_89 = arith.constant 128 : i32
      %scan3A_90 = arith.addi %scan3A_88, %scan3A_89 : i32
      %scan3A_91 = arith.constant 1 : i32
      %scan3A_92 = scf.for %scan3A_95 = %scan3A_88 to %scan3A_90 step %scan3A_91 iter_args(%scan3A_96 = %scan3A_87) -> (i32)  : i32 {
        %broadcast_in_dim3A_97 = arith.constant 0 : i32
        %broadcast_in_dim3A_98 = vector.broadcast %broadcast_in_dim3A_97 : i32 to vector<16xi32>
        %add3A_99 = vector.broadcast %scan3A_95 : i32 to vector<16xi32>
        %add3A_100 = arith.addi %broadcast_in_dim3A_98, %add3A_99 : vector<16xi32>
        %gather3A = tpu.vector_load_idx %arg9[%add3A_100] : memref<128xf32, #tpu.memory_space<vmem>>[vector<16xi32>], vector<16xf32>,
        %get3A = arith.index_cast %scan3A_95 : i32 to index
        %get3A_101 = arith.constant 0 : index
        %get3A_102 = tpu.vector_load %arg10[%get3A, %get3A_101] {strides = array<i32>} : memref<128x128xf32, #tpu.memory_space<vmem>>, vector<16xf32>,
        %mul3A_103 = arith.mulf %get3A_102, %gather3A : vector<16xf32>
        %swap3A = arith.index_cast %scan3A_95 : i32 to index
        %swap3A_104 = arith.constant 0 : index
        %swap3A_105 = tpu.vector_load %arg10[%swap3A, %swap3A_104] {strides = array<i32>} : memref<128x128xf32, #tpu.memory_space<vmem>>, vector<16xf32>,
        tpu.vector_store %arg10[%swap3A, %swap3A_104], %mul3A_103 {strides = array<i32>} : memref<128x128xf32, #tpu.memory_space<vmem>>, vector<16xf32>,
        %get3A_106 = arith.index_cast %scan3A_95 : i32 to index
        %get3A_107 = arith.constant 16 : index
        %get3A_108 = tpu.vector_load %arg10[%get3A_106, %get3A_107] {strides = array<i32>} : memref<128x128xf32, #tpu.memory_space<vmem>>, vector<16xf32>,
        %mul3A_109 = arith.mulf %get3A_108, %gather3A : vector<16xf32>
        %swap3A_110 = arith.index_cast %scan3A_95 : i32 to index
        %swap3A_111 = arith.constant 16 : index
        %swap3A_112 = tpu.vector_load %arg10[%swap3A_110, %swap3A_111] {strides = array<i32>} : memref<128x128xf32, #tpu.memory_space<vmem>>, vector<16xf32>,
        tpu.vector_store %arg10[%swap3A_110, %swap3A_111], %mul3A_109 {strides = array<i32>} : memref<128x128xf32, #tpu.memory_space<vmem>>, vector<16xf32>,
        %get3A_113 = arith.index_cast %scan3A_95 : i32 to index
        %get3A_114 = arith.constant 32 : index
        %get3A_115 = tpu.vector_load %arg10[%get3A_113, %get3A_114] {strides = array<i32>} : memref<128x128xf32, #tpu.memory_space<vmem>>, vector<16xf32>,
        %mul3A_116 = arith.mulf %get3A_115, %gather3A : vector<16xf32>
        %swap3A_117 = arith.index_cast %scan3A_95 : i32 to index
        %swap3A_118 = arith.constant 32 : index
        %swap3A_119 = tpu.vector_load %arg10[%swap3A_117, %swap3A_118] {strides = array<i32>} : memref<128x128xf32, #tpu.memory_space<vmem>>, vector<16xf32>,
        tpu.vector_store %arg10[%swap3A_117, %swap3A_118], %mul3A_116 {strides = array<i32>} : memref<128x128xf32, #tpu.memory_space<vmem>>, vector<16xf32>,
        %get3A_120 = arith.index_cast %scan3A_95 : i32 to index
        %get3A_121 = arith.constant 48 : index
        %get3A_122 = tpu.vector_load %arg10[%get3A_120, %get3A_121] {strides = array<i32>} : memref<128x128xf32, #tpu.memory_space<vmem>>, vector<16xf32>,
        %mul3A_123 = arith.mulf %get3A_122, %gather3A : vector<16xf32>
        %swap3A_124 = arith.index_cast %scan3A_95 : i32 to index
        %swap3A_125 = arith.constant 48 : index
        %swap3A_126 = tpu.vector_load %arg10[%swap3A_124, %swap3A_125] {strides = array<i32>} : memref<128x128xf32, #tpu.memory_space<vmem>>, vector<16xf32>,
        tpu.vector_store %arg10[%swap3A_124, %swap3A_125], %mul3A_123 {strides = array<i32>} : memref<128x128xf32, #tpu.memory_space<vmem>>, vector<16xf32>,
        %get3A_127 = arith.index_cast %scan3A_95 : i32 to index
        %get3A_128 = arith.constant 64 : index
        %get3A_129 = tpu.vector_load %arg10[%get3A_127, %get3A_128] {strides = array<i32>} : memref<128x128xf32, #tpu.memory_space<vmem>>, vector<16xf32>,
        %mul3A_130 = arith.mulf %get3A_129, %gather3A : vector<16xf32>
        %swap3A_131 = arith.index_cast %scan3A_95 : i32 to index
        %swap3A_132 = arith.constant 64 : index
        %swap3A_133 = tpu.vector_load %arg10[%swap3A_131, %swap3A_132] {strides = array<i32>} : memref<128x128xf32, #tpu.memory_space<vmem>>, vector<16xf32>,
        tpu.vector_store %arg10[%swap3A_131, %swap3A_132], %mul3A_130 {strides = array<i32>} : memref<128x128xf32, #tpu.memory_space<vmem>>, vector<16xf32>,
        %get3A_134 = arith.index_cast %scan3A_95 : i32 to index
        %get3A_135 = arith.constant 80 : index
        %get3A_136 = tpu.vector_load %arg10[%get3A_134, %get3A_135] {strides = array<i32>} : memref<128x128xf32, #tpu.memory_space<vmem>>, vector<16xf32>,
        %mul3A_137 = arith.mulf %get3A_136, %gather3A : vector<16xf32>
        %swap3A_138 = arith.index_cast %scan3A_95 : i32 to index
        %swap3A_139 = arith.constant 80 : index
        %swap3A_140 = tpu.vector_load %arg10[%swap3A_138, %swap3A_139] {strides = array<i32>} : memref<128x128xf32, #tpu.memory_space<vmem>>, vector<16xf32>,
        tpu.vector_store %arg10[%swap3A_138, %swap3A_139], %mul3A_137 {strides = array<i32>} : memref<128x128xf32, #tpu.memory_space<vmem>>, vector<16xf32>,
        %get3A_141 = arith.index_cast %scan3A_95 : i32 to index
        %get3A_142 = arith.constant 96 : index
        %get3A_143 = tpu.vector_load %arg10[%get3A_141, %get3A_142] {strides = array<i32>} : memref<128x128xf32, #tpu.memory_space<vmem>>, vector<16xf32>,
        %mul3A_144 = arith.mulf %get3A_143, %gather3A : vector<16xf32>
        %swap3A_145 = arith.index_cast %scan3A_95 : i32 to index
        %swap3A_146 = arith.constant 96 : index
        %swap3A_147 = tpu.vector_load %arg10[%swap3A_145, %swap3A_146] {strides = array<i32>} : memref<128x128xf32, #tpu.memory_space<vmem>>, vector<16xf32>,
        tpu.vector_store %arg10[%swap3A_145, %swap3A_146], %mul3A_144 {strides = array<i32>} : memref<128x128xf32, #tpu.memory_space<vmem>>, vector<16xf32>,
        %get3A_148 = arith.index_cast %scan3A_95 : i32 to index
        %get3A_149 = arith.constant 112 : index
        %get3A_150 = tpu.vector_load %arg10[%get3A_148, %get3A_149] {strides = array<i32>} : memref<128x128xf32, #tpu.memory_space<vmem>>, vector<16xf32>,
        %mul3A_151 = arith.mulf %get3A_150, %gather3A : vector<16xf32>
        %swap3A_152 = arith.index_cast %scan3A_95 : i32 to index
        %swap3A_153 = arith.constant 112 : index
        %swap3A_154 = tpu.vector_load %arg10[%swap3A_152, %swap3A_153] {strides = array<i32>} : memref<128x128xf32, #tpu.memory_space<vmem>>, vector<16xf32>,
        tpu.vector_store %arg10[%swap3A_152, %swap3A_153], %mul3A_151 {strides = array<i32>} : memref<128x128xf32, #tpu.memory_space<vmem>>, vector<16xf32>,
        %scan3A_155 = arith.constant 0 : i32
        scf.yield %scan3A_155 : i32
      }
      %scan3A_93 = arith.constant 128 : i32
      "tpu.region"() ({
        %run_scoped3A = tpu.sem_alloc : memref<!tpu.dma_semaphore, #tpu.memory_space<semaphore_mem>>
        %dma_start3A_95 = arith.constant 0 : i32
        %dma_start3A_96 = arith.constant 0 : i32
        %dma_start3A_97 = tpu.memref_slice %arg12[%dma_start3A_95, %dma_start3A_96] : memref<10240x128xf32, #tpu.memory_space<vmem_shared>> -> memref<10240x128xf32, #tpu.memory_space<vmem_shared>>
        tpu.enqueue_indirect_dma source(%arg10 : memref<128x128xf32, #tpu.memory_space<vmem>>) target(%dma_start3A_97 : memref<10240x128xf32, #tpu.memory_space<vmem_shared>>) offsets(%arg8 : memref<128xi32, #tpu.memory_space<vmem>>) semaphore(%run_scoped3A : memref<!tpu.dma_semaphore, #tpu.memory_space<semaphore_mem>>) {add = true}
        %dma_wait3A_98 = arith.constant 0 : i32
        %dma_wait3A_99 = arith.constant 0 : i32
        %dma_wait3A_100 = tpu.memref_slice %arg12[%dma_wait3A_98, %dma_wait3A_99] : memref<10240x128xf32, #tpu.memory_space<vmem_shared>> -> memref<10240x128xf32, #tpu.memory_space<vmem_shared>>
        tpu.wait_indirect_dma semaphore(%run_scoped3A : memref<!tpu.dma_semaphore, #tpu.memory_space<semaphore_mem>>) src(%arg10 : memref<128x128xf32, #tpu.memory_space<vmem>>) dst(%dma_wait3A_100 : memref<10240x128xf32, #tpu.memory_space<vmem_shared>>)
        tpu.yield
      }) : () -> ()
      %while3A_94 = arith.constant 0 : i32
      scf.yield %while3A_94 : i32
    }
    %barrier3A_71 = arith.constant 0 : index
    tpu.barrier barrier_id(%barrier3A_71)
    %scan3A_72 = arith.constant 0 : i32
    %scan3A_73 = arith.constant 0 : i32
    %scan3A_74 = arith.constant 10 : i32
    %scan3A_75 = arith.addi %scan3A_73, %scan3A_74 : i32
    %scan3A_76 = arith.constant 1 : i32
    %scan3A_77 = scf.for %scan3A_79 = %scan3A_73 to %scan3A_75 step %scan3A_76 iter_args(%scan3A_80 = %scan3A_72) -> (i32)  : i32 {
      %mul3A_81 = arith.constant 640 : i32
      %mul3A_82 = arith.muli %mul3A_81, %arg1 : i32
      %mul3A_83 = arith.constant 64 : i32
      %mul3A_84 = arith.muli %mul3A_83, %scan3A_79 : i32
      %add3A_85 = arith.addi %mul3A_82, %mul3A_84 : i32
      %mul3A_86 = arith.constant 10240 : i32
      %mul3A_87 = arith.muli %arg0, %mul3A_86 : i32
      %add3A_88 = arith.addi %mul3A_87, %add3A_85 : i32
      "tpu.region"() ({
        %run_scoped3A = tpu.sem_alloc : memref<!tpu.dma_semaphore, #tpu.memory_space<semaphore_mem>>
        %dma_start3A = arith.constant 0 : i32
        %dma_start3A_90 = tpu.memref_slice %arg6[%add3A_88, %dma_start3A] : memref<20480x128xf32, #tpu.memory_space<hbm>> -> memref<64x128xf32, #tpu.memory_space<hbm>>
        %dma_start3A_91 = arith.constant 0 : i32
        %dma_start3A_92 = tpu.memref_slice %arg12[%add3A_85, %dma_start3A_91] : memref<10240x128xf32, #tpu.memory_space<vmem_shared>> -> memref<64x128xf32, #tpu.memory_space<vmem_shared>>
        tpu.enqueue_dma source(%dma_start3A_92 : memref<64x128xf32, #tpu.memory_space<vmem_shared>>) target(%dma_start3A_90 : memref<64x128xf32, #tpu.memory_space<hbm>>) target_semaphore(%run_scoped3A : memref<!tpu.dma_semaphore, #tpu.memory_space<semaphore_mem>>)
        %dma_wait3A = arith.constant 0 : i32
        %dma_wait3A_93 = tpu.memref_slice %arg6[%add3A_88, %dma_wait3A] : memref<20480x128xf32, #tpu.memory_space<hbm>> -> memref<64x128xf32, #tpu.memory_space<hbm>>
        %dma_wait3A_94 = arith.constant 0 : i32
        %dma_wait3A_95 = tpu.memref_slice %arg12[%add3A_85, %dma_wait3A_94] : memref<10240x128xf32, #tpu.memory_space<vmem_shared>> -> memref<64x128xf32, #tpu.memory_space<vmem_shared>>
        tpu.wait_dma2 semaphore(%run_scoped3A : memref<!tpu.dma_semaphore, #tpu.memory_space<semaphore_mem>>) src(%dma_wait3A_95 : memref<64x128xf32, #tpu.memory_space<vmem_shared>>) dst(%dma_wait3A_93 : memref<64x128xf32, #tpu.memory_space<hbm>>)
        tpu.yield
      }) : () -> ()
      %scan3A_89 = arith.constant 0 : i32
      scf.yield %scan3A_89 : i32
    }
    %scan3A_78 = arith.constant 10 : i32
    return
  }
}

#map = affine_map<(d0, d1) -> (0)>
#map1 = affine_map<(d0, d1) -> (0, 0)>
module attributes {stable_mosaic.version = 14 : i64} {
  func.func @_sc_deg(%arg0: i32, %arg1: i32, %arg2: memref<320000xi32, #tpu.memory_space<hbm>>, %arg3: memref<320000xf32, #tpu.memory_space<hbm>>, %arg4: memref<20480x128xf32, #tpu.memory_space<hbm>>, %arg5: memref<128xi32, #tpu.memory_space<vmem>>, %arg6: memref<128xf32, #tpu.memory_space<vmem>>, %arg7: memref<128x128xf32, #tpu.memory_space<vmem>>, %arg8: memref<64x128xf32, #tpu.memory_space<vmem>>, %arg9: memref<10240x128xf32, #tpu.memory_space<vmem_shared>>) attributes {dimension_semantics = [#tpu.dimension_semantics<core_parallel>, #tpu.dimension_semantics<subcore_parallel>], iteration_bounds = array<i64: 2, 16>, scalar_prefetch = 0 : i64, scratch_operands = 5 : i64, tpu.core_type = #tpu.core_type<sc_vector_subcore>, window_params = [{transform_indices = #map}, {transform_indices = #map}, {transform_indices = #map1}]} {
    %mul3A = arith.constant 2 : i32
    %mul3A_0 = arith.muli %arg1, %mul3A : i32
    %add3A = arith.addi %mul3A_0, %arg0 : i32
    %broadcast_in_dim3A = arith.constant 0.000000e+00 : f32
    %broadcast_in_dim3A_1 = vector.broadcast %broadcast_in_dim3A : f32 to vector<16xf32>
    %scan3A = arith.constant 0 : i32
    %scan3A_2 = arith.constant 0 : i32
    %scan3A_3 = arith.constant 64 : i32
    %scan3A_4 = arith.addi %scan3A_2, %scan3A_3 : i32
    %scan3A_5 = arith.constant 1 : i32
    %scan3A_6 = scf.for %scan3A_86 = %scan3A_2 to %scan3A_4 step %scan3A_5 iter_args(%scan3A_87 = %scan3A) -> (i32)  : i32 {
      %swap3A = arith.index_cast %scan3A_86 : i32 to index
      %swap3A_88 = arith.constant 0 : index
      %swap3A_89 = tpu.vector_load %arg8[%swap3A, %swap3A_88] {strides = array<i32>} : memref<64x128xf32, #tpu.memory_space<vmem>>, vector<16xf32>,
      tpu.vector_store %arg8[%swap3A, %swap3A_88], %broadcast_in_dim3A_1 {strides = array<i32>} : memref<64x128xf32, #tpu.memory_space<vmem>>, vector<16xf32>,
      %swap3A_90 = arith.index_cast %scan3A_86 : i32 to index
      %swap3A_91 = arith.constant 16 : index
      %swap3A_92 = tpu.vector_load %arg8[%swap3A_90, %swap3A_91] {strides = array<i32>} : memref<64x128xf32, #tpu.memory_space<vmem>>, vector<16xf32>,
      tpu.vector_store %arg8[%swap3A_90, %swap3A_91], %broadcast_in_dim3A_1 {strides = array<i32>} : memref<64x128xf32, #tpu.memory_space<vmem>>, vector<16xf32>,
      %swap3A_93 = arith.index_cast %scan3A_86 : i32 to index
      %swap3A_94 = arith.constant 32 : index
      %swap3A_95 = tpu.vector_load %arg8[%swap3A_93, %swap3A_94] {strides = array<i32>} : memref<64x128xf32, #tpu.memory_space<vmem>>, vector<16xf32>,
      tpu.vector_store %arg8[%swap3A_93, %swap3A_94], %broadcast_in_dim3A_1 {strides = array<i32>} : memref<64x128xf32, #tpu.memory_space<vmem>>, vector<16xf32>,
      %swap3A_96 = arith.index_cast %scan3A_86 : i32 to index
      %swap3A_97 = arith.constant 48 : index
      %swap3A_98 = tpu.vector_load %arg8[%swap3A_96, %swap3A_97] {strides = array<i32>} : memref<64x128xf32, #tpu.memory_space<vmem>>, vector<16xf32>,
      tpu.vector_store %arg8[%swap3A_96, %swap3A_97], %broadcast_in_dim3A_1 {strides = array<i32>} : memref<64x128xf32, #tpu.memory_space<vmem>>, vector<16xf32>,
      %swap3A_99 = arith.index_cast %scan3A_86 : i32 to index
      %swap3A_100 = arith.constant 64 : index
      %swap3A_101 = tpu.vector_load %arg8[%swap3A_99, %swap3A_100] {strides = array<i32>} : memref<64x128xf32, #tpu.memory_space<vmem>>, vector<16xf32>,
      tpu.vector_store %arg8[%swap3A_99, %swap3A_100], %broadcast_in_dim3A_1 {strides = array<i32>} : memref<64x128xf32, #tpu.memory_space<vmem>>, vector<16xf32>,
      %swap3A_102 = arith.index_cast %scan3A_86 : i32 to index
      %swap3A_103 = arith.constant 80 : index
      %swap3A_104 = tpu.vector_load %arg8[%swap3A_102, %swap3A_103] {strides = array<i32>} : memref<64x128xf32, #tpu.memory_space<vmem>>, vector<16xf32>,
      tpu.vector_store %arg8[%swap3A_102, %swap3A_103], %broadcast_in_dim3A_1 {strides = array<i32>} : memref<64x128xf32, #tpu.memory_space<vmem>>, vector<16xf32>,
      %swap3A_105 = arith.index_cast %scan3A_86 : i32 to index
      %swap3A_106 = arith.constant 96 : index
      %swap3A_107 = tpu.vector_load %arg8[%swap3A_105, %swap3A_106] {strides = array<i32>} : memref<64x128xf32, #tpu.memory_space<vmem>>, vector<16xf32>,
      tpu.vector_store %arg8[%swap3A_105, %swap3A_106], %broadcast_in_dim3A_1 {strides = array<i32>} : memref<64x128xf32, #tpu.memory_space<vmem>>, vector<16xf32>,
      %swap3A_108 = arith.index_cast %scan3A_86 : i32 to index
      %swap3A_109 = arith.constant 112 : index
      %swap3A_110 = tpu.vector_load %arg8[%swap3A_108, %swap3A_109] {strides = array<i32>} : memref<64x128xf32, #tpu.memory_space<vmem>>, vector<16xf32>,
      tpu.vector_store %arg8[%swap3A_108, %swap3A_109], %broadcast_in_dim3A_1 {strides = array<i32>} : memref<64x128xf32, #tpu.memory_space<vmem>>, vector<16xf32>,
      %scan3A_111 = arith.constant 0 : i32
      scf.yield %scan3A_111 : i32
    }
    %scan3A_7 = arith.constant 64 : i32
    %scan3A_8 = arith.constant 0 : i32
    %scan3A_9 = arith.constant 0 : i32
    %scan3A_10 = arith.constant 128 : i32
    %scan3A_11 = arith.addi %scan3A_9, %scan3A_10 : i32
    %scan3A_12 = arith.constant 1 : i32
    %scan3A_13 = scf.for %scan3A_86 = %scan3A_9 to %scan3A_11 step %scan3A_12 iter_args(%scan3A_87 = %scan3A_8) -> (i32)  : i32 {
      %swap3A = arith.index_cast %scan3A_86 : i32 to index
      %swap3A_88 = arith.constant 0 : index
      %swap3A_89 = tpu.vector_load %arg7[%swap3A, %swap3A_88] {strides = array<i32>} : memref<128x128xf32, #tpu.memory_space<vmem>>, vector<16xf32>,
      tpu.vector_store %arg7[%swap3A, %swap3A_88], %broadcast_in_dim3A_1 {strides = array<i32>} : memref<128x128xf32, #tpu.memory_space<vmem>>, vector<16xf32>,
      %swap3A_90 = arith.index_cast %scan3A_86 : i32 to index
      %swap3A_91 = arith.constant 16 : index
      %swap3A_92 = tpu.vector_load %arg7[%swap3A_90, %swap3A_91] {strides = array<i32>} : memref<128x128xf32, #tpu.memory_space<vmem>>, vector<16xf32>,
      tpu.vector_store %arg7[%swap3A_90, %swap3A_91], %broadcast_in_dim3A_1 {strides = array<i32>} : memref<128x128xf32, #tpu.memory_space<vmem>>, vector<16xf32>,
      %swap3A_93 = arith.index_cast %scan3A_86 : i32 to index
      %swap3A_94 = arith.constant 32 : index
      %swap3A_95 = tpu.vector_load %arg7[%swap3A_93, %swap3A_94] {strides = array<i32>} : memref<128x128xf32, #tpu.memory_space<vmem>>, vector<16xf32>,
      tpu.vector_store %arg7[%swap3A_93, %swap3A_94], %broadcast_in_dim3A_1 {strides = array<i32>} : memref<128x128xf32, #tpu.memory_space<vmem>>, vector<16xf32>,
      %swap3A_96 = arith.index_cast %scan3A_86 : i32 to index
      %swap3A_97 = arith.constant 48 : index
      %swap3A_98 = tpu.vector_load %arg7[%swap3A_96, %swap3A_97] {strides = array<i32>} : memref<128x128xf32, #tpu.memory_space<vmem>>, vector<16xf32>,
      tpu.vector_store %arg7[%swap3A_96, %swap3A_97], %broadcast_in_dim3A_1 {strides = array<i32>} : memref<128x128xf32, #tpu.memory_space<vmem>>, vector<16xf32>,
      %swap3A_99 = arith.index_cast %scan3A_86 : i32 to index
      %swap3A_100 = arith.constant 64 : index
      %swap3A_101 = tpu.vector_load %arg7[%swap3A_99, %swap3A_100] {strides = array<i32>} : memref<128x128xf32, #tpu.memory_space<vmem>>, vector<16xf32>,
      tpu.vector_store %arg7[%swap3A_99, %swap3A_100], %broadcast_in_dim3A_1 {strides = array<i32>} : memref<128x128xf32, #tpu.memory_space<vmem>>, vector<16xf32>,
      %swap3A_102 = arith.index_cast %scan3A_86 : i32 to index
      %swap3A_103 = arith.constant 80 : index
      %swap3A_104 = tpu.vector_load %arg7[%swap3A_102, %swap3A_103] {strides = array<i32>} : memref<128x128xf32, #tpu.memory_space<vmem>>, vector<16xf32>,
      tpu.vector_store %arg7[%swap3A_102, %swap3A_103], %broadcast_in_dim3A_1 {strides = array<i32>} : memref<128x128xf32, #tpu.memory_space<vmem>>, vector<16xf32>,
      %swap3A_105 = arith.index_cast %scan3A_86 : i32 to index
      %swap3A_106 = arith.constant 96 : index
      %swap3A_107 = tpu.vector_load %arg7[%swap3A_105, %swap3A_106] {strides = array<i32>} : memref<128x128xf32, #tpu.memory_space<vmem>>, vector<16xf32>,
      tpu.vector_store %arg7[%swap3A_105, %swap3A_106], %broadcast_in_dim3A_1 {strides = array<i32>} : memref<128x128xf32, #tpu.memory_space<vmem>>, vector<16xf32>,
      %swap3A_108 = arith.index_cast %scan3A_86 : i32 to index
      %swap3A_109 = arith.constant 112 : index
      %swap3A_110 = tpu.vector_load %arg7[%swap3A_108, %swap3A_109] {strides = array<i32>} : memref<128x128xf32, #tpu.memory_space<vmem>>, vector<16xf32>,
      tpu.vector_store %arg7[%swap3A_108, %swap3A_109], %broadcast_in_dim3A_1 {strides = array<i32>} : memref<128x128xf32, #tpu.memory_space<vmem>>, vector<16xf32>,
      %scan3A_111 = arith.constant 0 : i32
      scf.yield %scan3A_111 : i32
    }
    %scan3A_14 = arith.constant 128 : i32
    %scan3A_15 = arith.constant 0 : i32
    %scan3A_16 = arith.constant 0 : i32
    %scan3A_17 = arith.constant 10 : i32
    %scan3A_18 = arith.addi %scan3A_16, %scan3A_17 : i32
    %scan3A_19 = arith.constant 1 : i32
    %scan3A_20 = scf.for %scan3A_86 = %scan3A_16 to %scan3A_18 step %scan3A_19 iter_args(%scan3A_87 = %scan3A_15) -> (i32)  : i32 {
      %mul3A_88 = arith.constant 640 : i32
      %mul3A_89 = arith.muli %mul3A_88, %arg1 : i32
      %mul3A_90 = arith.constant 64 : i32
      %mul3A_91 = arith.muli %mul3A_90, %scan3A_86 : i32
      %add3A_92 = arith.addi %mul3A_89, %mul3A_91 : i32
      "tpu.region"() ({
        %run_scoped3A = tpu.sem_alloc : memref<!tpu.dma_semaphore, #tpu.memory_space<semaphore_mem>>
        %dma_start3A = arith.constant 0 : i32
        %dma_start3A_94 = tpu.memref_slice %arg9[%add3A_92, %dma_start3A] : memref<10240x128xf32, #tpu.memory_space<vmem_shared>> -> memref<64x128xf32, #tpu.memory_space<vmem_shared>>
        %dma_start3A_95 = arith.constant 0 : i32
        %dma_start3A_96 = tpu.memref_slice %arg9[%add3A_92, %dma_start3A_95] : memref<10240x128xf32, #tpu.memory_space<vmem_shared>> -> memref<64x128xf32, #tpu.memory_space<vmem_shared>>
        tpu.enqueue_dma source(%arg8 : memref<64x128xf32, #tpu.memory_space<vmem>>) target(%dma_start3A_96 : memref<64x128xf32, #tpu.memory_space<vmem_shared>>) target_semaphore(%run_scoped3A : memref<!tpu.dma_semaphore, #tpu.memory_space<semaphore_mem>>)
        %dma_wait3A = arith.constant 0 : i32
        %dma_wait3A_97 = tpu.memref_slice %arg9[%add3A_92, %dma_wait3A] : memref<10240x128xf32, #tpu.memory_space<vmem_shared>> -> memref<64x128xf32, #tpu.memory_space<vmem_shared>>
        %dma_wait3A_98 = arith.constant 0 : i32
        %dma_wait3A_99 = tpu.memref_slice %arg9[%add3A_92, %dma_wait3A_98] : memref<10240x128xf32, #tpu.memory_space<vmem_shared>> -> memref<64x128xf32, #tpu.memory_space<vmem_shared>>
        tpu.wait_dma2 semaphore(%run_scoped3A : memref<!tpu.dma_semaphore, #tpu.memory_space<semaphore_mem>>) src(%arg8 : memref<64x128xf32, #tpu.memory_space<vmem>>) dst(%dma_wait3A_99 : memref<64x128xf32, #tpu.memory_space<vmem_shared>>)
        tpu.yield
      }) : () -> ()
      %scan3A_93 = arith.constant 0 : i32
      scf.yield %scan3A_93 : i32
    }
    %scan3A_21 = arith.constant 10 : i32
    %barrier3A = arith.constant 0 : index
    tpu.barrier barrier_id(%barrier3A)
    %mul3A_22 = arith.constant 2500 : i32
    %mul3A_23 = arith.muli %add3A, %mul3A_22 : i32
    %jit3A = arith.constant 32 : i32
    %div3A = arith.divsi %mul3A_23, %jit3A : i32
    %sign3A = arith.constant 0 : i32
    %sign3A_24 = arith.cmpi sgt, %mul3A_23, %sign3A : i32
    %sign3A_25 = arith.extui %sign3A_24 : i1 to i32
    %sign3A_26 = arith.constant 0 : i32
    %sign3A_27 = arith.cmpi slt, %mul3A_23, %sign3A_26 : i32
    %sign3A_28 = arith.extui %sign3A_27 : i1 to i32
    %sign3A_29 = arith.subi %sign3A_25, %sign3A_28 : i32
    %sign3A_30 = arith.constant 0 : i32
    %sign3A_31 = arith.cmpi sgt, %jit3A, %sign3A_30 : i32
    %sign3A_32 = arith.extui %sign3A_31 : i1 to i32
    %sign3A_33 = arith.constant 0 : i32
    %sign3A_34 = arith.cmpi slt, %jit3A, %sign3A_33 : i32
    %sign3A_35 = arith.extui %sign3A_34 : i1 to i32
    %sign3A_36 = arith.subi %sign3A_32, %sign3A_35 : i32
    %ne3A = arith.cmpi ne, %sign3A_29, %sign3A_36 : i32
    %rem3A = arith.remsi %mul3A_23, %jit3A : i32
    %ne3A_37 = arith.constant 0 : i32
    %ne3A_38 = arith.cmpi ne, %rem3A, %ne3A_37 : i32
    %and3A = arith.andi %ne3A, %ne3A_38 : i1
    %sub3A = arith.constant 1 : i32
    %sub3A_39 = arith.subi %div3A, %sub3A : i32
    %select_n3A = arith.select %and3A, %sub3A_39, %div3A : i32
    %add3A_40 = arith.constant 1 : i32
    %add3A_41 = arith.addi %add3A, %add3A_40 : i32
    %mul3A_42 = arith.constant 2500 : i32
    %mul3A_43 = arith.muli %add3A_41, %mul3A_42 : i32
    %jit3A_44 = arith.constant 32 : i32
    %div3A_45 = arith.divsi %mul3A_43, %jit3A_44 : i32
    %sign3A_46 = arith.constant 0 : i32
    %sign3A_47 = arith.cmpi sgt, %mul3A_43, %sign3A_46 : i32
    %sign3A_48 = arith.extui %sign3A_47 : i1 to i32
    %sign3A_49 = arith.constant 0 : i32
    %sign3A_50 = arith.cmpi slt, %mul3A_43, %sign3A_49 : i32
    %sign3A_51 = arith.extui %sign3A_50 : i1 to i32
    %sign3A_52 = arith.subi %sign3A_48, %sign3A_51 : i32
    %sign3A_53 = arith.constant 0 : i32
    %sign3A_54 = arith.cmpi sgt, %jit3A_44, %sign3A_53 : i32
    %sign3A_55 = arith.extui %sign3A_54 : i1 to i32
    %sign3A_56 = arith.constant 0 : i32
    %sign3A_57 = arith.cmpi slt, %jit3A_44, %sign3A_56 : i32
    %sign3A_58 = arith.extui %sign3A_57 : i1 to i32
    %sign3A_59 = arith.subi %sign3A_55, %sign3A_58 : i32
    %ne3A_60 = arith.cmpi ne, %sign3A_52, %sign3A_59 : i32
    %rem3A_61 = arith.remsi %mul3A_43, %jit3A_44 : i32
    %ne3A_62 = arith.constant 0 : i32
    %ne3A_63 = arith.cmpi ne, %rem3A_61, %ne3A_62 : i32
    %and3A_64 = arith.andi %ne3A_60, %ne3A_63 : i1
    %sub3A_65 = arith.constant 1 : i32
    %sub3A_66 = arith.subi %div3A_45, %sub3A_65 : i32
    %select_n3A_67 = arith.select %and3A_64, %sub3A_66, %div3A_45 : i32
    %while3A = arith.constant 0 : i32
    %while3A_68 = arith.subi %select_n3A_67, %select_n3A : i32
    %while3A_69 = arith.addi %select_n3A, %while3A_68 : i32
    %while3A_70 = arith.constant 1 : i32
    %while3A_71 = arith.divsi %while3A_68, %while3A_70 : i32
    %while3A_72 = arith.muli %while3A_71, %while3A_70 : i32
    %while3A_73 = arith.addi %select_n3A, %while3A_72 : i32
    %while3A_74 = arith.constant 1 : i32
    %while3A_75 = scf.for %while3A_86 = %select_n3A to %while3A_73 step %while3A_74 iter_args(%while3A_87 = %while3A) -> (i32)  : i32 {
      %mul3A_88 = arith.constant 128 : i32
      %mul3A_89 = arith.muli %while3A_86, %mul3A_88 : i32
      "tpu.region"() ({
        %run_scoped3A = tpu.sem_alloc : memref<!tpu.dma_semaphore, #tpu.memory_space<semaphore_mem>>
        %dma_start3A = tpu.memref_slice %arg2[%mul3A_89] : memref<320000xi32, #tpu.memory_space<hbm>> -> memref<128xi32, #tpu.memory_space<hbm>>
        %dma_start3A_98 = tpu.memref_slice %arg2[%mul3A_89] : memref<320000xi32, #tpu.memory_space<hbm>> -> memref<128xi32, #tpu.memory_space<hbm>>
        tpu.enqueue_dma source(%dma_start3A_98 : memref<128xi32, #tpu.memory_space<hbm>>) target(%arg5 : memref<128xi32, #tpu.memory_space<vmem>>) target_semaphore(%run_scoped3A : memref<!tpu.dma_semaphore, #tpu.memory_space<semaphore_mem>>)
        %dma_wait3A = tpu.memref_slice %arg2[%mul3A_89] : memref<320000xi32, #tpu.memory_space<hbm>> -> memref<128xi32, #tpu.memory_space<hbm>>
        %dma_wait3A_99 = tpu.memref_slice %arg2[%mul3A_89] : memref<320000xi32, #tpu.memory_space<hbm>> -> memref<128xi32, #tpu.memory_space<hbm>>
        tpu.wait_dma2 semaphore(%run_scoped3A : memref<!tpu.dma_semaphore, #tpu.memory_space<semaphore_mem>>) src(%dma_wait3A_99 : memref<128xi32, #tpu.memory_space<hbm>>) dst(%arg5 : memref<128xi32, #tpu.memory_space<vmem>>)
        tpu.yield
      }) : () -> ()
      "tpu.region"() ({
        %run_scoped3A = tpu.sem_alloc : memref<!tpu.dma_semaphore, #tpu.memory_space<semaphore_mem>>
        %dma_start3A = tpu.memref_slice %arg3[%mul3A_89] : memref<320000xf32, #tpu.memory_space<hbm>> -> memref<128xf32, #tpu.memory_space<hbm>>
        %dma_start3A_98 = tpu.memref_slice %arg3[%mul3A_89] : memref<320000xf32, #tpu.memory_space<hbm>> -> memref<128xf32, #tpu.memory_space<hbm>>
        tpu.enqueue_dma source(%dma_start3A_98 : memref<128xf32, #tpu.memory_space<hbm>>) target(%arg6 : memref<128xf32, #tpu.memory_space<vmem>>) target_semaphore(%run_scoped3A : memref<!tpu.dma_semaphore, #tpu.memory_space<semaphore_mem>>)
        %dma_wait3A = tpu.memref_slice %arg3[%mul3A_89] : memref<320000xf32, #tpu.memory_space<hbm>> -> memref<128xf32, #tpu.memory_space<hbm>>
        %dma_wait3A_99 = tpu.memref_slice %arg3[%mul3A_89] : memref<320000xf32, #tpu.memory_space<hbm>> -> memref<128xf32, #tpu.memory_space<hbm>>
        tpu.wait_dma2 semaphore(%run_scoped3A : memref<!tpu.dma_semaphore, #tpu.memory_space<semaphore_mem>>) src(%dma_wait3A_99 : memref<128xf32, #tpu.memory_space<hbm>>) dst(%arg6 : memref<128xf32, #tpu.memory_space<vmem>>)
        tpu.yield
      }) : () -> ()
      %scan3A_90 = arith.constant 0 : i32
      %scan3A_91 = arith.constant 0 : i32
      %scan3A_92 = arith.constant 128 : i32
      %scan3A_93 = arith.addi %scan3A_91, %scan3A_92 : i32
      %scan3A_94 = arith.constant 1 : i32
      %scan3A_95 = scf.for %scan3A_98 = %scan3A_91 to %scan3A_93 step %scan3A_94 iter_args(%scan3A_99 = %scan3A_90) -> (i32)  : i32 {
        %broadcast_in_dim3A_100 = arith.constant 0 : i32
        %broadcast_in_dim3A_101 = vector.broadcast %broadcast_in_dim3A_100 : i32 to vector<16xi32>
        %add3A_102 = vector.broadcast %scan3A_98 : i32 to vector<16xi32>
        %add3A_103 = arith.addi %broadcast_in_dim3A_101, %add3A_102 : vector<16xi32>
        %gather3A = tpu.vector_load_idx %arg6[%add3A_103] : memref<128xf32, #tpu.memory_space<vmem>>[vector<16xi32>], vector<16xf32>,
        %swap3A = arith.index_cast %scan3A_98 : i32 to index
        %swap3A_104 = arith.constant 0 : index
        %swap3A_105 = tpu.vector_load %arg7[%swap3A, %swap3A_104] {strides = array<i32>} : memref<128x128xf32, #tpu.memory_space<vmem>>, vector<16xf32>,
        tpu.vector_store %arg7[%swap3A, %swap3A_104], %gather3A {strides = array<i32>} : memref<128x128xf32, #tpu.memory_space<vmem>>, vector<16xf32>,
        %scan3A_106 = arith.constant 0 : i32
        scf.yield %scan3A_106 : i32
      }
      %scan3A_96 = arith.constant 128 : i32
      "tpu.region"() ({
        %run_scoped3A = tpu.sem_alloc : memref<!tpu.dma_semaphore, #tpu.memory_space<semaphore_mem>>
        %dma_start3A = arith.constant 0 : i32
        %dma_start3A_98 = arith.constant 0 : i32
        %dma_start3A_99 = tpu.memref_slice %arg9[%dma_start3A, %dma_start3A_98] : memref<10240x128xf32, #tpu.memory_space<vmem_shared>> -> memref<10240x128xf32, #tpu.memory_space<vmem_shared>>
        tpu.enqueue_indirect_dma source(%arg7 : memref<128x128xf32, #tpu.memory_space<vmem>>) target(%dma_start3A_99 : memref<10240x128xf32, #tpu.memory_space<vmem_shared>>) offsets(%arg5 : memref<128xi32, #tpu.memory_space<vmem>>) semaphore(%run_scoped3A : memref<!tpu.dma_semaphore, #tpu.memory_space<semaphore_mem>>) {add = true}
        %dma_wait3A = arith.constant 0 : i32
        %dma_wait3A_100 = arith.constant 0 : i32
        %dma_wait3A_101 = tpu.memref_slice %arg9[%dma_wait3A, %dma_wait3A_100] : memref<10240x128xf32, #tpu.memory_space<vmem_shared>> -> memref<10240x128xf32, #tpu.memory_space<vmem_shared>>
        tpu.wait_indirect_dma semaphore(%run_scoped3A : memref<!tpu.dma_semaphore, #tpu.memory_space<semaphore_mem>>) src(%arg7 : memref<128x128xf32, #tpu.memory_space<vmem>>) dst(%dma_wait3A_101 : memref<10240x128xf32, #tpu.memory_space<vmem_shared>>)
        tpu.yield
      }) : () -> ()
      %while3A_97 = arith.constant 0 : i32
      scf.yield %while3A_97 : i32
    }
    %while3A_76 = arith.constant 1 : i32
    %while3A_77 = scf.for %while3A_86 = %while3A_73 to %while3A_69 step %while3A_76 iter_args(%while3A_87 = %while3A_75) -> (i32)  : i32 {
      %mul3A_88 = arith.constant 128 : i32
      %mul3A_89 = arith.muli %while3A_86, %mul3A_88 : i32
      "tpu.region"() ({
        %run_scoped3A = tpu.sem_alloc : memref<!tpu.dma_semaphore, #tpu.memory_space<semaphore_mem>>
        %dma_start3A = tpu.memref_slice %arg2[%mul3A_89] : memref<320000xi32, #tpu.memory_space<hbm>> -> memref<128xi32, #tpu.memory_space<hbm>>
        %dma_start3A_98 = tpu.memref_slice %arg2[%mul3A_89] : memref<320000xi32, #tpu.memory_space<hbm>> -> memref<128xi32, #tpu.memory_space<hbm>>
        tpu.enqueue_dma source(%dma_start3A_98 : memref<128xi32, #tpu.memory_space<hbm>>) target(%arg5 : memref<128xi32, #tpu.memory_space<vmem>>) target_semaphore(%run_scoped3A : memref<!tpu.dma_semaphore, #tpu.memory_space<semaphore_mem>>)
        %dma_wait3A = tpu.memref_slice %arg2[%mul3A_89] : memref<320000xi32, #tpu.memory_space<hbm>> -> memref<128xi32, #tpu.memory_space<hbm>>
        %dma_wait3A_99 = tpu.memref_slice %arg2[%mul3A_89] : memref<320000xi32, #tpu.memory_space<hbm>> -> memref<128xi32, #tpu.memory_space<hbm>>
        tpu.wait_dma2 semaphore(%run_scoped3A : memref<!tpu.dma_semaphore, #tpu.memory_space<semaphore_mem>>) src(%dma_wait3A_99 : memref<128xi32, #tpu.memory_space<hbm>>) dst(%arg5 : memref<128xi32, #tpu.memory_space<vmem>>)
        tpu.yield
      }) : () -> ()
      "tpu.region"() ({
        %run_scoped3A = tpu.sem_alloc : memref<!tpu.dma_semaphore, #tpu.memory_space<semaphore_mem>>
        %dma_start3A = tpu.memref_slice %arg3[%mul3A_89] : memref<320000xf32, #tpu.memory_space<hbm>> -> memref<128xf32, #tpu.memory_space<hbm>>
        %dma_start3A_98 = tpu.memref_slice %arg3[%mul3A_89] : memref<320000xf32, #tpu.memory_space<hbm>> -> memref<128xf32, #tpu.memory_space<hbm>>
        tpu.enqueue_dma source(%dma_start3A_98 : memref<128xf32, #tpu.memory_space<hbm>>) target(%arg6 : memref<128xf32, #tpu.memory_space<vmem>>) target_semaphore(%run_scoped3A : memref<!tpu.dma_semaphore, #tpu.memory_space<semaphore_mem>>)
        %dma_wait3A = tpu.memref_slice %arg3[%mul3A_89] : memref<320000xf32, #tpu.memory_space<hbm>> -> memref<128xf32, #tpu.memory_space<hbm>>
        %dma_wait3A_99 = tpu.memref_slice %arg3[%mul3A_89] : memref<320000xf32, #tpu.memory_space<hbm>> -> memref<128xf32, #tpu.memory_space<hbm>>
        tpu.wait_dma2 semaphore(%run_scoped3A : memref<!tpu.dma_semaphore, #tpu.memory_space<semaphore_mem>>) src(%dma_wait3A_99 : memref<128xf32, #tpu.memory_space<hbm>>) dst(%arg6 : memref<128xf32, #tpu.memory_space<vmem>>)
        tpu.yield
      }) : () -> ()
      %scan3A_90 = arith.constant 0 : i32
      %scan3A_91 = arith.constant 0 : i32
      %scan3A_92 = arith.constant 128 : i32
      %scan3A_93 = arith.addi %scan3A_91, %scan3A_92 : i32
      %scan3A_94 = arith.constant 1 : i32
      %scan3A_95 = scf.for %scan3A_98 = %scan3A_91 to %scan3A_93 step %scan3A_94 iter_args(%scan3A_99 = %scan3A_90) -> (i32)  : i32 {
        %broadcast_in_dim3A_100 = arith.constant 0 : i32
        %broadcast_in_dim3A_101 = vector.broadcast %broadcast_in_dim3A_100 : i32 to vector<16xi32>
        %add3A_102 = vector.broadcast %scan3A_98 : i32 to vector<16xi32>
        %add3A_103 = arith.addi %broadcast_in_dim3A_101, %add3A_102 : vector<16xi32>
        %gather3A = tpu.vector_load_idx %arg6[%add3A_103] : memref<128xf32, #tpu.memory_space<vmem>>[vector<16xi32>], vector<16xf32>,
        %swap3A = arith.index_cast %scan3A_98 : i32 to index
        %swap3A_104 = arith.constant 0 : index
        %swap3A_105 = tpu.vector_load %arg7[%swap3A, %swap3A_104] {strides = array<i32>} : memref<128x128xf32, #tpu.memory_space<vmem>>, vector<16xf32>,
        tpu.vector_store %arg7[%swap3A, %swap3A_104], %gather3A {strides = array<i32>} : memref<128x128xf32, #tpu.memory_space<vmem>>, vector<16xf32>,
        %scan3A_106 = arith.constant 0 : i32
        scf.yield %scan3A_106 : i32
      }
      %scan3A_96 = arith.constant 128 : i32
      "tpu.region"() ({
        %run_scoped3A = tpu.sem_alloc : memref<!tpu.dma_semaphore, #tpu.memory_space<semaphore_mem>>
        %dma_start3A = arith.constant 0 : i32
        %dma_start3A_98 = arith.constant 0 : i32
        %dma_start3A_99 = tpu.memref_slice %arg9[%dma_start3A, %dma_start3A_98] : memref<10240x128xf32, #tpu.memory_space<vmem_shared>> -> memref<10240x128xf32, #tpu.memory_space<vmem_shared>>
        tpu.enqueue_indirect_dma source(%arg7 : memref<128x128xf32, #tpu.memory_space<vmem>>) target(%dma_start3A_99 : memref<10240x128xf32, #tpu.memory_space<vmem_shared>>) offsets(%arg5 : memref<128xi32, #tpu.memory_space<vmem>>) semaphore(%run_scoped3A : memref<!tpu.dma_semaphore, #tpu.memory_space<semaphore_mem>>) {add = true}
        %dma_wait3A = arith.constant 0 : i32
        %dma_wait3A_100 = arith.constant 0 : i32
        %dma_wait3A_101 = tpu.memref_slice %arg9[%dma_wait3A, %dma_wait3A_100] : memref<10240x128xf32, #tpu.memory_space<vmem_shared>> -> memref<10240x128xf32, #tpu.memory_space<vmem_shared>>
        tpu.wait_indirect_dma semaphore(%run_scoped3A : memref<!tpu.dma_semaphore, #tpu.memory_space<semaphore_mem>>) src(%arg7 : memref<128x128xf32, #tpu.memory_space<vmem>>) dst(%dma_wait3A_101 : memref<10240x128xf32, #tpu.memory_space<vmem_shared>>)
        tpu.yield
      }) : () -> ()
      %while3A_97 = arith.constant 0 : i32
      scf.yield %while3A_97 : i32
    }
    %barrier3A_78 = arith.constant 0 : index
    tpu.barrier barrier_id(%barrier3A_78)
    %scan3A_79 = arith.constant 0 : i32
    %scan3A_80 = arith.constant 0 : i32
    %scan3A_81 = arith.constant 10 : i32
    %scan3A_82 = arith.addi %scan3A_80, %scan3A_81 : i32
    %scan3A_83 = arith.constant 1 : i32
    %scan3A_84 = scf.for %scan3A_86 = %scan3A_80 to %scan3A_82 step %scan3A_83 iter_args(%scan3A_87 = %scan3A_79) -> (i32)  : i32 {
      %mul3A_88 = arith.constant 640 : i32
      %mul3A_89 = arith.muli %mul3A_88, %arg1 : i32
      %mul3A_90 = arith.constant 64 : i32
      %mul3A_91 = arith.muli %mul3A_90, %scan3A_86 : i32
      %add3A_92 = arith.addi %mul3A_89, %mul3A_91 : i32
      %mul3A_93 = arith.constant 10240 : i32
      %mul3A_94 = arith.muli %arg0, %mul3A_93 : i32
      %add3A_95 = arith.addi %mul3A_94, %add3A_92 : i32
      "tpu.region"() ({
        %run_scoped3A = tpu.sem_alloc : memref<!tpu.dma_semaphore, #tpu.memory_space<semaphore_mem>>
        %dma_start3A = arith.constant 0 : i32
        %dma_start3A_97 = tpu.memref_slice %arg4[%add3A_95, %dma_start3A] : memref<20480x128xf32, #tpu.memory_space<hbm>> -> memref<64x128xf32, #tpu.memory_space<hbm>>
        %dma_start3A_98 = arith.constant 0 : i32
        %dma_start3A_99 = tpu.memref_slice %arg9[%add3A_92, %dma_start3A_98] : memref<10240x128xf32, #tpu.memory_space<vmem_shared>> -> memref<64x128xf32, #tpu.memory_space<vmem_shared>>
        tpu.enqueue_dma source(%dma_start3A_99 : memref<64x128xf32, #tpu.memory_space<vmem_shared>>) target(%dma_start3A_97 : memref<64x128xf32, #tpu.memory_space<hbm>>) target_semaphore(%run_scoped3A : memref<!tpu.dma_semaphore, #tpu.memory_space<semaphore_mem>>)
        %dma_wait3A = arith.constant 0 : i32
        %dma_wait3A_100 = tpu.memref_slice %arg4[%add3A_95, %dma_wait3A] : memref<20480x128xf32, #tpu.memory_space<hbm>> -> memref<64x128xf32, #tpu.memory_space<hbm>>
        %dma_wait3A_101 = arith.constant 0 : i32
        %dma_wait3A_102 = tpu.memref_slice %arg9[%add3A_92, %dma_wait3A_101] : memref<10240x128xf32, #tpu.memory_space<vmem_shared>> -> memref<64x128xf32, #tpu.memory_space<vmem_shared>>
        tpu.wait_dma2 semaphore(%run_scoped3A : memref<!tpu.dma_semaphore, #tpu.memory_space<semaphore_mem>>) src(%dma_wait3A_102 : memref<64x128xf32, #tpu.memory_space<vmem_shared>>) dst(%dma_wait3A_100 : memref<64x128xf32, #tpu.memory_space<hbm>>)
        tpu.yield
      }) : () -> ()
      %scan3A_96 = arith.constant 0 : i32
      scf.yield %scan3A_96 : i32
    }
    %scan3A_85 = arith.constant 10 : i32
    return
  }
}

module attributes {stable_mosaic.version = 14 : i64} {
  func.func @_tc_dinv_body(%arg0: memref<10240x128xf32, #tpu.memory_space<vmem>>, %arg1: memref<10240x128xf32, #tpu.memory_space<vmem>>, %arg2: memref<10240x1xf32, #tpu.memory_space<vmem>>) attributes {dimension_semantics = [], scalar_prefetch = 0 : i64, scratch_operands = 0 : i64, tpu.core_type = #tpu.core_type<tc>} {
    %get3A = arith.constant 0 : index
    %get3A_0 = arith.constant 0 : index
    %get3A_1 = vector.load %arg0[%get3A, %get3A_0] : memref<10240x128xf32, #tpu.memory_space<vmem>>, vector<10240x1xf32>
    %get3A_2 = arith.constant 0 : index
    %get3A_3 = arith.constant 0 : index
    %get3A_4 = vector.load %arg1[%get3A_2, %get3A_3] : memref<10240x128xf32, #tpu.memory_space<vmem>>, vector<10240x1xf32>
    %add3A = arith.addf %get3A_1, %get3A_4 : vector<10240x1xf32>
    %add3A_5 = arith.constant 1.000000e+00 : f32
    %add3A_6 = vector.broadcast %add3A_5 : f32 to vector<10240x1xf32>
    %add3A_7 = arith.addf %add3A, %add3A_6 : vector<10240x1xf32>
    %gt3A = arith.constant 0.000000e+00 : f32
    %gt3A_8 = vector.broadcast %gt3A : f32 to vector<10240x1xf32>
    %gt3A_9 = arith.cmpf ogt, %add3A_7, %gt3A_8 : vector<10240x1xf32>
    %rsqrt3A = math.rsqrt %add3A_7 : vector<10240x1xf32>
    %jit3A = arith.constant 0.000000e+00 : f32
    %broadcast_in_dim3A = vector.broadcast %jit3A : f32 to vector<10240x1xf32>
    %select_n3A = arith.select %gt3A_9, %rsqrt3A, %broadcast_in_dim3A : vector<10240x1xi1>, vector<10240x1xf32>
    %swap3A = arith.constant 0 : index
    %swap3A_10 = arith.constant 0 : index
    %swap3A_11 = vector.load %arg2[%swap3A, %swap3A_10] : memref<10240x1xf32, #tpu.memory_space<vmem>>, vector<10240x1xf32>
    tpu.vector_store %arg2[%swap3A, %swap3A_10], %select_n3A {strides = array<i32>} : memref<10240x1xf32, #tpu.memory_space<vmem>>, vector<10240x1xf32>,
    return
  }
}

module attributes {stable_mosaic.version = 14 : i64} {
  func.func @_tc_xw_body(%arg0: i32, %arg1: memref<400x128xf32, #tpu.memory_space<vmem>>, %arg2: memref<400x1xf32, #tpu.memory_space<vmem>>, %arg3: memref<128x256xf32, #tpu.memory_space<vmem>>, %arg4: memref<400x256xf32, #tpu.memory_space<vmem>>, %arg5: memref<400x256xf32, #tpu.memory_space<vmem>>) attributes {dimension_semantics = [#tpu.dimension_semantics<arbitrary>], iteration_bounds = array<i64: 25>, scalar_prefetch = 0 : i64, scratch_operands = 0 : i64, tpu.core_type = #tpu.core_type<tc>, window_params = [{transform_indices = @transform_0, window_bounds = array<i64: 400, 128>}, {transform_indices = @transform_1, window_bounds = array<i64: 400, 1>}, {pipeline_mode = #tpu.pipeline_mode<synchronous>, transform_indices = @transform_2, window_bounds = array<i64: 128, 256>}, {transform_indices = @transform_3, window_bounds = array<i64: 400, 256>}, {transform_indices = @transform_4, window_bounds = array<i64: 400, 256>}]} {
    %get3A = arith.constant 0 : index
    %get3A_0 = arith.constant 0 : index
    %get3A_1 = vector.load %arg1[%get3A, %get3A_0] : memref<400x128xf32, #tpu.memory_space<vmem>>, vector<400x128xf32>
    %get3A_2 = arith.constant 0 : index
    %get3A_3 = arith.constant 0 : index
    %get3A_4 = vector.load %arg3[%get3A_2, %get3A_3] : memref<128x256xf32, #tpu.memory_space<vmem>>, vector<128x256xf32>
    %dot_general3A = arith.constant dense<0.000000e+00> : vector<400x256xf32>
    %dot_general3A_5 = tpu.matmul %get3A_1, %get3A_4, %dot_general3A {dimension_numbers = #tpu.dot_dimension_numbers<[1], [0], [0], [1], [0, 0, 1, 1], [], []>, transpose_lhs_hint = false} : vector<400x128xf32>, vector<128x256xf32>, vector<400x256xf32> -> vector<400x256xf32>
    %swap3A = arith.constant 0 : index
    %swap3A_6 = arith.constant 0 : index
    %swap3A_7 = vector.load %arg4[%swap3A, %swap3A_6] : memref<400x256xf32, #tpu.memory_space<vmem>>, vector<400x256xf32>
    tpu.vector_store %arg4[%swap3A, %swap3A_6], %dot_general3A_5 {strides = array<i32>} : memref<400x256xf32, #tpu.memory_space<vmem>>, vector<400x256xf32>,
    %get3A_8 = arith.constant 0 : index
    %get3A_9 = arith.constant 0 : index
    %get3A_10 = vector.load %arg2[%get3A_8, %get3A_9] : memref<400x1xf32, #tpu.memory_space<vmem>>, vector<400x1xf32>
    %mul3A = vector.broadcast %get3A_10 : vector<400x1xf32> to vector<400x256xf32>
    %mul3A_11 = arith.mulf %mul3A, %dot_general3A_5 : vector<400x256xf32>
    %swap3A_12 = arith.constant 0 : index
    %swap3A_13 = arith.constant 0 : index
    %swap3A_14 = vector.load %arg5[%swap3A_12, %swap3A_13] : memref<400x256xf32, #tpu.memory_space<vmem>>, vector<400x256xf32>
    tpu.vector_store %arg5[%swap3A_12, %swap3A_13], %mul3A_11 {strides = array<i32>} : memref<400x256xf32, #tpu.memory_space<vmem>>, vector<400x256xf32>,
    return
  }
  func.func @transform_0(%arg0: i32) -> (i32, i32) {
    %c0_i32 = arith.constant 0 : i32
    %c0_i32_0 = arith.constant 0 : i32
    return %arg0, %c0_i32 : i32, i32
  }
  func.func @transform_1(%arg0: i32) -> (i32, i32) {
    %c0_i32 = arith.constant 0 : i32
    %c0_i32_0 = arith.constant 0 : i32
    return %arg0, %c0_i32 : i32, i32
  }
  func.func @transform_2(%arg0: i32) -> (i32, i32) {
    %c0_i32 = arith.constant 0 : i32
    %c0_i32_0 = arith.constant 0 : i32
    %c0_i32_1 = arith.constant 0 : i32
    return %c0_i32, %c0_i32_0 : i32, i32
  }
  func.func @transform_3(%arg0: i32) -> (i32, i32) {
    %c0_i32 = arith.constant 0 : i32
    %c0_i32_0 = arith.constant 0 : i32
    return %arg0, %c0_i32 : i32, i32
  }
  func.func @transform_4(%arg0: i32) -> (i32, i32) {
    %c0_i32 = arith.constant 0 : i32
    %c0_i32_0 = arith.constant 0 : i32
    return %arg0, %c0_i32 : i32, i32
  }
}

module attributes {stable_mosaic.version = 14 : i64} {
  func.func @_tc_pre_body(%arg0: i32, %arg1: memref<400x256xf32, #tpu.memory_space<vmem>>, %arg2: memref<400x256xf32, #tpu.memory_space<vmem>>, %arg3: memref<400x1xf32, #tpu.memory_space<vmem>>, %arg4: memref<1x256xf32, #tpu.memory_space<vmem>>, %arg5: memref<400x256xf32, #tpu.memory_space<vmem>>, %arg6: memref<8x256xf32, #tpu.memory_space<vmem>>) attributes {dimension_semantics = [#tpu.dimension_semantics<arbitrary>], iteration_bounds = array<i64: 25>, scalar_prefetch = 0 : i64, scratch_operands = 0 : i64, tpu.core_type = #tpu.core_type<tc>, window_params = [{transform_indices = @transform_0, window_bounds = array<i64: 400, 256>}, {transform_indices = @transform_1, window_bounds = array<i64: 400, 256>}, {transform_indices = @transform_2, window_bounds = array<i64: 400, 1>}, {pipeline_mode = #tpu.pipeline_mode<synchronous>, transform_indices = @transform_3, window_bounds = array<i64: 1, 256>}, {transform_indices = @transform_4, window_bounds = array<i64: 400, 256>}, {pipeline_mode = #tpu.pipeline_mode<synchronous>, transform_indices = @transform_5, window_bounds = array<i64: 8, 256>}]} {
    %get3A = arith.constant 0 : index
    %get3A_0 = arith.constant 0 : index
    %get3A_1 = vector.load %arg3[%get3A, %get3A_0] : memref<400x1xf32, #tpu.memory_space<vmem>>, vector<400x1xf32>
    %get3A_2 = arith.constant 0 : index
    %get3A_3 = arith.constant 0 : index
    %get3A_4 = vector.load %arg1[%get3A_2, %get3A_3] : memref<400x256xf32, #tpu.memory_space<vmem>>, vector<400x256xf32>
    %mul3A = vector.broadcast %get3A_1 : vector<400x1xf32> to vector<400x256xf32>
    %mul3A_5 = arith.mulf %mul3A, %get3A_4 : vector<400x256xf32>
    %mul3A_6 = arith.mulf %get3A_1, %get3A_1 : vector<400x1xf32>
    %get3A_7 = arith.constant 0 : index
    %get3A_8 = arith.constant 0 : index
    %get3A_9 = vector.load %arg2[%get3A_7, %get3A_8] : memref<400x256xf32, #tpu.memory_space<vmem>>, vector<400x256xf32>
    %mul3A_10 = vector.broadcast %mul3A_6 : vector<400x1xf32> to vector<400x256xf32>
    %mul3A_11 = arith.mulf %mul3A_10, %get3A_9 : vector<400x256xf32>
    %add3A = arith.addf %mul3A_5, %mul3A_11 : vector<400x256xf32>
    %get3A_12 = arith.constant 0 : index
    %get3A_13 = arith.constant 0 : index
    %get3A_14 = vector.load %arg4[%get3A_12, %get3A_13] : memref<1x256xf32, #tpu.memory_space<vmem>>, vector<1x256xf32>
    %add3A_15 = vector.broadcast %get3A_14 : vector<1x256xf32> to vector<400x256xf32>
    %add3A_16 = arith.addf %add3A, %add3A_15 : vector<400x256xf32>
    %swap3A = arith.constant 0 : index
    %swap3A_17 = arith.constant 0 : index
    %swap3A_18 = vector.load %arg5[%swap3A, %swap3A_17] : memref<400x256xf32, #tpu.memory_space<vmem>>, vector<400x256xf32>
    tpu.vector_store %arg5[%swap3A, %swap3A_17], %add3A_16 {strides = array<i32>} : memref<400x256xf32, #tpu.memory_space<vmem>>, vector<400x256xf32>,
    %eq3A = arith.constant 0 : i32
    %eq3A_19 = arith.cmpi eq, %arg0, %eq3A : i32
    %convert_element_type3A = arith.extui %eq3A_19 : i1 to i32
    %cond3A = arith.constant 0 : i32
    %cond3A_20 = arith.cmpi ne, %convert_element_type3A, %cond3A : i32
    scf.if %cond3A_20 {
      %broadcast_in_dim3A_40 = arith.constant 0.000000e+00 : f32
      %broadcast_in_dim3A_41 = vector.broadcast %broadcast_in_dim3A_40 : f32 to vector<8x256xf32>
      %swap3A_42 = arith.constant 0 : index
      %swap3A_43 = arith.constant 0 : index
      %swap3A_44 = vector.load %arg6[%swap3A_42, %swap3A_43] : memref<8x256xf32, #tpu.memory_space<vmem>>, vector<8x256xf32>
      tpu.vector_store %arg6[%swap3A_42, %swap3A_43], %broadcast_in_dim3A_41 {strides = array<i32>} : memref<8x256xf32, #tpu.memory_space<vmem>>, vector<8x256xf32>,
    } else {
    }
    %get3A_21 = arith.constant 0 : index
    %get3A_22 = arith.constant 0 : index
    %get3A_23 = vector.load %arg6[%get3A_21, %get3A_22] : memref<8x256xf32, #tpu.memory_space<vmem>>, vector<1x256xf32>
    %reduce_sum3A = arith.constant dense<0.000000e+00> : vector<256xf32>
    %reduce_sum3A_24 = vector.multi_reduction <add>, %add3A_16, %reduce_sum3A [0] : vector<400x256xf32> to vector<256xf32>
    %broadcast_in_dim3A = vector.shape_cast %reduce_sum3A_24 : vector<256xf32> to vector<1x256xf32>
    %add3A_25 = arith.addf %get3A_23, %broadcast_in_dim3A : vector<1x256xf32>
    %swap3A_26 = arith.constant 0 : index
    %swap3A_27 = arith.constant 0 : index
    %swap3A_28 = vector.load %arg6[%swap3A_26, %swap3A_27] : memref<8x256xf32, #tpu.memory_space<vmem>>, vector<1x256xf32>
    tpu.vector_store %arg6[%swap3A_26, %swap3A_27], %add3A_25 {strides = array<i32>} : memref<8x256xf32, #tpu.memory_space<vmem>>, vector<1x256xf32>,
    %get3A_29 = arith.constant 1 : index
    %get3A_30 = arith.constant 0 : index
    %get3A_31 = vector.load %arg6[%get3A_29, %get3A_30] : memref<8x256xf32, #tpu.memory_space<vmem>>, vector<1x256xf32>
    %mul3A_32 = arith.mulf %add3A_16, %add3A_16 : vector<400x256xf32>
    %reduce_sum3A_33 = arith.constant dense<0.000000e+00> : vector<256xf32>
    %reduce_sum3A_34 = vector.multi_reduction <add>, %mul3A_32, %reduce_sum3A_33 [0] : vector<400x256xf32> to vector<256xf32>
    %broadcast_in_dim3A_35 = vector.shape_cast %reduce_sum3A_34 : vector<256xf32> to vector<1x256xf32>
    %add3A_36 = arith.addf %get3A_31, %broadcast_in_dim3A_35 : vector<1x256xf32>
    %swap3A_37 = arith.constant 1 : index
    %swap3A_38 = arith.constant 0 : index
    %swap3A_39 = vector.load %arg6[%swap3A_37, %swap3A_38] : memref<8x256xf32, #tpu.memory_space<vmem>>, vector<1x256xf32>
    tpu.vector_store %arg6[%swap3A_37, %swap3A_38], %add3A_36 {strides = array<i32>} : memref<8x256xf32, #tpu.memory_space<vmem>>, vector<1x256xf32>,
    return
  }
  func.func @transform_0(%arg0: i32) -> (i32, i32) {
    %c0_i32 = arith.constant 0 : i32
    %c0_i32_0 = arith.constant 0 : i32
    return %arg0, %c0_i32 : i32, i32
  }
  func.func @transform_1(%arg0: i32) -> (i32, i32) {
    %c0_i32 = arith.constant 0 : i32
    %c0_i32_0 = arith.constant 0 : i32
    return %arg0, %c0_i32 : i32, i32
  }
  func.func @transform_2(%arg0: i32) -> (i32, i32) {
    %c0_i32 = arith.constant 0 : i32
    %c0_i32_0 = arith.constant 0 : i32
    return %arg0, %c0_i32 : i32, i32
  }
  func.func @transform_3(%arg0: i32) -> (i32, i32) {
    %c0_i32 = arith.constant 0 : i32
    %c0_i32_0 = arith.constant 0 : i32
    %c0_i32_1 = arith.constant 0 : i32
    return %c0_i32, %c0_i32_0 : i32, i32
  }
  func.func @transform_4(%arg0: i32) -> (i32, i32) {
    %c0_i32 = arith.constant 0 : i32
    %c0_i32_0 = arith.constant 0 : i32
    return %arg0, %c0_i32 : i32, i32
  }
  func.func @transform_5(%arg0: i32) -> (i32, i32) {
    %c0_i32 = arith.constant 0 : i32
    %c0_i32_0 = arith.constant 0 : i32
    %c0_i32_1 = arith.constant 0 : i32
    return %c0_i32, %c0_i32_0 : i32, i32
  }
}

module attributes {stable_mosaic.version = 14 : i64} {
  func.func @_tc_bnapply_mm_body(%arg0: i32, %arg1: memref<400x256xf32, #tpu.memory_space<vmem>>, %arg2: memref<8x256xf32, #tpu.memory_space<vmem>>, %arg3: memref<400x1xf32, #tpu.memory_space<vmem>>, %arg4: memref<1x256xf32, #tpu.memory_space<vmem>>, %arg5: memref<1x256xf32, #tpu.memory_space<vmem>>, %arg6: memref<256x256xf32, #tpu.memory_space<vmem>>, %arg7: memref<400x256xf32, #tpu.memory_space<vmem>>, %arg8: memref<400x256xf32, #tpu.memory_space<vmem>>) attributes {dimension_semantics = [#tpu.dimension_semantics<arbitrary>], iteration_bounds = array<i64: 25>, scalar_prefetch = 0 : i64, scratch_operands = 0 : i64, tpu.core_type = #tpu.core_type<tc>, window_params = [{transform_indices = @transform_0, window_bounds = array<i64: 400, 256>}, {pipeline_mode = #tpu.pipeline_mode<synchronous>, transform_indices = @transform_1, window_bounds = array<i64: 8, 256>}, {transform_indices = @transform_2, window_bounds = array<i64: 400, 1>}, {pipeline_mode = #tpu.pipeline_mode<synchronous>, transform_indices = @transform_3, window_bounds = array<i64: 1, 256>}, {pipeline_mode = #tpu.pipeline_mode<synchronous>, transform_indices = @transform_4, window_bounds = array<i64: 1, 256>}, {pipeline_mode = #tpu.pipeline_mode<synchronous>, transform_indices = @transform_5, window_bounds = array<i64: 256, 256>}, {transform_indices = @transform_6, window_bounds = array<i64: 400, 256>}, {transform_indices = @transform_7, window_bounds = array<i64: 400, 256>}]} {
    %get3A = arith.constant 0 : index
    %get3A_0 = arith.constant 0 : index
    %get3A_1 = vector.load %arg2[%get3A, %get3A_0] : memref<8x256xf32, #tpu.memory_space<vmem>>, vector<8x256xf32>
    %get3A_2 = arith.constant 0 : index
    %get3A_3 = arith.constant 0 : index
    %get3A_4 = vector.load %arg4[%get3A_2, %get3A_3] : memref<1x256xf32, #tpu.memory_space<vmem>>, vector<1x256xf32>
    %get3A_5 = arith.constant 0 : index
    %get3A_6 = arith.constant 0 : index
    %get3A_7 = vector.load %arg5[%get3A_5, %get3A_6] : memref<1x256xf32, #tpu.memory_space<vmem>>, vector<1x256xf32>
    %slice3A = vector.extract_strided_slice %get3A_1 {offsets = [0, 0], sizes = [1, 256], strides = [1, 1]} : vector<8x256xf32> to vector<1x256xf32>
    %div3A = arith.constant 1.000000e+04 : f32
    %div3A_8 = vector.broadcast %div3A : f32 to vector<1x256xf32>
    %div3A_9 = arith.divf %slice3A, %div3A_8 : vector<1x256xf32>
    %slice3A_10 = vector.extract_strided_slice %get3A_1 {offsets = [1, 0], sizes = [1, 256], strides = [1, 1]} : vector<8x256xf32> to vector<1x256xf32>
    %div3A_11 = arith.constant 1.000000e+04 : f32
    %div3A_12 = vector.broadcast %div3A_11 : f32 to vector<1x256xf32>
    %div3A_13 = arith.divf %slice3A_10, %div3A_12 : vector<1x256xf32>
    %mul3A = arith.mulf %div3A_9, %div3A_9 : vector<1x256xf32>
    %sub3A = arith.subf %div3A_13, %mul3A : vector<1x256xf32>
    %add3A = arith.constant 9.99999974E-6 : f32
    %add3A_14 = vector.broadcast %add3A : f32 to vector<1x256xf32>
    %add3A_15 = arith.addf %sub3A, %add3A_14 : vector<1x256xf32>
    %rsqrt3A = math.rsqrt %add3A_15 : vector<1x256xf32>
    %mul3A_16 = arith.mulf %get3A_4, %rsqrt3A : vector<1x256xf32>
    %mul3A_17 = arith.mulf %mul3A_16, %div3A_9 : vector<1x256xf32>
    %sub3A_18 = arith.subf %get3A_7, %mul3A_17 : vector<1x256xf32>
    %get3A_19 = arith.constant 0 : index
    %get3A_20 = arith.constant 0 : index
    %get3A_21 = vector.load %arg1[%get3A_19, %get3A_20] : memref<400x256xf32, #tpu.memory_space<vmem>>, vector<400x256xf32>
    %mul3A_22 = vector.broadcast %mul3A_16 : vector<1x256xf32> to vector<400x256xf32>
    %mul3A_23 = arith.mulf %mul3A_22, %get3A_21 : vector<400x256xf32>
    %add3A_24 = vector.broadcast %sub3A_18 : vector<1x256xf32> to vector<400x256xf32>
    %add3A_25 = arith.addf %mul3A_23, %add3A_24 : vector<400x256xf32>
    %gt3A = arith.constant 0.000000e+00 : f32
    %gt3A_26 = vector.broadcast %gt3A : f32 to vector<400x256xf32>
    %gt3A_27 = arith.cmpf ogt, %add3A_25, %gt3A_26 : vector<400x256xf32>
    %exp3A = math.exp %add3A_25 : vector<400x256xf32>
    %sub3A_28 = arith.constant 1.000000e+00 : f32
    %sub3A_29 = vector.broadcast %sub3A_28 : f32 to vector<400x256xf32>
    %sub3A_30 = arith.subf %exp3A, %sub3A_29 : vector<400x256xf32>
    %select_n3A = arith.select %gt3A_27, %add3A_25, %sub3A_30 : vector<400x256xi1>, vector<400x256xf32>
    %get3A_31 = arith.constant 0 : index
    %get3A_32 = arith.constant 0 : index
    %get3A_33 = vector.load %arg6[%get3A_31, %get3A_32] : memref<256x256xf32, #tpu.memory_space<vmem>>, vector<256x256xf32>
    %dot_general3A = arith.constant dense<0.000000e+00> : vector<400x256xf32>
    %dot_general3A_34 = tpu.matmul %select_n3A, %get3A_33, %dot_general3A {dimension_numbers = #tpu.dot_dimension_numbers<[1], [0], [0], [1], [0, 0, 1, 1], [], []>, transpose_lhs_hint = false} : vector<400x256xf32>, vector<256x256xf32>, vector<400x256xf32> -> vector<400x256xf32>
    %swap3A = arith.constant 0 : index
    %swap3A_35 = arith.constant 0 : index
    %swap3A_36 = vector.load %arg7[%swap3A, %swap3A_35] : memref<400x256xf32, #tpu.memory_space<vmem>>, vector<400x256xf32>
    tpu.vector_store %arg7[%swap3A, %swap3A_35], %dot_general3A_34 {strides = array<i32>} : memref<400x256xf32, #tpu.memory_space<vmem>>, vector<400x256xf32>,
    %get3A_37 = arith.constant 0 : index
    %get3A_38 = arith.constant 0 : index
    %get3A_39 = vector.load %arg3[%get3A_37, %get3A_38] : memref<400x1xf32, #tpu.memory_space<vmem>>, vector<400x1xf32>
    %mul3A_40 = vector.broadcast %get3A_39 : vector<400x1xf32> to vector<400x256xf32>
    %mul3A_41 = arith.mulf %mul3A_40, %dot_general3A_34 : vector<400x256xf32>
    %swap3A_42 = arith.constant 0 : index
    %swap3A_43 = arith.constant 0 : index
    %swap3A_44 = vector.load %arg8[%swap3A_42, %swap3A_43] : memref<400x256xf32, #tpu.memory_space<vmem>>, vector<400x256xf32>
    tpu.vector_store %arg8[%swap3A_42, %swap3A_43], %mul3A_41 {strides = array<i32>} : memref<400x256xf32, #tpu.memory_space<vmem>>, vector<400x256xf32>,
    return
  }
  func.func @transform_0(%arg0: i32) -> (i32, i32) {
    %c0_i32 = arith.constant 0 : i32
    %c0_i32_0 = arith.constant 0 : i32
    return %arg0, %c0_i32 : i32, i32
  }
  func.func @transform_1(%arg0: i32) -> (i32, i32) {
    %c0_i32 = arith.constant 0 : i32
    %c0_i32_0 = arith.constant 0 : i32
    %c0_i32_1 = arith.constant 0 : i32
    return %c0_i32, %c0_i32_0 : i32, i32
  }
  func.func @transform_2(%arg0: i32) -> (i32, i32) {
    %c0_i32 = arith.constant 0 : i32
    %c0_i32_0 = arith.constant 0 : i32
    return %arg0, %c0_i32 : i32, i32
  }
  func.func @transform_3(%arg0: i32) -> (i32, i32) {
    %c0_i32 = arith.constant 0 : i32
    %c0_i32_0 = arith.constant 0 : i32
    %c0_i32_1 = arith.constant 0 : i32
    return %c0_i32, %c0_i32_0 : i32, i32
  }
  func.func @transform_4(%arg0: i32) -> (i32, i32) {
    %c0_i32 = arith.constant 0 : i32
    %c0_i32_0 = arith.constant 0 : i32
    %c0_i32_1 = arith.constant 0 : i32
    return %c0_i32, %c0_i32_0 : i32, i32
  }
  func.func @transform_5(%arg0: i32) -> (i32, i32) {
    %c0_i32 = arith.constant 0 : i32
    %c0_i32_0 = arith.constant 0 : i32
    %c0_i32_1 = arith.constant 0 : i32
    return %c0_i32, %c0_i32_0 : i32, i32
  }
  func.func @transform_6(%arg0: i32) -> (i32, i32) {
    %c0_i32 = arith.constant 0 : i32
    %c0_i32_0 = arith.constant 0 : i32
    return %arg0, %c0_i32 : i32, i32
  }
  func.func @transform_7(%arg0: i32) -> (i32, i32) {
    %c0_i32 = arith.constant 0 : i32
    %c0_i32_0 = arith.constant 0 : i32
    return %arg0, %c0_i32 : i32, i32
  }
}

module attributes {stable_mosaic.version = 14 : i64} {
  func.func @_tc_bnapply_mm_body(%arg0: i32, %arg1: memref<400x256xf32, #tpu.memory_space<vmem>>, %arg2: memref<8x256xf32, #tpu.memory_space<vmem>>, %arg3: memref<400x1xf32, #tpu.memory_space<vmem>>, %arg4: memref<1x256xf32, #tpu.memory_space<vmem>>, %arg5: memref<1x256xf32, #tpu.memory_space<vmem>>, %arg6: memref<256x128xf32, #tpu.memory_space<vmem>>, %arg7: memref<400x128xf32, #tpu.memory_space<vmem>>, %arg8: memref<400x128xf32, #tpu.memory_space<vmem>>) attributes {dimension_semantics = [#tpu.dimension_semantics<arbitrary>], iteration_bounds = array<i64: 25>, scalar_prefetch = 0 : i64, scratch_operands = 0 : i64, tpu.core_type = #tpu.core_type<tc>, window_params = [{transform_indices = @transform_0, window_bounds = array<i64: 400, 256>}, {pipeline_mode = #tpu.pipeline_mode<synchronous>, transform_indices = @transform_1, window_bounds = array<i64: 8, 256>}, {transform_indices = @transform_2, window_bounds = array<i64: 400, 1>}, {pipeline_mode = #tpu.pipeline_mode<synchronous>, transform_indices = @transform_3, window_bounds = array<i64: 1, 256>}, {pipeline_mode = #tpu.pipeline_mode<synchronous>, transform_indices = @transform_4, window_bounds = array<i64: 1, 256>}, {pipeline_mode = #tpu.pipeline_mode<synchronous>, transform_indices = @transform_5, window_bounds = array<i64: 256, 128>}, {transform_indices = @transform_6, window_bounds = array<i64: 400, 128>}, {transform_indices = @transform_7, window_bounds = array<i64: 400, 128>}]} {
    %get3A = arith.constant 0 : index
    %get3A_0 = arith.constant 0 : index
    %get3A_1 = vector.load %arg2[%get3A, %get3A_0] : memref<8x256xf32, #tpu.memory_space<vmem>>, vector<8x256xf32>
    %get3A_2 = arith.constant 0 : index
    %get3A_3 = arith.constant 0 : index
    %get3A_4 = vector.load %arg4[%get3A_2, %get3A_3] : memref<1x256xf32, #tpu.memory_space<vmem>>, vector<1x256xf32>
    %get3A_5 = arith.constant 0 : index
    %get3A_6 = arith.constant 0 : index
    %get3A_7 = vector.load %arg5[%get3A_5, %get3A_6] : memref<1x256xf32, #tpu.memory_space<vmem>>, vector<1x256xf32>
    %slice3A = vector.extract_strided_slice %get3A_1 {offsets = [0, 0], sizes = [1, 256], strides = [1, 1]} : vector<8x256xf32> to vector<1x256xf32>
    %div3A = arith.constant 1.000000e+04 : f32
    %div3A_8 = vector.broadcast %div3A : f32 to vector<1x256xf32>
    %div3A_9 = arith.divf %slice3A, %div3A_8 : vector<1x256xf32>
    %slice3A_10 = vector.extract_strided_slice %get3A_1 {offsets = [1, 0], sizes = [1, 256], strides = [1, 1]} : vector<8x256xf32> to vector<1x256xf32>
    %div3A_11 = arith.constant 1.000000e+04 : f32
    %div3A_12 = vector.broadcast %div3A_11 : f32 to vector<1x256xf32>
    %div3A_13 = arith.divf %slice3A_10, %div3A_12 : vector<1x256xf32>
    %mul3A = arith.mulf %div3A_9, %div3A_9 : vector<1x256xf32>
    %sub3A = arith.subf %div3A_13, %mul3A : vector<1x256xf32>
    %add3A = arith.constant 9.99999974E-6 : f32
    %add3A_14 = vector.broadcast %add3A : f32 to vector<1x256xf32>
    %add3A_15 = arith.addf %sub3A, %add3A_14 : vector<1x256xf32>
    %rsqrt3A = math.rsqrt %add3A_15 : vector<1x256xf32>
    %mul3A_16 = arith.mulf %get3A_4, %rsqrt3A : vector<1x256xf32>
    %mul3A_17 = arith.mulf %mul3A_16, %div3A_9 : vector<1x256xf32>
    %sub3A_18 = arith.subf %get3A_7, %mul3A_17 : vector<1x256xf32>
    %get3A_19 = arith.constant 0 : index
    %get3A_20 = arith.constant 0 : index
    %get3A_21 = vector.load %arg1[%get3A_19, %get3A_20] : memref<400x256xf32, #tpu.memory_space<vmem>>, vector<400x256xf32>
    %mul3A_22 = vector.broadcast %mul3A_16 : vector<1x256xf32> to vector<400x256xf32>
    %mul3A_23 = arith.mulf %mul3A_22, %get3A_21 : vector<400x256xf32>
    %add3A_24 = vector.broadcast %sub3A_18 : vector<1x256xf32> to vector<400x256xf32>
    %add3A_25 = arith.addf %mul3A_23, %add3A_24 : vector<400x256xf32>
    %gt3A = arith.constant 0.000000e+00 : f32
    %gt3A_26 = vector.broadcast %gt3A : f32 to vector<400x256xf32>
    %gt3A_27 = arith.cmpf ogt, %add3A_25, %gt3A_26 : vector<400x256xf32>
    %exp3A = math.exp %add3A_25 : vector<400x256xf32>
    %sub3A_28 = arith.constant 1.000000e+00 : f32
    %sub3A_29 = vector.broadcast %sub3A_28 : f32 to vector<400x256xf32>
    %sub3A_30 = arith.subf %exp3A, %sub3A_29 : vector<400x256xf32>
    %select_n3A = arith.select %gt3A_27, %add3A_25, %sub3A_30 : vector<400x256xi1>, vector<400x256xf32>
    %get3A_31 = arith.constant 0 : index
    %get3A_32 = arith.constant 0 : index
    %get3A_33 = vector.load %arg6[%get3A_31, %get3A_32] : memref<256x128xf32, #tpu.memory_space<vmem>>, vector<256x128xf32>
    %dot_general3A = arith.constant dense<0.000000e+00> : vector<400x128xf32>
    %dot_general3A_34 = tpu.matmul %select_n3A, %get3A_33, %dot_general3A {dimension_numbers = #tpu.dot_dimension_numbers<[1], [0], [0], [1], [0, 0, 1, 1], [], []>, transpose_lhs_hint = false} : vector<400x256xf32>, vector<256x128xf32>, vector<400x128xf32> -> vector<400x128xf32>
    %swap3A = arith.constant 0 : index
    %swap3A_35 = arith.constant 0 : index
    %swap3A_36 = vector.load %arg7[%swap3A, %swap3A_35] : memref<400x128xf32, #tpu.memory_space<vmem>>, vector<400x128xf32>
    tpu.vector_store %arg7[%swap3A, %swap3A_35], %dot_general3A_34 {strides = array<i32>} : memref<400x128xf32, #tpu.memory_space<vmem>>, vector<400x128xf32>,
    %get3A_37 = arith.constant 0 : index
    %get3A_38 = arith.constant 0 : index
    %get3A_39 = vector.load %arg3[%get3A_37, %get3A_38] : memref<400x1xf32, #tpu.memory_space<vmem>>, vector<400x1xf32>
    %mul3A_40 = vector.broadcast %get3A_39 : vector<400x1xf32> to vector<400x128xf32>
    %mul3A_41 = arith.mulf %mul3A_40, %dot_general3A_34 : vector<400x128xf32>
    %swap3A_42 = arith.constant 0 : index
    %swap3A_43 = arith.constant 0 : index
    %swap3A_44 = vector.load %arg8[%swap3A_42, %swap3A_43] : memref<400x128xf32, #tpu.memory_space<vmem>>, vector<400x128xf32>
    tpu.vector_store %arg8[%swap3A_42, %swap3A_43], %mul3A_41 {strides = array<i32>} : memref<400x128xf32, #tpu.memory_space<vmem>>, vector<400x128xf32>,
    return
  }
  func.func @transform_0(%arg0: i32) -> (i32, i32) {
    %c0_i32 = arith.constant 0 : i32
    %c0_i32_0 = arith.constant 0 : i32
    return %arg0, %c0_i32 : i32, i32
  }
  func.func @transform_1(%arg0: i32) -> (i32, i32) {
    %c0_i32 = arith.constant 0 : i32
    %c0_i32_0 = arith.constant 0 : i32
    %c0_i32_1 = arith.constant 0 : i32
    return %c0_i32, %c0_i32_0 : i32, i32
  }
  func.func @transform_2(%arg0: i32) -> (i32, i32) {
    %c0_i32 = arith.constant 0 : i32
    %c0_i32_0 = arith.constant 0 : i32
    return %arg0, %c0_i32 : i32, i32
  }
  func.func @transform_3(%arg0: i32) -> (i32, i32) {
    %c0_i32 = arith.constant 0 : i32
    %c0_i32_0 = arith.constant 0 : i32
    %c0_i32_1 = arith.constant 0 : i32
    return %c0_i32, %c0_i32_0 : i32, i32
  }
  func.func @transform_4(%arg0: i32) -> (i32, i32) {
    %c0_i32 = arith.constant 0 : i32
    %c0_i32_0 = arith.constant 0 : i32
    %c0_i32_1 = arith.constant 0 : i32
    return %c0_i32, %c0_i32_0 : i32, i32
  }
  func.func @transform_5(%arg0: i32) -> (i32, i32) {
    %c0_i32 = arith.constant 0 : i32
    %c0_i32_0 = arith.constant 0 : i32
    %c0_i32_1 = arith.constant 0 : i32
    return %c0_i32, %c0_i32_0 : i32, i32
  }
  func.func @transform_6(%arg0: i32) -> (i32, i32) {
    %c0_i32 = arith.constant 0 : i32
    %c0_i32_0 = arith.constant 0 : i32
    return %arg0, %c0_i32 : i32, i32
  }
  func.func @transform_7(%arg0: i32) -> (i32, i32) {
    %c0_i32 = arith.constant 0 : i32
    %c0_i32_0 = arith.constant 0 : i32
    return %arg0, %c0_i32 : i32, i32
  }
}

module attributes {stable_mosaic.version = 14 : i64} {
  func.func @_tc_pre_split_body(%arg0: i32, %arg1: memref<400x128xf32, #tpu.memory_space<vmem>>, %arg2: memref<400x128xf32, #tpu.memory_space<vmem>>, %arg3: memref<400x128xf32, #tpu.memory_space<vmem>>, %arg4: memref<400x1xf32, #tpu.memory_space<vmem>>, %arg5: memref<1x128xf32, #tpu.memory_space<vmem>>, %arg6: memref<400x128xf32, #tpu.memory_space<vmem>>, %arg7: memref<8x128xf32, #tpu.memory_space<vmem>>) attributes {dimension_semantics = [#tpu.dimension_semantics<arbitrary>], iteration_bounds = array<i64: 25>, scalar_prefetch = 0 : i64, scratch_operands = 0 : i64, tpu.core_type = #tpu.core_type<tc>, window_params = [{transform_indices = @transform_0, window_bounds = array<i64: 400, 128>}, {transform_indices = @transform_1, window_bounds = array<i64: 400, 128>}, {transform_indices = @transform_2, window_bounds = array<i64: 400, 128>}, {transform_indices = @transform_3, window_bounds = array<i64: 400, 1>}, {pipeline_mode = #tpu.pipeline_mode<synchronous>, transform_indices = @transform_4, window_bounds = array<i64: 1, 128>}, {transform_indices = @transform_5, window_bounds = array<i64: 400, 128>}, {pipeline_mode = #tpu.pipeline_mode<synchronous>, transform_indices = @transform_6, window_bounds = array<i64: 8, 128>}]} {
    %get3A = arith.constant 0 : index
    %get3A_0 = arith.constant 0 : index
    %get3A_1 = vector.load %arg4[%get3A, %get3A_0] : memref<400x1xf32, #tpu.memory_space<vmem>>, vector<400x1xf32>
    %get3A_2 = arith.constant 0 : index
    %get3A_3 = arith.constant 0 : index
    %get3A_4 = vector.load %arg1[%get3A_2, %get3A_3] : memref<400x128xf32, #tpu.memory_space<vmem>>, vector<400x128xf32>
    %get3A_5 = arith.constant 0 : index
    %get3A_6 = arith.constant 0 : index
    %get3A_7 = vector.load %arg2[%get3A_5, %get3A_6] : memref<400x128xf32, #tpu.memory_space<vmem>>, vector<400x128xf32>
    %add3A = arith.addf %get3A_4, %get3A_7 : vector<400x128xf32>
    %mul3A = vector.broadcast %get3A_1 : vector<400x1xf32> to vector<400x128xf32>
    %mul3A_8 = arith.mulf %mul3A, %add3A : vector<400x128xf32>
    %mul3A_9 = arith.mulf %get3A_1, %get3A_1 : vector<400x1xf32>
    %get3A_10 = arith.constant 0 : index
    %get3A_11 = arith.constant 0 : index
    %get3A_12 = vector.load %arg3[%get3A_10, %get3A_11] : memref<400x128xf32, #tpu.memory_space<vmem>>, vector<400x128xf32>
    %mul3A_13 = vector.broadcast %mul3A_9 : vector<400x1xf32> to vector<400x128xf32>
    %mul3A_14 = arith.mulf %mul3A_13, %get3A_12 : vector<400x128xf32>
    %add3A_15 = arith.addf %mul3A_8, %mul3A_14 : vector<400x128xf32>
    %get3A_16 = arith.constant 0 : index
    %get3A_17 = arith.constant 0 : index
    %get3A_18 = vector.load %arg5[%get3A_16, %get3A_17] : memref<1x128xf32, #tpu.memory_space<vmem>>, vector<1x128xf32>
    %add3A_19 = vector.broadcast %get3A_18 : vector<1x128xf32> to vector<400x128xf32>
    %add3A_20 = arith.addf %add3A_15, %add3A_19 : vector<400x128xf32>
    %swap3A = arith.constant 0 : index
    %swap3A_21 = arith.constant 0 : index
    %swap3A_22 = vector.load %arg6[%swap3A, %swap3A_21] : memref<400x128xf32, #tpu.memory_space<vmem>>, vector<400x128xf32>
    tpu.vector_store %arg6[%swap3A, %swap3A_21], %add3A_20 {strides = array<i32>} : memref<400x128xf32, #tpu.memory_space<vmem>>, vector<400x128xf32>,
    %eq3A = arith.constant 0 : i32
    %eq3A_23 = arith.cmpi eq, %arg0, %eq3A : i32
    %convert_element_type3A = arith.extui %eq3A_23 : i1 to i32
    %cond3A = arith.constant 0 : i32
    %cond3A_24 = arith.cmpi ne, %convert_element_type3A, %cond3A : i32
    scf.if %cond3A_24 {
      %broadcast_in_dim3A_44 = arith.constant 0.000000e+00 : f32
      %broadcast_in_dim3A_45 = vector.broadcast %broadcast_in_dim3A_44 : f32 to vector<8x128xf32>
      %swap3A_46 = arith.constant 0 : index
      %swap3A_47 = arith.constant 0 : index
      %swap3A_48 = vector.load %arg7[%swap3A_46, %swap3A_47] : memref<8x128xf32, #tpu.memory_space<vmem>>, vector<8x128xf32>
      tpu.vector_store %arg7[%swap3A_46, %swap3A_47], %broadcast_in_dim3A_45 {strides = array<i32>} : memref<8x128xf32, #tpu.memory_space<vmem>>, vector<8x128xf32>,
    } else {
    }
    %get3A_25 = arith.constant 0 : index
    %get3A_26 = arith.constant 0 : index
    %get3A_27 = vector.load %arg7[%get3A_25, %get3A_26] : memref<8x128xf32, #tpu.memory_space<vmem>>, vector<1x128xf32>
    %reduce_sum3A = arith.constant dense<0.000000e+00> : vector<128xf32>
    %reduce_sum3A_28 = vector.multi_reduction <add>, %add3A_20, %reduce_sum3A [0] : vector<400x128xf32> to vector<128xf32>
    %broadcast_in_dim3A = vector.shape_cast %reduce_sum3A_28 : vector<128xf32> to vector<1x128xf32>
    %add3A_29 = arith.addf %get3A_27, %broadcast_in_dim3A : vector<1x128xf32>
    %swap3A_30 = arith.constant 0 : index
    %swap3A_31 = arith.constant 0 : index
    %swap3A_32 = vector.load %arg7[%swap3A_30, %swap3A_31] : memref<8x128xf32, #tpu.memory_space<vmem>>, vector<1x128xf32>
    tpu.vector_store %arg7[%swap3A_30, %swap3A_31], %add3A_29 {strides = array<i32>} : memref<8x128xf32, #tpu.memory_space<vmem>>, vector<1x128xf32>,
    %get3A_33 = arith.constant 1 : index
    %get3A_34 = arith.constant 0 : index
    %get3A_35 = vector.load %arg7[%get3A_33, %get3A_34] : memref<8x128xf32, #tpu.memory_space<vmem>>, vector<1x128xf32>
    %mul3A_36 = arith.mulf %add3A_20, %add3A_20 : vector<400x128xf32>
    %reduce_sum3A_37 = arith.constant dense<0.000000e+00> : vector<128xf32>
    %reduce_sum3A_38 = vector.multi_reduction <add>, %mul3A_36, %reduce_sum3A_37 [0] : vector<400x128xf32> to vector<128xf32>
    %broadcast_in_dim3A_39 = vector.shape_cast %reduce_sum3A_38 : vector<128xf32> to vector<1x128xf32>
    %add3A_40 = arith.addf %get3A_35, %broadcast_in_dim3A_39 : vector<1x128xf32>
    %swap3A_41 = arith.constant 1 : index
    %swap3A_42 = arith.constant 0 : index
    %swap3A_43 = vector.load %arg7[%swap3A_41, %swap3A_42] : memref<8x128xf32, #tpu.memory_space<vmem>>, vector<1x128xf32>
    tpu.vector_store %arg7[%swap3A_41, %swap3A_42], %add3A_40 {strides = array<i32>} : memref<8x128xf32, #tpu.memory_space<vmem>>, vector<1x128xf32>,
    return
  }
  func.func @transform_0(%arg0: i32) -> (i32, i32) {
    %c0_i32 = arith.constant 0 : i32
    %c0_i32_0 = arith.constant 0 : i32
    return %arg0, %c0_i32 : i32, i32
  }
  func.func @transform_1(%arg0: i32) -> (i32, i32) {
    %c0_i32 = arith.constant 0 : i32
    %c0_i32_0 = arith.constant 0 : i32
    return %arg0, %c0_i32 : i32, i32
  }
  func.func @transform_2(%arg0: i32) -> (i32, i32) {
    %c0_i32 = arith.constant 0 : i32
    %c0_i32_0 = arith.constant 0 : i32
    return %arg0, %c0_i32 : i32, i32
  }
  func.func @transform_3(%arg0: i32) -> (i32, i32) {
    %c0_i32 = arith.constant 0 : i32
    %c0_i32_0 = arith.constant 0 : i32
    return %arg0, %c0_i32 : i32, i32
  }
  func.func @transform_4(%arg0: i32) -> (i32, i32) {
    %c0_i32 = arith.constant 0 : i32
    %c0_i32_0 = arith.constant 0 : i32
    %c0_i32_1 = arith.constant 0 : i32
    return %c0_i32, %c0_i32_0 : i32, i32
  }
  func.func @transform_5(%arg0: i32) -> (i32, i32) {
    %c0_i32 = arith.constant 0 : i32
    %c0_i32_0 = arith.constant 0 : i32
    return %arg0, %c0_i32 : i32, i32
  }
  func.func @transform_6(%arg0: i32) -> (i32, i32) {
    %c0_i32 = arith.constant 0 : i32
    %c0_i32_0 = arith.constant 0 : i32
    %c0_i32_1 = arith.constant 0 : i32
    return %c0_i32, %c0_i32_0 : i32, i32
  }
}

module attributes {stable_mosaic.version = 14 : i64} {
  func.func @_tc_final_body(%arg0: memref<64x128xf32, #tpu.memory_space<vmem>>, %arg1: memref<64x1xf32, #tpu.memory_space<vmem>>, %arg2: memref<64x128xf32, #tpu.memory_space<vmem>>, %arg3: memref<256x128xf32, #tpu.memory_space<vmem>>, %arg4: memref<1x128xf32, #tpu.memory_space<vmem>>, %arg5: memref<1x128xf32, #tpu.memory_space<vmem>>, %arg6: memref<1x128xf32, #tpu.memory_space<vmem>>, %arg7: memref<64x128xf32, #tpu.memory_space<vmem>>) attributes {dimension_semantics = [], scalar_prefetch = 0 : i64, scratch_operands = 0 : i64, tpu.core_type = #tpu.core_type<tc>} {
    %get3A = arith.constant 0 : index
    %get3A_0 = arith.constant 0 : index
    %get3A_1 = vector.load %arg1[%get3A, %get3A_0] : memref<64x1xf32, #tpu.memory_space<vmem>>, vector<64x1xf32>
    %get3A_2 = arith.constant 0 : index
    %get3A_3 = arith.constant 0 : index
    %get3A_4 = vector.load %arg0[%get3A_2, %get3A_3] : memref<64x128xf32, #tpu.memory_space<vmem>>, vector<64x128xf32>
    %max3A = arith.constant 1.000000e+00 : f32
    %max3A_5 = vector.broadcast %max3A : f32 to vector<64x1xf32>
    %max3A_6 = arith.maximumf %get3A_1, %max3A_5 : vector<64x1xf32>
    %div3A = vector.broadcast %max3A_6 : vector<64x1xf32> to vector<64x128xf32>
    %div3A_7 = arith.divf %get3A_4, %div3A : vector<64x128xf32>
    %get3A_8 = arith.constant 0 : index
    %get3A_9 = arith.constant 0 : index
    %get3A_10 = vector.load %arg2[%get3A_8, %get3A_9] : memref<64x128xf32, #tpu.memory_space<vmem>>, vector<64x128xf32>
    %eq3A = arith.constant -2.000000e+00 : f32
    %eq3A_11 = vector.broadcast %eq3A : f32 to vector<64x128xf32>
    %eq3A_12 = arith.cmpf oeq, %get3A_10, %eq3A_11 : vector<64x128xf32>
    %jit3A = arith.constant 0.000000e+00 : f32
    %broadcast_in_dim3A = vector.broadcast %jit3A : f32 to vector<64x128xf32>
    %select_n3A = arith.select %eq3A_12, %broadcast_in_dim3A, %get3A_10 : vector<64x128xi1>, vector<64x128xf32>
    %concatenate3A = tpu.concatenate %div3A_7, %select_n3A in 1 : vector<64x128xf32>, vector<64x128xf32> -> vector<64x256xf32>
    %get3A_13 = arith.constant 0 : index
    %get3A_14 = arith.constant 0 : index
    %get3A_15 = vector.load %arg3[%get3A_13, %get3A_14] : memref<256x128xf32, #tpu.memory_space<vmem>>, vector<256x128xf32>
    %dot_general3A = arith.constant dense<0.000000e+00> : vector<64x128xf32>
    %dot_general3A_16 = tpu.matmul %concatenate3A, %get3A_15, %dot_general3A {dimension_numbers = #tpu.dot_dimension_numbers<[1], [0], [0], [1], [0, 0, 1, 1], [], []>, transpose_lhs_hint = false} : vector<64x256xf32>, vector<256x128xf32>, vector<64x128xf32> -> vector<64x128xf32>
    %get3A_17 = arith.constant 0 : index
    %get3A_18 = arith.constant 0 : index
    %get3A_19 = vector.load %arg4[%get3A_17, %get3A_18] : memref<1x128xf32, #tpu.memory_space<vmem>>, vector<1x128xf32>
    %add3A = vector.broadcast %get3A_19 : vector<1x128xf32> to vector<64x128xf32>
    %add3A_20 = arith.addf %dot_general3A_16, %add3A : vector<64x128xf32>
    %reduce_sum3A = arith.constant dense<0.000000e+00> : vector<128xf32>
    %reduce_sum3A_21 = vector.multi_reduction <add>, %add3A_20, %reduce_sum3A [0] : vector<64x128xf32> to vector<128xf32>
    %div3A_22 = arith.constant 6.400000e+01 : f32
    %div3A_23 = vector.broadcast %div3A_22 : f32 to vector<128xf32>
    %div3A_24 = arith.divf %reduce_sum3A_21, %div3A_23 : vector<128xf32>
    %broadcast_in_dim3A_25 = vector.shape_cast %div3A_24 : vector<128xf32> to vector<1x128xf32>
    %sub3A = vector.broadcast %broadcast_in_dim3A_25 : vector<1x128xf32> to vector<64x128xf32>
    %sub3A_26 = arith.subf %add3A_20, %sub3A : vector<64x128xf32>
    %integer_pow3A = arith.mulf %sub3A_26, %sub3A_26 : vector<64x128xf32>
    %reduce_sum3A_27 = arith.constant dense<0.000000e+00> : vector<128xf32>
    %reduce_sum3A_28 = vector.multi_reduction <add>, %integer_pow3A, %reduce_sum3A_27 [0] : vector<64x128xf32> to vector<128xf32>
    %div3A_29 = arith.constant 6.400000e+01 : f32
    %div3A_30 = vector.broadcast %div3A_29 : f32 to vector<128xf32>
    %div3A_31 = arith.divf %reduce_sum3A_28, %div3A_30 : vector<128xf32>
    %get3A_32 = arith.constant 0 : index
    %get3A_33 = arith.constant 0 : index
    %get3A_34 = vector.load %arg5[%get3A_32, %get3A_33] : memref<1x128xf32, #tpu.memory_space<vmem>>, vector<1x128xf32>
    %broadcast_in_dim3A_35 = vector.shape_cast %div3A_24 : vector<128xf32> to vector<1x128xf32>
    %sub3A_36 = vector.broadcast %broadcast_in_dim3A_35 : vector<1x128xf32> to vector<64x128xf32>
    %sub3A_37 = arith.subf %add3A_20, %sub3A_36 : vector<64x128xf32>
    %mul3A = vector.broadcast %get3A_34 : vector<1x128xf32> to vector<64x128xf32>
    %mul3A_38 = arith.mulf %mul3A, %sub3A_37 : vector<64x128xf32>
    %add3A_39 = arith.constant 9.99999974E-6 : f32
    %add3A_40 = vector.broadcast %add3A_39 : f32 to vector<128xf32>
    %add3A_41 = arith.addf %div3A_31, %add3A_40 : vector<128xf32>
    %rsqrt3A = math.rsqrt %add3A_41 : vector<128xf32>
    %broadcast_in_dim3A_42 = vector.shape_cast %rsqrt3A : vector<128xf32> to vector<1x128xf32>
    %mul3A_43 = vector.broadcast %broadcast_in_dim3A_42 : vector<1x128xf32> to vector<64x128xf32>
    %mul3A_44 = arith.mulf %mul3A_38, %mul3A_43 : vector<64x128xf32>
    %get3A_45 = arith.constant 0 : index
    %get3A_46 = arith.constant 0 : index
    %get3A_47 = vector.load %arg6[%get3A_45, %get3A_46] : memref<1x128xf32, #tpu.memory_space<vmem>>, vector<1x128xf32>
    %add3A_48 = vector.broadcast %get3A_47 : vector<1x128xf32> to vector<64x128xf32>
    %add3A_49 = arith.addf %mul3A_44, %add3A_48 : vector<64x128xf32>
    %max3A_50 = arith.constant 0.000000e+00 : f32
    %max3A_51 = vector.broadcast %max3A_50 : f32 to vector<64x128xf32>
    %max3A_52 = arith.maximumf %add3A_49, %max3A_51 : vector<64x128xf32>
    %swap3A = arith.constant 0 : index
    %swap3A_53 = arith.constant 0 : index
    %swap3A_54 = vector.load %arg7[%swap3A, %swap3A_53] : memref<64x128xf32, #tpu.memory_space<vmem>>, vector<64x128xf32>
    tpu.vector_store %arg7[%swap3A, %swap3A_53], %max3A_52 {strides = array<i32>} : memref<64x128xf32, #tpu.memory_space<vmem>>, vector<64x128xf32>,
    return
  }
}

module attributes {stable_mosaic.version = 14 : i64} {
  func.func @_tc_pool_body(%arg0: i32, %arg1: memref<400x128xf32, #tpu.memory_space<vmem>>, %arg2: memref<8x128xf32, #tpu.memory_space<vmem>>, %arg3: memref<1x128xf32, #tpu.memory_space<vmem>>, %arg4: memref<1x128xf32, #tpu.memory_space<vmem>>, %arg5: memref<400x1xi32, #tpu.memory_space<vmem>>, %arg6: memref<64x128xf32, #tpu.memory_space<vmem>>, %arg7: memref<64x1xf32, #tpu.memory_space<vmem>>, %arg8: memref<64x128xf32, #tpu.memory_space<vmem>>) attributes {dimension_semantics = [#tpu.dimension_semantics<arbitrary>], iteration_bounds = array<i64: 25>, scalar_prefetch = 0 : i64, scratch_operands = 0 : i64, tpu.core_type = #tpu.core_type<tc>, window_params = [{transform_indices = @transform_0, window_bounds = array<i64: 400, 128>}, {pipeline_mode = #tpu.pipeline_mode<synchronous>, transform_indices = @transform_1, window_bounds = array<i64: 8, 128>}, {pipeline_mode = #tpu.pipeline_mode<synchronous>, transform_indices = @transform_2, window_bounds = array<i64: 1, 128>}, {pipeline_mode = #tpu.pipeline_mode<synchronous>, transform_indices = @transform_3, window_bounds = array<i64: 1, 128>}, {transform_indices = @transform_4, window_bounds = array<i64: 400, 1>}, {pipeline_mode = #tpu.pipeline_mode<synchronous>, transform_indices = @transform_5, window_bounds = array<i64: 64, 128>}, {pipeline_mode = #tpu.pipeline_mode<synchronous>, transform_indices = @transform_6, window_bounds = array<i64: 64, 1>}, {pipeline_mode = #tpu.pipeline_mode<synchronous>, transform_indices = @transform_7, window_bounds = array<i64: 64, 128>}]} {
    %get3A = arith.constant 0 : index
    %get3A_0 = arith.constant 0 : index
    %get3A_1 = vector.load %arg2[%get3A, %get3A_0] : memref<8x128xf32, #tpu.memory_space<vmem>>, vector<8x128xf32>
    %get3A_2 = arith.constant 0 : index
    %get3A_3 = arith.constant 0 : index
    %get3A_4 = vector.load %arg3[%get3A_2, %get3A_3] : memref<1x128xf32, #tpu.memory_space<vmem>>, vector<1x128xf32>
    %get3A_5 = arith.constant 0 : index
    %get3A_6 = arith.constant 0 : index
    %get3A_7 = vector.load %arg4[%get3A_5, %get3A_6] : memref<1x128xf32, #tpu.memory_space<vmem>>, vector<1x128xf32>
    %slice3A = vector.extract_strided_slice %get3A_1 {offsets = [0, 0], sizes = [1, 128], strides = [1, 1]} : vector<8x128xf32> to vector<1x128xf32>
    %div3A = arith.constant 1.000000e+04 : f32
    %div3A_8 = vector.broadcast %div3A : f32 to vector<1x128xf32>
    %div3A_9 = arith.divf %slice3A, %div3A_8 : vector<1x128xf32>
    %slice3A_10 = vector.extract_strided_slice %get3A_1 {offsets = [1, 0], sizes = [1, 128], strides = [1, 1]} : vector<8x128xf32> to vector<1x128xf32>
    %div3A_11 = arith.constant 1.000000e+04 : f32
    %div3A_12 = vector.broadcast %div3A_11 : f32 to vector<1x128xf32>
    %div3A_13 = arith.divf %slice3A_10, %div3A_12 : vector<1x128xf32>
    %mul3A = arith.mulf %div3A_9, %div3A_9 : vector<1x128xf32>
    %sub3A = arith.subf %div3A_13, %mul3A : vector<1x128xf32>
    %add3A = arith.constant 9.99999974E-6 : f32
    %add3A_14 = vector.broadcast %add3A : f32 to vector<1x128xf32>
    %add3A_15 = arith.addf %sub3A, %add3A_14 : vector<1x128xf32>
    %rsqrt3A = math.rsqrt %add3A_15 : vector<1x128xf32>
    %mul3A_16 = arith.mulf %get3A_4, %rsqrt3A : vector<1x128xf32>
    %mul3A_17 = arith.mulf %mul3A_16, %div3A_9 : vector<1x128xf32>
    %sub3A_18 = arith.subf %get3A_7, %mul3A_17 : vector<1x128xf32>
    %get3A_19 = arith.constant 0 : index
    %get3A_20 = arith.constant 0 : index
    %get3A_21 = vector.load %arg1[%get3A_19, %get3A_20] : memref<400x128xf32, #tpu.memory_space<vmem>>, vector<400x128xf32>
    %mul3A_22 = vector.broadcast %mul3A_16 : vector<1x128xf32> to vector<400x128xf32>
    %mul3A_23 = arith.mulf %mul3A_22, %get3A_21 : vector<400x128xf32>
    %add3A_24 = vector.broadcast %sub3A_18 : vector<1x128xf32> to vector<400x128xf32>
    %add3A_25 = arith.addf %mul3A_23, %add3A_24 : vector<400x128xf32>
    %gt3A = arith.constant 0.000000e+00 : f32
    %gt3A_26 = vector.broadcast %gt3A : f32 to vector<400x128xf32>
    %gt3A_27 = arith.cmpf ogt, %add3A_25, %gt3A_26 : vector<400x128xf32>
    %exp3A = math.exp %add3A_25 : vector<400x128xf32>
    %sub3A_28 = arith.constant 1.000000e+00 : f32
    %sub3A_29 = vector.broadcast %sub3A_28 : f32 to vector<400x128xf32>
    %sub3A_30 = arith.subf %exp3A, %sub3A_29 : vector<400x128xf32>
    %select_n3A = arith.select %gt3A_27, %add3A_25, %sub3A_30 : vector<400x128xi1>, vector<400x128xf32>
    %get3A_31 = arith.constant 0 : index
    %get3A_32 = arith.constant 0 : index
    %get3A_33 = vector.load %arg5[%get3A_31, %get3A_32] : memref<400x1xi32, #tpu.memory_space<vmem>>, vector<400x1xi32>
    %iota3A = tpu.iota {dimensions = array<i32: 1>} : vector<1x64xi32>
    %eq3A = vector.broadcast %get3A_33 : vector<400x1xi32> to vector<400x64xi32>
    %eq3A_34 = vector.broadcast %iota3A : vector<1x64xi32> to vector<400x64xi32>
    %eq3A_35 = arith.cmpi eq, %eq3A, %eq3A_34 : vector<400x64xi32>
    %convert_element_type3A = arith.extui %eq3A_35 : vector<400x64xi1> to vector<400x64xi32>
    %convert_element_type3A_36 = arith.sitofp %convert_element_type3A : vector<400x64xi32> to vector<400x64xf32>
    %eq3A_37 = arith.constant 0 : i32
    %eq3A_38 = arith.cmpi eq, %arg0, %eq3A_37 : i32
    %convert_element_type3A_39 = arith.extui %eq3A_38 : i1 to i32
    %cond3A = arith.constant 0 : i32
    %cond3A_40 = arith.cmpi ne, %convert_element_type3A_39, %cond3A : i32
    scf.if %cond3A_40 {
      %broadcast_in_dim3A_766 = arith.constant 0.000000e+00 : f32
      %broadcast_in_dim3A_767 = vector.broadcast %broadcast_in_dim3A_766 : f32 to vector<64x128xf32>
      %swap3A_768 = arith.constant 0 : index
      %swap3A_769 = arith.constant 0 : index
      %swap3A_770 = vector.load %arg6[%swap3A_768, %swap3A_769] : memref<64x128xf32, #tpu.memory_space<vmem>>, vector<64x128xf32>
      tpu.vector_store %arg6[%swap3A_768, %swap3A_769], %broadcast_in_dim3A_767 {strides = array<i32>} : memref<64x128xf32, #tpu.memory_space<vmem>>, vector<64x128xf32>,
      %broadcast_in_dim3A_771 = arith.constant 0.000000e+00 : f32
      %broadcast_in_dim3A_772 = vector.broadcast %broadcast_in_dim3A_771 : f32 to vector<64x1xf32>
      %swap3A_773 = arith.constant 0 : index
      %swap3A_774 = arith.constant 0 : index
      %swap3A_775 = vector.load %arg7[%swap3A_773, %swap3A_774] : memref<64x1xf32, #tpu.memory_space<vmem>>, vector<64x1xf32>
      tpu.vector_store %arg7[%swap3A_773, %swap3A_774], %broadcast_in_dim3A_772 {strides = array<i32>} : memref<64x1xf32, #tpu.memory_space<vmem>>, vector<64x1xf32>,
      %broadcast_in_dim3A_776 = arith.constant -2.000000e+00 : f32
      %broadcast_in_dim3A_777 = vector.broadcast %broadcast_in_dim3A_776 : f32 to vector<64x128xf32>
      %swap3A_778 = arith.constant 0 : index
      %swap3A_779 = arith.constant 0 : index
      %swap3A_780 = vector.load %arg8[%swap3A_778, %swap3A_779] : memref<64x128xf32, #tpu.memory_space<vmem>>, vector<64x128xf32>
      tpu.vector_store %arg8[%swap3A_778, %swap3A_779], %broadcast_in_dim3A_777 {strides = array<i32>} : memref<64x128xf32, #tpu.memory_space<vmem>>, vector<64x128xf32>,
    } else {
    }
    %get3A_41 = arith.constant 0 : index
    %get3A_42 = arith.constant 0 : index
    %get3A_43 = vector.load %arg6[%get3A_41, %get3A_42] : memref<64x128xf32, #tpu.memory_space<vmem>>, vector<64x128xf32>
    %dot_general3A = arith.constant dense<0.000000e+00> : vector<64x128xf32>
    %dot_general3A_44 = tpu.matmul %convert_element_type3A_36, %select_n3A, %dot_general3A {dimension_numbers = #tpu.dot_dimension_numbers<[0], [0], [1], [1], [0, 1, 1, 1], [], []>, transpose_lhs_hint = false} : vector<400x64xf32>, vector<400x128xf32>, vector<64x128xf32> -> vector<64x128xf32>
    %add3A_45 = arith.addf %get3A_43, %dot_general3A_44 : vector<64x128xf32>
    %swap3A = arith.constant 0 : index
    %swap3A_46 = arith.constant 0 : index
    %swap3A_47 = vector.load %arg6[%swap3A, %swap3A_46] : memref<64x128xf32, #tpu.memory_space<vmem>>, vector<64x128xf32>
    tpu.vector_store %arg6[%swap3A, %swap3A_46], %add3A_45 {strides = array<i32>} : memref<64x128xf32, #tpu.memory_space<vmem>>, vector<64x128xf32>,
    %get3A_48 = arith.constant 0 : index
    %get3A_49 = arith.constant 0 : index
    %get3A_50 = vector.load %arg7[%get3A_48, %get3A_49] : memref<64x1xf32, #tpu.memory_space<vmem>>, vector<64x1xf32>
    %broadcast_in_dim3A = arith.constant 1.000000e+00 : f32
    %broadcast_in_dim3A_51 = vector.broadcast %broadcast_in_dim3A : f32 to vector<400x1xf32>
    %dot_general3A_52 = arith.constant dense<0.000000e+00> : vector<64x1xf32>
    %dot_general3A_53 = tpu.matmul %convert_element_type3A_36, %broadcast_in_dim3A_51, %dot_general3A_52 {dimension_numbers = #tpu.dot_dimension_numbers<[0], [0], [1], [1], [0, 1, 1, 1], [], []>, transpose_lhs_hint = false} : vector<400x64xf32>, vector<400x1xf32>, vector<64x1xf32> -> vector<64x1xf32>
    %add3A_54 = arith.addf %get3A_50, %dot_general3A_53 : vector<64x1xf32>
    %swap3A_55 = arith.constant 0 : index
    %swap3A_56 = arith.constant 0 : index
    %swap3A_57 = vector.load %arg7[%swap3A_55, %swap3A_56] : memref<64x1xf32, #tpu.memory_space<vmem>>, vector<64x1xf32>
    tpu.vector_store %arg7[%swap3A_55, %swap3A_56], %add3A_54 {strides = array<i32>} : memref<64x1xf32, #tpu.memory_space<vmem>>, vector<64x1xf32>,
    %eq3A_58 = arith.constant 0 : i32
    %eq3A_59 = vector.broadcast %eq3A_58 : i32 to vector<400x1xi32>
    %eq3A_60 = arith.cmpi eq, %get3A_33, %eq3A_59 : vector<400x1xi32>
    %jit3A = arith.constant -2.000000e+00 : f32
    %broadcast_in_dim3A_61 = vector.shape_cast %eq3A_60 : vector<400x1xi1> to vector<400x1xi1>
    %broadcast_in_dim3A_62 = vector.broadcast %broadcast_in_dim3A_61 : vector<400x1xi1> to vector<400x128xi1>
    %broadcast_in_dim3A_63 = vector.broadcast %jit3A : f32 to vector<400x128xf32>
    %select_n3A_64 = arith.select %broadcast_in_dim3A_62, %select_n3A, %broadcast_in_dim3A_63 : vector<400x128xi1>, vector<400x128xf32>
    %reduce_max3A = arith.constant dense<0xFF800000> : vector<128xf32>
    %reduce_max3A_65 = vector.multi_reduction <maximumf>, %select_n3A_64, %reduce_max3A [0] : vector<400x128xf32> to vector<128xf32>
    %broadcast_in_dim3A_66 = vector.shape_cast %reduce_max3A_65 : vector<128xf32> to vector<1x128xf32>
    %eq3A_67 = arith.constant 1 : i32
    %eq3A_68 = vector.broadcast %eq3A_67 : i32 to vector<400x1xi32>
    %eq3A_69 = arith.cmpi eq, %get3A_33, %eq3A_68 : vector<400x1xi32>
    %jit3A_70 = arith.constant -2.000000e+00 : f32
    %broadcast_in_dim3A_71 = vector.shape_cast %eq3A_69 : vector<400x1xi1> to vector<400x1xi1>
    %broadcast_in_dim3A_72 = vector.broadcast %broadcast_in_dim3A_71 : vector<400x1xi1> to vector<400x128xi1>
    %broadcast_in_dim3A_73 = vector.broadcast %jit3A_70 : f32 to vector<400x128xf32>
    %select_n3A_74 = arith.select %broadcast_in_dim3A_72, %select_n3A, %broadcast_in_dim3A_73 : vector<400x128xi1>, vector<400x128xf32>
    %reduce_max3A_75 = arith.constant dense<0xFF800000> : vector<128xf32>
    %reduce_max3A_76 = vector.multi_reduction <maximumf>, %select_n3A_74, %reduce_max3A_75 [0] : vector<400x128xf32> to vector<128xf32>
    %broadcast_in_dim3A_77 = vector.shape_cast %reduce_max3A_76 : vector<128xf32> to vector<1x128xf32>
    %eq3A_78 = arith.constant 2 : i32
    %eq3A_79 = vector.broadcast %eq3A_78 : i32 to vector<400x1xi32>
    %eq3A_80 = arith.cmpi eq, %get3A_33, %eq3A_79 : vector<400x1xi32>
    %jit3A_81 = arith.constant -2.000000e+00 : f32
    %broadcast_in_dim3A_82 = vector.shape_cast %eq3A_80 : vector<400x1xi1> to vector<400x1xi1>
    %broadcast_in_dim3A_83 = vector.broadcast %broadcast_in_dim3A_82 : vector<400x1xi1> to vector<400x128xi1>
    %broadcast_in_dim3A_84 = vector.broadcast %jit3A_81 : f32 to vector<400x128xf32>
    %select_n3A_85 = arith.select %broadcast_in_dim3A_83, %select_n3A, %broadcast_in_dim3A_84 : vector<400x128xi1>, vector<400x128xf32>
    %reduce_max3A_86 = arith.constant dense<0xFF800000> : vector<128xf32>
    %reduce_max3A_87 = vector.multi_reduction <maximumf>, %select_n3A_85, %reduce_max3A_86 [0] : vector<400x128xf32> to vector<128xf32>
    %broadcast_in_dim3A_88 = vector.shape_cast %reduce_max3A_87 : vector<128xf32> to vector<1x128xf32>
    %eq3A_89 = arith.constant 3 : i32
    %eq3A_90 = vector.broadcast %eq3A_89 : i32 to vector<400x1xi32>
    %eq3A_91 = arith.cmpi eq, %get3A_33, %eq3A_90 : vector<400x1xi32>
    %jit3A_92 = arith.constant -2.000000e+00 : f32
    %broadcast_in_dim3A_93 = vector.shape_cast %eq3A_91 : vector<400x1xi1> to vector<400x1xi1>
    %broadcast_in_dim3A_94 = vector.broadcast %broadcast_in_dim3A_93 : vector<400x1xi1> to vector<400x128xi1>
    %broadcast_in_dim3A_95 = vector.broadcast %jit3A_92 : f32 to vector<400x128xf32>
    %select_n3A_96 = arith.select %broadcast_in_dim3A_94, %select_n3A, %broadcast_in_dim3A_95 : vector<400x128xi1>, vector<400x128xf32>
    %reduce_max3A_97 = arith.constant dense<0xFF800000> : vector<128xf32>
    %reduce_max3A_98 = vector.multi_reduction <maximumf>, %select_n3A_96, %reduce_max3A_97 [0] : vector<400x128xf32> to vector<128xf32>
    %broadcast_in_dim3A_99 = vector.shape_cast %reduce_max3A_98 : vector<128xf32> to vector<1x128xf32>
    %eq3A_100 = arith.constant 4 : i32
    %eq3A_101 = vector.broadcast %eq3A_100 : i32 to vector<400x1xi32>
    %eq3A_102 = arith.cmpi eq, %get3A_33, %eq3A_101 : vector<400x1xi32>
    %jit3A_103 = arith.constant -2.000000e+00 : f32
    %broadcast_in_dim3A_104 = vector.shape_cast %eq3A_102 : vector<400x1xi1> to vector<400x1xi1>
    %broadcast_in_dim3A_105 = vector.broadcast %broadcast_in_dim3A_104 : vector<400x1xi1> to vector<400x128xi1>
    %broadcast_in_dim3A_106 = vector.broadcast %jit3A_103 : f32 to vector<400x128xf32>
    %select_n3A_107 = arith.select %broadcast_in_dim3A_105, %select_n3A, %broadcast_in_dim3A_106 : vector<400x128xi1>, vector<400x128xf32>
    %reduce_max3A_108 = arith.constant dense<0xFF800000> : vector<128xf32>
    %reduce_max3A_109 = vector.multi_reduction <maximumf>, %select_n3A_107, %reduce_max3A_108 [0] : vector<400x128xf32> to vector<128xf32>
    %broadcast_in_dim3A_110 = vector.shape_cast %reduce_max3A_109 : vector<128xf32> to vector<1x128xf32>
    %eq3A_111 = arith.constant 5 : i32
    %eq3A_112 = vector.broadcast %eq3A_111 : i32 to vector<400x1xi32>
    %eq3A_113 = arith.cmpi eq, %get3A_33, %eq3A_112 : vector<400x1xi32>
    %jit3A_114 = arith.constant -2.000000e+00 : f32
    %broadcast_in_dim3A_115 = vector.shape_cast %eq3A_113 : vector<400x1xi1> to vector<400x1xi1>
    %broadcast_in_dim3A_116 = vector.broadcast %broadcast_in_dim3A_115 : vector<400x1xi1> to vector<400x128xi1>
    %broadcast_in_dim3A_117 = vector.broadcast %jit3A_114 : f32 to vector<400x128xf32>
    %select_n3A_118 = arith.select %broadcast_in_dim3A_116, %select_n3A, %broadcast_in_dim3A_117 : vector<400x128xi1>, vector<400x128xf32>
    %reduce_max3A_119 = arith.constant dense<0xFF800000> : vector<128xf32>
    %reduce_max3A_120 = vector.multi_reduction <maximumf>, %select_n3A_118, %reduce_max3A_119 [0] : vector<400x128xf32> to vector<128xf32>
    %broadcast_in_dim3A_121 = vector.shape_cast %reduce_max3A_120 : vector<128xf32> to vector<1x128xf32>
    %eq3A_122 = arith.constant 6 : i32
    %eq3A_123 = vector.broadcast %eq3A_122 : i32 to vector<400x1xi32>
    %eq3A_124 = arith.cmpi eq, %get3A_33, %eq3A_123 : vector<400x1xi32>
    %jit3A_125 = arith.constant -2.000000e+00 : f32
    %broadcast_in_dim3A_126 = vector.shape_cast %eq3A_124 : vector<400x1xi1> to vector<400x1xi1>
    %broadcast_in_dim3A_127 = vector.broadcast %broadcast_in_dim3A_126 : vector<400x1xi1> to vector<400x128xi1>
    %broadcast_in_dim3A_128 = vector.broadcast %jit3A_125 : f32 to vector<400x128xf32>
    %select_n3A_129 = arith.select %broadcast_in_dim3A_127, %select_n3A, %broadcast_in_dim3A_128 : vector<400x128xi1>, vector<400x128xf32>
    %reduce_max3A_130 = arith.constant dense<0xFF800000> : vector<128xf32>
    %reduce_max3A_131 = vector.multi_reduction <maximumf>, %select_n3A_129, %reduce_max3A_130 [0] : vector<400x128xf32> to vector<128xf32>
    %broadcast_in_dim3A_132 = vector.shape_cast %reduce_max3A_131 : vector<128xf32> to vector<1x128xf32>
    %eq3A_133 = arith.constant 7 : i32
    %eq3A_134 = vector.broadcast %eq3A_133 : i32 to vector<400x1xi32>
    %eq3A_135 = arith.cmpi eq, %get3A_33, %eq3A_134 : vector<400x1xi32>
    %jit3A_136 = arith.constant -2.000000e+00 : f32
    %broadcast_in_dim3A_137 = vector.shape_cast %eq3A_135 : vector<400x1xi1> to vector<400x1xi1>
    %broadcast_in_dim3A_138 = vector.broadcast %broadcast_in_dim3A_137 : vector<400x1xi1> to vector<400x128xi1>
    %broadcast_in_dim3A_139 = vector.broadcast %jit3A_136 : f32 to vector<400x128xf32>
    %select_n3A_140 = arith.select %broadcast_in_dim3A_138, %select_n3A, %broadcast_in_dim3A_139 : vector<400x128xi1>, vector<400x128xf32>
    %reduce_max3A_141 = arith.constant dense<0xFF800000> : vector<128xf32>
    %reduce_max3A_142 = vector.multi_reduction <maximumf>, %select_n3A_140, %reduce_max3A_141 [0] : vector<400x128xf32> to vector<128xf32>
    %broadcast_in_dim3A_143 = vector.shape_cast %reduce_max3A_142 : vector<128xf32> to vector<1x128xf32>
    %eq3A_144 = arith.constant 8 : i32
    %eq3A_145 = vector.broadcast %eq3A_144 : i32 to vector<400x1xi32>
    %eq3A_146 = arith.cmpi eq, %get3A_33, %eq3A_145 : vector<400x1xi32>
    %jit3A_147 = arith.constant -2.000000e+00 : f32
    %broadcast_in_dim3A_148 = vector.shape_cast %eq3A_146 : vector<400x1xi1> to vector<400x1xi1>
    %broadcast_in_dim3A_149 = vector.broadcast %broadcast_in_dim3A_148 : vector<400x1xi1> to vector<400x128xi1>
    %broadcast_in_dim3A_150 = vector.broadcast %jit3A_147 : f32 to vector<400x128xf32>
    %select_n3A_151 = arith.select %broadcast_in_dim3A_149, %select_n3A, %broadcast_in_dim3A_150 : vector<400x128xi1>, vector<400x128xf32>
    %reduce_max3A_152 = arith.constant dense<0xFF800000> : vector<128xf32>
    %reduce_max3A_153 = vector.multi_reduction <maximumf>, %select_n3A_151, %reduce_max3A_152 [0] : vector<400x128xf32> to vector<128xf32>
    %broadcast_in_dim3A_154 = vector.shape_cast %reduce_max3A_153 : vector<128xf32> to vector<1x128xf32>
    %eq3A_155 = arith.constant 9 : i32
    %eq3A_156 = vector.broadcast %eq3A_155 : i32 to vector<400x1xi32>
    %eq3A_157 = arith.cmpi eq, %get3A_33, %eq3A_156 : vector<400x1xi32>
    %jit3A_158 = arith.constant -2.000000e+00 : f32
    %broadcast_in_dim3A_159 = vector.shape_cast %eq3A_157 : vector<400x1xi1> to vector<400x1xi1>
    %broadcast_in_dim3A_160 = vector.broadcast %broadcast_in_dim3A_159 : vector<400x1xi1> to vector<400x128xi1>
    %broadcast_in_dim3A_161 = vector.broadcast %jit3A_158 : f32 to vector<400x128xf32>
    %select_n3A_162 = arith.select %broadcast_in_dim3A_160, %select_n3A, %broadcast_in_dim3A_161 : vector<400x128xi1>, vector<400x128xf32>
    %reduce_max3A_163 = arith.constant dense<0xFF800000> : vector<128xf32>
    %reduce_max3A_164 = vector.multi_reduction <maximumf>, %select_n3A_162, %reduce_max3A_163 [0] : vector<400x128xf32> to vector<128xf32>
    %broadcast_in_dim3A_165 = vector.shape_cast %reduce_max3A_164 : vector<128xf32> to vector<1x128xf32>
    %eq3A_166 = arith.constant 10 : i32
    %eq3A_167 = vector.broadcast %eq3A_166 : i32 to vector<400x1xi32>
    %eq3A_168 = arith.cmpi eq, %get3A_33, %eq3A_167 : vector<400x1xi32>
    %jit3A_169 = arith.constant -2.000000e+00 : f32
    %broadcast_in_dim3A_170 = vector.shape_cast %eq3A_168 : vector<400x1xi1> to vector<400x1xi1>
    %broadcast_in_dim3A_171 = vector.broadcast %broadcast_in_dim3A_170 : vector<400x1xi1> to vector<400x128xi1>
    %broadcast_in_dim3A_172 = vector.broadcast %jit3A_169 : f32 to vector<400x128xf32>
    %select_n3A_173 = arith.select %broadcast_in_dim3A_171, %select_n3A, %broadcast_in_dim3A_172 : vector<400x128xi1>, vector<400x128xf32>
    %reduce_max3A_174 = arith.constant dense<0xFF800000> : vector<128xf32>
    %reduce_max3A_175 = vector.multi_reduction <maximumf>, %select_n3A_173, %reduce_max3A_174 [0] : vector<400x128xf32> to vector<128xf32>
    %broadcast_in_dim3A_176 = vector.shape_cast %reduce_max3A_175 : vector<128xf32> to vector<1x128xf32>
    %eq3A_177 = arith.constant 11 : i32
    %eq3A_178 = vector.broadcast %eq3A_177 : i32 to vector<400x1xi32>
    %eq3A_179 = arith.cmpi eq, %get3A_33, %eq3A_178 : vector<400x1xi32>
    %jit3A_180 = arith.constant -2.000000e+00 : f32
    %broadcast_in_dim3A_181 = vector.shape_cast %eq3A_179 : vector<400x1xi1> to vector<400x1xi1>
    %broadcast_in_dim3A_182 = vector.broadcast %broadcast_in_dim3A_181 : vector<400x1xi1> to vector<400x128xi1>
    %broadcast_in_dim3A_183 = vector.broadcast %jit3A_180 : f32 to vector<400x128xf32>
    %select_n3A_184 = arith.select %broadcast_in_dim3A_182, %select_n3A, %broadcast_in_dim3A_183 : vector<400x128xi1>, vector<400x128xf32>
    %reduce_max3A_185 = arith.constant dense<0xFF800000> : vector<128xf32>
    %reduce_max3A_186 = vector.multi_reduction <maximumf>, %select_n3A_184, %reduce_max3A_185 [0] : vector<400x128xf32> to vector<128xf32>
    %broadcast_in_dim3A_187 = vector.shape_cast %reduce_max3A_186 : vector<128xf32> to vector<1x128xf32>
    %eq3A_188 = arith.constant 12 : i32
    %eq3A_189 = vector.broadcast %eq3A_188 : i32 to vector<400x1xi32>
    %eq3A_190 = arith.cmpi eq, %get3A_33, %eq3A_189 : vector<400x1xi32>
    %jit3A_191 = arith.constant -2.000000e+00 : f32
    %broadcast_in_dim3A_192 = vector.shape_cast %eq3A_190 : vector<400x1xi1> to vector<400x1xi1>
    %broadcast_in_dim3A_193 = vector.broadcast %broadcast_in_dim3A_192 : vector<400x1xi1> to vector<400x128xi1>
    %broadcast_in_dim3A_194 = vector.broadcast %jit3A_191 : f32 to vector<400x128xf32>
    %select_n3A_195 = arith.select %broadcast_in_dim3A_193, %select_n3A, %broadcast_in_dim3A_194 : vector<400x128xi1>, vector<400x128xf32>
    %reduce_max3A_196 = arith.constant dense<0xFF800000> : vector<128xf32>
    %reduce_max3A_197 = vector.multi_reduction <maximumf>, %select_n3A_195, %reduce_max3A_196 [0] : vector<400x128xf32> to vector<128xf32>
    %broadcast_in_dim3A_198 = vector.shape_cast %reduce_max3A_197 : vector<128xf32> to vector<1x128xf32>
    %eq3A_199 = arith.constant 13 : i32
    %eq3A_200 = vector.broadcast %eq3A_199 : i32 to vector<400x1xi32>
    %eq3A_201 = arith.cmpi eq, %get3A_33, %eq3A_200 : vector<400x1xi32>
    %jit3A_202 = arith.constant -2.000000e+00 : f32
    %broadcast_in_dim3A_203 = vector.shape_cast %eq3A_201 : vector<400x1xi1> to vector<400x1xi1>
    %broadcast_in_dim3A_204 = vector.broadcast %broadcast_in_dim3A_203 : vector<400x1xi1> to vector<400x128xi1>
    %broadcast_in_dim3A_205 = vector.broadcast %jit3A_202 : f32 to vector<400x128xf32>
    %select_n3A_206 = arith.select %broadcast_in_dim3A_204, %select_n3A, %broadcast_in_dim3A_205 : vector<400x128xi1>, vector<400x128xf32>
    %reduce_max3A_207 = arith.constant dense<0xFF800000> : vector<128xf32>
    %reduce_max3A_208 = vector.multi_reduction <maximumf>, %select_n3A_206, %reduce_max3A_207 [0] : vector<400x128xf32> to vector<128xf32>
    %broadcast_in_dim3A_209 = vector.shape_cast %reduce_max3A_208 : vector<128xf32> to vector<1x128xf32>
    %eq3A_210 = arith.constant 14 : i32
    %eq3A_211 = vector.broadcast %eq3A_210 : i32 to vector<400x1xi32>
    %eq3A_212 = arith.cmpi eq, %get3A_33, %eq3A_211 : vector<400x1xi32>
    %jit3A_213 = arith.constant -2.000000e+00 : f32
    %broadcast_in_dim3A_214 = vector.shape_cast %eq3A_212 : vector<400x1xi1> to vector<400x1xi1>
    %broadcast_in_dim3A_215 = vector.broadcast %broadcast_in_dim3A_214 : vector<400x1xi1> to vector<400x128xi1>
    %broadcast_in_dim3A_216 = vector.broadcast %jit3A_213 : f32 to vector<400x128xf32>
    %select_n3A_217 = arith.select %broadcast_in_dim3A_215, %select_n3A, %broadcast_in_dim3A_216 : vector<400x128xi1>, vector<400x128xf32>
    %reduce_max3A_218 = arith.constant dense<0xFF800000> : vector<128xf32>
    %reduce_max3A_219 = vector.multi_reduction <maximumf>, %select_n3A_217, %reduce_max3A_218 [0] : vector<400x128xf32> to vector<128xf32>
    %broadcast_in_dim3A_220 = vector.shape_cast %reduce_max3A_219 : vector<128xf32> to vector<1x128xf32>
    %eq3A_221 = arith.constant 15 : i32
    %eq3A_222 = vector.broadcast %eq3A_221 : i32 to vector<400x1xi32>
    %eq3A_223 = arith.cmpi eq, %get3A_33, %eq3A_222 : vector<400x1xi32>
    %jit3A_224 = arith.constant -2.000000e+00 : f32
    %broadcast_in_dim3A_225 = vector.shape_cast %eq3A_223 : vector<400x1xi1> to vector<400x1xi1>
    %broadcast_in_dim3A_226 = vector.broadcast %broadcast_in_dim3A_225 : vector<400x1xi1> to vector<400x128xi1>
    %broadcast_in_dim3A_227 = vector.broadcast %jit3A_224 : f32 to vector<400x128xf32>
    %select_n3A_228 = arith.select %broadcast_in_dim3A_226, %select_n3A, %broadcast_in_dim3A_227 : vector<400x128xi1>, vector<400x128xf32>
    %reduce_max3A_229 = arith.constant dense<0xFF800000> : vector<128xf32>
    %reduce_max3A_230 = vector.multi_reduction <maximumf>, %select_n3A_228, %reduce_max3A_229 [0] : vector<400x128xf32> to vector<128xf32>
    %broadcast_in_dim3A_231 = vector.shape_cast %reduce_max3A_230 : vector<128xf32> to vector<1x128xf32>
    %eq3A_232 = arith.constant 16 : i32
    %eq3A_233 = vector.broadcast %eq3A_232 : i32 to vector<400x1xi32>
    %eq3A_234 = arith.cmpi eq, %get3A_33, %eq3A_233 : vector<400x1xi32>
    %jit3A_235 = arith.constant -2.000000e+00 : f32
    %broadcast_in_dim3A_236 = vector.shape_cast %eq3A_234 : vector<400x1xi1> to vector<400x1xi1>
    %broadcast_in_dim3A_237 = vector.broadcast %broadcast_in_dim3A_236 : vector<400x1xi1> to vector<400x128xi1>
    %broadcast_in_dim3A_238 = vector.broadcast %jit3A_235 : f32 to vector<400x128xf32>
    %select_n3A_239 = arith.select %broadcast_in_dim3A_237, %select_n3A, %broadcast_in_dim3A_238 : vector<400x128xi1>, vector<400x128xf32>
    %reduce_max3A_240 = arith.constant dense<0xFF800000> : vector<128xf32>
    %reduce_max3A_241 = vector.multi_reduction <maximumf>, %select_n3A_239, %reduce_max3A_240 [0] : vector<400x128xf32> to vector<128xf32>
    %broadcast_in_dim3A_242 = vector.shape_cast %reduce_max3A_241 : vector<128xf32> to vector<1x128xf32>
    %eq3A_243 = arith.constant 17 : i32
    %eq3A_244 = vector.broadcast %eq3A_243 : i32 to vector<400x1xi32>
    %eq3A_245 = arith.cmpi eq, %get3A_33, %eq3A_244 : vector<400x1xi32>
    %jit3A_246 = arith.constant -2.000000e+00 : f32
    %broadcast_in_dim3A_247 = vector.shape_cast %eq3A_245 : vector<400x1xi1> to vector<400x1xi1>
    %broadcast_in_dim3A_248 = vector.broadcast %broadcast_in_dim3A_247 : vector<400x1xi1> to vector<400x128xi1>
    %broadcast_in_dim3A_249 = vector.broadcast %jit3A_246 : f32 to vector<400x128xf32>
    %select_n3A_250 = arith.select %broadcast_in_dim3A_248, %select_n3A, %broadcast_in_dim3A_249 : vector<400x128xi1>, vector<400x128xf32>
    %reduce_max3A_251 = arith.constant dense<0xFF800000> : vector<128xf32>
    %reduce_max3A_252 = vector.multi_reduction <maximumf>, %select_n3A_250, %reduce_max3A_251 [0] : vector<400x128xf32> to vector<128xf32>
    %broadcast_in_dim3A_253 = vector.shape_cast %reduce_max3A_252 : vector<128xf32> to vector<1x128xf32>
    %eq3A_254 = arith.constant 18 : i32
    %eq3A_255 = vector.broadcast %eq3A_254 : i32 to vector<400x1xi32>
    %eq3A_256 = arith.cmpi eq, %get3A_33, %eq3A_255 : vector<400x1xi32>
    %jit3A_257 = arith.constant -2.000000e+00 : f32
    %broadcast_in_dim3A_258 = vector.shape_cast %eq3A_256 : vector<400x1xi1> to vector<400x1xi1>
    %broadcast_in_dim3A_259 = vector.broadcast %broadcast_in_dim3A_258 : vector<400x1xi1> to vector<400x128xi1>
    %broadcast_in_dim3A_260 = vector.broadcast %jit3A_257 : f32 to vector<400x128xf32>
    %select_n3A_261 = arith.select %broadcast_in_dim3A_259, %select_n3A, %broadcast_in_dim3A_260 : vector<400x128xi1>, vector<400x128xf32>
    %reduce_max3A_262 = arith.constant dense<0xFF800000> : vector<128xf32>
    %reduce_max3A_263 = vector.multi_reduction <maximumf>, %select_n3A_261, %reduce_max3A_262 [0] : vector<400x128xf32> to vector<128xf32>
    %broadcast_in_dim3A_264 = vector.shape_cast %reduce_max3A_263 : vector<128xf32> to vector<1x128xf32>
    %eq3A_265 = arith.constant 19 : i32
    %eq3A_266 = vector.broadcast %eq3A_265 : i32 to vector<400x1xi32>
    %eq3A_267 = arith.cmpi eq, %get3A_33, %eq3A_266 : vector<400x1xi32>
    %jit3A_268 = arith.constant -2.000000e+00 : f32
    %broadcast_in_dim3A_269 = vector.shape_cast %eq3A_267 : vector<400x1xi1> to vector<400x1xi1>
    %broadcast_in_dim3A_270 = vector.broadcast %broadcast_in_dim3A_269 : vector<400x1xi1> to vector<400x128xi1>
    %broadcast_in_dim3A_271 = vector.broadcast %jit3A_268 : f32 to vector<400x128xf32>
    %select_n3A_272 = arith.select %broadcast_in_dim3A_270, %select_n3A, %broadcast_in_dim3A_271 : vector<400x128xi1>, vector<400x128xf32>
    %reduce_max3A_273 = arith.constant dense<0xFF800000> : vector<128xf32>
    %reduce_max3A_274 = vector.multi_reduction <maximumf>, %select_n3A_272, %reduce_max3A_273 [0] : vector<400x128xf32> to vector<128xf32>
    %broadcast_in_dim3A_275 = vector.shape_cast %reduce_max3A_274 : vector<128xf32> to vector<1x128xf32>
    %eq3A_276 = arith.constant 20 : i32
    %eq3A_277 = vector.broadcast %eq3A_276 : i32 to vector<400x1xi32>
    %eq3A_278 = arith.cmpi eq, %get3A_33, %eq3A_277 : vector<400x1xi32>
    %jit3A_279 = arith.constant -2.000000e+00 : f32
    %broadcast_in_dim3A_280 = vector.shape_cast %eq3A_278 : vector<400x1xi1> to vector<400x1xi1>
    %broadcast_in_dim3A_281 = vector.broadcast %broadcast_in_dim3A_280 : vector<400x1xi1> to vector<400x128xi1>
    %broadcast_in_dim3A_282 = vector.broadcast %jit3A_279 : f32 to vector<400x128xf32>
    %select_n3A_283 = arith.select %broadcast_in_dim3A_281, %select_n3A, %broadcast_in_dim3A_282 : vector<400x128xi1>, vector<400x128xf32>
    %reduce_max3A_284 = arith.constant dense<0xFF800000> : vector<128xf32>
    %reduce_max3A_285 = vector.multi_reduction <maximumf>, %select_n3A_283, %reduce_max3A_284 [0] : vector<400x128xf32> to vector<128xf32>
    %broadcast_in_dim3A_286 = vector.shape_cast %reduce_max3A_285 : vector<128xf32> to vector<1x128xf32>
    %eq3A_287 = arith.constant 21 : i32
    %eq3A_288 = vector.broadcast %eq3A_287 : i32 to vector<400x1xi32>
    %eq3A_289 = arith.cmpi eq, %get3A_33, %eq3A_288 : vector<400x1xi32>
    %jit3A_290 = arith.constant -2.000000e+00 : f32
    %broadcast_in_dim3A_291 = vector.shape_cast %eq3A_289 : vector<400x1xi1> to vector<400x1xi1>
    %broadcast_in_dim3A_292 = vector.broadcast %broadcast_in_dim3A_291 : vector<400x1xi1> to vector<400x128xi1>
    %broadcast_in_dim3A_293 = vector.broadcast %jit3A_290 : f32 to vector<400x128xf32>
    %select_n3A_294 = arith.select %broadcast_in_dim3A_292, %select_n3A, %broadcast_in_dim3A_293 : vector<400x128xi1>, vector<400x128xf32>
    %reduce_max3A_295 = arith.constant dense<0xFF800000> : vector<128xf32>
    %reduce_max3A_296 = vector.multi_reduction <maximumf>, %select_n3A_294, %reduce_max3A_295 [0] : vector<400x128xf32> to vector<128xf32>
    %broadcast_in_dim3A_297 = vector.shape_cast %reduce_max3A_296 : vector<128xf32> to vector<1x128xf32>
    %eq3A_298 = arith.constant 22 : i32
    %eq3A_299 = vector.broadcast %eq3A_298 : i32 to vector<400x1xi32>
    %eq3A_300 = arith.cmpi eq, %get3A_33, %eq3A_299 : vector<400x1xi32>
    %jit3A_301 = arith.constant -2.000000e+00 : f32
    %broadcast_in_dim3A_302 = vector.shape_cast %eq3A_300 : vector<400x1xi1> to vector<400x1xi1>
    %broadcast_in_dim3A_303 = vector.broadcast %broadcast_in_dim3A_302 : vector<400x1xi1> to vector<400x128xi1>
    %broadcast_in_dim3A_304 = vector.broadcast %jit3A_301 : f32 to vector<400x128xf32>
    %select_n3A_305 = arith.select %broadcast_in_dim3A_303, %select_n3A, %broadcast_in_dim3A_304 : vector<400x128xi1>, vector<400x128xf32>
    %reduce_max3A_306 = arith.constant dense<0xFF800000> : vector<128xf32>
    %reduce_max3A_307 = vector.multi_reduction <maximumf>, %select_n3A_305, %reduce_max3A_306 [0] : vector<400x128xf32> to vector<128xf32>
    %broadcast_in_dim3A_308 = vector.shape_cast %reduce_max3A_307 : vector<128xf32> to vector<1x128xf32>
    %eq3A_309 = arith.constant 23 : i32
    %eq3A_310 = vector.broadcast %eq3A_309 : i32 to vector<400x1xi32>
    %eq3A_311 = arith.cmpi eq, %get3A_33, %eq3A_310 : vector<400x1xi32>
    %jit3A_312 = arith.constant -2.000000e+00 : f32
    %broadcast_in_dim3A_313 = vector.shape_cast %eq3A_311 : vector<400x1xi1> to vector<400x1xi1>
    %broadcast_in_dim3A_314 = vector.broadcast %broadcast_in_dim3A_313 : vector<400x1xi1> to vector<400x128xi1>
    %broadcast_in_dim3A_315 = vector.broadcast %jit3A_312 : f32 to vector<400x128xf32>
    %select_n3A_316 = arith.select %broadcast_in_dim3A_314, %select_n3A, %broadcast_in_dim3A_315 : vector<400x128xi1>, vector<400x128xf32>
    %reduce_max3A_317 = arith.constant dense<0xFF800000> : vector<128xf32>
    %reduce_max3A_318 = vector.multi_reduction <maximumf>, %select_n3A_316, %reduce_max3A_317 [0] : vector<400x128xf32> to vector<128xf32>
    %broadcast_in_dim3A_319 = vector.shape_cast %reduce_max3A_318 : vector<128xf32> to vector<1x128xf32>
    %eq3A_320 = arith.constant 24 : i32
    %eq3A_321 = vector.broadcast %eq3A_320 : i32 to vector<400x1xi32>
    %eq3A_322 = arith.cmpi eq, %get3A_33, %eq3A_321 : vector<400x1xi32>
    %jit3A_323 = arith.constant -2.000000e+00 : f32
    %broadcast_in_dim3A_324 = vector.shape_cast %eq3A_322 : vector<400x1xi1> to vector<400x1xi1>
    %broadcast_in_dim3A_325 = vector.broadcast %broadcast_in_dim3A_324 : vector<400x1xi1> to vector<400x128xi1>
    %broadcast_in_dim3A_326 = vector.broadcast %jit3A_323 : f32 to vector<400x128xf32>
    %select_n3A_327 = arith.select %broadcast_in_dim3A_325, %select_n3A, %broadcast_in_dim3A_326 : vector<400x128xi1>, vector<400x128xf32>
    %reduce_max3A_328 = arith.constant dense<0xFF800000> : vector<128xf32>
    %reduce_max3A_329 = vector.multi_reduction <maximumf>, %select_n3A_327, %reduce_max3A_328 [0] : vector<400x128xf32> to vector<128xf32>
    %broadcast_in_dim3A_330 = vector.shape_cast %reduce_max3A_329 : vector<128xf32> to vector<1x128xf32>
    %eq3A_331 = arith.constant 25 : i32
    %eq3A_332 = vector.broadcast %eq3A_331 : i32 to vector<400x1xi32>
    %eq3A_333 = arith.cmpi eq, %get3A_33, %eq3A_332 : vector<400x1xi32>
    %jit3A_334 = arith.constant -2.000000e+00 : f32
    %broadcast_in_dim3A_335 = vector.shape_cast %eq3A_333 : vector<400x1xi1> to vector<400x1xi1>
    %broadcast_in_dim3A_336 = vector.broadcast %broadcast_in_dim3A_335 : vector<400x1xi1> to vector<400x128xi1>
    %broadcast_in_dim3A_337 = vector.broadcast %jit3A_334 : f32 to vector<400x128xf32>
    %select_n3A_338 = arith.select %broadcast_in_dim3A_336, %select_n3A, %broadcast_in_dim3A_337 : vector<400x128xi1>, vector<400x128xf32>
    %reduce_max3A_339 = arith.constant dense<0xFF800000> : vector<128xf32>
    %reduce_max3A_340 = vector.multi_reduction <maximumf>, %select_n3A_338, %reduce_max3A_339 [0] : vector<400x128xf32> to vector<128xf32>
    %broadcast_in_dim3A_341 = vector.shape_cast %reduce_max3A_340 : vector<128xf32> to vector<1x128xf32>
    %eq3A_342 = arith.constant 26 : i32
    %eq3A_343 = vector.broadcast %eq3A_342 : i32 to vector<400x1xi32>
    %eq3A_344 = arith.cmpi eq, %get3A_33, %eq3A_343 : vector<400x1xi32>
    %jit3A_345 = arith.constant -2.000000e+00 : f32
    %broadcast_in_dim3A_346 = vector.shape_cast %eq3A_344 : vector<400x1xi1> to vector<400x1xi1>
    %broadcast_in_dim3A_347 = vector.broadcast %broadcast_in_dim3A_346 : vector<400x1xi1> to vector<400x128xi1>
    %broadcast_in_dim3A_348 = vector.broadcast %jit3A_345 : f32 to vector<400x128xf32>
    %select_n3A_349 = arith.select %broadcast_in_dim3A_347, %select_n3A, %broadcast_in_dim3A_348 : vector<400x128xi1>, vector<400x128xf32>
    %reduce_max3A_350 = arith.constant dense<0xFF800000> : vector<128xf32>
    %reduce_max3A_351 = vector.multi_reduction <maximumf>, %select_n3A_349, %reduce_max3A_350 [0] : vector<400x128xf32> to vector<128xf32>
    %broadcast_in_dim3A_352 = vector.shape_cast %reduce_max3A_351 : vector<128xf32> to vector<1x128xf32>
    %eq3A_353 = arith.constant 27 : i32
    %eq3A_354 = vector.broadcast %eq3A_353 : i32 to vector<400x1xi32>
    %eq3A_355 = arith.cmpi eq, %get3A_33, %eq3A_354 : vector<400x1xi32>
    %jit3A_356 = arith.constant -2.000000e+00 : f32
    %broadcast_in_dim3A_357 = vector.shape_cast %eq3A_355 : vector<400x1xi1> to vector<400x1xi1>
    %broadcast_in_dim3A_358 = vector.broadcast %broadcast_in_dim3A_357 : vector<400x1xi1> to vector<400x128xi1>
    %broadcast_in_dim3A_359 = vector.broadcast %jit3A_356 : f32 to vector<400x128xf32>
    %select_n3A_360 = arith.select %broadcast_in_dim3A_358, %select_n3A, %broadcast_in_dim3A_359 : vector<400x128xi1>, vector<400x128xf32>
    %reduce_max3A_361 = arith.constant dense<0xFF800000> : vector<128xf32>
    %reduce_max3A_362 = vector.multi_reduction <maximumf>, %select_n3A_360, %reduce_max3A_361 [0] : vector<400x128xf32> to vector<128xf32>
    %broadcast_in_dim3A_363 = vector.shape_cast %reduce_max3A_362 : vector<128xf32> to vector<1x128xf32>
    %eq3A_364 = arith.constant 28 : i32
    %eq3A_365 = vector.broadcast %eq3A_364 : i32 to vector<400x1xi32>
    %eq3A_366 = arith.cmpi eq, %get3A_33, %eq3A_365 : vector<400x1xi32>
    %jit3A_367 = arith.constant -2.000000e+00 : f32
    %broadcast_in_dim3A_368 = vector.shape_cast %eq3A_366 : vector<400x1xi1> to vector<400x1xi1>
    %broadcast_in_dim3A_369 = vector.broadcast %broadcast_in_dim3A_368 : vector<400x1xi1> to vector<400x128xi1>
    %broadcast_in_dim3A_370 = vector.broadcast %jit3A_367 : f32 to vector<400x128xf32>
    %select_n3A_371 = arith.select %broadcast_in_dim3A_369, %select_n3A, %broadcast_in_dim3A_370 : vector<400x128xi1>, vector<400x128xf32>
    %reduce_max3A_372 = arith.constant dense<0xFF800000> : vector<128xf32>
    %reduce_max3A_373 = vector.multi_reduction <maximumf>, %select_n3A_371, %reduce_max3A_372 [0] : vector<400x128xf32> to vector<128xf32>
    %broadcast_in_dim3A_374 = vector.shape_cast %reduce_max3A_373 : vector<128xf32> to vector<1x128xf32>
    %eq3A_375 = arith.constant 29 : i32
    %eq3A_376 = vector.broadcast %eq3A_375 : i32 to vector<400x1xi32>
    %eq3A_377 = arith.cmpi eq, %get3A_33, %eq3A_376 : vector<400x1xi32>
    %jit3A_378 = arith.constant -2.000000e+00 : f32
    %broadcast_in_dim3A_379 = vector.shape_cast %eq3A_377 : vector<400x1xi1> to vector<400x1xi1>
    %broadcast_in_dim3A_380 = vector.broadcast %broadcast_in_dim3A_379 : vector<400x1xi1> to vector<400x128xi1>
    %broadcast_in_dim3A_381 = vector.broadcast %jit3A_378 : f32 to vector<400x128xf32>
    %select_n3A_382 = arith.select %broadcast_in_dim3A_380, %select_n3A, %broadcast_in_dim3A_381 : vector<400x128xi1>, vector<400x128xf32>
    %reduce_max3A_383 = arith.constant dense<0xFF800000> : vector<128xf32>
    %reduce_max3A_384 = vector.multi_reduction <maximumf>, %select_n3A_382, %reduce_max3A_383 [0] : vector<400x128xf32> to vector<128xf32>
    %broadcast_in_dim3A_385 = vector.shape_cast %reduce_max3A_384 : vector<128xf32> to vector<1x128xf32>
    %eq3A_386 = arith.constant 30 : i32
    %eq3A_387 = vector.broadcast %eq3A_386 : i32 to vector<400x1xi32>
    %eq3A_388 = arith.cmpi eq, %get3A_33, %eq3A_387 : vector<400x1xi32>
    %jit3A_389 = arith.constant -2.000000e+00 : f32
    %broadcast_in_dim3A_390 = vector.shape_cast %eq3A_388 : vector<400x1xi1> to vector<400x1xi1>
    %broadcast_in_dim3A_391 = vector.broadcast %broadcast_in_dim3A_390 : vector<400x1xi1> to vector<400x128xi1>
    %broadcast_in_dim3A_392 = vector.broadcast %jit3A_389 : f32 to vector<400x128xf32>
    %select_n3A_393 = arith.select %broadcast_in_dim3A_391, %select_n3A, %broadcast_in_dim3A_392 : vector<400x128xi1>, vector<400x128xf32>
    %reduce_max3A_394 = arith.constant dense<0xFF800000> : vector<128xf32>
    %reduce_max3A_395 = vector.multi_reduction <maximumf>, %select_n3A_393, %reduce_max3A_394 [0] : vector<400x128xf32> to vector<128xf32>
    %broadcast_in_dim3A_396 = vector.shape_cast %reduce_max3A_395 : vector<128xf32> to vector<1x128xf32>
    %eq3A_397 = arith.constant 31 : i32
    %eq3A_398 = vector.broadcast %eq3A_397 : i32 to vector<400x1xi32>
    %eq3A_399 = arith.cmpi eq, %get3A_33, %eq3A_398 : vector<400x1xi32>
    %jit3A_400 = arith.constant -2.000000e+00 : f32
    %broadcast_in_dim3A_401 = vector.shape_cast %eq3A_399 : vector<400x1xi1> to vector<400x1xi1>
    %broadcast_in_dim3A_402 = vector.broadcast %broadcast_in_dim3A_401 : vector<400x1xi1> to vector<400x128xi1>
    %broadcast_in_dim3A_403 = vector.broadcast %jit3A_400 : f32 to vector<400x128xf32>
    %select_n3A_404 = arith.select %broadcast_in_dim3A_402, %select_n3A, %broadcast_in_dim3A_403 : vector<400x128xi1>, vector<400x128xf32>
    %reduce_max3A_405 = arith.constant dense<0xFF800000> : vector<128xf32>
    %reduce_max3A_406 = vector.multi_reduction <maximumf>, %select_n3A_404, %reduce_max3A_405 [0] : vector<400x128xf32> to vector<128xf32>
    %broadcast_in_dim3A_407 = vector.shape_cast %reduce_max3A_406 : vector<128xf32> to vector<1x128xf32>
    %eq3A_408 = arith.constant 32 : i32
    %eq3A_409 = vector.broadcast %eq3A_408 : i32 to vector<400x1xi32>
    %eq3A_410 = arith.cmpi eq, %get3A_33, %eq3A_409 : vector<400x1xi32>
    %jit3A_411 = arith.constant -2.000000e+00 : f32
    %broadcast_in_dim3A_412 = vector.shape_cast %eq3A_410 : vector<400x1xi1> to vector<400x1xi1>
    %broadcast_in_dim3A_413 = vector.broadcast %broadcast_in_dim3A_412 : vector<400x1xi1> to vector<400x128xi1>
    %broadcast_in_dim3A_414 = vector.broadcast %jit3A_411 : f32 to vector<400x128xf32>
    %select_n3A_415 = arith.select %broadcast_in_dim3A_413, %select_n3A, %broadcast_in_dim3A_414 : vector<400x128xi1>, vector<400x128xf32>
    %reduce_max3A_416 = arith.constant dense<0xFF800000> : vector<128xf32>
    %reduce_max3A_417 = vector.multi_reduction <maximumf>, %select_n3A_415, %reduce_max3A_416 [0] : vector<400x128xf32> to vector<128xf32>
    %broadcast_in_dim3A_418 = vector.shape_cast %reduce_max3A_417 : vector<128xf32> to vector<1x128xf32>
    %eq3A_419 = arith.constant 33 : i32
    %eq3A_420 = vector.broadcast %eq3A_419 : i32 to vector<400x1xi32>
    %eq3A_421 = arith.cmpi eq, %get3A_33, %eq3A_420 : vector<400x1xi32>
    %jit3A_422 = arith.constant -2.000000e+00 : f32
    %broadcast_in_dim3A_423 = vector.shape_cast %eq3A_421 : vector<400x1xi1> to vector<400x1xi1>
    %broadcast_in_dim3A_424 = vector.broadcast %broadcast_in_dim3A_423 : vector<400x1xi1> to vector<400x128xi1>
    %broadcast_in_dim3A_425 = vector.broadcast %jit3A_422 : f32 to vector<400x128xf32>
    %select_n3A_426 = arith.select %broadcast_in_dim3A_424, %select_n3A, %broadcast_in_dim3A_425 : vector<400x128xi1>, vector<400x128xf32>
    %reduce_max3A_427 = arith.constant dense<0xFF800000> : vector<128xf32>
    %reduce_max3A_428 = vector.multi_reduction <maximumf>, %select_n3A_426, %reduce_max3A_427 [0] : vector<400x128xf32> to vector<128xf32>
    %broadcast_in_dim3A_429 = vector.shape_cast %reduce_max3A_428 : vector<128xf32> to vector<1x128xf32>
    %eq3A_430 = arith.constant 34 : i32
    %eq3A_431 = vector.broadcast %eq3A_430 : i32 to vector<400x1xi32>
    %eq3A_432 = arith.cmpi eq, %get3A_33, %eq3A_431 : vector<400x1xi32>
    %jit3A_433 = arith.constant -2.000000e+00 : f32
    %broadcast_in_dim3A_434 = vector.shape_cast %eq3A_432 : vector<400x1xi1> to vector<400x1xi1>
    %broadcast_in_dim3A_435 = vector.broadcast %broadcast_in_dim3A_434 : vector<400x1xi1> to vector<400x128xi1>
    %broadcast_in_dim3A_436 = vector.broadcast %jit3A_433 : f32 to vector<400x128xf32>
    %select_n3A_437 = arith.select %broadcast_in_dim3A_435, %select_n3A, %broadcast_in_dim3A_436 : vector<400x128xi1>, vector<400x128xf32>
    %reduce_max3A_438 = arith.constant dense<0xFF800000> : vector<128xf32>
    %reduce_max3A_439 = vector.multi_reduction <maximumf>, %select_n3A_437, %reduce_max3A_438 [0] : vector<400x128xf32> to vector<128xf32>
    %broadcast_in_dim3A_440 = vector.shape_cast %reduce_max3A_439 : vector<128xf32> to vector<1x128xf32>
    %eq3A_441 = arith.constant 35 : i32
    %eq3A_442 = vector.broadcast %eq3A_441 : i32 to vector<400x1xi32>
    %eq3A_443 = arith.cmpi eq, %get3A_33, %eq3A_442 : vector<400x1xi32>
    %jit3A_444 = arith.constant -2.000000e+00 : f32
    %broadcast_in_dim3A_445 = vector.shape_cast %eq3A_443 : vector<400x1xi1> to vector<400x1xi1>
    %broadcast_in_dim3A_446 = vector.broadcast %broadcast_in_dim3A_445 : vector<400x1xi1> to vector<400x128xi1>
    %broadcast_in_dim3A_447 = vector.broadcast %jit3A_444 : f32 to vector<400x128xf32>
    %select_n3A_448 = arith.select %broadcast_in_dim3A_446, %select_n3A, %broadcast_in_dim3A_447 : vector<400x128xi1>, vector<400x128xf32>
    %reduce_max3A_449 = arith.constant dense<0xFF800000> : vector<128xf32>
    %reduce_max3A_450 = vector.multi_reduction <maximumf>, %select_n3A_448, %reduce_max3A_449 [0] : vector<400x128xf32> to vector<128xf32>
    %broadcast_in_dim3A_451 = vector.shape_cast %reduce_max3A_450 : vector<128xf32> to vector<1x128xf32>
    %eq3A_452 = arith.constant 36 : i32
    %eq3A_453 = vector.broadcast %eq3A_452 : i32 to vector<400x1xi32>
    %eq3A_454 = arith.cmpi eq, %get3A_33, %eq3A_453 : vector<400x1xi32>
    %jit3A_455 = arith.constant -2.000000e+00 : f32
    %broadcast_in_dim3A_456 = vector.shape_cast %eq3A_454 : vector<400x1xi1> to vector<400x1xi1>
    %broadcast_in_dim3A_457 = vector.broadcast %broadcast_in_dim3A_456 : vector<400x1xi1> to vector<400x128xi1>
    %broadcast_in_dim3A_458 = vector.broadcast %jit3A_455 : f32 to vector<400x128xf32>
    %select_n3A_459 = arith.select %broadcast_in_dim3A_457, %select_n3A, %broadcast_in_dim3A_458 : vector<400x128xi1>, vector<400x128xf32>
    %reduce_max3A_460 = arith.constant dense<0xFF800000> : vector<128xf32>
    %reduce_max3A_461 = vector.multi_reduction <maximumf>, %select_n3A_459, %reduce_max3A_460 [0] : vector<400x128xf32> to vector<128xf32>
    %broadcast_in_dim3A_462 = vector.shape_cast %reduce_max3A_461 : vector<128xf32> to vector<1x128xf32>
    %eq3A_463 = arith.constant 37 : i32
    %eq3A_464 = vector.broadcast %eq3A_463 : i32 to vector<400x1xi32>
    %eq3A_465 = arith.cmpi eq, %get3A_33, %eq3A_464 : vector<400x1xi32>
    %jit3A_466 = arith.constant -2.000000e+00 : f32
    %broadcast_in_dim3A_467 = vector.shape_cast %eq3A_465 : vector<400x1xi1> to vector<400x1xi1>
    %broadcast_in_dim3A_468 = vector.broadcast %broadcast_in_dim3A_467 : vector<400x1xi1> to vector<400x128xi1>
    %broadcast_in_dim3A_469 = vector.broadcast %jit3A_466 : f32 to vector<400x128xf32>
    %select_n3A_470 = arith.select %broadcast_in_dim3A_468, %select_n3A, %broadcast_in_dim3A_469 : vector<400x128xi1>, vector<400x128xf32>
    %reduce_max3A_471 = arith.constant dense<0xFF800000> : vector<128xf32>
    %reduce_max3A_472 = vector.multi_reduction <maximumf>, %select_n3A_470, %reduce_max3A_471 [0] : vector<400x128xf32> to vector<128xf32>
    %broadcast_in_dim3A_473 = vector.shape_cast %reduce_max3A_472 : vector<128xf32> to vector<1x128xf32>
    %eq3A_474 = arith.constant 38 : i32
    %eq3A_475 = vector.broadcast %eq3A_474 : i32 to vector<400x1xi32>
    %eq3A_476 = arith.cmpi eq, %get3A_33, %eq3A_475 : vector<400x1xi32>
    %jit3A_477 = arith.constant -2.000000e+00 : f32
    %broadcast_in_dim3A_478 = vector.shape_cast %eq3A_476 : vector<400x1xi1> to vector<400x1xi1>
    %broadcast_in_dim3A_479 = vector.broadcast %broadcast_in_dim3A_478 : vector<400x1xi1> to vector<400x128xi1>
    %broadcast_in_dim3A_480 = vector.broadcast %jit3A_477 : f32 to vector<400x128xf32>
    %select_n3A_481 = arith.select %broadcast_in_dim3A_479, %select_n3A, %broadcast_in_dim3A_480 : vector<400x128xi1>, vector<400x128xf32>
    %reduce_max3A_482 = arith.constant dense<0xFF800000> : vector<128xf32>
    %reduce_max3A_483 = vector.multi_reduction <maximumf>, %select_n3A_481, %reduce_max3A_482 [0] : vector<400x128xf32> to vector<128xf32>
    %broadcast_in_dim3A_484 = vector.shape_cast %reduce_max3A_483 : vector<128xf32> to vector<1x128xf32>
    %eq3A_485 = arith.constant 39 : i32
    %eq3A_486 = vector.broadcast %eq3A_485 : i32 to vector<400x1xi32>
    %eq3A_487 = arith.cmpi eq, %get3A_33, %eq3A_486 : vector<400x1xi32>
    %jit3A_488 = arith.constant -2.000000e+00 : f32
    %broadcast_in_dim3A_489 = vector.shape_cast %eq3A_487 : vector<400x1xi1> to vector<400x1xi1>
    %broadcast_in_dim3A_490 = vector.broadcast %broadcast_in_dim3A_489 : vector<400x1xi1> to vector<400x128xi1>
    %broadcast_in_dim3A_491 = vector.broadcast %jit3A_488 : f32 to vector<400x128xf32>
    %select_n3A_492 = arith.select %broadcast_in_dim3A_490, %select_n3A, %broadcast_in_dim3A_491 : vector<400x128xi1>, vector<400x128xf32>
    %reduce_max3A_493 = arith.constant dense<0xFF800000> : vector<128xf32>
    %reduce_max3A_494 = vector.multi_reduction <maximumf>, %select_n3A_492, %reduce_max3A_493 [0] : vector<400x128xf32> to vector<128xf32>
    %broadcast_in_dim3A_495 = vector.shape_cast %reduce_max3A_494 : vector<128xf32> to vector<1x128xf32>
    %eq3A_496 = arith.constant 40 : i32
    %eq3A_497 = vector.broadcast %eq3A_496 : i32 to vector<400x1xi32>
    %eq3A_498 = arith.cmpi eq, %get3A_33, %eq3A_497 : vector<400x1xi32>
    %jit3A_499 = arith.constant -2.000000e+00 : f32
    %broadcast_in_dim3A_500 = vector.shape_cast %eq3A_498 : vector<400x1xi1> to vector<400x1xi1>
    %broadcast_in_dim3A_501 = vector.broadcast %broadcast_in_dim3A_500 : vector<400x1xi1> to vector<400x128xi1>
    %broadcast_in_dim3A_502 = vector.broadcast %jit3A_499 : f32 to vector<400x128xf32>
    %select_n3A_503 = arith.select %broadcast_in_dim3A_501, %select_n3A, %broadcast_in_dim3A_502 : vector<400x128xi1>, vector<400x128xf32>
    %reduce_max3A_504 = arith.constant dense<0xFF800000> : vector<128xf32>
    %reduce_max3A_505 = vector.multi_reduction <maximumf>, %select_n3A_503, %reduce_max3A_504 [0] : vector<400x128xf32> to vector<128xf32>
    %broadcast_in_dim3A_506 = vector.shape_cast %reduce_max3A_505 : vector<128xf32> to vector<1x128xf32>
    %eq3A_507 = arith.constant 41 : i32
    %eq3A_508 = vector.broadcast %eq3A_507 : i32 to vector<400x1xi32>
    %eq3A_509 = arith.cmpi eq, %get3A_33, %eq3A_508 : vector<400x1xi32>
    %jit3A_510 = arith.constant -2.000000e+00 : f32
    %broadcast_in_dim3A_511 = vector.shape_cast %eq3A_509 : vector<400x1xi1> to vector<400x1xi1>
    %broadcast_in_dim3A_512 = vector.broadcast %broadcast_in_dim3A_511 : vector<400x1xi1> to vector<400x128xi1>
    %broadcast_in_dim3A_513 = vector.broadcast %jit3A_510 : f32 to vector<400x128xf32>
    %select_n3A_514 = arith.select %broadcast_in_dim3A_512, %select_n3A, %broadcast_in_dim3A_513 : vector<400x128xi1>, vector<400x128xf32>
    %reduce_max3A_515 = arith.constant dense<0xFF800000> : vector<128xf32>
    %reduce_max3A_516 = vector.multi_reduction <maximumf>, %select_n3A_514, %reduce_max3A_515 [0] : vector<400x128xf32> to vector<128xf32>
    %broadcast_in_dim3A_517 = vector.shape_cast %reduce_max3A_516 : vector<128xf32> to vector<1x128xf32>
    %eq3A_518 = arith.constant 42 : i32
    %eq3A_519 = vector.broadcast %eq3A_518 : i32 to vector<400x1xi32>
    %eq3A_520 = arith.cmpi eq, %get3A_33, %eq3A_519 : vector<400x1xi32>
    %jit3A_521 = arith.constant -2.000000e+00 : f32
    %broadcast_in_dim3A_522 = vector.shape_cast %eq3A_520 : vector<400x1xi1> to vector<400x1xi1>
    %broadcast_in_dim3A_523 = vector.broadcast %broadcast_in_dim3A_522 : vector<400x1xi1> to vector<400x128xi1>
    %broadcast_in_dim3A_524 = vector.broadcast %jit3A_521 : f32 to vector<400x128xf32>
    %select_n3A_525 = arith.select %broadcast_in_dim3A_523, %select_n3A, %broadcast_in_dim3A_524 : vector<400x128xi1>, vector<400x128xf32>
    %reduce_max3A_526 = arith.constant dense<0xFF800000> : vector<128xf32>
    %reduce_max3A_527 = vector.multi_reduction <maximumf>, %select_n3A_525, %reduce_max3A_526 [0] : vector<400x128xf32> to vector<128xf32>
    %broadcast_in_dim3A_528 = vector.shape_cast %reduce_max3A_527 : vector<128xf32> to vector<1x128xf32>
    %eq3A_529 = arith.constant 43 : i32
    %eq3A_530 = vector.broadcast %eq3A_529 : i32 to vector<400x1xi32>
    %eq3A_531 = arith.cmpi eq, %get3A_33, %eq3A_530 : vector<400x1xi32>
    %jit3A_532 = arith.constant -2.000000e+00 : f32
    %broadcast_in_dim3A_533 = vector.shape_cast %eq3A_531 : vector<400x1xi1> to vector<400x1xi1>
    %broadcast_in_dim3A_534 = vector.broadcast %broadcast_in_dim3A_533 : vector<400x1xi1> to vector<400x128xi1>
    %broadcast_in_dim3A_535 = vector.broadcast %jit3A_532 : f32 to vector<400x128xf32>
    %select_n3A_536 = arith.select %broadcast_in_dim3A_534, %select_n3A, %broadcast_in_dim3A_535 : vector<400x128xi1>, vector<400x128xf32>
    %reduce_max3A_537 = arith.constant dense<0xFF800000> : vector<128xf32>
    %reduce_max3A_538 = vector.multi_reduction <maximumf>, %select_n3A_536, %reduce_max3A_537 [0] : vector<400x128xf32> to vector<128xf32>
    %broadcast_in_dim3A_539 = vector.shape_cast %reduce_max3A_538 : vector<128xf32> to vector<1x128xf32>
    %eq3A_540 = arith.constant 44 : i32
    %eq3A_541 = vector.broadcast %eq3A_540 : i32 to vector<400x1xi32>
    %eq3A_542 = arith.cmpi eq, %get3A_33, %eq3A_541 : vector<400x1xi32>
    %jit3A_543 = arith.constant -2.000000e+00 : f32
    %broadcast_in_dim3A_544 = vector.shape_cast %eq3A_542 : vector<400x1xi1> to vector<400x1xi1>
    %broadcast_in_dim3A_545 = vector.broadcast %broadcast_in_dim3A_544 : vector<400x1xi1> to vector<400x128xi1>
    %broadcast_in_dim3A_546 = vector.broadcast %jit3A_543 : f32 to vector<400x128xf32>
    %select_n3A_547 = arith.select %broadcast_in_dim3A_545, %select_n3A, %broadcast_in_dim3A_546 : vector<400x128xi1>, vector<400x128xf32>
    %reduce_max3A_548 = arith.constant dense<0xFF800000> : vector<128xf32>
    %reduce_max3A_549 = vector.multi_reduction <maximumf>, %select_n3A_547, %reduce_max3A_548 [0] : vector<400x128xf32> to vector<128xf32>
    %broadcast_in_dim3A_550 = vector.shape_cast %reduce_max3A_549 : vector<128xf32> to vector<1x128xf32>
    %eq3A_551 = arith.constant 45 : i32
    %eq3A_552 = vector.broadcast %eq3A_551 : i32 to vector<400x1xi32>
    %eq3A_553 = arith.cmpi eq, %get3A_33, %eq3A_552 : vector<400x1xi32>
    %jit3A_554 = arith.constant -2.000000e+00 : f32
    %broadcast_in_dim3A_555 = vector.shape_cast %eq3A_553 : vector<400x1xi1> to vector<400x1xi1>
    %broadcast_in_dim3A_556 = vector.broadcast %broadcast_in_dim3A_555 : vector<400x1xi1> to vector<400x128xi1>
    %broadcast_in_dim3A_557 = vector.broadcast %jit3A_554 : f32 to vector<400x128xf32>
    %select_n3A_558 = arith.select %broadcast_in_dim3A_556, %select_n3A, %broadcast_in_dim3A_557 : vector<400x128xi1>, vector<400x128xf32>
    %reduce_max3A_559 = arith.constant dense<0xFF800000> : vector<128xf32>
    %reduce_max3A_560 = vector.multi_reduction <maximumf>, %select_n3A_558, %reduce_max3A_559 [0] : vector<400x128xf32> to vector<128xf32>
    %broadcast_in_dim3A_561 = vector.shape_cast %reduce_max3A_560 : vector<128xf32> to vector<1x128xf32>
    %eq3A_562 = arith.constant 46 : i32
    %eq3A_563 = vector.broadcast %eq3A_562 : i32 to vector<400x1xi32>
    %eq3A_564 = arith.cmpi eq, %get3A_33, %eq3A_563 : vector<400x1xi32>
    %jit3A_565 = arith.constant -2.000000e+00 : f32
    %broadcast_in_dim3A_566 = vector.shape_cast %eq3A_564 : vector<400x1xi1> to vector<400x1xi1>
    %broadcast_in_dim3A_567 = vector.broadcast %broadcast_in_dim3A_566 : vector<400x1xi1> to vector<400x128xi1>
    %broadcast_in_dim3A_568 = vector.broadcast %jit3A_565 : f32 to vector<400x128xf32>
    %select_n3A_569 = arith.select %broadcast_in_dim3A_567, %select_n3A, %broadcast_in_dim3A_568 : vector<400x128xi1>, vector<400x128xf32>
    %reduce_max3A_570 = arith.constant dense<0xFF800000> : vector<128xf32>
    %reduce_max3A_571 = vector.multi_reduction <maximumf>, %select_n3A_569, %reduce_max3A_570 [0] : vector<400x128xf32> to vector<128xf32>
    %broadcast_in_dim3A_572 = vector.shape_cast %reduce_max3A_571 : vector<128xf32> to vector<1x128xf32>
    %eq3A_573 = arith.constant 47 : i32
    %eq3A_574 = vector.broadcast %eq3A_573 : i32 to vector<400x1xi32>
    %eq3A_575 = arith.cmpi eq, %get3A_33, %eq3A_574 : vector<400x1xi32>
    %jit3A_576 = arith.constant -2.000000e+00 : f32
    %broadcast_in_dim3A_577 = vector.shape_cast %eq3A_575 : vector<400x1xi1> to vector<400x1xi1>
    %broadcast_in_dim3A_578 = vector.broadcast %broadcast_in_dim3A_577 : vector<400x1xi1> to vector<400x128xi1>
    %broadcast_in_dim3A_579 = vector.broadcast %jit3A_576 : f32 to vector<400x128xf32>
    %select_n3A_580 = arith.select %broadcast_in_dim3A_578, %select_n3A, %broadcast_in_dim3A_579 : vector<400x128xi1>, vector<400x128xf32>
    %reduce_max3A_581 = arith.constant dense<0xFF800000> : vector<128xf32>
    %reduce_max3A_582 = vector.multi_reduction <maximumf>, %select_n3A_580, %reduce_max3A_581 [0] : vector<400x128xf32> to vector<128xf32>
    %broadcast_in_dim3A_583 = vector.shape_cast %reduce_max3A_582 : vector<128xf32> to vector<1x128xf32>
    %eq3A_584 = arith.constant 48 : i32
    %eq3A_585 = vector.broadcast %eq3A_584 : i32 to vector<400x1xi32>
    %eq3A_586 = arith.cmpi eq, %get3A_33, %eq3A_585 : vector<400x1xi32>
    %jit3A_587 = arith.constant -2.000000e+00 : f32
    %broadcast_in_dim3A_588 = vector.shape_cast %eq3A_586 : vector<400x1xi1> to vector<400x1xi1>
    %broadcast_in_dim3A_589 = vector.broadcast %broadcast_in_dim3A_588 : vector<400x1xi1> to vector<400x128xi1>
    %broadcast_in_dim3A_590 = vector.broadcast %jit3A_587 : f32 to vector<400x128xf32>
    %select_n3A_591 = arith.select %broadcast_in_dim3A_589, %select_n3A, %broadcast_in_dim3A_590 : vector<400x128xi1>, vector<400x128xf32>
    %reduce_max3A_592 = arith.constant dense<0xFF800000> : vector<128xf32>
    %reduce_max3A_593 = vector.multi_reduction <maximumf>, %select_n3A_591, %reduce_max3A_592 [0] : vector<400x128xf32> to vector<128xf32>
    %broadcast_in_dim3A_594 = vector.shape_cast %reduce_max3A_593 : vector<128xf32> to vector<1x128xf32>
    %eq3A_595 = arith.constant 49 : i32
    %eq3A_596 = vector.broadcast %eq3A_595 : i32 to vector<400x1xi32>
    %eq3A_597 = arith.cmpi eq, %get3A_33, %eq3A_596 : vector<400x1xi32>
    %jit3A_598 = arith.constant -2.000000e+00 : f32
    %broadcast_in_dim3A_599 = vector.shape_cast %eq3A_597 : vector<400x1xi1> to vector<400x1xi1>
    %broadcast_in_dim3A_600 = vector.broadcast %broadcast_in_dim3A_599 : vector<400x1xi1> to vector<400x128xi1>
    %broadcast_in_dim3A_601 = vector.broadcast %jit3A_598 : f32 to vector<400x128xf32>
    %select_n3A_602 = arith.select %broadcast_in_dim3A_600, %select_n3A, %broadcast_in_dim3A_601 : vector<400x128xi1>, vector<400x128xf32>
    %reduce_max3A_603 = arith.constant dense<0xFF800000> : vector<128xf32>
    %reduce_max3A_604 = vector.multi_reduction <maximumf>, %select_n3A_602, %reduce_max3A_603 [0] : vector<400x128xf32> to vector<128xf32>
    %broadcast_in_dim3A_605 = vector.shape_cast %reduce_max3A_604 : vector<128xf32> to vector<1x128xf32>
    %eq3A_606 = arith.constant 50 : i32
    %eq3A_607 = vector.broadcast %eq3A_606 : i32 to vector<400x1xi32>
    %eq3A_608 = arith.cmpi eq, %get3A_33, %eq3A_607 : vector<400x1xi32>
    %jit3A_609 = arith.constant -2.000000e+00 : f32
    %broadcast_in_dim3A_610 = vector.shape_cast %eq3A_608 : vector<400x1xi1> to vector<400x1xi1>
    %broadcast_in_dim3A_611 = vector.broadcast %broadcast_in_dim3A_610 : vector<400x1xi1> to vector<400x128xi1>
    %broadcast_in_dim3A_612 = vector.broadcast %jit3A_609 : f32 to vector<400x128xf32>
    %select_n3A_613 = arith.select %broadcast_in_dim3A_611, %select_n3A, %broadcast_in_dim3A_612 : vector<400x128xi1>, vector<400x128xf32>
    %reduce_max3A_614 = arith.constant dense<0xFF800000> : vector<128xf32>
    %reduce_max3A_615 = vector.multi_reduction <maximumf>, %select_n3A_613, %reduce_max3A_614 [0] : vector<400x128xf32> to vector<128xf32>
    %broadcast_in_dim3A_616 = vector.shape_cast %reduce_max3A_615 : vector<128xf32> to vector<1x128xf32>
    %eq3A_617 = arith.constant 51 : i32
    %eq3A_618 = vector.broadcast %eq3A_617 : i32 to vector<400x1xi32>
    %eq3A_619 = arith.cmpi eq, %get3A_33, %eq3A_618 : vector<400x1xi32>
    %jit3A_620 = arith.constant -2.000000e+00 : f32
    %broadcast_in_dim3A_621 = vector.shape_cast %eq3A_619 : vector<400x1xi1> to vector<400x1xi1>
    %broadcast_in_dim3A_622 = vector.broadcast %broadcast_in_dim3A_621 : vector<400x1xi1> to vector<400x128xi1>
    %broadcast_in_dim3A_623 = vector.broadcast %jit3A_620 : f32 to vector<400x128xf32>
    %select_n3A_624 = arith.select %broadcast_in_dim3A_622, %select_n3A, %broadcast_in_dim3A_623 : vector<400x128xi1>, vector<400x128xf32>
    %reduce_max3A_625 = arith.constant dense<0xFF800000> : vector<128xf32>
    %reduce_max3A_626 = vector.multi_reduction <maximumf>, %select_n3A_624, %reduce_max3A_625 [0] : vector<400x128xf32> to vector<128xf32>
    %broadcast_in_dim3A_627 = vector.shape_cast %reduce_max3A_626 : vector<128xf32> to vector<1x128xf32>
    %eq3A_628 = arith.constant 52 : i32
    %eq3A_629 = vector.broadcast %eq3A_628 : i32 to vector<400x1xi32>
    %eq3A_630 = arith.cmpi eq, %get3A_33, %eq3A_629 : vector<400x1xi32>
    %jit3A_631 = arith.constant -2.000000e+00 : f32
    %broadcast_in_dim3A_632 = vector.shape_cast %eq3A_630 : vector<400x1xi1> to vector<400x1xi1>
    %broadcast_in_dim3A_633 = vector.broadcast %broadcast_in_dim3A_632 : vector<400x1xi1> to vector<400x128xi1>
    %broadcast_in_dim3A_634 = vector.broadcast %jit3A_631 : f32 to vector<400x128xf32>
    %select_n3A_635 = arith.select %broadcast_in_dim3A_633, %select_n3A, %broadcast_in_dim3A_634 : vector<400x128xi1>, vector<400x128xf32>
    %reduce_max3A_636 = arith.constant dense<0xFF800000> : vector<128xf32>
    %reduce_max3A_637 = vector.multi_reduction <maximumf>, %select_n3A_635, %reduce_max3A_636 [0] : vector<400x128xf32> to vector<128xf32>
    %broadcast_in_dim3A_638 = vector.shape_cast %reduce_max3A_637 : vector<128xf32> to vector<1x128xf32>
    %eq3A_639 = arith.constant 53 : i32
    %eq3A_640 = vector.broadcast %eq3A_639 : i32 to vector<400x1xi32>
    %eq3A_641 = arith.cmpi eq, %get3A_33, %eq3A_640 : vector<400x1xi32>
    %jit3A_642 = arith.constant -2.000000e+00 : f32
    %broadcast_in_dim3A_643 = vector.shape_cast %eq3A_641 : vector<400x1xi1> to vector<400x1xi1>
    %broadcast_in_dim3A_644 = vector.broadcast %broadcast_in_dim3A_643 : vector<400x1xi1> to vector<400x128xi1>
    %broadcast_in_dim3A_645 = vector.broadcast %jit3A_642 : f32 to vector<400x128xf32>
    %select_n3A_646 = arith.select %broadcast_in_dim3A_644, %select_n3A, %broadcast_in_dim3A_645 : vector<400x128xi1>, vector<400x128xf32>
    %reduce_max3A_647 = arith.constant dense<0xFF800000> : vector<128xf32>
    %reduce_max3A_648 = vector.multi_reduction <maximumf>, %select_n3A_646, %reduce_max3A_647 [0] : vector<400x128xf32> to vector<128xf32>
    %broadcast_in_dim3A_649 = vector.shape_cast %reduce_max3A_648 : vector<128xf32> to vector<1x128xf32>
    %eq3A_650 = arith.constant 54 : i32
    %eq3A_651 = vector.broadcast %eq3A_650 : i32 to vector<400x1xi32>
    %eq3A_652 = arith.cmpi eq, %get3A_33, %eq3A_651 : vector<400x1xi32>
    %jit3A_653 = arith.constant -2.000000e+00 : f32
    %broadcast_in_dim3A_654 = vector.shape_cast %eq3A_652 : vector<400x1xi1> to vector<400x1xi1>
    %broadcast_in_dim3A_655 = vector.broadcast %broadcast_in_dim3A_654 : vector<400x1xi1> to vector<400x128xi1>
    %broadcast_in_dim3A_656 = vector.broadcast %jit3A_653 : f32 to vector<400x128xf32>
    %select_n3A_657 = arith.select %broadcast_in_dim3A_655, %select_n3A, %broadcast_in_dim3A_656 : vector<400x128xi1>, vector<400x128xf32>
    %reduce_max3A_658 = arith.constant dense<0xFF800000> : vector<128xf32>
    %reduce_max3A_659 = vector.multi_reduction <maximumf>, %select_n3A_657, %reduce_max3A_658 [0] : vector<400x128xf32> to vector<128xf32>
    %broadcast_in_dim3A_660 = vector.shape_cast %reduce_max3A_659 : vector<128xf32> to vector<1x128xf32>
    %eq3A_661 = arith.constant 55 : i32
    %eq3A_662 = vector.broadcast %eq3A_661 : i32 to vector<400x1xi32>
    %eq3A_663 = arith.cmpi eq, %get3A_33, %eq3A_662 : vector<400x1xi32>
    %jit3A_664 = arith.constant -2.000000e+00 : f32
    %broadcast_in_dim3A_665 = vector.shape_cast %eq3A_663 : vector<400x1xi1> to vector<400x1xi1>
    %broadcast_in_dim3A_666 = vector.broadcast %broadcast_in_dim3A_665 : vector<400x1xi1> to vector<400x128xi1>
    %broadcast_in_dim3A_667 = vector.broadcast %jit3A_664 : f32 to vector<400x128xf32>
    %select_n3A_668 = arith.select %broadcast_in_dim3A_666, %select_n3A, %broadcast_in_dim3A_667 : vector<400x128xi1>, vector<400x128xf32>
    %reduce_max3A_669 = arith.constant dense<0xFF800000> : vector<128xf32>
    %reduce_max3A_670 = vector.multi_reduction <maximumf>, %select_n3A_668, %reduce_max3A_669 [0] : vector<400x128xf32> to vector<128xf32>
    %broadcast_in_dim3A_671 = vector.shape_cast %reduce_max3A_670 : vector<128xf32> to vector<1x128xf32>
    %eq3A_672 = arith.constant 56 : i32
    %eq3A_673 = vector.broadcast %eq3A_672 : i32 to vector<400x1xi32>
    %eq3A_674 = arith.cmpi eq, %get3A_33, %eq3A_673 : vector<400x1xi32>
    %jit3A_675 = arith.constant -2.000000e+00 : f32
    %broadcast_in_dim3A_676 = vector.shape_cast %eq3A_674 : vector<400x1xi1> to vector<400x1xi1>
    %broadcast_in_dim3A_677 = vector.broadcast %broadcast_in_dim3A_676 : vector<400x1xi1> to vector<400x128xi1>
    %broadcast_in_dim3A_678 = vector.broadcast %jit3A_675 : f32 to vector<400x128xf32>
    %select_n3A_679 = arith.select %broadcast_in_dim3A_677, %select_n3A, %broadcast_in_dim3A_678 : vector<400x128xi1>, vector<400x128xf32>
    %reduce_max3A_680 = arith.constant dense<0xFF800000> : vector<128xf32>
    %reduce_max3A_681 = vector.multi_reduction <maximumf>, %select_n3A_679, %reduce_max3A_680 [0] : vector<400x128xf32> to vector<128xf32>
    %broadcast_in_dim3A_682 = vector.shape_cast %reduce_max3A_681 : vector<128xf32> to vector<1x128xf32>
    %eq3A_683 = arith.constant 57 : i32
    %eq3A_684 = vector.broadcast %eq3A_683 : i32 to vector<400x1xi32>
    %eq3A_685 = arith.cmpi eq, %get3A_33, %eq3A_684 : vector<400x1xi32>
    %jit3A_686 = arith.constant -2.000000e+00 : f32
    %broadcast_in_dim3A_687 = vector.shape_cast %eq3A_685 : vector<400x1xi1> to vector<400x1xi1>
    %broadcast_in_dim3A_688 = vector.broadcast %broadcast_in_dim3A_687 : vector<400x1xi1> to vector<400x128xi1>
    %broadcast_in_dim3A_689 = vector.broadcast %jit3A_686 : f32 to vector<400x128xf32>
    %select_n3A_690 = arith.select %broadcast_in_dim3A_688, %select_n3A, %broadcast_in_dim3A_689 : vector<400x128xi1>, vector<400x128xf32>
    %reduce_max3A_691 = arith.constant dense<0xFF800000> : vector<128xf32>
    %reduce_max3A_692 = vector.multi_reduction <maximumf>, %select_n3A_690, %reduce_max3A_691 [0] : vector<400x128xf32> to vector<128xf32>
    %broadcast_in_dim3A_693 = vector.shape_cast %reduce_max3A_692 : vector<128xf32> to vector<1x128xf32>
    %eq3A_694 = arith.constant 58 : i32
    %eq3A_695 = vector.broadcast %eq3A_694 : i32 to vector<400x1xi32>
    %eq3A_696 = arith.cmpi eq, %get3A_33, %eq3A_695 : vector<400x1xi32>
    %jit3A_697 = arith.constant -2.000000e+00 : f32
    %broadcast_in_dim3A_698 = vector.shape_cast %eq3A_696 : vector<400x1xi1> to vector<400x1xi1>
    %broadcast_in_dim3A_699 = vector.broadcast %broadcast_in_dim3A_698 : vector<400x1xi1> to vector<400x128xi1>
    %broadcast_in_dim3A_700 = vector.broadcast %jit3A_697 : f32 to vector<400x128xf32>
    %select_n3A_701 = arith.select %broadcast_in_dim3A_699, %select_n3A, %broadcast_in_dim3A_700 : vector<400x128xi1>, vector<400x128xf32>
    %reduce_max3A_702 = arith.constant dense<0xFF800000> : vector<128xf32>
    %reduce_max3A_703 = vector.multi_reduction <maximumf>, %select_n3A_701, %reduce_max3A_702 [0] : vector<400x128xf32> to vector<128xf32>
    %broadcast_in_dim3A_704 = vector.shape_cast %reduce_max3A_703 : vector<128xf32> to vector<1x128xf32>
    %eq3A_705 = arith.constant 59 : i32
    %eq3A_706 = vector.broadcast %eq3A_705 : i32 to vector<400x1xi32>
    %eq3A_707 = arith.cmpi eq, %get3A_33, %eq3A_706 : vector<400x1xi32>
    %jit3A_708 = arith.constant -2.000000e+00 : f32
    %broadcast_in_dim3A_709 = vector.shape_cast %eq3A_707 : vector<400x1xi1> to vector<400x1xi1>
    %broadcast_in_dim3A_710 = vector.broadcast %broadcast_in_dim3A_709 : vector<400x1xi1> to vector<400x128xi1>
    %broadcast_in_dim3A_711 = vector.broadcast %jit3A_708 : f32 to vector<400x128xf32>
    %select_n3A_712 = arith.select %broadcast_in_dim3A_710, %select_n3A, %broadcast_in_dim3A_711 : vector<400x128xi1>, vector<400x128xf32>
    %reduce_max3A_713 = arith.constant dense<0xFF800000> : vector<128xf32>
    %reduce_max3A_714 = vector.multi_reduction <maximumf>, %select_n3A_712, %reduce_max3A_713 [0] : vector<400x128xf32> to vector<128xf32>
    %broadcast_in_dim3A_715 = vector.shape_cast %reduce_max3A_714 : vector<128xf32> to vector<1x128xf32>
    %eq3A_716 = arith.constant 60 : i32
    %eq3A_717 = vector.broadcast %eq3A_716 : i32 to vector<400x1xi32>
    %eq3A_718 = arith.cmpi eq, %get3A_33, %eq3A_717 : vector<400x1xi32>
    %jit3A_719 = arith.constant -2.000000e+00 : f32
    %broadcast_in_dim3A_720 = vector.shape_cast %eq3A_718 : vector<400x1xi1> to vector<400x1xi1>
    %broadcast_in_dim3A_721 = vector.broadcast %broadcast_in_dim3A_720 : vector<400x1xi1> to vector<400x128xi1>
    %broadcast_in_dim3A_722 = vector.broadcast %jit3A_719 : f32 to vector<400x128xf32>
    %select_n3A_723 = arith.select %broadcast_in_dim3A_721, %select_n3A, %broadcast_in_dim3A_722 : vector<400x128xi1>, vector<400x128xf32>
    %reduce_max3A_724 = arith.constant dense<0xFF800000> : vector<128xf32>
    %reduce_max3A_725 = vector.multi_reduction <maximumf>, %select_n3A_723, %reduce_max3A_724 [0] : vector<400x128xf32> to vector<128xf32>
    %broadcast_in_dim3A_726 = vector.shape_cast %reduce_max3A_725 : vector<128xf32> to vector<1x128xf32>
    %eq3A_727 = arith.constant 61 : i32
    %eq3A_728 = vector.broadcast %eq3A_727 : i32 to vector<400x1xi32>
    %eq3A_729 = arith.cmpi eq, %get3A_33, %eq3A_728 : vector<400x1xi32>
    %jit3A_730 = arith.constant -2.000000e+00 : f32
    %broadcast_in_dim3A_731 = vector.shape_cast %eq3A_729 : vector<400x1xi1> to vector<400x1xi1>
    %broadcast_in_dim3A_732 = vector.broadcast %broadcast_in_dim3A_731 : vector<400x1xi1> to vector<400x128xi1>
    %broadcast_in_dim3A_733 = vector.broadcast %jit3A_730 : f32 to vector<400x128xf32>
    %select_n3A_734 = arith.select %broadcast_in_dim3A_732, %select_n3A, %broadcast_in_dim3A_733 : vector<400x128xi1>, vector<400x128xf32>
    %reduce_max3A_735 = arith.constant dense<0xFF800000> : vector<128xf32>
    %reduce_max3A_736 = vector.multi_reduction <maximumf>, %select_n3A_734, %reduce_max3A_735 [0] : vector<400x128xf32> to vector<128xf32>
    %broadcast_in_dim3A_737 = vector.shape_cast %reduce_max3A_736 : vector<128xf32> to vector<1x128xf32>
    %eq3A_738 = arith.constant 62 : i32
    %eq3A_739 = vector.broadcast %eq3A_738 : i32 to vector<400x1xi32>
    %eq3A_740 = arith.cmpi eq, %get3A_33, %eq3A_739 : vector<400x1xi32>
    %jit3A_741 = arith.constant -2.000000e+00 : f32
    %broadcast_in_dim3A_742 = vector.shape_cast %eq3A_740 : vector<400x1xi1> to vector<400x1xi1>
    %broadcast_in_dim3A_743 = vector.broadcast %broadcast_in_dim3A_742 : vector<400x1xi1> to vector<400x128xi1>
    %broadcast_in_dim3A_744 = vector.broadcast %jit3A_741 : f32 to vector<400x128xf32>
    %select_n3A_745 = arith.select %broadcast_in_dim3A_743, %select_n3A, %broadcast_in_dim3A_744 : vector<400x128xi1>, vector<400x128xf32>
    %reduce_max3A_746 = arith.constant dense<0xFF800000> : vector<128xf32>
    %reduce_max3A_747 = vector.multi_reduction <maximumf>, %select_n3A_745, %reduce_max3A_746 [0] : vector<400x128xf32> to vector<128xf32>
    %broadcast_in_dim3A_748 = vector.shape_cast %reduce_max3A_747 : vector<128xf32> to vector<1x128xf32>
    %eq3A_749 = arith.constant 63 : i32
    %eq3A_750 = vector.broadcast %eq3A_749 : i32 to vector<400x1xi32>
    %eq3A_751 = arith.cmpi eq, %get3A_33, %eq3A_750 : vector<400x1xi32>
    %jit3A_752 = arith.constant -2.000000e+00 : f32
    %broadcast_in_dim3A_753 = vector.shape_cast %eq3A_751 : vector<400x1xi1> to vector<400x1xi1>
    %broadcast_in_dim3A_754 = vector.broadcast %broadcast_in_dim3A_753 : vector<400x1xi1> to vector<400x128xi1>
    %broadcast_in_dim3A_755 = vector.broadcast %jit3A_752 : f32 to vector<400x128xf32>
    %select_n3A_756 = arith.select %broadcast_in_dim3A_754, %select_n3A, %broadcast_in_dim3A_755 : vector<400x128xi1>, vector<400x128xf32>
    %reduce_max3A_757 = arith.constant dense<0xFF800000> : vector<128xf32>
    %reduce_max3A_758 = vector.multi_reduction <maximumf>, %select_n3A_756, %reduce_max3A_757 [0] : vector<400x128xf32> to vector<128xf32>
    %broadcast_in_dim3A_759 = vector.shape_cast %reduce_max3A_758 : vector<128xf32> to vector<1x128xf32>
    %get3A_760 = arith.constant 0 : index
    %get3A_761 = arith.constant 0 : index
    %get3A_762 = vector.load %arg8[%get3A_760, %get3A_761] : memref<64x128xf32, #tpu.memory_space<vmem>>, vector<64x128xf32>
    %concatenate3A = tpu.concatenate %broadcast_in_dim3A_66, %broadcast_in_dim3A_77, %broadcast_in_dim3A_88, %broadcast_in_dim3A_99, %broadcast_in_dim3A_110, %broadcast_in_dim3A_121, %broadcast_in_dim3A_132, %broadcast_in_dim3A_143, %broadcast_in_dim3A_154, %broadcast_in_dim3A_165, %broadcast_in_dim3A_176, %broadcast_in_dim3A_187, %broadcast_in_dim3A_198, %broadcast_in_dim3A_209, %broadcast_in_dim3A_220, %broadcast_in_dim3A_231, %broadcast_in_dim3A_242, %broadcast_in_dim3A_253, %broadcast_in_dim3A_264, %broadcast_in_dim3A_275, %broadcast_in_dim3A_286, %broadcast_in_dim3A_297, %broadcast_in_dim3A_308, %broadcast_in_dim3A_319, %broadcast_in_dim3A_330, %broadcast_in_dim3A_341, %broadcast_in_dim3A_352, %broadcast_in_dim3A_363, %broadcast_in_dim3A_374, %broadcast_in_dim3A_385, %broadcast_in_dim3A_396, %broadcast_in_dim3A_407, %broadcast_in_dim3A_418, %broadcast_in_dim3A_429, %broadcast_in_dim3A_440, %broadcast_in_dim3A_451, %broadcast_in_dim3A_462, %broadcast_in_dim3A_473, %broadcast_in_dim3A_484, %broadcast_in_dim3A_495, %broadcast_in_dim3A_506, %broadcast_in_dim3A_517, %broadcast_in_dim3A_528, %broadcast_in_dim3A_539, %broadcast_in_dim3A_550, %broadcast_in_dim3A_561, %broadcast_in_dim3A_572, %broadcast_in_dim3A_583, %broadcast_in_dim3A_594, %broadcast_in_dim3A_605, %broadcast_in_dim3A_616, %broadcast_in_dim3A_627, %broadcast_in_dim3A_638, %broadcast_in_dim3A_649, %broadcast_in_dim3A_660, %broadcast_in_dim3A_671, %broadcast_in_dim3A_682, %broadcast_in_dim3A_693, %broadcast_in_dim3A_704, %broadcast_in_dim3A_715, %broadcast_in_dim3A_726, %broadcast_in_dim3A_737, %broadcast_in_dim3A_748, %broadcast_in_dim3A_759 in 0 : vector<1x128xf32>, vector<1x128xf32>, vector<1x128xf32>, vector<1x128xf32>, vector<1x128xf32>, vector<1x128xf32>, vector<1x128xf32>, vector<1x128xf32>, vector<1x128xf32>, vector<1x128xf32>, vector<1x128xf32>, vector<1x128xf32>, vector<1x128xf32>, vector<1x128xf32>, vector<1x128xf32>, vector<1x128xf32>, vector<1x128xf32>, vector<1x128xf32>, vector<1x128xf32>, vector<1x128xf32>, vector<1x128xf32>, vector<1x128xf32>, vector<1x128xf32>, vector<1x128xf32>, vector<1x128xf32>, vector<1x128xf32>, vector<1x128xf32>, vector<1x128xf32>, vector<1x128xf32>, vector<1x128xf32>, vector<1x128xf32>, vector<1x128xf32>, vector<1x128xf32>, vector<1x128xf32>, vector<1x128xf32>, vector<1x128xf32>, vector<1x128xf32>, vector<1x128xf32>, vector<1x128xf32>, vector<1x128xf32>, vector<1x128xf32>, vector<1x128xf32>, vector<1x128xf32>, vector<1x128xf32>, vector<1x128xf32>, vector<1x128xf32>, vector<1x128xf32>, vector<1x128xf32>, vector<1x128xf32>, vector<1x128xf32>, vector<1x128xf32>, vector<1x128xf32>, vector<1x128xf32>, vector<1x128xf32>, vector<1x128xf32>, vector<1x128xf32>, vector<1x128xf32>, vector<1x128xf32>, vector<1x128xf32>, vector<1x128xf32>, vector<1x128xf32>, vector<1x128xf32>, vector<1x128xf32>, vector<1x128xf32> -> vector<64x128xf32>
    %max3A = arith.maximumf %get3A_762, %concatenate3A : vector<64x128xf32>
    %swap3A_763 = arith.constant 0 : index
    %swap3A_764 = arith.constant 0 : index
    %swap3A_765 = vector.load %arg8[%swap3A_763, %swap3A_764] : memref<64x128xf32, #tpu.memory_space<vmem>>, vector<64x128xf32>
    tpu.vector_store %arg8[%swap3A_763, %swap3A_764], %max3A {strides = array<i32>} : memref<64x128xf32, #tpu.memory_space<vmem>>, vector<64x128xf32>,
    return
  }
  func.func @transform_0(%arg0: i32) -> (i32, i32) {
    %c0_i32 = arith.constant 0 : i32
    %c0_i32_0 = arith.constant 0 : i32
    return %arg0, %c0_i32 : i32, i32
  }
  func.func @transform_1(%arg0: i32) -> (i32, i32) {
    %c0_i32 = arith.constant 0 : i32
    %c0_i32_0 = arith.constant 0 : i32
    %c0_i32_1 = arith.constant 0 : i32
    return %c0_i32, %c0_i32_0 : i32, i32
  }
  func.func @transform_2(%arg0: i32) -> (i32, i32) {
    %c0_i32 = arith.constant 0 : i32
    %c0_i32_0 = arith.constant 0 : i32
    %c0_i32_1 = arith.constant 0 : i32
    return %c0_i32, %c0_i32_0 : i32, i32
  }
  func.func @transform_3(%arg0: i32) -> (i32, i32) {
    %c0_i32 = arith.constant 0 : i32
    %c0_i32_0 = arith.constant 0 : i32
    %c0_i32_1 = arith.constant 0 : i32
    return %c0_i32, %c0_i32_0 : i32, i32
  }
  func.func @transform_4(%arg0: i32) -> (i32, i32) {
    %c0_i32 = arith.constant 0 : i32
    %c0_i32_0 = arith.constant 0 : i32
    return %arg0, %c0_i32 : i32, i32
  }
  func.func @transform_5(%arg0: i32) -> (i32, i32) {
    %c0_i32 = arith.constant 0 : i32
    %c0_i32_0 = arith.constant 0 : i32
    %c0_i32_1 = arith.constant 0 : i32
    return %c0_i32, %c0_i32_0 : i32, i32
  }
  func.func @transform_6(%arg0: i32) -> (i32, i32) {
    %c0_i32 = arith.constant 0 : i32
    %c0_i32_0 = arith.constant 0 : i32
    %c0_i32_1 = arith.constant 0 : i32
    return %c0_i32, %c0_i32_0 : i32, i32
  }
  func.func @transform_7(%arg0: i32) -> (i32, i32) {
    %c0_i32 = arith.constant 0 : i32
    %c0_i32_0 = arith.constant 0 : i32
    %c0_i32_1 = arith.constant 0 : i32
    return %c0_i32, %c0_i32_0 : i32, i32
  }
}

</mosaic_0001>

<sc_bundles>
// kernel: kernel.15.cloned.1.call-start
scs
__scs_entry_jumppad:
0x0: {  	(pc) =	sbr.rel $0x88, $3  }
0x1: {  	(tag) =	ssettag $0x0;
	lr =	simm.s32 $0x1  }
0x2: {  	[smem:$0x3F8D] =	sst lr;
	_ =	strace $0xD0000000  }
0x3: {  	_ = 	snop  }
0x4: {  	_ = 	snop  }
0x5: {  	_ = 	snop  }
0x6: {  	_ = 	snop  }
0x7: {  	_ = 	snop  }
__scs_overlays_trampoline_lowered:
0x8: {  	[smem:$0x3F9C] =	sst s0  }
0x9: {  	[smem:$0x3F9D] =	sst s1  }
0xa: {  	[smem:$0x3F9E] =	sst s2  }
0xb: {  	[smem:$0x3F9F] =	sst s3  }
0xc: {  	[smem:$0x3FA0] =	sst s4  }
0xd: {  	[smem:$0x3FA1] =	sst s5  }
0xe: {  	[smem:$0x3FA2] =	sst s6  }
0xf: {  	[smem:$0x3FA3] =	sst s7  }
0x10: {  	[smem:$0x3FA4] =	sst s8  }
0x11: {  	[smem:$0x3FA5] =	sst s9;
	s0 =	simm.s32 @!p0 $0x0  }
0x12: {  	s1 =	sld [smem:$0x3F8B];
	s0 =	simm.s32 @p0 $0x1  }
0x13: {  	[smem:$0x3FA6] =	sst s0;
	s0 =	simm.s32 @!p1 $0x0  }
0x14: {  	s2 =	sld [smem:$0x3F8A];
	s0 =	simm.s32 @p1 $0x1  }
0x15: {  	[smem:$0x3FA7] =	sst s0;
	s0 =	simm.s32 @!p2 $0x0  }
0x16: {  	s3 =	sld [smem:$0x3FDB];
	s0 =	simm.s32 @p2 $0x1  }
0x17: {  	s4 =	simm.s32 $0x1BF5;
	[smem:$0x3FA9] =	sst s0  }
0x18: {  	s0 =	sld [smem:$0x3F8C];
	_ =	swait.ge [sflag:s4], $0x0  }
0x19: {  	s7 =	sld [smem:$0x3F8D]  }
0x1a: {  	s8 =	sadd.s32 $0xFFFFE003, lr  }
0x1b: {  	s9 =	sadd.s32 $0xFFFFFEF7, lr;
	s5 =	simm.s32 $0xFFFFFFFF;
	p2 =	slt.u32 s8, $0xFFFFF086  }
0x1c: {  	p1 =	slt.u32 s9, $0xF7A;
	s5 =	simm.s32 @!p2 $0x0  }
0x1d: {  	s5 =	simm.s32 @p1 $0x1;
	p0 =	seq.s32 s7, s2  }
0x1e: {  	s7 =	smul.u32 @!p0 $0xF7A, s2;
	p2 =	seq.s32 @!p0 s5, $0x0  }
0x1f: {  	s9 =	smul.u32 $0xF7A, s1;
	s8 =	simm.s32 @!p0 $0x1BF5;
	p2 =	por !p2, p0  }
0x20: {  	[sflag:s8] =	ssyncset.s32 @!p0 $0xFFFFF086;
	s6 =	sadd.s32 @!p0 s3, s7;
	s7 =	simm.s32 @!p0 $0x108  }
0x21: {  	s3 =	sadd.s32 s3, s9;
	s6 =	sadd.s32 @!p0 $0x88, s6;
	s7 =	simm.s32 @p2 $0x1082  }
0x22: {  	[simem:s7], [sflag:s8] =	dma.local @!p0 [hbm:s6], $0xF7A  }
0x23: {  	s9 =	sor.u32 $0xD0000000, s2;
	s6 =	simm.s32 $0x108;
	_ =	swait.ge @!p0 [sflag:s8], $0x0  }
0x24: {  	s3 =	sadd.s32 $0x88, s3;
	s6 =	simm.s32 @!p1 $0x1082;
	[sflag:s4] =	ssyncset.s32 $0xFFFFF086  }
0x25: {  	[simem:s6], [sflag:s4] =	dma.local [hbm:s3], $0xF7A  }
0x26: {  	[smem:$0x3F8D] =	sst s1;
	(tag) =	ssettag s2;
	_ =	strace s9  }
0x27: {  	s1 =	sld [smem:$0x3F9D]  }
0x28: {  	s2 =	sld [smem:$0x3F9E]  }
0x29: {  	s4 =	sld [smem:$0x3FA0]  }
0x2a: {  	p0 =	seq.s32 s5, $0x0;
	s5 =	sld [smem:$0x3FA1]  }
0x2b: {  	s6 =	sld [smem:$0x3FA2]  }
0x2c: {  	s7 =	sld [smem:$0x3FA3]  }
0x2d: {  	s3 =	simm.s32 $0x108;
	s8 =	sld [smem:$0x3FA4]  }
0x2e: {  	s3 =	simm.s32 @!p0 $0x1082;
	s9 =	sld [smem:$0x3FA5]  }
0x2f: {  	lr =	sadd.s32 s0, s3;
	s0 =	sld [smem:$0x3F9C]  }
0x30: {  	s3 =	sld [smem:$0x3F9F]  }
0x31: {  	[smem:$0x3FA8] =	sst s10  }
0x32: {  	s10 =	sld [smem:$0x3FA6];
	_ =	sdelay $0x3  }
0x33: {  	p0 =	seq.s32 s10, $0x1;
	s10 =	sld [smem:$0x3FA8];
	_ =	sdelay $0x3  }
0x34: {  	[smem:$0x3FA8] =	sst s10  }
0x35: {  	s10 =	sld [smem:$0x3FA7];
	_ =	sdelay $0x3  }
0x36: {  	p1 =	seq.s32 s10, $0x1;
	s10 =	sld [smem:$0x3FA8];
	_ =	sdelay $0x3  }
0x37: {  	[smem:$0x3FA8] =	sst s10  }
0x38: {  	s10 =	sld [smem:$0x3FA9]  }
0x39: {  	_ = 	snop;
	(pc) =	sbr.ind lr, $3  }
0x3a: {  	_ = 	snop  }
0x3b: {  	_ = 	snop  }
0x3c: {  	p2 =	seq.s32 s10, $0x1;
	s10 =	sld [smem:$0x3FA8]  }
0x3d: {  	_ =	shalt  }
0x3e: {  	_ =	shalt  }
0x3f: {  	_ =	shalt  }
0x40: {  	_ =	shalt  }
0x41: {  	_ =	shalt  }
0x42: {  	_ =	shalt  }
0x43: {  	_ =	shalt  }
0x44: {  	_ =	shalt  }
0x45: {  	_ =	shalt  }
0x46: {  	_ =	shalt  }
0x47: {  	_ =	shalt  }
0x48: {  	_ =	shalt  }
0x49: {  	_ =	shalt  }
0x4a: {  	_ =	shalt  }
0x4b: {  	_ =	shalt  }
0x4c: {  	_ =	shalt  }
0x4d: {  	_ =	shalt  }
0x4e: {  	_ =	shalt  }
0x4f: {  	_ =	shalt  }
0x50: {  	_ =	shalt  }
0x51: {  	_ =	shalt  }
0x52: {  	_ =	shalt  }
0x53: {  	_ =	shalt  }
0x54: {  	_ =	shalt  }
0x55: {  	_ =	shalt  }
0x56: {  	_ =	shalt  }
0x57: {  	_ =	shalt  }
0x58: {  	_ =	shalt  }
0x59: {  	_ =	shalt  }
0x5a: {  	_ =	shalt  }
0x5b: {  	_ =	shalt  }
0x5c: {  	_ =	shalt  }
0x5d: {  	_ =	shalt  }
0x5e: {  	_ =	shalt  }
0x5f: {  	_ =	shalt  }
0x60: {  	_ =	shalt  }
0x61: {  	_ =	shalt  }
0x62: {  	_ =	shalt  }
0x63: {  	_ =	shalt  }
0x64: {  	_ =	shalt  }
0x65: {  	_ =	shalt  }
0x66: {  	_ =	shalt  }
0x67: {  	_ =	shalt  }
0x68: {  	_ =	shalt  }
0x69: {  	_ =	shalt  }
0x6a: {  	_ =	shalt  }
0x6b: {  	_ =	shalt  }
0x6c: {  	_ =	shalt  }
0x6d: {  	_ =	shalt  }
0x6e: {  	_ =	shalt  }
0x6f: {  	_ =	shalt  }
0x70: {  	_ =	shalt  }
0x71: {  	_ =	shalt  }
0x72: {  	_ =	shalt  }
0x73: {  	_ =	shalt  }
0x74: {  	_ =	shalt  }
0x75: {  	_ =	shalt  }
0x76: {  	_ =	shalt  }
0x77: {  	_ =	shalt  }
0x78: {  	_ =	shalt  }
0x79: {  	_ =	shalt  }
0x7a: {  	_ =	shalt  }
0x7b: {  	_ =	shalt  }
0x7c: {  	_ =	shalt  }
0x7d: {  	_ =	shalt  }
0x7e: {  	_ =	shalt  }
0x7f: {  	_ =	shalt  }
0x80: {  	_ =	shalt  }
0x81: {  	_ =	shalt  }
0x82: {  	_ =	shalt  }
0x83: {  	_ =	shalt  }
0x84: {  	_ =	shalt  }
0x85: {  	_ =	shalt  }
0x86: {  	_ =	shalt  }
0x87: {  	_ =	shalt  }
.Lfunc_end0:
.L_simem_size_0:
called_computation_lowered:
.L_overlay_start_0:
0x88: {  	s2 =	sld [smem:$0x3FD9]  }
0x89: {  	s3 =	sld [smem:$0x3FFE];
	_ =	sdelay $0x1  }
0x8a: {  	s1 =	srdreg.scid  }
0x8b: {  	s0 =	sand.u32 $0x1, s1  }
0x8c: {  	s17 =	sshll.u32 s0, $0xA;
	s2 =	sadd.s32 s3, s2  }
0x8d: {  	s2 =	sadd.s32 s2, s17  }
0x8e: {  	[smem:$0x3FB4] =	sst s2  }
0x8f: {  	_ = 	snop  }
0x90: {  	s2 =	sld [smem:$0x3FC7];
	(tm) =	ssettm $0x1  }
0x91: {  	s18 =	sld [smem:$0x3FFB];
	_ =	sdelay $0x3  }
0x92: {  	_ =	strace s18  }
0x93: {  	s3 =	sld [smem:$0x3FFC];
	_ =	sdelay $0x3  }
0x94: {  	_ =	strace s3  }
0x95: {  	s3 =	sld [smem:$0x3FFD];
	_ =	sdelay $0x3  }
0x96: {  	_ =	strace s3  }
0x97: {  	_ =	strace $0x8FFFFFFF  }
0x98: {  	s19 =	sld [smem:$0x3FDB];
	_ =	sdelay $0x1  }
0x99: {  	s4 =	simm.s32 $_scs_section_size  }
0x9a: {  	s5 =	simm.s32 $_size__tile_overlayer_lowered;
	s6 =	simm.s32 $_tile_overlayer_lowered  }
0x9b: {  	s22 =	simm.s32 $0x1BFF;
	s21 =	sshll.u32 s6, $0x1;
	s3 =	sadd.s32 s4, s19  }
0x9c: {  	s7 =	simm.s32 $0x0;
	s20 =	sshll.u32 s5, $0x1;
	s5 =	sadd.s32 s21, s3  }
0x9d: {  	[timem:s7], [sflag:s22] =	dma.local [hbm:s5], s20  }
0x9e: {  	_ =	swait.ge [sflag:s22], s20  }
0x9f: {  	s4 =	ssub.s32 $0x0, s20;
	[sflag:s22] =	ssyncset.done $0x0  }
0xa0: {  	[sflag:s22] =	ssyncadd.s32 s4;
	_ =	sdelay $0x1  }
0xa1: {  	s23 =	simm.s32 $0x1B8B  }
0xa2: {  	_ =	swait.ge [sflag:s23], $0x1  }
0xa3: {  	[sflag:s23] =	ssyncset.done $0x0  }
0xa4: {  	s25 =	simm.s32 $0x1B8E;
	s24 =	sld [smem:$0x3FFE];
	[sflag:s23] =	ssyncadd.s32 $0xFFFFFFFF  }
0xa5: {  	s26 =	simm.s32 $execute0_lowered;
	[smem:$0x3FD2] =	sst s25  }
0xa6: {  	s5 =	sshll.u32 s26, $0x1;
	_ =	strace $0x80000046;
	[dreg:$0x1] =	wrdreg $0xFFFFFFFF  }
0xa7: {  	s28 =	simm.s32 $_size_execute0_lowered;
	s3 =	sadd.s32 s3, s5;
	[dreg:$0x0] =	wrdreg $0x0  }
0xa8: {  	s5 =	sshll.u32 s28, $0x1;
	[dreg:$0x2] =	wrdreg s3  }
0xa9: {  	[dreg:$0x3] =	wrdreg s5  }
0xaa: {  	[dreg:$0x4] =	wrdreg $0xC0  }
0xab: {  	_ =	task [dreg:s7], $0x5FFFF  }
0xac: {  	[dreg:$0x1] =	wrdreg $0xFFFFFFFF  }
0xad: {  	[dreg:$0x0] =	wrdreg $0x60  }
0xae: {  	[dreg:$0x2] =	wrdreg s24  }
0xaf: {  	[dreg:$0x3] =	wrdreg s2  }
0xb0: {  	[dreg:$0x4] =	wrdreg $0x61000  }
0xb1: {  	[dreg:$0x5] =	wrdreg $0x9  }
0xb2: {  	_ =	task.clear_ibuf [dreg:s7], $0x6FFFF;
	_ =	strace $0x90000046  }
0xb3: {  	s29 =	simm.s32 $0x9;
	_ =	strace $0x80000048  }
0xb4: {  	_ =	swait.ge [sflag:s29], $0x1  }
0xb5: {  	[sflag:s29] =	ssyncadd.s32 $0xFFFFFFFF  }
0xb6: {  	_ =	strace $0x90000048  }
0xb7: {  	_ =	sfence  }
0xb8: {  	s30 =	sld [smem:$0x0];
	_ =	sdelay $0x2  }
0xb9: {  	s31 =	sshll.u32 s1, $0xD;
	s1 =	sshrl.u32 s1, $0x2  }
0xba: {  	s3 =	sand.u32 $0x4000, s31;
	s1 =	sadd.s32 s1, s30  }
0xbb: {  	s0 =	sor.u32 s3, s0;
	s1 =	sshll.u32 s1, $0x11  }
0xbc: {  	s0 =	sor.u32 s1, s0  }
0xbd: {  	s0 =	sadd.s32 $0x8F2B, s0  }
0xbe: {  	[sflag:s0] =	ssyncadd.remote.s32 $0x1  }
0xbf: {  	_ =	sfence.sel $0xFFFF  }
0xc0: {  	[dreg:$0x0] =	wrdreg $0xFFFFFFFF;
	(pc) =	sbr.abs _section_cstart, $3  }
0xc1: {  	[dreg:$0x1] =	wrdreg $0xFFFFFFFF  }
0xc2: {  	_ =	task.clear_ibuf [dreg:s7], $0x2FFFF;
	_ =	strace $0x9FFFFFFF  }
0xc3: {  	(tm) =	ssettm $0x7FFFFFFF  }
tec
execute0_lowered:
.L_overlay_start_1:
0x0: {  	(tag) =	ssettag $0x1  }
0x1: {  	s0 =	rddreg [dreg:$0x0]  }
0x2: {  	s1 =	rddreg [dreg:$0x1];
	s3 =	srdreg.scid  }
0x3: {  	s2 =	simm.s32 $0x0;
	s15 =	stileid.u32;
	s3 =	sand.u32 $0x1, s3  }
0x4: {  	[smem:$0x7FF] =	sst s2;
	s5 =	smul.u32 $0x280, s15;
	s7 =	sshll.u32 s15, $0x1  }
0x5: {  	s9 =	sadd.s32 $0x18C00, s0;
	s15 =	smul.u32 $0x50000, s15;
	s4 =	ssub.s32 $0x2, s3  }
0x6: {  	s8 =	smul.u32 $0x2800, s3;
	s3 =	sor.u32 s3, s7;
	s6 =	sshrl.u32 s4, $0x1  }
0x7: {  	s3 =	smul.u32 $0x9C4, s3;
	s7 =	sor.u32 $0x40, s5;
	s11 =	sadd.s32 $0x80, s5  }
0x8: {  	s13 =	sadd.s32 $0x100, s5;
	s14 =	sadd.s32 $0x140, s5;
	s17 =	sadd.s32 $0x180, s5  }
0x9: {  	s19 =	sadd.s32 $0x1C0, s5;
	s4 =	ssub.s32 s4, s6;
	s20 =	sadd.s32 s8, s5  }
0xa: {  	s10 =	sadd.s32 s8, s7;
	s22 =	sadd.s32 s8, s11;
	s12 =	sadd.s32 s8, s13  }
0xb: {  	s26 =	sadd.s32 s8, s14;
	s16 =	sadd.s32 s8, s17;
	s18 =	sadd.s32 s8, s19  }
0xc: {  	s13 =	sshll.u32 s13, $0x7;
	s6 =	sshll.u32 s20, $0x4;
	s21 =	sshll.u32 s10, $0x4  }
0xd: {  	s23 =	sshll.u32 s22, $0x4;
	s10 =	sadd.s32 $0xC0, s5;
	s25 =	sshll.u32 s12, $0x4  }
0xe: {  	s12 =	sshll.u32 s26, $0x4;
	s20 =	sadd.s32 $0x200, s5;
	s5 =	sadd.s32 $0x240, s5  }
0xf: {  	s26 =	sadd.s32 $0x9C4, s3;
	s6 =	sadd.s32 s9, s6;
	s24 =	sadd.s32 s8, s10  }
0x10: {  	s22 =	sadd.s32 s8, s20;
	s8 =	sadd.s32 s8, s5;
	s5 =	sshll.u32 s5, $0x7  }
0x11: {  	[dreg:$0x4] =	wrdreg s6;
	s6 =	sadd.s32 s9, s21;
	s21 =	sshll.u32 s18, $0x4  }
0x12: {  	s18 =	sshrl.u32 s26, $0x5;
	[dreg:$0x5] =	wrdreg s6;
	s6 =	sadd.s32 s9, s23  }
0x13: {  	s23 =	sshll.u32 s22, $0x4;
	[dreg:$0x6] =	wrdreg s6;
	s6 =	sshll.u32 s24, $0x4  }
0x14: {  	s22 =	sshll.u32 s14, $0x7;
	s14 =	simm.s32 $0x0;
	s6 =	sadd.s32 s9, s6  }
0x15: {  	s24 =	sshll.u32 s8, $0x4;
	[dreg:$0x7] =	wrdreg s6;
	s6 =	sadd.s32 s9, s25  }
0x16: {  	s8 =	sshll.u32 s7, $0x7;
	s25 =	sshrl.u32 s15, $0x2;
	[dreg:$0x8] =	wrdreg s6  }
0x17: {  	s15 =	sadd.s32 $0x5000, s0;
	s6 =	sadd.s32 s9, s12;
	s12 =	rddreg [dreg:$0x2]  }
0x18: {  	[dreg:$0x9] =	wrdreg s6;
	s6 =	sshll.u32 s16, $0x4;
	s16 =	sadd.s32 s25, s12  }
0x19: {  	s0 =	sadd.s32 s8, s12;
	s7 =	sadd.s32 s22, s12;
	s25 =	sshll.u32 s20, $0x7  }
0x1a: {  	s5 =	sadd.s32 s5, s12;
	s6 =	sadd.s32 s9, s6;
	s0 =	sshrl.u32 s0, $0x3  }
0x1b: {  	s29 =	sshrl.u32 s5, $0x3;
	s30 =	sadd.s32 $0x2000, s16;
	s31 =	sadd.s32 $0x4000, s16  }
0x1c: {  	s5 =	sadd.s32 $0xE000, s16;
	[dreg:$0xa] =	wrdreg s6;
	s6 =	sadd.s32 s9, s21  }
0x1d: {  	s21 =	sshrl.u32 s3, $0x5;
	[dreg:$0xb] =	wrdreg s6;
	s6 =	sadd.s32 s9, s23  }
0x1e: {  	s23 =	sshll.u32 s17, $0x7;
	p0 =	sge.u32 s21, s18;
	[dreg:$0xc] =	wrdreg s6  }
0x1f: {  	s6 =	sadd.s32 s9, s24;
	s9 =	sshll.u32 s11, $0x7;
	s11 =	sshll.u32 s10, $0x7  }
0x20: {  	s8 =	sadd.s32 s23, s12;
	s24 =	sshll.u32 s19, $0x7;
	s10 =	sadd.s32 s25, s12  }
0x21: {  	[dreg:$0xd] =	wrdreg s6;
	s6 =	smax.u32 s4, $0x1;
	s3 =	sadd.s32 s9, s12  }
0x22: {  	s4 =	sadd.s32 s11, s12;
	s9 =	sadd.s32 s24, s12;
	s24 =	sshrl.u32 s7, $0x3  }
0x23: {  	s25 =	sshrl.u32 s8, $0x3;
	s28 =	sshrl.u32 s10, $0x3;
	s11 =	sadd.s32 $0x6000, s16  }
0x24: {  	s7 =	sadd.s32 $0x12000, s16;
	_ =	strace $0x80000047;
	[dreg:$0xf] =	wrdreg s6  }
0x25: {  	s8 =	simm.s32 $0x4100;
	s10 =	simm.s32 $0x80;
	[dreg:$0xe] =	wrdreg s21  }
.Ltmp0:
0x26: {  	s6 =	sadd.s32 s13, s12;
	[dreg:$0x10] =	wrdreg s0;
	(pc) =	sbr.rel .LBB2_1-.Ltmp0, $4  }
0x27: {  	s26 =	sshrl.u32 s3, $0x3;
	s22 =	sshrl.u32 s4, $0x3;
	s0 =	sadd.s32 $0x8000, s16  }
0x28: {  	s3 =	sadd.s32 $0xA000, s16;
	s4 =	sadd.s32 $0xC000, s16;
	s13 =	simm.s32 $0x100  }
0x29: {  	s21 =	simm.s32 $0x0;
	[dreg:$0x11] =	wrdreg s26;
	s23 =	sshrl.u32 s6, $0x3  }
0x2a: {  	v0 =	vimm.f32 $0.0e+00;
	s26 =	sshrl.u32 s9, $0x3;
	s6 =	sadd.s32 $0x10000, s16;
	s9 =	simm.s32 $0x1  }
.LBB2_9:
0x2b: {  	s17 =	stileid.u32  }
0x2c: {  	[bflag:$0x0] =	sbarrier.arrive $0xFFFF;
	s17 =	sshll.u32 s17, $0x6  }
0x2d: {  	s19 =	sshrl.u32 s16, $0x3;
	s20 =	rddreg [dreg:$0x4];
	s17 =	sor.u32 $0x1C01, s17  }
0x2e: {  	[hbm:s20], [sflag:s17] =	dma.local [spmem:s19], $0x400  }
0x2f: {  	_ =	swait.ge [sflag:s9], $0x400  }
0x30: {  	[sflag:s9] =	ssyncset.done $0x0;
	s19 =	rddreg [dreg:$0x5]  }
0x31: {  	s20 =	rddreg [dreg:$0x10];
	[sflag:s9] =	ssyncadd.s32 $0xFFFFFC00  }
0x32: {  	[hbm:s19], [sflag:s17] =	dma.local [spmem:s20], $0x400  }
0x33: {  	_ =	swait.ge [sflag:s9], $0x400  }
0x34: {  	[sflag:s9] =	ssyncset.done $0x0;
	s19 =	rddreg [dreg:$0x6]  }
0x35: {  	s20 =	rddreg [dreg:$0x11];
	[sflag:s9] =	ssyncadd.s32 $0xFFFFFC00  }
0x36: {  	[hbm:s19], [sflag:s17] =	dma.local [spmem:s20], $0x400  }
0x37: {  	_ =	swait.ge [sflag:s9], $0x400  }
0x38: {  	[sflag:s9] =	ssyncset.done $0x0  }
0x39: {  	s20 =	rddreg [dreg:$0x7];
	[sflag:s9] =	ssyncadd.s32 $0xFFFFFC00  }
0x3a: {  	[hbm:s20], [sflag:s17] =	dma.local [spmem:s22], $0x400  }
0x3b: {  	_ =	swait.ge [sflag:s9], $0x400  }
0x3c: {  	[sflag:s9] =	ssyncset.done $0x0  }
0x3d: {  	s20 =	rddreg [dreg:$0x8];
	[sflag:s9] =	ssyncadd.s32 $0xFFFFFC00  }
0x3e: {  	[hbm:s20], [sflag:s17] =	dma.local [spmem:s23], $0x400  }
0x3f: {  	_ =	swait.ge [sflag:s9], $0x400  }
0x40: {  	[sflag:s9] =	ssyncset.done $0x0  }
0x41: {  	s20 =	rddreg [dreg:$0x9];
	[sflag:s9] =	ssyncadd.s32 $0xFFFFFC00  }
0x42: {  	[hbm:s20], [sflag:s17] =	dma.local [spmem:s24], $0x400  }
0x43: {  	_ =	swait.ge [sflag:s9], $0x400  }
0x44: {  	[sflag:s9] =	ssyncset.done $0x0  }
0x45: {  	s20 =	rddreg [dreg:$0xa];
	[sflag:s9] =	ssyncadd.s32 $0xFFFFFC00  }
0x46: {  	[hbm:s20], [sflag:s17] =	dma.local [spmem:s25], $0x400  }
0x47: {  	_ =	swait.ge [sflag:s9], $0x400  }
0x48: {  	[sflag:s9] =	ssyncset.done $0x0  }
0x49: {  	s20 =	rddreg [dreg:$0xb];
	[sflag:s9] =	ssyncadd.s32 $0xFFFFFC00  }
0x4a: {  	[hbm:s20], [sflag:s17] =	dma.local [spmem:s26], $0x400  }
0x4b: {  	_ =	swait.ge [sflag:s9], $0x400  }
0x4c: {  	[sflag:s9] =	ssyncset.done $0x0  }
0x4d: {  	s20 =	rddreg [dreg:$0xc];
	[sflag:s9] =	ssyncadd.s32 $0xFFFFFC00  }
0x4e: {  	[hbm:s20], [sflag:s17] =	dma.local [spmem:s28], $0x400  }
0x4f: {  	_ =	swait.ge [sflag:s9], $0x400  }
0x50: {  	[sflag:s9] =	ssyncset.done $0x0  }
0x51: {  	s20 =	rddreg [dreg:$0xd];
	[sflag:s9] =	ssyncadd.s32 $0xFFFFFC00  }
0x52: {  	[hbm:s20], [sflag:s17] =	dma.local [spmem:s29], $0x400  }
0x53: {  	_ =	swait.ge [sflag:s9], $0x400  }
0x54: {  	s14 =	sadd.s32 $0x1, s14;
	s20 =	rddreg [dreg:$0xf]  }
0x55: {  	p1 =	sne.s32 s14, s20  }
.Ltmp1:
0x56: {  	_ = 	snop;
	(pc) =	sbr.rel @!p1 .LBB2_10-.Ltmp1, $3  }
0x57: {  	_ =	sdelay $0x1  }
0x58: {  	[sflag:s9] =	ssyncset.done $0x0  }
0x59: {  	[sflag:s9] =	ssyncadd.s32 $0xFFFFFC00  }
.LBB2_1:
0x5a: {  	s17 =	simm.s32 $0x0;
	s19 =	simm.s32 $0x200  }
.LBB2_2:
0x5b: {  	p1 =	sne.s32 s19, $0x7E00;
	[tilespmem:s17+$0x4170] =	vst v0  }
0x5c: {  	[tilespmem:s17+$0x4100] =	vst v0  }
0x5d: {  	[tilespmem:s17+$0x4110] =	vst v0  }
.Ltmp2:
0x5e: {  	[tilespmem:s17+$0x4120] =	vst v0;
	(pc) =	sbr.rel @p1 .LBB2_2-.Ltmp2, $4  }
0x5f: {  	[tilespmem:s17+$0x4130] =	vst v0  }
0x60: {  	[tilespmem:s17+$0x4140] =	vst v0  }
0x61: {  	[tilespmem:s17+$0x4150] =	vst v0  }
0x62: {  	[tilespmem:s17+$0x4160] =	vst v0;
	s17 =	sshra.s32 s19, $0x2;
	s19 =	sadd.s32 $0x200, s19  }
0x63: {  	[tilespmem:s17+$0x4170] =	vst v0  }
0x64: {  	[tilespmem:s17+$0x4100] =	vst v0  }
0x65: {  	[tilespmem:s17+$0x4110] =	vst v0  }
0x66: {  	[tilespmem:s17+$0x4120] =	vst v0  }
0x67: {  	[tilespmem:s17+$0x4130] =	vst v0  }
0x68: {  	[tilespmem:s17+$0x4140] =	vst v0  }
0x69: {  	[tilespmem:s17+$0x4150] =	vst v0  }
0x6a: {  	[tilespmem:s17+$0x4160] =	vst v0;
	s17 =	simm.s32 $0x0;
	s19 =	simm.s32 $0x200  }
.LBB2_4:
0x6b: {  	p1 =	sne.s32 s19, $0xFE00;
	[tilespmem:s17+$0x170] =	vst v0  }
0x6c: {  	[tilespmem:s17+$0x100] =	vst v0  }
0x6d: {  	[tilespmem:s17+$0x110] =	vst v0  }
.Ltmp3:
0x6e: {  	[tilespmem:s17+$0x120] =	vst v0;
	(pc) =	sbr.rel @p1 .LBB2_4-.Ltmp3, $4  }
0x6f: {  	[tilespmem:s17+$0x130] =	vst v0  }
0x70: {  	[tilespmem:s17+$0x140] =	vst v0  }
0x71: {  	[tilespmem:s17+$0x150] =	vst v0  }
0x72: {  	[tilespmem:s17+$0x160] =	vst v0;
	s17 =	sshra.s32 s19, $0x2;
	s19 =	sadd.s32 $0x200, s19  }
0x73: {  	[tilespmem:s17+$0x170] =	vst v0  }
0x74: {  	[tilespmem:s17+$0x100] =	vst v0  }
0x75: {  	[tilespmem:s17+$0x110] =	vst v0  }
0x76: {  	[tilespmem:s17+$0x120] =	vst v0  }
0x77: {  	[tilespmem:s17+$0x130] =	vst v0  }
0x78: {  	[tilespmem:s17+$0x140] =	vst v0  }
0x79: {  	[tilespmem:s17+$0x150] =	vst v0  }
0x7a: {  	[tilespmem:s17+$0x160] =	vst v0  }
0x7b: {  	[spmem:s16] =	stream.linear.scatter [tilespmem:s8], [sflag:$0x1], $0x2000, $0x38;
	[tilespmem:$0x1A100] =	vst v63  }
0x7c: {  	_ =	swait.ge [sflag:s9], $0x2000  }
0x7d: {  	[sflag:s9] =	ssyncset.done $0x0  }
0x7e: {  	[sflag:s9] =	ssyncadd.s32 $0xFFFFE000  }
0x7f: {  	[spmem:s30] =	stream.linear.scatter [tilespmem:s8], [sflag:$0x1], $0x2000, $0x38;
	[tilespmem:$0x1A100] =	vst v63  }
0x80: {  	_ =	swait.ge [sflag:s9], $0x2000  }
0x81: {  	[sflag:s9] =	ssyncset.done $0x0  }
0x82: {  	[sflag:s9] =	ssyncadd.s32 $0xFFFFE000  }
0x83: {  	[spmem:s31] =	stream.linear.scatter [tilespmem:s8], [sflag:$0x1], $0x2000, $0x38;
	[tilespmem:$0x1A100] =	vst v63  }
0x84: {  	_ =	swait.ge [sflag:s9], $0x2000  }
0x85: {  	[sflag:s9] =	ssyncset.done $0x0  }
0x86: {  	[sflag:s9] =	ssyncadd.s32 $0xFFFFE000  }
0x87: {  	[spmem:s11] =	stream.linear.scatter [tilespmem:s8], [sflag:$0x1], $0x2000, $0x38;
	[tilespmem:$0x1A100] =	vst v63  }
0x88: {  	_ =	swait.ge [sflag:s9], $0x2000  }
0x89: {  	[sflag:s9] =	ssyncset.done $0x0  }
0x8a: {  	[sflag:s9] =	ssyncadd.s32 $0xFFFFE000  }
0x8b: {  	[spmem:s0] =	stream.linear.scatter [tilespmem:s8], [sflag:$0x1], $0x2000, $0x38;
	[tilespmem:$0x1A100] =	vst v63  }
0x8c: {  	_ =	swait.ge [sflag:s9], $0x2000  }
0x8d: {  	[sflag:s9] =	ssyncset.done $0x0  }
0x8e: {  	[sflag:s9] =	ssyncadd.s32 $0xFFFFE000  }
0x8f: {  	[spmem:s3] =	stream.linear.scatter [tilespmem:s8], [sflag:$0x1], $0x2000, $0x38;
	[tilespmem:$0x1A100] =	vst v63  }
0x90: {  	_ =	swait.ge [sflag:s9], $0x2000  }
0x91: {  	[sflag:s9] =	ssyncset.done $0x0  }
0x92: {  	[sflag:s9] =	ssyncadd.s32 $0xFFFFE000  }
0x93: {  	[spmem:s4] =	stream.linear.scatter [tilespmem:s8], [sflag:$0x1], $0x2000, $0x38;
	[tilespmem:$0x1A100] =	vst v63  }
0x94: {  	_ =	swait.ge [sflag:s9], $0x2000  }
0x95: {  	[sflag:s9] =	ssyncset.done $0x0  }
0x96: {  	[sflag:s9] =	ssyncadd.s32 $0xFFFFE000  }
0x97: {  	[spmem:s5] =	stream.linear.scatter [tilespmem:s8], [sflag:$0x1], $0x2000, $0x38;
	[tilespmem:$0x1A100] =	vst v63  }
0x98: {  	_ =	swait.ge [sflag:s9], $0x2000  }
0x99: {  	[sflag:s9] =	ssyncset.done $0x0  }
0x9a: {  	[sflag:s9] =	ssyncadd.s32 $0xFFFFE000  }
0x9b: {  	[spmem:s6] =	stream.linear.scatter [tilespmem:s8], [sflag:$0x1], $0x2000, $0x38;
	[tilespmem:$0x1A100] =	vst v63  }
0x9c: {  	_ =	swait.ge [sflag:s9], $0x2000  }
0x9d: {  	[sflag:s9] =	ssyncset.done $0x0  }
0x9e: {  	[sflag:s9] =	ssyncadd.s32 $0xFFFFE000  }
0x9f: {  	[spmem:s7] =	stream.linear.scatter [tilespmem:s8], [sflag:$0x1], $0x2000, $0x38;
	[tilespmem:$0x1A100] =	vst v63  }
.Ltmp4:
0xa0: {  	_ =	swait.ge [sflag:s9], $0x2000;
	(pc) =	sbr.rel @p0 .LBB2_9-.Ltmp4, $4  }
0xa1: {  	[sflag:s9] =	ssyncset.done $0x0  }
0xa2: {  	[sflag:s9] =	ssyncadd.s32 $0xFFFFE000  }
0xa3: {  	[bflag:$0x0] =	sbarrier.arrive $0xFFFF  }
0xa4: {  	s17 =	rddreg [dreg:$0xe]  }
.LBB2_6:
0xa5: {  	s19 =	sshll.u32 s17, $0x4  }
0xa6: {  	s20 =	sadd.s32 s15, s19  }
0xa7: {  	[tilespmem:s21], [sflag:$0x1] =	stream.linear.gather [hbm4b:s20+s21], $0x80, $0x38;
	[tilespmem:$0x1A100] =	vst v63  }
0xa8: {  	_ =	swait.ge [sflag:s9], $0x80  }
0xa9: {  	[sflag:s9] =	ssyncset.done $0x0  }
0xaa: {  	v1 =	vmov s21;
	s19 =	sadd.s32 s1, s19;
	[sflag:s9] =	ssyncadd.s32 $0xFFFFFF80  }
0xab: {  	[tilespmem:s10], [sflag:$0x1] =	stream.linear.gather [hbm4b:s19+s21], $0x80, $0x38;
	[tilespmem:$0x1A100] =	vst v63  }
0xac: {  	_ =	swait.ge [sflag:s9], $0x80  }
0xad: {  	[sflag:s9] =	ssyncset.done $0x0  }
0xae: {  	[sflag:s9] =	ssyncadd.s32 $0xFFFFFF80  }
0xaf: {  	s20 =	simm.s32 $0x1;
	v1 =	vld.idx.msk [tilespmem:v1+s10+$0x0], $0xffff  }
0xb0: {  	v2 =	vmov s20;
	_ =	sdelay $0x2  }
0xb1: {  	s19 =	simm.s32 $0x100  }
0xb2: {  	[tilespmem:s19+$0x0] =	vst v1  }
0xb3: {  	s20 =	simm.s32 $0x2;
	v1 =	vld.idx.msk [tilespmem:v2+s10+$0x0], $0xffff  }
0xb4: {  	v2 =	vmov s20;
	s20 =	simm.s32 $0x3  }
.LBB2_7:
0xb5: {  	p1 =	sne.s32 s20, $0x7F;
	_ =	sdelay $0x1  }
.Ltmp5:
0xb6: {  	s19 =	sadd.s32 $0x80, s19;
	(pc) =	sbr.rel @p1 .LBB2_7-.Ltmp5, $3  }
0xb7: {  	[tilespmem:s19+$0x0] =	vst v1  }
0xb8: {  	v1 =	vld.idx.msk [tilespmem:v2+s10+$0x0], $0xffff;
	_ =	sdelay $0x1  }
0xb9: {  	v2 =	vmov s20;
	s20 =	sadd.s32 $0x1, s20  }
0xba: {  	_ =	sdelay $0x1  }
0xbb: {  	s19 =	sadd.s32 $0x80, s19  }
0xbc: {  	[tilespmem:s19+$0x0] =	vst v1  }
0xbd: {  	v1 =	vld.idx.msk [tilespmem:v2+s10+$0x0], $0xffff;
	_ =	sdelay $0x3  }
0xbe: {  	s17 =	sadd.s32 $0x1, s17;
	s19 =	sadd.s32 $0x80, s19  }
0xbf: {  	p1 =	slt.u32 s17, s18;
	[tilespmem:s19+$0x0] =	vst v1  }
0xc0: {  	[spmem:s12] =	stream.indirect.scatter.add.f32 [tilespmem:s13], [sflag:$0x1], $0x80, s2, s10, $0xb8;
	[tilespmem:$0x1A100] =	vst v63  }
.Ltmp6:
0xc1: {  	_ = 	snop;
	(pc) =	sbr.rel @p1 .LBB2_6-.Ltmp6, $4  }
.Ltmp7:
0xc2: {  	_ = 	snop;
	(pc) =	sbr.rel @!p1 .LBB2_9-.Ltmp7, $4  }
0xc3: {  	_ =	swait.ge [sflag:s9], $0x4000  }
0xc4: {  	[sflag:s9] =	ssyncset.done $0x0  }
0xc5: {  	[sflag:s9] =	ssyncadd.s32 $0xFFFFC000  }
0xc6: {  	_ = 	snop  }
.LBB2_10:
0xc7: {  	_ =	sfence.sel $0x180000  }
0xc8: {  	[bflag:$0x0] =	sbarrier.arrive $0xFFFF  }
0xc9: {  	_ =	strace $0x90000047  }
0xca: {  	s0 =	stileid.u32;
	[bflag:$0x2] =	sbarrier.arrive $0xFFFF  }
0xcb: {  	p0 =	sne.s32 s0, $0x0;
	s0 =	rddreg [dreg:$0x3]  }
0xcc: {  	s0 =	sadd.s32 @!p0 $0x100000, s0  }
0xcd: {  	[sflag:s0] =	ssyncadd.tile.s32 @!p0 $0x1;
	_ =	shalt  }
.Lfunc_end2:
_tile_overlayer_lowered:
.L_overlay_start_2:
0xce: {  	(tag) =	ssettag $0x2  }
0xcf: {  	s0 =	rddreg [dreg:$0x0];
	s2 =	stileid.u32  }
0xd0: {  	s1 =	rddreg [dreg:$0x1];
	p0 =	sne.s32 s2, $0x0  }
0xd1: {  	s3 =	rddreg [dreg:$0x2];
	[bflag:$0x3] =	sbarrier.arrive $0xFFFF;
	s2 =	simm.s32 @!p0 $0x1C01  }
0xd2: {  	[timem:s3], [sflag:s2] =	dma.local @!p0 [hbm:s0], s1  }
0xd3: {  	s0 =	simm.s32 @!p0 $0x1  }
0xd4: {  	_ =	swait.ge @!p0 [sflag:s0], s1  }
0xd5: {  	s1 =	ssub.s32 @!p0 $0x0, s1;
	[sflag:s0] =	ssyncset.done @!p0 $0x0  }
0xd6: {  	[sflag:s0] =	ssyncadd.s32 @!p0 s1  }
0xd7: {  	[bflag:$0x3] =	sbarrier.arrive $0xFFFF  }
0xd8: {  	_ =	shalt  }

// kernel: kernel.18.cloned.1.call-start
scs
__scs_entry_jumppad:
0x0: {  	(pc) =	sbr.rel $0x88, $3  }
0x1: {  	(tag) =	ssettag $0x0;
	lr =	simm.s32 $0x1  }
0x2: {  	[smem:$0x3F8D] =	sst lr;
	_ =	strace $0xD0000000  }
0x3: {  	_ = 	snop  }
0x4: {  	_ = 	snop  }
0x5: {  	_ = 	snop  }
0x6: {  	_ = 	snop  }
0x7: {  	_ = 	snop  }
__scs_overlays_trampoline_lowered:
0x8: {  	[smem:$0x3F9C] =	sst s0  }
0x9: {  	[smem:$0x3F9D] =	sst s1  }
0xa: {  	[smem:$0x3F9E] =	sst s2  }
0xb: {  	[smem:$0x3F9F] =	sst s3  }
0xc: {  	[smem:$0x3FA0] =	sst s4  }
0xd: {  	[smem:$0x3FA1] =	sst s5  }
0xe: {  	[smem:$0x3FA2] =	sst s6  }
0xf: {  	[smem:$0x3FA3] =	sst s7  }
0x10: {  	[smem:$0x3FA4] =	sst s8  }
0x11: {  	[smem:$0x3FA5] =	sst s9;
	s0 =	simm.s32 @!p0 $0x0  }
0x12: {  	s1 =	sld [smem:$0x3F8B];
	s0 =	simm.s32 @p0 $0x1  }
0x13: {  	[smem:$0x3FA6] =	sst s0;
	s0 =	simm.s32 @!p1 $0x0  }
0x14: {  	s2 =	sld [smem:$0x3F8A];
	s0 =	simm.s32 @p1 $0x1  }
0x15: {  	[smem:$0x3FA7] =	sst s0;
	s0 =	simm.s32 @!p2 $0x0  }
0x16: {  	s3 =	sld [smem:$0x3FDB];
	s0 =	simm.s32 @p2 $0x1  }
0x17: {  	s4 =	simm.s32 $0x1BF5;
	[smem:$0x3FA9] =	sst s0  }
0x18: {  	s0 =	sld [smem:$0x3F8C];
	_ =	swait.ge [sflag:s4], $0x0  }
0x19: {  	s7 =	sld [smem:$0x3F8D]  }
0x1a: {  	s8 =	sadd.s32 $0xFFFFE003, lr  }
0x1b: {  	s9 =	sadd.s32 $0xFFFFFEF7, lr;
	s5 =	simm.s32 $0xFFFFFFFF;
	p2 =	slt.u32 s8, $0xFFFFF086  }
0x1c: {  	p1 =	slt.u32 s9, $0xF7A;
	s5 =	simm.s32 @!p2 $0x0  }
0x1d: {  	s5 =	simm.s32 @p1 $0x1;
	p0 =	seq.s32 s7, s2  }
0x1e: {  	s7 =	smul.u32 @!p0 $0xF7A, s2;
	p2 =	seq.s32 @!p0 s5, $0x0  }
0x1f: {  	s9 =	smul.u32 $0xF7A, s1;
	s8 =	simm.s32 @!p0 $0x1BF5;
	p2 =	por !p2, p0  }
0x20: {  	[sflag:s8] =	ssyncset.s32 @!p0 $0xFFFFF086;
	s6 =	sadd.s32 @!p0 s3, s7;
	s7 =	simm.s32 @!p0 $0x108  }
0x21: {  	s3 =	sadd.s32 s3, s9;
	s6 =	sadd.s32 @!p0 $0x88, s6;
	s7 =	simm.s32 @p2 $0x1082  }
0x22: {  	[simem:s7], [sflag:s8] =	dma.local @!p0 [hbm:s6], $0xF7A  }
0x23: {  	s9 =	sor.u32 $0xD0000000, s2;
	s6 =	simm.s32 $0x108;
	_ =	swait.ge @!p0 [sflag:s8], $0x0  }
0x24: {  	s3 =	sadd.s32 $0x88, s3;
	s6 =	simm.s32 @!p1 $0x1082;
	[sflag:s4] =	ssyncset.s32 $0xFFFFF086  }
0x25: {  	[simem:s6], [sflag:s4] =	dma.local [hbm:s3], $0xF7A  }
0x26: {  	[smem:$0x3F8D] =	sst s1;
	(tag) =	ssettag s2;
	_ =	strace s9  }
0x27: {  	s1 =	sld [smem:$0x3F9D]  }
0x28: {  	s2 =	sld [smem:$0x3F9E]  }
0x29: {  	s4 =	sld [smem:$0x3FA0]  }
0x2a: {  	p0 =	seq.s32 s5, $0x0;
	s5 =	sld [smem:$0x3FA1]  }
0x2b: {  	s6 =	sld [smem:$0x3FA2]  }
0x2c: {  	s7 =	sld [smem:$0x3FA3]  }
0x2d: {  	s3 =	simm.s32 $0x108;
	s8 =	sld [smem:$0x3FA4]  }
0x2e: {  	s3 =	simm.s32 @!p0 $0x1082;
	s9 =	sld [smem:$0x3FA5]  }
0x2f: {  	lr =	sadd.s32 s0, s3;
	s0 =	sld [smem:$0x3F9C]  }
0x30: {  	s3 =	sld [smem:$0x3F9F]  }
0x31: {  	[smem:$0x3FA8] =	sst s10  }
0x32: {  	s10 =	sld [smem:$0x3FA6];
	_ =	sdelay $0x3  }
0x33: {  	p0 =	seq.s32 s10, $0x1;
	s10 =	sld [smem:$0x3FA8];
	_ =	sdelay $0x3  }
0x34: {  	[smem:$0x3FA8] =	sst s10  }
0x35: {  	s10 =	sld [smem:$0x3FA7];
	_ =	sdelay $0x3  }
0x36: {  	p1 =	seq.s32 s10, $0x1;
	s10 =	sld [smem:$0x3FA8];
	_ =	sdelay $0x3  }
0x37: {  	[smem:$0x3FA8] =	sst s10  }
0x38: {  	s10 =	sld [smem:$0x3FA9]  }
0x39: {  	_ = 	snop;
	(pc) =	sbr.ind lr, $3  }
0x3a: {  	_ = 	snop  }
0x3b: {  	_ = 	snop  }
0x3c: {  	p2 =	seq.s32 s10, $0x1;
	s10 =	sld [smem:$0x3FA8]  }
0x3d: {  	_ =	shalt  }
0x3e: {  	_ =	shalt  }
0x3f: {  	_ =	shalt  }
0x40: {  	_ =	shalt  }
0x41: {  	_ =	shalt  }
0x42: {  	_ =	shalt  }
0x43: {  	_ =	shalt  }
0x44: {  	_ =	shalt  }
0x45: {  	_ =	shalt  }
0x46: {  	_ =	shalt  }
0x47: {  	_ =	shalt  }
0x48: {  	_ =	shalt  }
0x49: {  	_ =	shalt  }
0x4a: {  	_ =	shalt  }
0x4b: {  	_ =	shalt  }
0x4c: {  	_ =	shalt  }
0x4d: {  	_ =	shalt  }
0x4e: {  	_ =	shalt  }
0x4f: {  	_ =	shalt  }
0x50: {  	_ =	shalt  }
0x51: {  	_ =	shalt  }
0x52: {  	_ =	shalt  }
0x53: {  	_ =	shalt  }
0x54: {  	_ =	shalt  }
0x55: {  	_ =	shalt  }
0x56: {  	_ =	shalt  }
0x57: {  	_ =	shalt  }
0x58: {  	_ =	shalt  }
0x59: {  	_ =	shalt  }
0x5a: {  	_ =	shalt  }
0x5b: {  	_ =	shalt  }
0x5c: {  	_ =	shalt  }
0x5d: {  	_ =	shalt  }
0x5e: {  	_ =	shalt  }
0x5f: {  	_ =	shalt  }
0x60: {  	_ =	shalt  }
0x61: {  	_ =	shalt  }
0x62: {  	_ =	shalt  }
0x63: {  	_ =	shalt  }
0x64: {  	_ =	shalt  }
0x65: {  	_ =	shalt  }
0x66: {  	_ =	shalt  }
0x67: {  	_ =	shalt  }
0x68: {  	_ =	shalt  }
0x69: {  	_ =	shalt  }
0x6a: {  	_ =	shalt  }
0x6b: {  	_ =	shalt  }
0x6c: {  	_ =	shalt  }
0x6d: {  	_ =	shalt  }
0x6e: {  	_ =	shalt  }
0x6f: {  	_ =	shalt  }
0x70: {  	_ =	shalt  }
0x71: {  	_ =	shalt  }
0x72: {  	_ =	shalt  }
0x73: {  	_ =	shalt  }
0x74: {  	_ =	shalt  }
0x75: {  	_ =	shalt  }
0x76: {  	_ =	shalt  }
0x77: {  	_ =	shalt  }
0x78: {  	_ =	shalt  }
0x79: {  	_ =	shalt  }
0x7a: {  	_ =	shalt  }
0x7b: {  	_ =	shalt  }
0x7c: {  	_ =	shalt  }
0x7d: {  	_ =	shalt  }
0x7e: {  	_ =	shalt  }
0x7f: {  	_ =	shalt  }
0x80: {  	_ =	shalt  }
0x81: {  	_ =	shalt  }
0x82: {  	_ =	shalt  }
0x83: {  	_ =	shalt  }
0x84: {  	_ =	shalt  }
0x85: {  	_ =	shalt  }
0x86: {  	_ =	shalt  }
0x87: {  	_ =	shalt  }
.Lfunc_end0:
.L_simem_size_0:
called_computation.1_lowered:
.L_overlay_start_0:
0x88: {  	s2 =	sld [smem:$0x3FD9]  }
0x89: {  	s3 =	sld [smem:$0x3FFE];
	_ =	sdelay $0x1  }
0x8a: {  	s1 =	srdreg.scid  }
0x8b: {  	s0 =	sand.u32 $0x1, s1  }
0x8c: {  	s17 =	sshll.u32 s0, $0xA;
	s2 =	sadd.s32 s3, s2  }
0x8d: {  	s2 =	sadd.s32 s2, s17  }
0x8e: {  	[smem:$0x3FB4] =	sst s2  }
0x8f: {  	_ = 	snop  }
0x90: {  	s2 =	sld [smem:$0x3FC7];
	(tm) =	ssettm $0x1  }
0x91: {  	s18 =	sld [smem:$0x3FFB];
	_ =	sdelay $0x3  }
0x92: {  	_ =	strace s18  }
0x93: {  	s3 =	sld [smem:$0x3FFC];
	_ =	sdelay $0x3  }
0x94: {  	_ =	strace s3  }
0x95: {  	s3 =	sld [smem:$0x3FFD];
	_ =	sdelay $0x3  }
0x96: {  	_ =	strace s3  }
0x97: {  	_ =	strace $0x8FFFFFFF  }
0x98: {  	s19 =	sld [smem:$0x3FDB];
	_ =	sdelay $0x1  }
0x99: {  	s4 =	simm.s32 $_scs_section_size  }
0x9a: {  	s5 =	simm.s32 $_size__tile_overlayer_lowered;
	s6 =	simm.s32 $_tile_overlayer_lowered  }
0x9b: {  	s22 =	simm.s32 $0x1BFF;
	s21 =	sshll.u32 s6, $0x1;
	s3 =	sadd.s32 s4, s19  }
0x9c: {  	s7 =	simm.s32 $0x0;
	s20 =	sshll.u32 s5, $0x1;
	s5 =	sadd.s32 s21, s3  }
0x9d: {  	[timem:s7], [sflag:s22] =	dma.local [hbm:s5], s20  }
0x9e: {  	_ =	swait.ge [sflag:s22], s20  }
0x9f: {  	s4 =	ssub.s32 $0x0, s20;
	[sflag:s22] =	ssyncset.done $0x0  }
0xa0: {  	[sflag:s22] =	ssyncadd.s32 s4;
	_ =	sdelay $0x1  }
0xa1: {  	s23 =	simm.s32 $0x1B8B  }
0xa2: {  	_ =	swait.ge [sflag:s23], $0x1  }
0xa3: {  	[sflag:s23] =	ssyncset.done $0x0  }
0xa4: {  	s25 =	simm.s32 $0x1B8E;
	s24 =	sld [smem:$0x3FFE];
	[sflag:s23] =	ssyncadd.s32 $0xFFFFFFFF  }
0xa5: {  	s26 =	simm.s32 $execute0_lowered;
	[smem:$0x3FD2] =	sst s25  }
0xa6: {  	s5 =	sshll.u32 s26, $0x1;
	_ =	strace $0x80000049;
	[dreg:$0x1] =	wrdreg $0xFFFFFFFF  }
0xa7: {  	s28 =	simm.s32 $_size_execute0_lowered;
	s3 =	sadd.s32 s3, s5;
	[dreg:$0x0] =	wrdreg $0x0  }
0xa8: {  	s5 =	sshll.u32 s28, $0x1;
	[dreg:$0x2] =	wrdreg s3  }
0xa9: {  	[dreg:$0x3] =	wrdreg s5  }
0xaa: {  	[dreg:$0x4] =	wrdreg $0xC0  }
0xab: {  	_ =	task [dreg:s7], $0x5FFFF  }
0xac: {  	[dreg:$0x1] =	wrdreg $0xFFFFFFFF  }
0xad: {  	[dreg:$0x0] =	wrdreg $0x60  }
0xae: {  	[dreg:$0x2] =	wrdreg s24  }
0xaf: {  	[dreg:$0x3] =	wrdreg s2  }
0xb0: {  	[dreg:$0x4] =	wrdreg $0x61800  }
0xb1: {  	[dreg:$0x5] =	wrdreg $0x9  }
0xb2: {  	_ =	task.clear_ibuf [dreg:s7], $0x6FFFF;
	_ =	strace $0x90000049  }
0xb3: {  	s29 =	simm.s32 $0x9;
	_ =	strace $0x8000004B  }
0xb4: {  	_ =	swait.ge [sflag:s29], $0x1  }
0xb5: {  	[sflag:s29] =	ssyncadd.s32 $0xFFFFFFFF  }
0xb6: {  	_ =	strace $0x9000004B  }
0xb7: {  	_ =	sfence  }
0xb8: {  	s30 =	sld [smem:$0x0];
	_ =	sdelay $0x2  }
0xb9: {  	s31 =	sshll.u32 s1, $0xD;
	s1 =	sshrl.u32 s1, $0x2  }
0xba: {  	s3 =	sand.u32 $0x4000, s31;
	s1 =	sadd.s32 s1, s30  }
0xbb: {  	s0 =	sor.u32 s3, s0;
	s1 =	sshll.u32 s1, $0x11  }
0xbc: {  	s0 =	sor.u32 s1, s0  }
0xbd: {  	s0 =	sadd.s32 $0x8F2B, s0  }
0xbe: {  	[sflag:s0] =	ssyncadd.remote.s32 $0x1  }
0xbf: {  	_ =	sfence.sel $0xFFFF  }
0xc0: {  	[dreg:$0x0] =	wrdreg $0xFFFFFFFF;
	(pc) =	sbr.abs _section_cstart, $3  }
0xc1: {  	[dreg:$0x1] =	wrdreg $0xFFFFFFFF  }
0xc2: {  	_ =	task.clear_ibuf [dreg:s7], $0x2FFFF;
	_ =	strace $0x9FFFFFFF  }
0xc3: {  	(tm) =	ssettm $0x7FFFFFFF  }
tec
execute0_lowered:
.L_overlay_start_1:
0x0: {  	(tag) =	ssettag $0x1  }
0x1: {  	s0 =	rddreg [dreg:$0x0];
	s2 =	srdreg.scid  }
0x2: {  	s15 =	stileid.u32;
	s1 =	rddreg [dreg:$0x1];
	s3 =	sand.u32 $0x1, s2  }
0x3: {  	s4 =	smul.u32 $0x280, s15;
	s2 =	simm.s32 $0x0;
	s8 =	sadd.s32 $0x12A400, s0  }
0x4: {  	s5 =	ssub.s32 $0x2, s3;
	s6 =	smul.u32 $0x2800, s3;
	[smem:$0x7FF] =	sst s2  }
0x5: {  	s7 =	sshrl.u32 s5, $0x1;
	s9 =	sor.u32 $0x40, s4;
	s10 =	sadd.s32 $0x80, s4  }
0x6: {  	s12 =	sadd.s32 $0xC0, s4;
	s14 =	sadd.s32 $0x140, s4;
	s19 =	sadd.s32 $0x180, s4  }
0x7: {  	s21 =	sadd.s32 $0x1C0, s4;
	s22 =	sadd.s32 $0x200, s4;
	s5 =	ssub.s32 s5, s7  }
0x8: {  	s23 =	sadd.s32 s6, s4;
	s24 =	sadd.s32 s6, s9;
	s11 =	sadd.s32 s6, s10  }
0x9: {  	s26 =	sadd.s32 s6, s12;
	s13 =	sadd.s32 s6, s14;
	s17 =	sadd.s32 s6, s19  }
0xa: {  	s18 =	sadd.s32 s6, s21;
	s20 =	sadd.s32 s6, s22;
	s7 =	sshll.u32 s23, $0x4  }
0xb: {  	s11 =	sshll.u32 s11, $0x4;
	s13 =	sshll.u32 s13, $0x4;
	s7 =	sadd.s32 s8, s7  }
0xc: {  	s25 =	sadd.s32 s8, s11;
	s11 =	sadd.s32 $0x100, s4;
	s16 =	sadd.s32 s8, s13  }
0xd: {  	s13 =	sshll.u32 s20, $0x4;
	s4 =	sadd.s32 $0x240, s4;
	[dreg:$0x4] =	wrdreg s7  }
0xe: {  	s7 =	sshll.u32 s24, $0x4;
	[dreg:$0x6] =	wrdreg s25;
	s28 =	sadd.s32 s6, s11  }
0xf: {  	[dreg:$0x9] =	wrdreg s16;
	s23 =	sadd.s32 s8, s13;
	s24 =	smul.u32 $0x50000, s15  }
0x10: {  	s6 =	sadd.s32 s6, s4;
	s13 =	rddreg [dreg:$0x2];
	s25 =	smul.u32 $0x9C4, s15  }
0x11: {  	s15 =	sadd.s32 $0xEE00, s0;
	s16 =	sadd.s32 $0x5000, s0;
	s11 =	sshll.u32 s11, $0x7  }
0x12: {  	s4 =	sshll.u32 s4, $0x7;
	s7 =	sadd.s32 s8, s7;
	[dreg:$0xc] =	wrdreg s23  }
0x13: {  	s6 =	sshll.u32 s6, $0x4;
	s23 =	smul.u32 $0x2710, s3;
	s4 =	sadd.s32 s4, s13  }
0x14: {  	[dreg:$0x5] =	wrdreg s7;
	s7 =	sshll.u32 s26, $0x4;
	s6 =	sadd.s32 s8, s6  }
0x15: {  	s26 =	sshrl.u32 s24, $0x2;
	s24 =	sshrl.u32 s25, $0x4;
	s7 =	sadd.s32 s8, s7  }
0x16: {  	s31 =	sshrl.u32 s4, $0x3;
	[dreg:$0x7] =	wrdreg s7;
	s7 =	sshll.u32 s28, $0x4  }
0x17: {  	[dreg:$0xd] =	wrdreg s6;
	s6 =	sadd.s32 s11, s13;
	s7 =	sadd.s32 s8, s7  }
0x18: {  	s28 =	sadd.s32 $0x9C4, s25;
	[dreg:$0x8] =	wrdreg s7;
	s7 =	sshll.u32 s17, $0x4  }
0x19: {  	s25 =	sshrl.u32 s6, $0x3;
	s20 =	sshrl.u32 s28, $0x4;
	s7 =	sadd.s32 s8, s7  }
0x1a: {  	s17 =	sadd.s32 $0xDC200, s0;
	[dreg:$0xa] =	wrdreg s7;
	s7 =	sshll.u32 s18, $0x4  }
0x1b: {  	p0 =	sge.u32 s24, s20;
	s18 =	sadd.s32 s26, s13;
	s7 =	sadd.s32 s8, s7  }
0x1c: {  	s8 =	sshll.u32 s9, $0x7;
	s9 =	sshll.u32 s10, $0x7;
	s10 =	sshll.u32 s12, $0x7  }
0x1d: {  	s12 =	sshll.u32 s14, $0x7;
	s14 =	sshll.u32 s19, $0x7;
	s19 =	sshll.u32 s21, $0x7  }
0x1e: {  	s21 =	sshll.u32 s22, $0x7;
	s11 =	sadd.s32 $0x2000, s18;
	s4 =	sadd.s32 $0x8000, s18  }
0x1f: {  	s6 =	sadd.s32 $0xC000, s18;
	[dreg:$0xb] =	wrdreg s7;
	s7 =	smax.u32 s5, $0x1  }
0x20: {  	s0 =	sadd.s32 s8, s13;
	s3 =	sadd.s32 s9, s13;
	s5 =	sadd.s32 s10, s13  }
0x21: {  	s8 =	sadd.s32 s14, s13;
	s9 =	sadd.s32 s19, s13;
	s10 =	sadd.s32 s21, s13  }
0x22: {  	s14 =	simm.s32 $0x80;
	s21 =	simm.s32 $0x100;
	s19 =	simm.s32 $0x180  }
0x23: {  	_ =	strace $0x8000004A;
	[dreg:$0xf] =	wrdreg s7;
	s7 =	sadd.s32 s12, s13  }
0x24: {  	[dreg:$0xe] =	wrdreg s24;
	s0 =	sshrl.u32 s0, $0x3;
	s22 =	sshrl.u32 s3, $0x3  }
0x25: {  	s24 =	sshrl.u32 s5, $0x3;
	[dreg:$0x13] =	wrdreg s25;
	s28 =	sshrl.u32 s8, $0x3  }
0x26: {  	s29 =	sshrl.u32 s9, $0x3;
	s30 =	sshrl.u32 s10, $0x3;
	s3 =	sadd.s32 $0x6000, s18  }
.Ltmp0:
0x27: {  	s5 =	sadd.s32 $0xA000, s18;
	[dreg:$0x10] =	wrdreg s0;
	(pc) =	sbr.rel .LBB2_1-.Ltmp0, $4  }
0x28: {  	s8 =	sadd.s32 $0x10000, s18;
	s9 =	sadd.s32 $0x12000, s18;
	[dreg:$0x11] =	wrdreg s22  }
0x29: {  	s10 =	simm.s32 $0x4180;
	s12 =	simm.s32 $0x2;
	[dreg:$0x12] =	wrdreg s24  }
0x2a: {  	s26 =	sshrl.u32 s7, $0x3;
	[dreg:$0x15] =	wrdreg s28;
	s0 =	sadd.s32 $0x4000, s18  }
0x2b: {  	v1 =	vimm.f32 $0.0e+00;
	v0 =	vmov s23;
	s7 =	sadd.s32 $0xE000, s18;
	s22 =	simm.s32 $0x1;
	[dreg:$0x14] =	wrdreg s26  }
.LBB2_7:
0x2c: {  	s23 =	stileid.u32  }
0x2d: {  	[bflag:$0x0] =	sbarrier.arrive $0xFFFF;
	s23 =	sshll.u32 s23, $0x6  }
0x2e: {  	s24 =	sshrl.u32 s18, $0x3;
	s25 =	rddreg [dreg:$0x4];
	s23 =	sor.u32 $0x1C02, s23  }
0x2f: {  	[hbm:s25], [sflag:s23] =	dma.local [spmem:s24], $0x400  }
0x30: {  	_ =	swait.ge [sflag:s12], $0x400  }
0x31: {  	[sflag:s12] =	ssyncset.done $0x0;
	s26 =	rddreg [dreg:$0x5]  }
0x32: {  	s28 =	rddreg [dreg:$0x10];
	[sflag:s12] =	ssyncadd.s32 $0xFFFFFC00  }
0x33: {  	[hbm:s26], [sflag:s23] =	dma.local [spmem:s28], $0x400  }
0x34: {  	_ =	swait.ge [sflag:s12], $0x400  }
0x35: {  	[sflag:s12] =	ssyncset.done $0x0;
	s26 =	rddreg [dreg:$0x6]  }
0x36: {  	s28 =	rddreg [dreg:$0x11];
	[sflag:s12] =	ssyncadd.s32 $0xFFFFFC00  }
0x37: {  	[hbm:s26], [sflag:s23] =	dma.local [spmem:s28], $0x400  }
0x38: {  	_ =	swait.ge [sflag:s12], $0x400  }
0x39: {  	[sflag:s12] =	ssyncset.done $0x0;
	s26 =	rddreg [dreg:$0x7]  }
0x3a: {  	s28 =	rddreg [dreg:$0x12];
	[sflag:s12] =	ssyncadd.s32 $0xFFFFFC00  }
0x3b: {  	[hbm:s26], [sflag:s23] =	dma.local [spmem:s28], $0x400  }
0x3c: {  	_ =	swait.ge [sflag:s12], $0x400  }
0x3d: {  	[sflag:s12] =	ssyncset.done $0x0;
	s26 =	rddreg [dreg:$0x8]  }
0x3e: {  	s28 =	rddreg [dreg:$0x13];
	[sflag:s12] =	ssyncadd.s32 $0xFFFFFC00  }
0x3f: {  	[hbm:s26], [sflag:s23] =	dma.local [spmem:s28], $0x400  }
0x40: {  	_ =	swait.ge [sflag:s12], $0x400  }
0x41: {  	[sflag:s12] =	ssyncset.done $0x0;
	s26 =	rddreg [dreg:$0x9]  }
0x42: {  	s28 =	rddreg [dreg:$0x14];
	[sflag:s12] =	ssyncadd.s32 $0xFFFFFC00  }
0x43: {  	[hbm:s26], [sflag:s23] =	dma.local [spmem:s28], $0x400  }
0x44: {  	_ =	swait.ge [sflag:s12], $0x400  }
0x45: {  	[sflag:s12] =	ssyncset.done $0x0;
	s25 =	rddreg [dreg:$0xa]  }
0x46: {  	s26 =	rddreg [dreg:$0x15];
	[sflag:s12] =	ssyncadd.s32 $0xFFFFFC00  }
0x47: {  	[hbm:s25], [sflag:s23] =	dma.local [spmem:s26], $0x400  }
0x48: {  	_ =	swait.ge [sflag:s12], $0x400  }
0x49: {  	[sflag:s12] =	ssyncset.done $0x0  }
0x4a: {  	s28 =	rddreg [dreg:$0xb];
	[sflag:s12] =	ssyncadd.s32 $0xFFFFFC00  }
0x4b: {  	[hbm:s28], [sflag:s23] =	dma.local [spmem:s29], $0x400  }
0x4c: {  	_ =	swait.ge [sflag:s12], $0x400  }
0x4d: {  	[sflag:s12] =	ssyncset.done $0x0  }
0x4e: {  	s25 =	rddreg [dreg:$0xc];
	[sflag:s12] =	ssyncadd.s32 $0xFFFFFC00  }
0x4f: {  	[hbm:s25], [sflag:s23] =	dma.local [spmem:s30], $0x400  }
0x50: {  	_ =	swait.ge [sflag:s12], $0x400  }
0x51: {  	[sflag:s12] =	ssyncset.done $0x0  }
0x52: {  	s26 =	rddreg [dreg:$0xd];
	[sflag:s12] =	ssyncadd.s32 $0xFFFFFC00  }
0x53: {  	[hbm:s26], [sflag:s23] =	dma.local [spmem:s31], $0x400  }
0x54: {  	_ =	swait.ge [sflag:s12], $0x400  }
0x55: {  	s2 =	sadd.s32 $0x1, s2;
	s28 =	rddreg [dreg:$0xf]  }
0x56: {  	p1 =	sne.s32 s2, s28  }
.Ltmp1:
0x57: {  	_ = 	snop;
	(pc) =	sbr.rel @!p1 .LBB2_8-.Ltmp1, $3  }
0x58: {  	_ =	sdelay $0x1  }
0x59: {  	[sflag:s12] =	ssyncset.done $0x0  }
0x5a: {  	[sflag:s12] =	ssyncadd.s32 $0xFFFFFC00  }
.LBB2_1:
0x5b: {  	s23 =	simm.s32 $0x0;
	s24 =	simm.s32 $0x200  }
.LBB2_2:
0x5c: {  	p1 =	sne.s32 s24, $0x7E00;
	[tilespmem:s23+$0x41F0] =	vst v1  }
0x5d: {  	[tilespmem:s23+$0x4180] =	vst v1  }
0x5e: {  	[tilespmem:s23+$0x4190] =	vst v1  }
.Ltmp2:
0x5f: {  	[tilespmem:s23+$0x41A0] =	vst v1;
	(pc) =	sbr.rel @p1 .LBB2_2-.Ltmp2, $4  }
0x60: {  	[tilespmem:s23+$0x41B0] =	vst v1  }
0x61: {  	[tilespmem:s23+$0x41C0] =	vst v1  }
0x62: {  	[tilespmem:s23+$0x41D0] =	vst v1  }
0x63: {  	[tilespmem:s23+$0x41E0] =	vst v1;
	s23 =	sshra.s32 s24, $0x2;
	s24 =	sadd.s32 $0x200, s24  }
0x64: {  	[tilespmem:s23+$0x41F0] =	vst v1  }
0x65: {  	[tilespmem:s23+$0x4180] =	vst v1  }
0x66: {  	[tilespmem:s23+$0x4190] =	vst v1  }
0x67: {  	[tilespmem:s23+$0x41A0] =	vst v1  }
0x68: {  	[tilespmem:s23+$0x41B0] =	vst v1  }
0x69: {  	[tilespmem:s23+$0x41C0] =	vst v1  }
0x6a: {  	[tilespmem:s23+$0x41D0] =	vst v1  }
0x6b: {  	[tilespmem:s23+$0x41E0] =	vst v1  }
0x6c: {  	[spmem:s18] =	stream.linear.scatter [tilespmem:s10], [sflag:$0x2], $0x2000, $0x38;
	[tilespmem:$0x1A180] =	vst v63  }
0x6d: {  	_ =	swait.ge [sflag:s12], $0x2000  }
0x6e: {  	[sflag:s12] =	ssyncset.done $0x0  }
0x6f: {  	[sflag:s12] =	ssyncadd.s32 $0xFFFFE000  }
0x70: {  	[spmem:s11] =	stream.linear.scatter [tilespmem:s10], [sflag:$0x2], $0x2000, $0x38;
	[tilespmem:$0x1A180] =	vst v63  }
0x71: {  	_ =	swait.ge [sflag:s12], $0x2000  }
0x72: {  	[sflag:s12] =	ssyncset.done $0x0  }
0x73: {  	[sflag:s12] =	ssyncadd.s32 $0xFFFFE000  }
0x74: {  	[spmem:s0] =	stream.linear.scatter [tilespmem:s10], [sflag:$0x2], $0x2000, $0x38;
	[tilespmem:$0x1A180] =	vst v63  }
0x75: {  	_ =	swait.ge [sflag:s12], $0x2000  }
0x76: {  	[sflag:s12] =	ssyncset.done $0x0  }
0x77: {  	[sflag:s12] =	ssyncadd.s32 $0xFFFFE000  }
0x78: {  	[spmem:s3] =	stream.linear.scatter [tilespmem:s10], [sflag:$0x2], $0x2000, $0x38;
	[tilespmem:$0x1A180] =	vst v63  }
0x79: {  	_ =	swait.ge [sflag:s12], $0x2000  }
0x7a: {  	[sflag:s12] =	ssyncset.done $0x0  }
0x7b: {  	[sflag:s12] =	ssyncadd.s32 $0xFFFFE000  }
0x7c: {  	[spmem:s4] =	stream.linear.scatter [tilespmem:s10], [sflag:$0x2], $0x2000, $0x38;
	[tilespmem:$0x1A180] =	vst v63  }
0x7d: {  	_ =	swait.ge [sflag:s12], $0x2000  }
0x7e: {  	[sflag:s12] =	ssyncset.done $0x0  }
0x7f: {  	[sflag:s12] =	ssyncadd.s32 $0xFFFFE000  }
0x80: {  	[spmem:s5] =	stream.linear.scatter [tilespmem:s10], [sflag:$0x2], $0x2000, $0x38;
	[tilespmem:$0x1A180] =	vst v63  }
0x81: {  	_ =	swait.ge [sflag:s12], $0x2000  }
0x82: {  	[sflag:s12] =	ssyncset.done $0x0  }
0x83: {  	[sflag:s12] =	ssyncadd.s32 $0xFFFFE000  }
0x84: {  	[spmem:s6] =	stream.linear.scatter [tilespmem:s10], [sflag:$0x2], $0x2000, $0x38;
	[tilespmem:$0x1A180] =	vst v63  }
0x85: {  	_ =	swait.ge [sflag:s12], $0x2000  }
0x86: {  	[sflag:s12] =	ssyncset.done $0x0  }
0x87: {  	[sflag:s12] =	ssyncadd.s32 $0xFFFFE000  }
0x88: {  	[spmem:s7] =	stream.linear.scatter [tilespmem:s10], [sflag:$0x2], $0x2000, $0x38;
	[tilespmem:$0x1A180] =	vst v63  }
0x89: {  	_ =	swait.ge [sflag:s12], $0x2000  }
0x8a: {  	[sflag:s12] =	ssyncset.done $0x0  }
0x8b: {  	[sflag:s12] =	ssyncadd.s32 $0xFFFFE000  }
0x8c: {  	[spmem:s8] =	stream.linear.scatter [tilespmem:s10], [sflag:$0x2], $0x2000, $0x38;
	[tilespmem:$0x1A180] =	vst v63  }
0x8d: {  	_ =	swait.ge [sflag:s12], $0x2000  }
0x8e: {  	[sflag:s12] =	ssyncset.done $0x0  }
0x8f: {  	[sflag:s12] =	ssyncadd.s32 $0xFFFFE000  }
0x90: {  	[spmem:s9] =	stream.linear.scatter [tilespmem:s10], [sflag:$0x2], $0x2000, $0x38;
	[tilespmem:$0x1A180] =	vst v63  }
.Ltmp3:
0x91: {  	_ =	swait.ge [sflag:s12], $0x2000;
	(pc) =	sbr.rel @p0 .LBB2_7-.Ltmp3, $4  }
0x92: {  	[sflag:s12] =	ssyncset.done $0x0  }
0x93: {  	[sflag:s12] =	ssyncadd.s32 $0xFFFFE000  }
0x94: {  	[bflag:$0x0] =	sbarrier.arrive $0xFFFF  }
0x95: {  	s23 =	rddreg [dreg:$0xe]  }
.LBB2_4:
0x96: {  	s24 =	sshll.u32 s23, $0x4  }
0x97: {  	s26 =	simm.s32 $0x0;
	s25 =	sadd.s32 s15, s24  }
0x98: {  	[tilespmem:s26], [sflag:$0x2] =	stream.linear.gather [hbm4b:s25+s26], $0x80, $0x38;
	[tilespmem:$0x1A180] =	vst v63  }
0x99: {  	_ =	swait.ge [sflag:s12], $0x80  }
0x9a: {  	[sflag:s12] =	ssyncset.done $0x0  }
0x9b: {  	s28 =	sadd.s32 s16, s24;
	[sflag:s12] =	ssyncadd.s32 $0xFFFFFF80  }
0x9c: {  	[tilespmem:s14], [sflag:$0x2] =	stream.linear.gather [hbm4b:s28+s26], $0x80, $0x38;
	[tilespmem:$0x1A180] =	vst v63  }
0x9d: {  	_ =	swait.ge [sflag:s12], $0x80  }
0x9e: {  	[sflag:s12] =	ssyncset.done $0x0  }
0x9f: {  	s24 =	sadd.s32 s1, s24;
	[sflag:s12] =	ssyncadd.s32 $0xFFFFFF80  }
0xa0: {  	[tilespmem:s21], [sflag:$0x2] =	stream.linear.gather [hbm4b:s24+s26], $0x80, $0x38;
	[tilespmem:$0x1A180] =	vst v63  }
0xa1: {  	_ =	swait.ge [sflag:s12], $0x80  }
0xa2: {  	[sflag:s12] =	ssyncset.done $0x0  }
0xa3: {  	[sflag:s12] =	ssyncadd.s32 $0xFFFFFF80  }
0xa4: {  	v2 =	vld [tilespmem:$0x0]  }
0xa5: {  	v3 =	vld [tilespmem:$0x10]  }
0xa6: {  	v4 =	vld [tilespmem:$0x20]  }
0xa7: {  	v5 =	vld [tilespmem:$0x30]  }
0xa8: {  	v6 =	vld [tilespmem:$0x40]  }
0xa9: {  	v7 =	vld [tilespmem:$0x50];
	v2 =	vadd.s32 v0, v2  }
0xaa: {  	[tilespmem:$0x0] =	vst v2;
	v2 =	vadd.s32 v0, v3;
	v3 =	vld [tilespmem:$0x60]  }
0xab: {  	[tilespmem:$0x10] =	vst v2;
	v2 =	vadd.s32 v0, v4;
	v4 =	vld [tilespmem:$0x70]  }
0xac: {  	[tilespmem:$0x20] =	vst v2;
	v2 =	vadd.s32 v0, v5  }
0xad: {  	[tilespmem:$0x30] =	vst v2;
	v2 =	vadd.s32 v0, v6  }
0xae: {  	[tilespmem:$0x40] =	vst v2;
	v2 =	vadd.s32 v0, v7  }
0xaf: {  	[tilespmem:$0x50] =	vst v2;
	v2 =	vadd.s32 v0, v3  }
0xb0: {  	[tilespmem:$0x60] =	vst v2;
	v2 =	vadd.s32 v0, v4  }
0xb1: {  	[tilespmem:$0x70] =	vst v2  }
0xb2: {  	[tilespmem:s19], [sflag:$0x1] =	stream.indirect.gather [hbm4b:s17+s14], $0x80, s26, s14, $0xb8;
	[tilespmem:$0x1A180] =	vst v63  }
0xb3: {  	_ =	swait.ge [sflag:s22], $0x4000  }
0xb4: {  	v2 =	vmov s26;
	[sflag:s22] =	ssyncset.done $0x0  }
0xb5: {  	s24 =	simm.s32 $0x1C0;
	[sflag:s22] =	ssyncadd.s32 $0xFFFFC000  }
0xb6: {  	v6 =	vld [tilespmem:s24+$0x30]  }
0xb7: {  	v9 =	vld [tilespmem:s24+$0x10]  }
0xb8: {  	v7 =	vld [tilespmem:s24+$0xFFFFFFC0]  }
0xb9: {  	v3 =	vld.idx.msk [tilespmem:v2+s21+$0x0], $0xffff  }
0xba: {  	v11 =	vld [tilespmem:s24+$0xFFFFFFE0]  }
0xbb: {  	v2 =	vld [tilespmem:s24+$0xFFFFFFF0]  }
0xbc: {  	v4 =	vld [tilespmem:s24+$0x20]  }
0xbd: {  	v5 =	vld [tilespmem:s24+$0xFFFFFFD0]  }
0xbe: {  	v10 =	vmul.f32 v6, v3;
	v6 =	vld [tilespmem:s24+$0x0]  }
0xbf: {  	v8 =	vmul.f32 v7, v3  }
0xc0: {  	s25 =	simm.s32 $0x1;
	s26 =	simm.s32 $0x1C0;
	v7 =	vmul.f32 v11, v3;
	v9 =	vmul.f32 v9, v3  }
.LBB2_5:
0xc1: {  	p1 =	sne.s32 s25, $0x7F  }
0xc2: {  	v5 =	vmul.f32 v5, v3;
	v4 =	vmul.f32 v4, v3;
	[tilespmem:s24+$0x30] =	vst v10;
	s26 =	sadd.s32 $0x80, s26;
	s28 =	smov.u32 s25;
	s25 =	sadd.s32 $0x1, s25  }
0xc3: {  	[tilespmem:s24+$0xFFFFFFC0] =	vst v8;
	v8 =	vmul.f32 v2, v3;
	v3 =	vmul.f32 v6, v3  }
0xc4: {  	[tilespmem:s24+$0x10] =	vst v9  }
0xc5: {  	v6 =	vmov s28;
	[tilespmem:s24+$0xFFFFFFE0] =	vst v7  }
0xc6: {  	v2 =	vld [tilespmem:s26+$0xFFFFFFF0];
	[tilespmem:s24+$0xFFFFFFF0] =	vst v8  }
0xc7: {  	v7 =	vld [tilespmem:s26+$0x30];
	[tilespmem:s24+$0x0] =	vst v3  }
0xc8: {  	v9 =	vld [tilespmem:s26+$0x10];
	[tilespmem:s24+$0x20] =	vst v4  }
0xc9: {  	v8 =	vld [tilespmem:s26+$0xFFFFFFC0];
	[tilespmem:s24+$0xFFFFFFD0] =	vst v5;
	s24 =	smov.u32 s26  }
0xca: {  	v3 =	vld.idx.msk [tilespmem:v6+s21+$0x0], $0xffff  }
0xcb: {  	v11 =	vld [tilespmem:s26+$0xFFFFFFE0]  }
0xcc: {  	v4 =	vld [tilespmem:s26+$0x20]  }
.Ltmp4:
0xcd: {  	v5 =	vld [tilespmem:s26+$0xFFFFFFD0];
	(pc) =	sbr.rel @p1 .LBB2_5-.Ltmp4, $3  }
0xce: {  	v6 =	vld [tilespmem:s26+$0x0];
	_ =	sdelay $0x1  }
0xcf: {  	v8 =	vmul.f32 v8, v3;
	v10 =	vmul.f32 v7, v3  }
0xd0: {  	v9 =	vmul.f32 v9, v3;
	v7 =	vmul.f32 v11, v3  }
0xd1: {  	[tilespmem:s24+$0x30] =	vst v10  }
0xd2: {  	[tilespmem:s24+$0xFFFFFFC0] =	vst v8  }
0xd3: {  	v2 =	vmul.f32 v2, v3;
	[tilespmem:s24+$0x10] =	vst v9  }
0xd4: {  	v4 =	vmul.f32 v4, v3;
	[tilespmem:s24+$0xFFFFFFE0] =	vst v7  }
0xd5: {  	v6 =	vmul.f32 v6, v3;
	[tilespmem:s24+$0xFFFFFFF0] =	vst v2  }
0xd6: {  	v2 =	vmul.f32 v5, v3;
	[tilespmem:s24+$0x20] =	vst v4  }
0xd7: {  	s23 =	sadd.s32 $0x1, s23;
	[tilespmem:s24+$0x0] =	vst v6  }
0xd8: {  	p1 =	sne.s32 s23, s20;
	[tilespmem:s24+$0xFFFFFFD0] =	vst v2  }
0xd9: {  	[spmem:s13] =	stream.indirect.scatter.add.f32 [tilespmem:s19], [sflag:$0x2], $0x80, s14, s14, $0xb8;
	[tilespmem:$0x1A180] =	vst v63  }
.Ltmp5:
0xda: {  	_ = 	snop;
	(pc) =	sbr.rel @p1 .LBB2_4-.Ltmp5, $4  }
.Ltmp6:
0xdb: {  	_ = 	snop;
	(pc) =	sbr.rel @!p1 .LBB2_7-.Ltmp6, $4  }
0xdc: {  	_ =	swait.ge [sflag:s12], $0x4000  }
0xdd: {  	[sflag:s12] =	ssyncset.done $0x0  }
0xde: {  	[sflag:s12] =	ssyncadd.s32 $0xFFFFC000  }
0xdf: {  	_ = 	snop  }
.LBB2_8:
0xe0: {  	_ =	sfence.sel $0x180000  }
0xe1: {  	[bflag:$0x0] =	sbarrier.arrive $0xFFFF  }
0xe2: {  	_ =	strace $0x9000004A  }
0xe3: {  	s0 =	stileid.u32;
	[bflag:$0x2] =	sbarrier.arrive $0xFFFF  }
0xe4: {  	p0 =	sne.s32 s0, $0x0;
	s0 =	rddreg [dreg:$0x3]  }
0xe5: {  	s0 =	sadd.s32 @!p0 $0x100000, s0  }
0xe6: {  	[sflag:s0] =	ssyncadd.tile.s32 @!p0 $0x1;
	_ =	shalt  }
.Lfunc_end2:
_tile_overlayer_lowered:
.L_overlay_start_2:
0xe7: {  	(tag) =	ssettag $0x2  }
0xe8: {  	s0 =	rddreg [dreg:$0x0];
	s2 =	stileid.u32  }
0xe9: {  	s1 =	rddreg [dreg:$0x1];
	p0 =	sne.s32 s2, $0x0  }
0xea: {  	s3 =	rddreg [dreg:$0x2];
	[bflag:$0x3] =	sbarrier.arrive $0xFFFF;
	s2 =	simm.s32 @!p0 $0x1C02  }
0xeb: {  	[timem:s3], [sflag:s2] =	dma.local @!p0 [hbm:s0], s1  }
0xec: {  	s0 =	simm.s32 @!p0 $0x2  }
0xed: {  	_ =	swait.ge @!p0 [sflag:s0], s1  }
0xee: {  	s1 =	ssub.s32 @!p0 $0x0, s1;
	[sflag:s0] =	ssyncset.done @!p0 $0x0  }
0xef: {  	[sflag:s0] =	ssyncadd.s32 @!p0 s1  }
0xf0: {  	[bflag:$0x3] =	sbarrier.arrive $0xFFFF  }
0xf1: {  	_ =	shalt  }

// kernel: kernel.21.cloned.1.call-start
scs
__scs_entry_jumppad:
0x0: {  	(pc) =	sbr.rel $0x88, $3  }
0x1: {  	(tag) =	ssettag $0x0;
	lr =	simm.s32 $0x1  }
0x2: {  	[smem:$0x3F8D] =	sst lr;
	_ =	strace $0xD0000000  }
0x3: {  	_ = 	snop  }
0x4: {  	_ = 	snop  }
0x5: {  	_ = 	snop  }
0x6: {  	_ = 	snop  }
0x7: {  	_ = 	snop  }
__scs_overlays_trampoline_lowered:
0x8: {  	[smem:$0x3F9C] =	sst s0  }
0x9: {  	[smem:$0x3F9D] =	sst s1  }
0xa: {  	[smem:$0x3F9E] =	sst s2  }
0xb: {  	[smem:$0x3F9F] =	sst s3  }
0xc: {  	[smem:$0x3FA0] =	sst s4  }
0xd: {  	[smem:$0x3FA1] =	sst s5  }
0xe: {  	[smem:$0x3FA2] =	sst s6  }
0xf: {  	[smem:$0x3FA3] =	sst s7  }
0x10: {  	[smem:$0x3FA4] =	sst s8  }
0x11: {  	[smem:$0x3FA5] =	sst s9;
	s0 =	simm.s32 @!p0 $0x0  }
0x12: {  	s1 =	sld [smem:$0x3F8B];
	s0 =	simm.s32 @p0 $0x1  }
0x13: {  	[smem:$0x3FA6] =	sst s0;
	s0 =	simm.s32 @!p1 $0x0  }
0x14: {  	s2 =	sld [smem:$0x3F8A];
	s0 =	simm.s32 @p1 $0x1  }
0x15: {  	[smem:$0x3FA7] =	sst s0;
	s0 =	simm.s32 @!p2 $0x0  }
0x16: {  	s3 =	sld [smem:$0x3FDB];
	s0 =	simm.s32 @p2 $0x1  }
0x17: {  	s4 =	simm.s32 $0x1BF5;
	[smem:$0x3FA9] =	sst s0  }
0x18: {  	s0 =	sld [smem:$0x3F8C];
	_ =	swait.ge [sflag:s4], $0x0  }
0x19: {  	s7 =	sld [smem:$0x3F8D]  }
0x1a: {  	s8 =	sadd.s32 $0xFFFFE003, lr  }
0x1b: {  	s9 =	sadd.s32 $0xFFFFFEF7, lr;
	s5 =	simm.s32 $0xFFFFFFFF;
	p2 =	slt.u32 s8, $0xFFFFF086  }
0x1c: {  	p1 =	slt.u32 s9, $0xF7A;
	s5 =	simm.s32 @!p2 $0x0  }
0x1d: {  	s5 =	simm.s32 @p1 $0x1;
	p0 =	seq.s32 s7, s2  }
0x1e: {  	s7 =	smul.u32 @!p0 $0xF7A, s2;
	p2 =	seq.s32 @!p0 s5, $0x0  }
0x1f: {  	s9 =	smul.u32 $0xF7A, s1;
	s8 =	simm.s32 @!p0 $0x1BF5;
	p2 =	por !p2, p0  }
0x20: {  	[sflag:s8] =	ssyncset.s32 @!p0 $0xFFFFF086;
	s6 =	sadd.s32 @!p0 s3, s7;
	s7 =	simm.s32 @!p0 $0x108  }
0x21: {  	s3 =	sadd.s32 s3, s9;
	s6 =	sadd.s32 @!p0 $0x88, s6;
	s7 =	simm.s32 @p2 $0x1082  }
0x22: {  	[simem:s7], [sflag:s8] =	dma.local @!p0 [hbm:s6], $0xF7A  }
0x23: {  	s9 =	sor.u32 $0xD0000000, s2;
	s6 =	simm.s32 $0x108;
	_ =	swait.ge @!p0 [sflag:s8], $0x0  }
0x24: {  	s3 =	sadd.s32 $0x88, s3;
	s6 =	simm.s32 @!p1 $0x1082;
	[sflag:s4] =	ssyncset.s32 $0xFFFFF086  }
0x25: {  	[simem:s6], [sflag:s4] =	dma.local [hbm:s3], $0xF7A  }
0x26: {  	[smem:$0x3F8D] =	sst s1;
	(tag) =	ssettag s2;
	_ =	strace s9  }
0x27: {  	s1 =	sld [smem:$0x3F9D]  }
0x28: {  	s2 =	sld [smem:$0x3F9E]  }
0x29: {  	s4 =	sld [smem:$0x3FA0]  }
0x2a: {  	p0 =	seq.s32 s5, $0x0;
	s5 =	sld [smem:$0x3FA1]  }
0x2b: {  	s6 =	sld [smem:$0x3FA2]  }
0x2c: {  	s7 =	sld [smem:$0x3FA3]  }
0x2d: {  	s3 =	simm.s32 $0x108;
	s8 =	sld [smem:$0x3FA4]  }
0x2e: {  	s3 =	simm.s32 @!p0 $0x1082;
	s9 =	sld [smem:$0x3FA5]  }
0x2f: {  	lr =	sadd.s32 s0, s3;
	s0 =	sld [smem:$0x3F9C]  }
0x30: {  	s3 =	sld [smem:$0x3F9F]  }
0x31: {  	[smem:$0x3FA8] =	sst s10  }
0x32: {  	s10 =	sld [smem:$0x3FA6];
	_ =	sdelay $0x3  }
0x33: {  	p0 =	seq.s32 s10, $0x1;
	s10 =	sld [smem:$0x3FA8];
	_ =	sdelay $0x3  }
0x34: {  	[smem:$0x3FA8] =	sst s10  }
0x35: {  	s10 =	sld [smem:$0x3FA7];
	_ =	sdelay $0x3  }
0x36: {  	p1 =	seq.s32 s10, $0x1;
	s10 =	sld [smem:$0x3FA8];
	_ =	sdelay $0x3  }
0x37: {  	[smem:$0x3FA8] =	sst s10  }
0x38: {  	s10 =	sld [smem:$0x3FA9]  }
0x39: {  	_ = 	snop;
	(pc) =	sbr.ind lr, $3  }
0x3a: {  	_ = 	snop  }
0x3b: {  	_ = 	snop  }
0x3c: {  	p2 =	seq.s32 s10, $0x1;
	s10 =	sld [smem:$0x3FA8]  }
0x3d: {  	_ =	shalt  }
0x3e: {  	_ =	shalt  }
0x3f: {  	_ =	shalt  }
0x40: {  	_ =	shalt  }
0x41: {  	_ =	shalt  }
0x42: {  	_ =	shalt  }
0x43: {  	_ =	shalt  }
0x44: {  	_ =	shalt  }
0x45: {  	_ =	shalt  }
0x46: {  	_ =	shalt  }
0x47: {  	_ =	shalt  }
0x48: {  	_ =	shalt  }
0x49: {  	_ =	shalt  }
0x4a: {  	_ =	shalt  }
0x4b: {  	_ =	shalt  }
0x4c: {  	_ =	shalt  }
0x4d: {  	_ =	shalt  }
0x4e: {  	_ =	shalt  }
0x4f: {  	_ =	shalt  }
0x50: {  	_ =	shalt  }
0x51: {  	_ =	shalt  }
0x52: {  	_ =	shalt  }
0x53: {  	_ =	shalt  }
0x54: {  	_ =	shalt  }
0x55: {  	_ =	shalt  }
0x56: {  	_ =	shalt  }
0x57: {  	_ =	shalt  }
0x58: {  	_ =	shalt  }
0x59: {  	_ =	shalt  }
0x5a: {  	_ =	shalt  }
0x5b: {  	_ =	shalt  }
0x5c: {  	_ =	shalt  }
0x5d: {  	_ =	shalt  }
0x5e: {  	_ =	shalt  }
0x5f: {  	_ =	shalt  }
0x60: {  	_ =	shalt  }
0x61: {  	_ =	shalt  }
0x62: {  	_ =	shalt  }
0x63: {  	_ =	shalt  }
0x64: {  	_ =	shalt  }
0x65: {  	_ =	shalt  }
0x66: {  	_ =	shalt  }
0x67: {  	_ =	shalt  }
0x68: {  	_ =	shalt  }
0x69: {  	_ =	shalt  }
0x6a: {  	_ =	shalt  }
0x6b: {  	_ =	shalt  }
0x6c: {  	_ =	shalt  }
0x6d: {  	_ =	shalt  }
0x6e: {  	_ =	shalt  }
0x6f: {  	_ =	shalt  }
0x70: {  	_ =	shalt  }
0x71: {  	_ =	shalt  }
0x72: {  	_ =	shalt  }
0x73: {  	_ =	shalt  }
0x74: {  	_ =	shalt  }
0x75: {  	_ =	shalt  }
0x76: {  	_ =	shalt  }
0x77: {  	_ =	shalt  }
0x78: {  	_ =	shalt  }
0x79: {  	_ =	shalt  }
0x7a: {  	_ =	shalt  }
0x7b: {  	_ =	shalt  }
0x7c: {  	_ =	shalt  }
0x7d: {  	_ =	shalt  }
0x7e: {  	_ =	shalt  }
0x7f: {  	_ =	shalt  }
0x80: {  	_ =	shalt  }
0x81: {  	_ =	shalt  }
0x82: {  	_ =	shalt  }
0x83: {  	_ =	shalt  }
0x84: {  	_ =	shalt  }
0x85: {  	_ =	shalt  }
0x86: {  	_ =	shalt  }
0x87: {  	_ =	shalt  }
.Lfunc_end0:
.L_simem_size_0:
called_computation.2_lowered:
.L_overlay_start_0:
0x88: {  	s2 =	sld [smem:$0x3FD9]  }
0x89: {  	s3 =	sld [smem:$0x3FFE];
	_ =	sdelay $0x1  }
0x8a: {  	s1 =	srdreg.scid  }
0x8b: {  	s0 =	sand.u32 $0x1, s1  }
0x8c: {  	s17 =	sshll.u32 s0, $0xA;
	s2 =	sadd.s32 s3, s2  }
0x8d: {  	s2 =	sadd.s32 s2, s17  }
0x8e: {  	[smem:$0x3FB4] =	sst s2  }
0x8f: {  	_ = 	snop  }
0x90: {  	s2 =	sld [smem:$0x3FC7];
	(tm) =	ssettm $0x1  }
0x91: {  	s18 =	sld [smem:$0x3FFB];
	_ =	sdelay $0x3  }
0x92: {  	_ =	strace s18  }
0x93: {  	s3 =	sld [smem:$0x3FFC];
	_ =	sdelay $0x3  }
0x94: {  	_ =	strace s3  }
0x95: {  	s3 =	sld [smem:$0x3FFD];
	_ =	sdelay $0x3  }
0x96: {  	_ =	strace s3  }
0x97: {  	_ =	strace $0x8FFFFFFF  }
0x98: {  	s19 =	sld [smem:$0x3FDB];
	_ =	sdelay $0x1  }
0x99: {  	s4 =	simm.s32 $_scs_section_size  }
0x9a: {  	s5 =	simm.s32 $_size__tile_overlayer_lowered;
	s6 =	simm.s32 $_tile_overlayer_lowered  }
0x9b: {  	s22 =	simm.s32 $0x1BFF;
	s21 =	sshll.u32 s6, $0x1;
	s3 =	sadd.s32 s4, s19  }
0x9c: {  	s7 =	simm.s32 $0x0;
	s20 =	sshll.u32 s5, $0x1;
	s5 =	sadd.s32 s21, s3  }
0x9d: {  	[timem:s7], [sflag:s22] =	dma.local [hbm:s5], s20  }
0x9e: {  	_ =	swait.ge [sflag:s22], s20  }
0x9f: {  	s4 =	ssub.s32 $0x0, s20;
	[sflag:s22] =	ssyncset.done $0x0  }
0xa0: {  	[sflag:s22] =	ssyncadd.s32 s4;
	_ =	sdelay $0x1  }
0xa1: {  	s23 =	simm.s32 $0x1B8B  }
0xa2: {  	_ =	swait.ge [sflag:s23], $0x1  }
0xa3: {  	[sflag:s23] =	ssyncset.done $0x0  }
0xa4: {  	s25 =	simm.s32 $0x1B8E;
	s24 =	sld [smem:$0x3FFE];
	[sflag:s23] =	ssyncadd.s32 $0xFFFFFFFF  }
0xa5: {  	s26 =	simm.s32 $execute0_lowered;
	[smem:$0x3FD2] =	sst s25  }
0xa6: {  	s5 =	sshll.u32 s26, $0x1;
	_ =	strace $0x8000004C;
	[dreg:$0x1] =	wrdreg $0xFFFFFFFF  }
0xa7: {  	s28 =	simm.s32 $_size_execute0_lowered;
	s3 =	sadd.s32 s3, s5;
	[dreg:$0x0] =	wrdreg $0x0  }
0xa8: {  	s5 =	sshll.u32 s28, $0x1;
	[dreg:$0x2] =	wrdreg s3  }
0xa9: {  	[dreg:$0x3] =	wrdreg s5  }
0xaa: {  	[dreg:$0x4] =	wrdreg $0xC0  }
0xab: {  	_ =	task [dreg:s7], $0x5FFFF  }
0xac: {  	[dreg:$0x1] =	wrdreg $0xFFFFFFFF  }
0xad: {  	[dreg:$0x0] =	wrdreg $0x60  }
0xae: {  	[dreg:$0x2] =	wrdreg s24  }
0xaf: {  	[dreg:$0x3] =	wrdreg s2  }
0xb0: {  	[dreg:$0x4] =	wrdreg $0x61800  }
0xb1: {  	[dreg:$0x5] =	wrdreg $0x9  }
0xb2: {  	_ =	task.clear_ibuf [dreg:s7], $0x6FFFF;
	_ =	strace $0x9000004C  }
0xb3: {  	s29 =	simm.s32 $0x9;
	_ =	strace $0x8000004E  }
0xb4: {  	_ =	swait.ge [sflag:s29], $0x1  }
0xb5: {  	[sflag:s29] =	ssyncadd.s32 $0xFFFFFFFF  }
0xb6: {  	_ =	strace $0x9000004E  }
0xb7: {  	_ =	sfence  }
0xb8: {  	s30 =	sld [smem:$0x0];
	_ =	sdelay $0x2  }
0xb9: {  	s31 =	sshll.u32 s1, $0xD;
	s1 =	sshrl.u32 s1, $0x2  }
0xba: {  	s3 =	sand.u32 $0x4000, s31;
	s1 =	sadd.s32 s1, s30  }
0xbb: {  	s0 =	sor.u32 s3, s0;
	s1 =	sshll.u32 s1, $0x11  }
0xbc: {  	s0 =	sor.u32 s1, s0  }
0xbd: {  	s0 =	sadd.s32 $0x8F2B, s0  }
0xbe: {  	[sflag:s0] =	ssyncadd.remote.s32 $0x1  }
0xbf: {  	_ =	sfence.sel $0xFFFF  }
0xc0: {  	[dreg:$0x0] =	wrdreg $0xFFFFFFFF;
	(pc) =	sbr.abs _section_cstart, $3  }
0xc1: {  	[dreg:$0x1] =	wrdreg $0xFFFFFFFF  }
0xc2: {  	_ =	task.clear_ibuf [dreg:s7], $0x2FFFF;
	_ =	strace $0x9FFFFFFF  }
0xc3: {  	(tm) =	ssettm $0x7FFFFFFF  }
tec
execute0_lowered:
.L_overlay_start_1:
0x0: {  	(tag) =	ssettag $0x1  }
0x1: {  	s0 =	rddreg [dreg:$0x0];
	s2 =	srdreg.scid  }
0x2: {  	s15 =	stileid.u32;
	s1 =	rddreg [dreg:$0x1];
	s3 =	sand.u32 $0x1, s2  }
0x3: {  	s4 =	smul.u32 $0x280, s15;
	s2 =	simm.s32 $0x0;
	s8 =	sadd.s32 $0x12A400, s0  }
0x4: {  	s5 =	ssub.s32 $0x2, s3;
	s6 =	smul.u32 $0x2800, s3;
	[smem:$0x7FF] =	sst s2  }
0x5: {  	s7 =	sshrl.u32 s5, $0x1;
	s9 =	sor.u32 $0x40, s4;
	s10 =	sadd.s32 $0x80, s4  }
0x6: {  	s12 =	sadd.s32 $0xC0, s4;
	s14 =	sadd.s32 $0x140, s4;
	s19 =	sadd.s32 $0x180, s4  }
0x7: {  	s21 =	sadd.s32 $0x1C0, s4;
	s22 =	sadd.s32 $0x200, s4;
	s5 =	ssub.s32 s5, s7  }
0x8: {  	s23 =	sadd.s32 s6, s4;
	s24 =	sadd.s32 s6, s9;
	s11 =	sadd.s32 s6, s10  }
0x9: {  	s26 =	sadd.s32 s6, s12;
	s13 =	sadd.s32 s6, s14;
	s17 =	sadd.s32 s6, s19  }
0xa: {  	s18 =	sadd.s32 s6, s21;
	s20 =	sadd.s32 s6, s22;
	s7 =	sshll.u32 s23, $0x4  }
0xb: {  	s11 =	sshll.u32 s11, $0x4;
	s13 =	sshll.u32 s13, $0x4;
	s7 =	sadd.s32 s8, s7  }
0xc: {  	s25 =	sadd.s32 s8, s11;
	s11 =	sadd.s32 $0x100, s4;
	s16 =	sadd.s32 s8, s13  }
0xd: {  	s13 =	sshll.u32 s20, $0x4;
	s4 =	sadd.s32 $0x240, s4;
	[dreg:$0x4] =	wrdreg s7  }
0xe: {  	s7 =	sshll.u32 s24, $0x4;
	[dreg:$0x6] =	wrdreg s25;
	s28 =	sadd.s32 s6, s11  }
0xf: {  	[dreg:$0x9] =	wrdreg s16;
	s23 =	sadd.s32 s8, s13;
	s24 =	smul.u32 $0x50000, s15  }
0x10: {  	s6 =	sadd.s32 s6, s4;
	s13 =	rddreg [dreg:$0x2];
	s25 =	smul.u32 $0x9C4, s15  }
0x11: {  	s15 =	sadd.s32 $0xEE00, s0;
	s16 =	sadd.s32 $0x5000, s0;
	s11 =	sshll.u32 s11, $0x7  }
0x12: {  	s4 =	sshll.u32 s4, $0x7;
	s7 =	sadd.s32 s8, s7;
	[dreg:$0xc] =	wrdreg s23  }
0x13: {  	s6 =	sshll.u32 s6, $0x4;
	s23 =	smul.u32 $0x2710, s3;
	s4 =	sadd.s32 s4, s13  }
0x14: {  	[dreg:$0x5] =	wrdreg s7;
	s7 =	sshll.u32 s26, $0x4;
	s6 =	sadd.s32 s8, s6  }
0x15: {  	s26 =	sshrl.u32 s24, $0x2;
	s24 =	sshrl.u32 s25, $0x4;
	s7 =	sadd.s32 s8, s7  }
0x16: {  	s31 =	sshrl.u32 s4, $0x3;
	[dreg:$0x7] =	wrdreg s7;
	s7 =	sshll.u32 s28, $0x4  }
0x17: {  	[dreg:$0xd] =	wrdreg s6;
	s6 =	sadd.s32 s11, s13;
	s7 =	sadd.s32 s8, s7  }
0x18: {  	s28 =	sadd.s32 $0x9C4, s25;
	[dreg:$0x8] =	wrdreg s7;
	s7 =	sshll.u32 s17, $0x4  }
0x19: {  	s25 =	sshrl.u32 s6, $0x3;
	s20 =	sshrl.u32 s28, $0x4;
	s7 =	sadd.s32 s8, s7  }
0x1a: {  	s17 =	sadd.s32 $0xDC200, s0;
	[dreg:$0xa] =	wrdreg s7;
	s7 =	sshll.u32 s18, $0x4  }
0x1b: {  	p0 =	sge.u32 s24, s20;
	s18 =	sadd.s32 s26, s13;
	s7 =	sadd.s32 s8, s7  }
0x1c: {  	s8 =	sshll.u32 s9, $0x7;
	s9 =	sshll.u32 s10, $0x7;
	s10 =	sshll.u32 s12, $0x7  }
0x1d: {  	s12 =	sshll.u32 s14, $0x7;
	s14 =	sshll.u32 s19, $0x7;
	s19 =	sshll.u32 s21, $0x7  }
0x1e: {  	s21 =	sshll.u32 s22, $0x7;
	s11 =	sadd.s32 $0x2000, s18;
	s4 =	sadd.s32 $0x8000, s18  }
0x1f: {  	s6 =	sadd.s32 $0xC000, s18;
	[dreg:$0xb] =	wrdreg s7;
	s7 =	smax.u32 s5, $0x1  }
0x20: {  	s0 =	sadd.s32 s8, s13;
	s3 =	sadd.s32 s9, s13;
	s5 =	sadd.s32 s10, s13  }
0x21: {  	s8 =	sadd.s32 s14, s13;
	s9 =	sadd.s32 s19, s13;
	s10 =	sadd.s32 s21, s13  }
0x22: {  	s14 =	simm.s32 $0x80;
	s21 =	simm.s32 $0x100;
	s19 =	simm.s32 $0x180  }
0x23: {  	_ =	strace $0x8000004D;
	[dreg:$0xf] =	wrdreg s7;
	s7 =	sadd.s32 s12, s13  }
0x24: {  	[dreg:$0xe] =	wrdreg s24;
	s0 =	sshrl.u32 s0, $0x3;
	s22 =	sshrl.u32 s3, $0x3  }
0x25: {  	s24 =	sshrl.u32 s5, $0x3;
	[dreg:$0x13] =	wrdreg s25;
	s28 =	sshrl.u32 s8, $0x3  }
0x26: {  	s29 =	sshrl.u32 s9, $0x3;
	s30 =	sshrl.u32 s10, $0x3;
	s3 =	sadd.s32 $0x6000, s18  }
.Ltmp0:
0x27: {  	s5 =	sadd.s32 $0xA000, s18;
	[dreg:$0x10] =	wrdreg s0;
	(pc) =	sbr.rel .LBB2_1-.Ltmp0, $4  }
0x28: {  	s8 =	sadd.s32 $0x10000, s18;
	s9 =	sadd.s32 $0x12000, s18;
	[dreg:$0x11] =	wrdreg s22  }
0x29: {  	s10 =	simm.s32 $0x4180;
	s12 =	simm.s32 $0x2;
	[dreg:$0x12] =	wrdreg s24  }
0x2a: {  	s26 =	sshrl.u32 s7, $0x3;
	[dreg:$0x15] =	wrdreg s28;
	s0 =	sadd.s32 $0x4000, s18  }
0x2b: {  	v1 =	vimm.f32 $0.0e+00;
	v0 =	vmov s23;
	s7 =	sadd.s32 $0xE000, s18;
	s22 =	simm.s32 $0x1;
	[dreg:$0x14] =	wrdreg s26  }
.LBB2_7:
0x2c: {  	s23 =	stileid.u32  }
0x2d: {  	[bflag:$0x0] =	sbarrier.arrive $0xFFFF;
	s23 =	sshll.u32 s23, $0x6  }
0x2e: {  	s24 =	sshrl.u32 s18, $0x3;
	s25 =	rddreg [dreg:$0x4];
	s23 =	sor.u32 $0x1C02, s23  }
0x2f: {  	[hbm:s25], [sflag:s23] =	dma.local [spmem:s24], $0x400  }
0x30: {  	_ =	swait.ge [sflag:s12], $0x400  }
0x31: {  	[sflag:s12] =	ssyncset.done $0x0;
	s26 =	rddreg [dreg:$0x5]  }
0x32: {  	s28 =	rddreg [dreg:$0x10];
	[sflag:s12] =	ssyncadd.s32 $0xFFFFFC00  }
0x33: {  	[hbm:s26], [sflag:s23] =	dma.local [spmem:s28], $0x400  }
0x34: {  	_ =	swait.ge [sflag:s12], $0x400  }
0x35: {  	[sflag:s12] =	ssyncset.done $0x0;
	s26 =	rddreg [dreg:$0x6]  }
0x36: {  	s28 =	rddreg [dreg:$0x11];
	[sflag:s12] =	ssyncadd.s32 $0xFFFFFC00  }
0x37: {  	[hbm:s26], [sflag:s23] =	dma.local [spmem:s28], $0x400  }
0x38: {  	_ =	swait.ge [sflag:s12], $0x400  }
0x39: {  	[sflag:s12] =	ssyncset.done $0x0;
	s26 =	rddreg [dreg:$0x7]  }
0x3a: {  	s28 =	rddreg [dreg:$0x12];
	[sflag:s12] =	ssyncadd.s32 $0xFFFFFC00  }
0x3b: {  	[hbm:s26], [sflag:s23] =	dma.local [spmem:s28], $0x400  }
0x3c: {  	_ =	swait.ge [sflag:s12], $0x400  }
0x3d: {  	[sflag:s12] =	ssyncset.done $0x0;
	s26 =	rddreg [dreg:$0x8]  }
0x3e: {  	s28 =	rddreg [dreg:$0x13];
	[sflag:s12] =	ssyncadd.s32 $0xFFFFFC00  }
0x3f: {  	[hbm:s26], [sflag:s23] =	dma.local [spmem:s28], $0x400  }
0x40: {  	_ =	swait.ge [sflag:s12], $0x400  }
0x41: {  	[sflag:s12] =	ssyncset.done $0x0;
	s26 =	rddreg [dreg:$0x9]  }
0x42: {  	s28 =	rddreg [dreg:$0x14];
	[sflag:s12] =	ssyncadd.s32 $0xFFFFFC00  }
0x43: {  	[hbm:s26], [sflag:s23] =	dma.local [spmem:s28], $0x400  }
0x44: {  	_ =	swait.ge [sflag:s12], $0x400  }
0x45: {  	[sflag:s12] =	ssyncset.done $0x0;
	s25 =	rddreg [dreg:$0xa]  }
0x46: {  	s26 =	rddreg [dreg:$0x15];
	[sflag:s12] =	ssyncadd.s32 $0xFFFFFC00  }
0x47: {  	[hbm:s25], [sflag:s23] =	dma.local [spmem:s26], $0x400  }
0x48: {  	_ =	swait.ge [sflag:s12], $0x400  }
0x49: {  	[sflag:s12] =	ssyncset.done $0x0  }
0x4a: {  	s28 =	rddreg [dreg:$0xb];
	[sflag:s12] =	ssyncadd.s32 $0xFFFFFC00  }
0x4b: {  	[hbm:s28], [sflag:s23] =	dma.local [spmem:s29], $0x400  }
0x4c: {  	_ =	swait.ge [sflag:s12], $0x400  }
0x4d: {  	[sflag:s12] =	ssyncset.done $0x0  }
0x4e: {  	s25 =	rddreg [dreg:$0xc];
	[sflag:s12] =	ssyncadd.s32 $0xFFFFFC00  }
0x4f: {  	[hbm:s25], [sflag:s23] =	dma.local [spmem:s30], $0x400  }
0x50: {  	_ =	swait.ge [sflag:s12], $0x400  }
0x51: {  	[sflag:s12] =	ssyncset.done $0x0  }
0x52: {  	s26 =	rddreg [dreg:$0xd];
	[sflag:s12] =	ssyncadd.s32 $0xFFFFFC00  }
0x53: {  	[hbm:s26], [sflag:s23] =	dma.local [spmem:s31], $0x400  }
0x54: {  	_ =	swait.ge [sflag:s12], $0x400  }
0x55: {  	s2 =	sadd.s32 $0x1, s2;
	s28 =	rddreg [dreg:$0xf]  }
0x56: {  	p1 =	sne.s32 s2, s28  }
.Ltmp1:
0x57: {  	_ = 	snop;
	(pc) =	sbr.rel @!p1 .LBB2_8-.Ltmp1, $3  }
0x58: {  	_ =	sdelay $0x1  }
0x59: {  	[sflag:s12] =	ssyncset.done $0x0  }
0x5a: {  	[sflag:s12] =	ssyncadd.s32 $0xFFFFFC00  }
.LBB2_1:
0x5b: {  	s23 =	simm.s32 $0x0;
	s24 =	simm.s32 $0x200  }
.LBB2_2:
0x5c: {  	p1 =	sne.s32 s24, $0x7E00;
	[tilespmem:s23+$0x41F0] =	vst v1  }
0x5d: {  	[tilespmem:s23+$0x4180] =	vst v1  }
0x5e: {  	[tilespmem:s23+$0x4190] =	vst v1  }
.Ltmp2:
0x5f: {  	[tilespmem:s23+$0x41A0] =	vst v1;
	(pc) =	sbr.rel @p1 .LBB2_2-.Ltmp2, $4  }
0x60: {  	[tilespmem:s23+$0x41B0] =	vst v1  }
0x61: {  	[tilespmem:s23+$0x41C0] =	vst v1  }
0x62: {  	[tilespmem:s23+$0x41D0] =	vst v1  }
0x63: {  	[tilespmem:s23+$0x41E0] =	vst v1;
	s23 =	sshra.s32 s24, $0x2;
	s24 =	sadd.s32 $0x200, s24  }
0x64: {  	[tilespmem:s23+$0x41F0] =	vst v1  }
0x65: {  	[tilespmem:s23+$0x4180] =	vst v1  }
0x66: {  	[tilespmem:s23+$0x4190] =	vst v1  }
0x67: {  	[tilespmem:s23+$0x41A0] =	vst v1  }
0x68: {  	[tilespmem:s23+$0x41B0] =	vst v1  }
0x69: {  	[tilespmem:s23+$0x41C0] =	vst v1  }
0x6a: {  	[tilespmem:s23+$0x41D0] =	vst v1  }
0x6b: {  	[tilespmem:s23+$0x41E0] =	vst v1  }
0x6c: {  	[spmem:s18] =	stream.linear.scatter [tilespmem:s10], [sflag:$0x2], $0x2000, $0x38;
	[tilespmem:$0x1A180] =	vst v63  }
0x6d: {  	_ =	swait.ge [sflag:s12], $0x2000  }
0x6e: {  	[sflag:s12] =	ssyncset.done $0x0  }
0x6f: {  	[sflag:s12] =	ssyncadd.s32 $0xFFFFE000  }
0x70: {  	[spmem:s11] =	stream.linear.scatter [tilespmem:s10], [sflag:$0x2], $0x2000, $0x38;
	[tilespmem:$0x1A180] =	vst v63  }
0x71: {  	_ =	swait.ge [sflag:s12], $0x2000  }
0x72: {  	[sflag:s12] =	ssyncset.done $0x0  }
0x73: {  	[sflag:s12] =	ssyncadd.s32 $0xFFFFE000  }
0x74: {  	[spmem:s0] =	stream.linear.scatter [tilespmem:s10], [sflag:$0x2], $0x2000, $0x38;
	[tilespmem:$0x1A180] =	vst v63  }
0x75: {  	_ =	swait.ge [sflag:s12], $0x2000  }
0x76: {  	[sflag:s12] =	ssyncset.done $0x0  }
0x77: {  	[sflag:s12] =	ssyncadd.s32 $0xFFFFE000  }
0x78: {  	[spmem:s3] =	stream.linear.scatter [tilespmem:s10], [sflag:$0x2], $0x2000, $0x38;
	[tilespmem:$0x1A180] =	vst v63  }
0x79: {  	_ =	swait.ge [sflag:s12], $0x2000  }
0x7a: {  	[sflag:s12] =	ssyncset.done $0x0  }
0x7b: {  	[sflag:s12] =	ssyncadd.s32 $0xFFFFE000  }
0x7c: {  	[spmem:s4] =	stream.linear.scatter [tilespmem:s10], [sflag:$0x2], $0x2000, $0x38;
	[tilespmem:$0x1A180] =	vst v63  }
0x7d: {  	_ =	swait.ge [sflag:s12], $0x2000  }
0x7e: {  	[sflag:s12] =	ssyncset.done $0x0  }
0x7f: {  	[sflag:s12] =	ssyncadd.s32 $0xFFFFE000  }
0x80: {  	[spmem:s5] =	stream.linear.scatter [tilespmem:s10], [sflag:$0x2], $0x2000, $0x38;
	[tilespmem:$0x1A180] =	vst v63  }
0x81: {  	_ =	swait.ge [sflag:s12], $0x2000  }
0x82: {  	[sflag:s12] =	ssyncset.done $0x0  }
0x83: {  	[sflag:s12] =	ssyncadd.s32 $0xFFFFE000  }
0x84: {  	[spmem:s6] =	stream.linear.scatter [tilespmem:s10], [sflag:$0x2], $0x2000, $0x38;
	[tilespmem:$0x1A180] =	vst v63  }
0x85: {  	_ =	swait.ge [sflag:s12], $0x2000  }
0x86: {  	[sflag:s12] =	ssyncset.done $0x0  }
0x87: {  	[sflag:s12] =	ssyncadd.s32 $0xFFFFE000  }
0x88: {  	[spmem:s7] =	stream.linear.scatter [tilespmem:s10], [sflag:$0x2], $0x2000, $0x38;
	[tilespmem:$0x1A180] =	vst v63  }
0x89: {  	_ =	swait.ge [sflag:s12], $0x2000  }
0x8a: {  	[sflag:s12] =	ssyncset.done $0x0  }
0x8b: {  	[sflag:s12] =	ssyncadd.s32 $0xFFFFE000  }
0x8c: {  	[spmem:s8] =	stream.linear.scatter [tilespmem:s10], [sflag:$0x2], $0x2000, $0x38;
	[tilespmem:$0x1A180] =	vst v63  }
0x8d: {  	_ =	swait.ge [sflag:s12], $0x2000  }
0x8e: {  	[sflag:s12] =	ssyncset.done $0x0  }
0x8f: {  	[sflag:s12] =	ssyncadd.s32 $0xFFFFE000  }
0x90: {  	[spmem:s9] =	stream.linear.scatter [tilespmem:s10], [sflag:$0x2], $0x2000, $0x38;
	[tilespmem:$0x1A180] =	vst v63  }
.Ltmp3:
0x91: {  	_ =	swait.ge [sflag:s12], $0x2000;
	(pc) =	sbr.rel @p0 .LBB2_7-.Ltmp3, $4  }
0x92: {  	[sflag:s12] =	ssyncset.done $0x0  }
0x93: {  	[sflag:s12] =	ssyncadd.s32 $0xFFFFE000  }
0x94: {  	[bflag:$0x0] =	sbarrier.arrive $0xFFFF  }
0x95: {  	s23 =	rddreg [dreg:$0xe]  }
.LBB2_4:
0x96: {  	s24 =	sshll.u32 s23, $0x4  }
0x97: {  	s26 =	simm.s32 $0x0;
	s25 =	sadd.s32 s15, s24  }
0x98: {  	[tilespmem:s26], [sflag:$0x2] =	stream.linear.gather [hbm4b:s25+s26], $0x80, $0x38;
	[tilespmem:$0x1A180] =	vst v63  }
0x99: {  	_ =	swait.ge [sflag:s12], $0x80  }
0x9a: {  	[sflag:s12] =	ssyncset.done $0x0  }
0x9b: {  	s28 =	sadd.s32 s16, s24;
	[sflag:s12] =	ssyncadd.s32 $0xFFFFFF80  }
0x9c: {  	[tilespmem:s14], [sflag:$0x2] =	stream.linear.gather [hbm4b:s28+s26], $0x80, $0x38;
	[tilespmem:$0x1A180] =	vst v63  }
0x9d: {  	_ =	swait.ge [sflag:s12], $0x80  }
0x9e: {  	[sflag:s12] =	ssyncset.done $0x0  }
0x9f: {  	s24 =	sadd.s32 s1, s24;
	[sflag:s12] =	ssyncadd.s32 $0xFFFFFF80  }
0xa0: {  	[tilespmem:s21], [sflag:$0x2] =	stream.linear.gather [hbm4b:s24+s26], $0x80, $0x38;
	[tilespmem:$0x1A180] =	vst v63  }
0xa1: {  	_ =	swait.ge [sflag:s12], $0x80  }
0xa2: {  	[sflag:s12] =	ssyncset.done $0x0  }
0xa3: {  	[sflag:s12] =	ssyncadd.s32 $0xFFFFFF80  }
0xa4: {  	v2 =	vld [tilespmem:$0x0]  }
0xa5: {  	v3 =	vld [tilespmem:$0x10]  }
0xa6: {  	v4 =	vld [tilespmem:$0x20]  }
0xa7: {  	v5 =	vld [tilespmem:$0x30]  }
0xa8: {  	v6 =	vld [tilespmem:$0x40]  }
0xa9: {  	v7 =	vld [tilespmem:$0x50];
	v2 =	vadd.s32 v0, v2  }
0xaa: {  	[tilespmem:$0x0] =	vst v2;
	v2 =	vadd.s32 v0, v3;
	v3 =	vld [tilespmem:$0x60]  }
0xab: {  	[tilespmem:$0x10] =	vst v2;
	v2 =	vadd.s32 v0, v4;
	v4 =	vld [tilespmem:$0x70]  }
0xac: {  	[tilespmem:$0x20] =	vst v2;
	v2 =	vadd.s32 v0, v5  }
0xad: {  	[tilespmem:$0x30] =	vst v2;
	v2 =	vadd.s32 v0, v6  }
0xae: {  	[tilespmem:$0x40] =	vst v2;
	v2 =	vadd.s32 v0, v7  }
0xaf: {  	[tilespmem:$0x50] =	vst v2;
	v2 =	vadd.s32 v0, v3  }
0xb0: {  	[tilespmem:$0x60] =	vst v2;
	v2 =	vadd.s32 v0, v4  }
0xb1: {  	[tilespmem:$0x70] =	vst v2  }
0xb2: {  	[tilespmem:s19], [sflag:$0x1] =	stream.indirect.gather [hbm4b:s17+s14], $0x80, s26, s14, $0xb8;
	[tilespmem:$0x1A180] =	vst v63  }
0xb3: {  	_ =	swait.ge [sflag:s22], $0x4000  }
0xb4: {  	v2 =	vmov s26;
	[sflag:s22] =	ssyncset.done $0x0  }
0xb5: {  	s24 =	simm.s32 $0x1C0;
	[sflag:s22] =	ssyncadd.s32 $0xFFFFC000  }
0xb6: {  	v6 =	vld [tilespmem:s24+$0x30]  }
0xb7: {  	v9 =	vld [tilespmem:s24+$0x10]  }
0xb8: {  	v7 =	vld [tilespmem:s24+$0xFFFFFFC0]  }
0xb9: {  	v3 =	vld.idx.msk [tilespmem:v2+s21+$0x0], $0xffff  }
0xba: {  	v11 =	vld [tilespmem:s24+$0xFFFFFFE0]  }
0xbb: {  	v2 =	vld [tilespmem:s24+$0xFFFFFFF0]  }
0xbc: {  	v4 =	vld [tilespmem:s24+$0x20]  }
0xbd: {  	v5 =	vld [tilespmem:s24+$0xFFFFFFD0]  }
0xbe: {  	v10 =	vmul.f32 v6, v3;
	v6 =	vld [tilespmem:s24+$0x0]  }
0xbf: {  	v8 =	vmul.f32 v7, v3  }
0xc0: {  	s25 =	simm.s32 $0x1;
	s26 =	simm.s32 $0x1C0;
	v7 =	vmul.f32 v11, v3;
	v9 =	vmul.f32 v9, v3  }
.LBB2_5:
0xc1: {  	p1 =	sne.s32 s25, $0x7F  }
0xc2: {  	v5 =	vmul.f32 v5, v3;
	v4 =	vmul.f32 v4, v3;
	[tilespmem:s24+$0x30] =	vst v10;
	s26 =	sadd.s32 $0x80, s26;
	s28 =	smov.u32 s25;
	s25 =	sadd.s32 $0x1, s25  }
0xc3: {  	[tilespmem:s24+$0xFFFFFFC0] =	vst v8;
	v8 =	vmul.f32 v2, v3;
	v3 =	vmul.f32 v6, v3  }
0xc4: {  	[tilespmem:s24+$0x10] =	vst v9  }
0xc5: {  	v6 =	vmov s28;
	[tilespmem:s24+$0xFFFFFFE0] =	vst v7  }
0xc6: {  	v2 =	vld [tilespmem:s26+$0xFFFFFFF0];
	[tilespmem:s24+$0xFFFFFFF0] =	vst v8  }
0xc7: {  	v7 =	vld [tilespmem:s26+$0x30];
	[tilespmem:s24+$0x0] =	vst v3  }
0xc8: {  	v9 =	vld [tilespmem:s26+$0x10];
	[tilespmem:s24+$0x20] =	vst v4  }
0xc9: {  	v8 =	vld [tilespmem:s26+$0xFFFFFFC0];
	[tilespmem:s24+$0xFFFFFFD0] =	vst v5;
	s24 =	smov.u32 s26  }
0xca: {  	v3 =	vld.idx.msk [tilespmem:v6+s21+$0x0], $0xffff  }
0xcb: {  	v11 =	vld [tilespmem:s26+$0xFFFFFFE0]  }
0xcc: {  	v4 =	vld [tilespmem:s26+$0x20]  }
.Ltmp4:
0xcd: {  	v5 =	vld [tilespmem:s26+$0xFFFFFFD0];
	(pc) =	sbr.rel @p1 .LBB2_5-.Ltmp4, $3  }
0xce: {  	v6 =	vld [tilespmem:s26+$0x0];
	_ =	sdelay $0x1  }
0xcf: {  	v8 =	vmul.f32 v8, v3;
	v10 =	vmul.f32 v7, v3  }
0xd0: {  	v9 =	vmul.f32 v9, v3;
	v7 =	vmul.f32 v11, v3  }
0xd1: {  	[tilespmem:s24+$0x30] =	vst v10  }
0xd2: {  	[tilespmem:s24+$0xFFFFFFC0] =	vst v8  }
0xd3: {  	v2 =	vmul.f32 v2, v3;
	[tilespmem:s24+$0x10] =	vst v9  }
0xd4: {  	v4 =	vmul.f32 v4, v3;
	[tilespmem:s24+$0xFFFFFFE0] =	vst v7  }
0xd5: {  	v6 =	vmul.f32 v6, v3;
	[tilespmem:s24+$0xFFFFFFF0] =	vst v2  }
0xd6: {  	v2 =	vmul.f32 v5, v3;
	[tilespmem:s24+$0x20] =	vst v4  }
0xd7: {  	s23 =	sadd.s32 $0x1, s23;
	[tilespmem:s24+$0x0] =	vst v6  }
0xd8: {  	p1 =	sne.s32 s23, s20;
	[tilespmem:s24+$0xFFFFFFD0] =	vst v2  }
0xd9: {  	[spmem:s13] =	stream.indirect.scatter.add.f32 [tilespmem:s19], [sflag:$0x2], $0x80, s14, s14, $0xb8;
	[tilespmem:$0x1A180] =	vst v63  }
.Ltmp5:
0xda: {  	_ = 	snop;
	(pc) =	sbr.rel @p1 .LBB2_4-.Ltmp5, $4  }
.Ltmp6:
0xdb: {  	_ = 	snop;
	(pc) =	sbr.rel @!p1 .LBB2_7-.Ltmp6, $4  }
0xdc: {  	_ =	swait.ge [sflag:s12], $0x4000  }
0xdd: {  	[sflag:s12] =	ssyncset.done $0x0  }
0xde: {  	[sflag:s12] =	ssyncadd.s32 $0xFFFFC000  }
0xdf: {  	_ = 	snop  }
.LBB2_8:
0xe0: {  	_ =	sfence.sel $0x180000  }
0xe1: {  	[bflag:$0x0] =	sbarrier.arrive $0xFFFF  }
0xe2: {  	_ =	strace $0x9000004D  }
0xe3: {  	s0 =	stileid.u32;
	[bflag:$0x2] =	sbarrier.arrive $0xFFFF  }
0xe4: {  	p0 =	sne.s32 s0, $0x0;
	s0 =	rddreg [dreg:$0x3]  }
0xe5: {  	s0 =	sadd.s32 @!p0 $0x100000, s0  }
0xe6: {  	[sflag:s0] =	ssyncadd.tile.s32 @!p0 $0x1;
	_ =	shalt  }
.Lfunc_end2:
_tile_overlayer_lowered:
.L_overlay_start_2:
0xe7: {  	(tag) =	ssettag $0x2  }
0xe8: {  	s0 =	rddreg [dreg:$0x0];
	s2 =	stileid.u32  }
0xe9: {  	s1 =	rddreg [dreg:$0x1];
	p0 =	sne.s32 s2, $0x0  }
0xea: {  	s3 =	rddreg [dreg:$0x2];
	[bflag:$0x3] =	sbarrier.arrive $0xFFFF;
	s2 =	simm.s32 @!p0 $0x1C02  }
0xeb: {  	[timem:s3], [sflag:s2] =	dma.local @!p0 [hbm:s0], s1  }
0xec: {  	s0 =	simm.s32 @!p0 $0x2  }
0xed: {  	_ =	swait.ge @!p0 [sflag:s0], s1  }
0xee: {  	s1 =	ssub.s32 @!p0 $0x0, s1;
	[sflag:s0] =	ssyncset.done @!p0 $0x0  }
0xef: {  	[sflag:s0] =	ssyncadd.s32 @!p0 s1  }
0xf0: {  	[bflag:$0x3] =	sbarrier.arrive $0xFFFF  }
0xf1: {  	_ =	shalt  }

// kernel: kernel.24.cloned.1.call-start
scs
__scs_entry_jumppad:
0x0: {  	(pc) =	sbr.rel $0x88, $3  }
0x1: {  	(tag) =	ssettag $0x0;
	lr =	simm.s32 $0x1  }
0x2: {  	[smem:$0x3F8D] =	sst lr;
	_ =	strace $0xD0000000  }
0x3: {  	_ = 	snop  }
0x4: {  	_ = 	snop  }
0x5: {  	_ = 	snop  }
0x6: {  	_ = 	snop  }
0x7: {  	_ = 	snop  }
__scs_overlays_trampoline_lowered:
0x8: {  	[smem:$0x3F9C] =	sst s0  }
0x9: {  	[smem:$0x3F9D] =	sst s1  }
0xa: {  	[smem:$0x3F9E] =	sst s2  }
0xb: {  	[smem:$0x3F9F] =	sst s3  }
0xc: {  	[smem:$0x3FA0] =	sst s4  }
0xd: {  	[smem:$0x3FA1] =	sst s5  }
0xe: {  	[smem:$0x3FA2] =	sst s6  }
0xf: {  	[smem:$0x3FA3] =	sst s7  }
0x10: {  	[smem:$0x3FA4] =	sst s8  }
0x11: {  	[smem:$0x3FA5] =	sst s9;
	s0 =	simm.s32 @!p0 $0x0  }
0x12: {  	s1 =	sld [smem:$0x3F8B];
	s0 =	simm.s32 @p0 $0x1  }
0x13: {  	[smem:$0x3FA6] =	sst s0;
	s0 =	simm.s32 @!p1 $0x0  }
0x14: {  	s2 =	sld [smem:$0x3F8A];
	s0 =	simm.s32 @p1 $0x1  }
0x15: {  	[smem:$0x3FA7] =	sst s0;
	s0 =	simm.s32 @!p2 $0x0  }
0x16: {  	s3 =	sld [smem:$0x3FDB];
	s0 =	simm.s32 @p2 $0x1  }
0x17: {  	s4 =	simm.s32 $0x1BF5;
	[smem:$0x3FA9] =	sst s0  }
0x18: {  	s0 =	sld [smem:$0x3F8C];
	_ =	swait.ge [sflag:s4], $0x0  }
0x19: {  	s7 =	sld [smem:$0x3F8D]  }
0x1a: {  	s8 =	sadd.s32 $0xFFFFE003, lr  }
0x1b: {  	s9 =	sadd.s32 $0xFFFFFEF7, lr;
	s5 =	simm.s32 $0xFFFFFFFF;
	p2 =	slt.u32 s8, $0xFFFFF086  }
0x1c: {  	p1 =	slt.u32 s9, $0xF7A;
	s5 =	simm.s32 @!p2 $0x0  }
0x1d: {  	s5 =	simm.s32 @p1 $0x1;
	p0 =	seq.s32 s7, s2  }
0x1e: {  	s7 =	smul.u32 @!p0 $0xF7A, s2;
	p2 =	seq.s32 @!p0 s5, $0x0  }
0x1f: {  	s9 =	smul.u32 $0xF7A, s1;
	s8 =	simm.s32 @!p0 $0x1BF5;
	p2 =	por !p2, p0  }
0x20: {  	[sflag:s8] =	ssyncset.s32 @!p0 $0xFFFFF086;
	s6 =	sadd.s32 @!p0 s3, s7;
	s7 =	simm.s32 @!p0 $0x108  }
0x21: {  	s3 =	sadd.s32 s3, s9;
	s6 =	sadd.s32 @!p0 $0x88, s6;
	s7 =	simm.s32 @p2 $0x1082  }
0x22: {  	[simem:s7], [sflag:s8] =	dma.local @!p0 [hbm:s6], $0xF7A  }
0x23: {  	s9 =	sor.u32 $0xD0000000, s2;
	s6 =	simm.s32 $0x108;
	_ =	swait.ge @!p0 [sflag:s8], $0x0  }
0x24: {  	s3 =	sadd.s32 $0x88, s3;
	s6 =	simm.s32 @!p1 $0x1082;
	[sflag:s4] =	ssyncset.s32 $0xFFFFF086  }
0x25: {  	[simem:s6], [sflag:s4] =	dma.local [hbm:s3], $0xF7A  }
0x26: {  	[smem:$0x3F8D] =	sst s1;
	(tag) =	ssettag s2;
	_ =	strace s9  }
0x27: {  	s1 =	sld [smem:$0x3F9D]  }
0x28: {  	s2 =	sld [smem:$0x3F9E]  }
0x29: {  	s4 =	sld [smem:$0x3FA0]  }
0x2a: {  	p0 =	seq.s32 s5, $0x0;
	s5 =	sld [smem:$0x3FA1]  }
0x2b: {  	s6 =	sld [smem:$0x3FA2]  }
0x2c: {  	s7 =	sld [smem:$0x3FA3]  }
0x2d: {  	s3 =	simm.s32 $0x108;
	s8 =	sld [smem:$0x3FA4]  }
0x2e: {  	s3 =	simm.s32 @!p0 $0x1082;
	s9 =	sld [smem:$0x3FA5]  }
0x2f: {  	lr =	sadd.s32 s0, s3;
	s0 =	sld [smem:$0x3F9C]  }
0x30: {  	s3 =	sld [smem:$0x3F9F]  }
0x31: {  	[smem:$0x3FA8] =	sst s10  }
0x32: {  	s10 =	sld [smem:$0x3FA6];
	_ =	sdelay $0x3  }
0x33: {  	p0 =	seq.s32 s10, $0x1;
	s10 =	sld [smem:$0x3FA8];
	_ =	sdelay $0x3  }
0x34: {  	[smem:$0x3FA8] =	sst s10  }
0x35: {  	s10 =	sld [smem:$0x3FA7];
	_ =	sdelay $0x3  }
0x36: {  	p1 =	seq.s32 s10, $0x1;
	s10 =	sld [smem:$0x3FA8];
	_ =	sdelay $0x3  }
0x37: {  	[smem:$0x3FA8] =	sst s10  }
0x38: {  	s10 =	sld [smem:$0x3FA9]  }
0x39: {  	_ = 	snop;
	(pc) =	sbr.ind lr, $3  }
0x3a: {  	_ = 	snop  }
0x3b: {  	_ = 	snop  }
0x3c: {  	p2 =	seq.s32 s10, $0x1;
	s10 =	sld [smem:$0x3FA8]  }
0x3d: {  	_ =	shalt  }
0x3e: {  	_ =	shalt  }
0x3f: {  	_ =	shalt  }
0x40: {  	_ =	shalt  }
0x41: {  	_ =	shalt  }
0x42: {  	_ =	shalt  }
0x43: {  	_ =	shalt  }
0x44: {  	_ =	shalt  }
0x45: {  	_ =	shalt  }
0x46: {  	_ =	shalt  }
0x47: {  	_ =	shalt  }
0x48: {  	_ =	shalt  }
0x49: {  	_ =	shalt  }
0x4a: {  	_ =	shalt  }
0x4b: {  	_ =	shalt  }
0x4c: {  	_ =	shalt  }
0x4d: {  	_ =	shalt  }
0x4e: {  	_ =	shalt  }
0x4f: {  	_ =	shalt  }
0x50: {  	_ =	shalt  }
0x51: {  	_ =	shalt  }
0x52: {  	_ =	shalt  }
0x53: {  	_ =	shalt  }
0x54: {  	_ =	shalt  }
0x55: {  	_ =	shalt  }
0x56: {  	_ =	shalt  }
0x57: {  	_ =	shalt  }
0x58: {  	_ =	shalt  }
0x59: {  	_ =	shalt  }
0x5a: {  	_ =	shalt  }
0x5b: {  	_ =	shalt  }
0x5c: {  	_ =	shalt  }
0x5d: {  	_ =	shalt  }
0x5e: {  	_ =	shalt  }
0x5f: {  	_ =	shalt  }
0x60: {  	_ =	shalt  }
0x61: {  	_ =	shalt  }
0x62: {  	_ =	shalt  }
0x63: {  	_ =	shalt  }
0x64: {  	_ =	shalt  }
0x65: {  	_ =	shalt  }
0x66: {  	_ =	shalt  }
0x67: {  	_ =	shalt  }
0x68: {  	_ =	shalt  }
0x69: {  	_ =	shalt  }
0x6a: {  	_ =	shalt  }
0x6b: {  	_ =	shalt  }
0x6c: {  	_ =	shalt  }
0x6d: {  	_ =	shalt  }
0x6e: {  	_ =	shalt  }
0x6f: {  	_ =	shalt  }
0x70: {  	_ =	shalt  }
0x71: {  	_ =	shalt  }
0x72: {  	_ =	shalt  }
0x73: {  	_ =	shalt  }
0x74: {  	_ =	shalt  }
0x75: {  	_ =	shalt  }
0x76: {  	_ =	shalt  }
0x77: {  	_ =	shalt  }
0x78: {  	_ =	shalt  }
0x79: {  	_ =	shalt  }
0x7a: {  	_ =	shalt  }
0x7b: {  	_ =	shalt  }
0x7c: {  	_ =	shalt  }
0x7d: {  	_ =	shalt  }
0x7e: {  	_ =	shalt  }
0x7f: {  	_ =	shalt  }
0x80: {  	_ =	shalt  }
0x81: {  	_ =	shalt  }
0x82: {  	_ =	shalt  }
0x83: {  	_ =	shalt  }
0x84: {  	_ =	shalt  }
0x85: {  	_ =	shalt  }
0x86: {  	_ =	shalt  }
0x87: {  	_ =	shalt  }
.Lfunc_end0:
.L_simem_size_0:
called_computation.3_lowered:
.L_overlay_start_0:
0x88: {  	s2 =	sld [smem:$0x3FD9]  }
0x89: {  	s3 =	sld [smem:$0x3FFE];
	_ =	sdelay $0x1  }
0x8a: {  	s1 =	srdreg.scid  }
0x8b: {  	s0 =	sand.u32 $0x1, s1  }
0x8c: {  	s17 =	sshll.u32 s0, $0xA;
	s2 =	sadd.s32 s3, s2  }
0x8d: {  	s2 =	sadd.s32 s2, s17  }
0x8e: {  	[smem:$0x3FB4] =	sst s2  }
0x8f: {  	_ = 	snop  }
0x90: {  	s2 =	sld [smem:$0x3FC7];
	(tm) =	ssettm $0x1  }
0x91: {  	s18 =	sld [smem:$0x3FFB];
	_ =	sdelay $0x3  }
0x92: {  	_ =	strace s18  }
0x93: {  	s3 =	sld [smem:$0x3FFC];
	_ =	sdelay $0x3  }
0x94: {  	_ =	strace s3  }
0x95: {  	s3 =	sld [smem:$0x3FFD];
	_ =	sdelay $0x3  }
0x96: {  	_ =	strace s3  }
0x97: {  	_ =	strace $0x8FFFFFFF  }
0x98: {  	s19 =	sld [smem:$0x3FDB];
	_ =	sdelay $0x1  }
0x99: {  	s4 =	simm.s32 $_scs_section_size  }
0x9a: {  	s5 =	simm.s32 $_size__tile_overlayer_lowered;
	s6 =	simm.s32 $_tile_overlayer_lowered  }
0x9b: {  	s22 =	simm.s32 $0x1BFF;
	s21 =	sshll.u32 s6, $0x1;
	s3 =	sadd.s32 s4, s19  }
0x9c: {  	s7 =	simm.s32 $0x0;
	s20 =	sshll.u32 s5, $0x1;
	s5 =	sadd.s32 s21, s3  }
0x9d: {  	[timem:s7], [sflag:s22] =	dma.local [hbm:s5], s20  }
0x9e: {  	_ =	swait.ge [sflag:s22], s20  }
0x9f: {  	s4 =	ssub.s32 $0x0, s20;
	[sflag:s22] =	ssyncset.done $0x0  }
0xa0: {  	[sflag:s22] =	ssyncadd.s32 s4;
	_ =	sdelay $0x1  }
0xa1: {  	s23 =	simm.s32 $0x1B8B  }
0xa2: {  	_ =	swait.ge [sflag:s23], $0x1  }
0xa3: {  	[sflag:s23] =	ssyncset.done $0x0  }
0xa4: {  	s25 =	simm.s32 $0x1B8E;
	s24 =	sld [smem:$0x3FFE];
	[sflag:s23] =	ssyncadd.s32 $0xFFFFFFFF  }
0xa5: {  	s26 =	simm.s32 $execute0_lowered;
	[smem:$0x3FD2] =	sst s25  }
0xa6: {  	s5 =	sshll.u32 s26, $0x1;
	_ =	strace $0x8000004F;
	[dreg:$0x1] =	wrdreg $0xFFFFFFFF  }
0xa7: {  	s28 =	simm.s32 $_size_execute0_lowered;
	s3 =	sadd.s32 s3, s5;
	[dreg:$0x0] =	wrdreg $0x0  }
0xa8: {  	s5 =	sshll.u32 s28, $0x1;
	[dreg:$0x2] =	wrdreg s3  }
0xa9: {  	[dreg:$0x3] =	wrdreg s5  }
0xaa: {  	[dreg:$0x4] =	wrdreg $0xC0  }
0xab: {  	_ =	task [dreg:s7], $0x5FFFF  }
0xac: {  	[dreg:$0x1] =	wrdreg $0xFFFFFFFF  }
0xad: {  	[dreg:$0x0] =	wrdreg $0x60  }
0xae: {  	[dreg:$0x2] =	wrdreg s24  }
0xaf: {  	[dreg:$0x3] =	wrdreg s2  }
0xb0: {  	[dreg:$0x4] =	wrdreg $0x61800  }
0xb1: {  	[dreg:$0x5] =	wrdreg $0x9  }
0xb2: {  	_ =	task.clear_ibuf [dreg:s7], $0x6FFFF;
	_ =	strace $0x9000004F  }
0xb3: {  	s29 =	simm.s32 $0x9;
	_ =	strace $0x80000051  }
0xb4: {  	_ =	swait.ge [sflag:s29], $0x1  }
0xb5: {  	[sflag:s29] =	ssyncadd.s32 $0xFFFFFFFF  }
0xb6: {  	_ =	strace $0x90000051  }
0xb7: {  	_ =	sfence  }
0xb8: {  	s30 =	sld [smem:$0x0];
	_ =	sdelay $0x2  }
0xb9: {  	s31 =	sshll.u32 s1, $0xD;
	s1 =	sshrl.u32 s1, $0x2  }
0xba: {  	s3 =	sand.u32 $0x4000, s31;
	s1 =	sadd.s32 s1, s30  }
0xbb: {  	s0 =	sor.u32 s3, s0;
	s1 =	sshll.u32 s1, $0x11  }
0xbc: {  	s0 =	sor.u32 s1, s0  }
0xbd: {  	s0 =	sadd.s32 $0x8F2B, s0  }
0xbe: {  	[sflag:s0] =	ssyncadd.remote.s32 $0x1  }
0xbf: {  	_ =	sfence.sel $0xFFFF  }
0xc0: {  	[dreg:$0x0] =	wrdreg $0xFFFFFFFF;
	(pc) =	sbr.abs _section_cstart, $3  }
0xc1: {  	[dreg:$0x1] =	wrdreg $0xFFFFFFFF  }
0xc2: {  	_ =	task.clear_ibuf [dreg:s7], $0x2FFFF;
	_ =	strace $0x9FFFFFFF  }
0xc3: {  	(tm) =	ssettm $0x7FFFFFFF  }
tec
execute0_lowered:
.L_overlay_start_1:
0x0: {  	(tag) =	ssettag $0x1  }
0x1: {  	s0 =	rddreg [dreg:$0x0]  }
0x2: {  	s2 =	srdreg.scid;
	s15 =	stileid.u32  }
0x3: {  	s1 =	rddreg [dreg:$0x1];
	s3 =	sand.u32 $0x1, s2;
	s4 =	smul.u32 $0x280, s15  }
0x4: {  	s2 =	simm.s32 $0x0;
	s7 =	sadd.s32 $0x67000, s0;
	s12 =	sshll.u32 s15, $0x1  }
0x5: {  	s26 =	smul.u32 $0x50000, s15;
	s15 =	sadd.s32 $0xEE00, s0;
	s5 =	ssub.s32 $0x2, s3  }
0x6: {  	s6 =	smul.u32 $0x2800, s3;
	[smem:$0x7FF] =	sst s2;
	s3 =	sor.u32 s3, s12  }
0x7: {  	s8 =	sshrl.u32 s5, $0x1;
	s10 =	sadd.s32 $0x80, s4;
	s12 =	sadd.s32 $0xC0, s4  }
0x8: {  	s3 =	smul.u32 $0x9C4, s3;
	s28 =	sshrl.u32 s26, $0x2;
	s5 =	ssub.s32 s5, s8  }
0x9: {  	s9 =	sadd.s32 s6, s4;
	s11 =	sadd.s32 s6, s10;
	s17 =	sadd.s32 s6, s12  }
0xa: {  	s13 =	sshll.u32 s9, $0x4;
	s9 =	sor.u32 $0x40, s4;
	s16 =	sshll.u32 s11, $0x4  }
0xb: {  	s18 =	sshll.u32 s17, $0x4;
	s8 =	sadd.s32 s7, s13;
	s14 =	sadd.s32 s6, s9  }
0xc: {  	s11 =	sadd.s32 $0x100, s4;
	[dreg:$0x4] =	wrdreg s8;
	s8 =	sshll.u32 s14, $0x4  }
0xd: {  	s17 =	sadd.s32 $0x3FE00, s0;
	s14 =	sadd.s32 $0x140, s4;
	s8 =	sadd.s32 s7, s8  }
0xe: {  	s19 =	sadd.s32 s6, s11;
	s13 =	sadd.s32 s6, s14;
	[dreg:$0x5] =	wrdreg s8  }
0xf: {  	s8 =	sadd.s32 s7, s16;
	s20 =	sshll.u32 s13, $0x4;
	s13 =	rddreg [dreg:$0x2]  }
0x10: {  	s14 =	sshll.u32 s14, $0x7;
	[dreg:$0x6] =	wrdreg s8;
	s8 =	sadd.s32 s7, s18  }
0x11: {  	s16 =	sadd.s32 $0x5000, s0;
	[dreg:$0x7] =	wrdreg s8;
	s8 =	sshll.u32 s19, $0x4  }
0x12: {  	s18 =	sadd.s32 s28, s13;
	s19 =	sadd.s32 $0x180, s4;
	s8 =	sadd.s32 s7, s8  }
0x13: {  	s21 =	sadd.s32 s6, s19;
	s19 =	sshll.u32 s19, $0x7;
	[dreg:$0x8] =	wrdreg s8  }
0x14: {  	s8 =	sadd.s32 s7, s20;
	s22 =	sshll.u32 s21, $0x4;
	s21 =	sadd.s32 $0x1C0, s4  }
0x15: {  	[dreg:$0x9] =	wrdreg s8;
	s8 =	sadd.s32 s7, s22;
	s23 =	sadd.s32 s6, s21  }
0x16: {  	s22 =	sadd.s32 $0x200, s4;
	s4 =	sadd.s32 $0x240, s4;
	s21 =	sshll.u32 s21, $0x7  }
0x17: {  	[dreg:$0xa] =	wrdreg s8;
	s8 =	sshll.u32 s23, $0x4;
	s24 =	sadd.s32 s6, s22  }
0x18: {  	s6 =	sadd.s32 s6, s4;
	s23 =	sshrl.u32 s3, $0x5;
	s22 =	sshll.u32 s22, $0x7  }
0x19: {  	s4 =	sshll.u32 s4, $0x7;
	s8 =	sadd.s32 s7, s8;
	s25 =	sshll.u32 s24, $0x4  }
0x1a: {  	s6 =	sshll.u32 s6, $0x4;
	s4 =	sadd.s32 s4, s13;
	[dreg:$0xb] =	wrdreg s8  }
0x1b: {  	s8 =	sadd.s32 s7, s25;
	s6 =	sadd.s32 s7, s6;
	s7 =	smax.u32 s5, $0x1  }
0x1c: {  	s31 =	sshrl.u32 s4, $0x3;
	s4 =	sadd.s32 $0x8000, s18;
	[dreg:$0xc] =	wrdreg s8  }
0x1d: {  	[dreg:$0xd] =	wrdreg s6;
	s6 =	sadd.s32 $0x9C4, s3;
	s8 =	sshll.u32 s9, $0x7  }
0x1e: {  	s9 =	sshll.u32 s10, $0x7;
	s10 =	sshll.u32 s12, $0x7;
	s12 =	sshll.u32 s11, $0x7  }
0x1f: {  	s11 =	sadd.s32 $0x2000, s18;
	_ =	strace $0x80000050;
	s20 =	sshrl.u32 s6, $0x5  }
0x20: {  	[dreg:$0xf] =	wrdreg s7;
	s0 =	sadd.s32 s8, s13;
	s3 =	sadd.s32 s9, s13  }
0x21: {  	s5 =	sadd.s32 s10, s13;
	s6 =	sadd.s32 s12, s13;
	s7 =	sadd.s32 s14, s13  }
0x22: {  	s8 =	sadd.s32 s19, s13;
	s9 =	sadd.s32 s21, s13;
	s10 =	sadd.s32 s22, s13  }
0x23: {  	[dreg:$0xe] =	wrdreg s23;
	s12 =	simm.s32 $0x2;
	s14 =	simm.s32 $0x80  }
0x24: {  	s21 =	simm.s32 $0x100;
	s19 =	simm.s32 $0x180;
	s22 =	simm.s32 $0x1  }
0x25: {  	p0 =	sge.u32 s23, s20;
	s0 =	sshrl.u32 s0, $0x3;
	s23 =	sshrl.u32 s3, $0x3  }
0x26: {  	s24 =	sshrl.u32 s5, $0x3;
	s25 =	sshrl.u32 s6, $0x3;
	s26 =	sshrl.u32 s7, $0x3  }
0x27: {  	s28 =	sshrl.u32 s8, $0x3;
	s29 =	sshrl.u32 s9, $0x3;
	[dreg:$0x10] =	wrdreg s0  }
.Ltmp0:
0x28: {  	s30 =	sshrl.u32 s10, $0x3;
	[dreg:$0x11] =	wrdreg s23;
	(pc) =	sbr.rel .LBB2_1-.Ltmp0, $4  }
0x29: {  	s3 =	sadd.s32 $0x6000, s18;
	s5 =	sadd.s32 $0xA000, s18;
	[dreg:$0x12] =	wrdreg s24  }
0x2a: {  	s6 =	sadd.s32 $0xC000, s18;
	s7 =	sadd.s32 $0xE000, s18;
	[dreg:$0x13] =	wrdreg s25  }
0x2b: {  	s8 =	sadd.s32 $0x10000, s18;
	s9 =	sadd.s32 $0x12000, s18;
	[dreg:$0x14] =	wrdreg s26  }
0x2c: {  	v0 =	vimm.f32 $0.0e+00;
	s10 =	simm.s32 $0x4180;
	[dreg:$0x15] =	wrdreg s28;
	s0 =	sadd.s32 $0x4000, s18  }
.LBB2_7:
0x2d: {  	s23 =	stileid.u32  }
0x2e: {  	[bflag:$0x0] =	sbarrier.arrive $0xFFFF;
	s23 =	sshll.u32 s23, $0x6  }
0x2f: {  	s24 =	sshrl.u32 s18, $0x3;
	s25 =	rddreg [dreg:$0x4];
	s23 =	sor.u32 $0x1C02, s23  }
0x30: {  	[hbm:s25], [sflag:s23] =	dma.local [spmem:s24], $0x400  }
0x31: {  	_ =	swait.ge [sflag:s12], $0x400  }
0x32: {  	[sflag:s12] =	ssyncset.done $0x0;
	s26 =	rddreg [dreg:$0x5]  }
0x33: {  	s28 =	rddreg [dreg:$0x10];
	[sflag:s12] =	ssyncadd.s32 $0xFFFFFC00  }
0x34: {  	[hbm:s26], [sflag:s23] =	dma.local [spmem:s28], $0x400  }
0x35: {  	_ =	swait.ge [sflag:s12], $0x400  }
0x36: {  	[sflag:s12] =	ssyncset.done $0x0;
	s26 =	rddreg [dreg:$0x6]  }
0x37: {  	s28 =	rddreg [dreg:$0x11];
	[sflag:s12] =	ssyncadd.s32 $0xFFFFFC00  }
0x38: {  	[hbm:s26], [sflag:s23] =	dma.local [spmem:s28], $0x400  }
0x39: {  	_ =	swait.ge [sflag:s12], $0x400  }
0x3a: {  	[sflag:s12] =	ssyncset.done $0x0;
	s26 =	rddreg [dreg:$0x7]  }
0x3b: {  	s28 =	rddreg [dreg:$0x12];
	[sflag:s12] =	ssyncadd.s32 $0xFFFFFC00  }
0x3c: {  	[hbm:s26], [sflag:s23] =	dma.local [spmem:s28], $0x400  }
0x3d: {  	_ =	swait.ge [sflag:s12], $0x400  }
0x3e: {  	[sflag:s12] =	ssyncset.done $0x0;
	s26 =	rddreg [dreg:$0x8]  }
0x3f: {  	s28 =	rddreg [dreg:$0x13];
	[sflag:s12] =	ssyncadd.s32 $0xFFFFFC00  }
0x40: {  	[hbm:s26], [sflag:s23] =	dma.local [spmem:s28], $0x400  }
0x41: {  	_ =	swait.ge [sflag:s12], $0x400  }
0x42: {  	[sflag:s12] =	ssyncset.done $0x0;
	s26 =	rddreg [dreg:$0x9]  }
0x43: {  	s28 =	rddreg [dreg:$0x14];
	[sflag:s12] =	ssyncadd.s32 $0xFFFFFC00  }
0x44: {  	[hbm:s26], [sflag:s23] =	dma.local [spmem:s28], $0x400  }
0x45: {  	_ =	swait.ge [sflag:s12], $0x400  }
0x46: {  	[sflag:s12] =	ssyncset.done $0x0;
	s25 =	rddreg [dreg:$0xa]  }
0x47: {  	s26 =	rddreg [dreg:$0x15];
	[sflag:s12] =	ssyncadd.s32 $0xFFFFFC00  }
0x48: {  	[hbm:s25], [sflag:s23] =	dma.local [spmem:s26], $0x400  }
0x49: {  	_ =	swait.ge [sflag:s12], $0x400  }
0x4a: {  	[sflag:s12] =	ssyncset.done $0x0  }
0x4b: {  	s28 =	rddreg [dreg:$0xb];
	[sflag:s12] =	ssyncadd.s32 $0xFFFFFC00  }
0x4c: {  	[hbm:s28], [sflag:s23] =	dma.local [spmem:s29], $0x400  }
0x4d: {  	_ =	swait.ge [sflag:s12], $0x400  }
0x4e: {  	[sflag:s12] =	ssyncset.done $0x0  }
0x4f: {  	s25 =	rddreg [dreg:$0xc];
	[sflag:s12] =	ssyncadd.s32 $0xFFFFFC00  }
0x50: {  	[hbm:s25], [sflag:s23] =	dma.local [spmem:s30], $0x400  }
0x51: {  	_ =	swait.ge [sflag:s12], $0x400  }
0x52: {  	[sflag:s12] =	ssyncset.done $0x0  }
0x53: {  	s26 =	rddreg [dreg:$0xd];
	[sflag:s12] =	ssyncadd.s32 $0xFFFFFC00  }
0x54: {  	[hbm:s26], [sflag:s23] =	dma.local [spmem:s31], $0x400  }
0x55: {  	_ =	swait.ge [sflag:s12], $0x400  }
0x56: {  	s2 =	sadd.s32 $0x1, s2;
	s28 =	rddreg [dreg:$0xf]  }
0x57: {  	p1 =	sne.s32 s2, s28  }
.Ltmp1:
0x58: {  	_ = 	snop;
	(pc) =	sbr.rel @!p1 .LBB2_8-.Ltmp1, $3  }
0x59: {  	_ =	sdelay $0x1  }
0x5a: {  	[sflag:s12] =	ssyncset.done $0x0  }
0x5b: {  	[sflag:s12] =	ssyncadd.s32 $0xFFFFFC00  }
.LBB2_1:
0x5c: {  	s23 =	simm.s32 $0x0;
	s24 =	simm.s32 $0x200  }
.LBB2_2:
0x5d: {  	p1 =	sne.s32 s24, $0x7E00;
	[tilespmem:s23+$0x41F0] =	vst v0  }
0x5e: {  	[tilespmem:s23+$0x4180] =	vst v0  }
0x5f: {  	[tilespmem:s23+$0x4190] =	vst v0  }
.Ltmp2:
0x60: {  	[tilespmem:s23+$0x41A0] =	vst v0;
	(pc) =	sbr.rel @p1 .LBB2_2-.Ltmp2, $4  }
0x61: {  	[tilespmem:s23+$0x41B0] =	vst v0  }
0x62: {  	[tilespmem:s23+$0x41C0] =	vst v0  }
0x63: {  	[tilespmem:s23+$0x41D0] =	vst v0  }
0x64: {  	[tilespmem:s23+$0x41E0] =	vst v0;
	s23 =	sshra.s32 s24, $0x2;
	s24 =	sadd.s32 $0x200, s24  }
0x65: {  	[tilespmem:s23+$0x41F0] =	vst v0  }
0x66: {  	[tilespmem:s23+$0x4180] =	vst v0  }
0x67: {  	[tilespmem:s23+$0x4190] =	vst v0  }
0x68: {  	[tilespmem:s23+$0x41A0] =	vst v0  }
0x69: {  	[tilespmem:s23+$0x41B0] =	vst v0  }
0x6a: {  	[tilespmem:s23+$0x41C0] =	vst v0  }
0x6b: {  	[tilespmem:s23+$0x41D0] =	vst v0  }
0x6c: {  	[tilespmem:s23+$0x41E0] =	vst v0  }
0x6d: {  	[spmem:s18] =	stream.linear.scatter [tilespmem:s10], [sflag:$0x2], $0x2000, $0x38;
	[tilespmem:$0x1A180] =	vst v63  }
0x6e: {  	_ =	swait.ge [sflag:s12], $0x2000  }
0x6f: {  	[sflag:s12] =	ssyncset.done $0x0  }
0x70: {  	[sflag:s12] =	ssyncadd.s32 $0xFFFFE000  }
0x71: {  	[spmem:s11] =	stream.linear.scatter [tilespmem:s10], [sflag:$0x2], $0x2000, $0x38;
	[tilespmem:$0x1A180] =	vst v63  }
0x72: {  	_ =	swait.ge [sflag:s12], $0x2000  }
0x73: {  	[sflag:s12] =	ssyncset.done $0x0  }
0x74: {  	[sflag:s12] =	ssyncadd.s32 $0xFFFFE000  }
0x75: {  	[spmem:s0] =	stream.linear.scatter [tilespmem:s10], [sflag:$0x2], $0x2000, $0x38;
	[tilespmem:$0x1A180] =	vst v63  }
0x76: {  	_ =	swait.ge [sflag:s12], $0x2000  }
0x77: {  	[sflag:s12] =	ssyncset.done $0x0  }
0x78: {  	[sflag:s12] =	ssyncadd.s32 $0xFFFFE000  }
0x79: {  	[spmem:s3] =	stream.linear.scatter [tilespmem:s10], [sflag:$0x2], $0x2000, $0x38;
	[tilespmem:$0x1A180] =	vst v63  }
0x7a: {  	_ =	swait.ge [sflag:s12], $0x2000  }
0x7b: {  	[sflag:s12] =	ssyncset.done $0x0  }
0x7c: {  	[sflag:s12] =	ssyncadd.s32 $0xFFFFE000  }
0x7d: {  	[spmem:s4] =	stream.linear.scatter [tilespmem:s10], [sflag:$0x2], $0x2000, $0x38;
	[tilespmem:$0x1A180] =	vst v63  }
0x7e: {  	_ =	swait.ge [sflag:s12], $0x2000  }
0x7f: {  	[sflag:s12] =	ssyncset.done $0x0  }
0x80: {  	[sflag:s12] =	ssyncadd.s32 $0xFFFFE000  }
0x81: {  	[spmem:s5] =	stream.linear.scatter [tilespmem:s10], [sflag:$0x2], $0x2000, $0x38;
	[tilespmem:$0x1A180] =	vst v63  }
0x82: {  	_ =	swait.ge [sflag:s12], $0x2000  }
0x83: {  	[sflag:s12] =	ssyncset.done $0x0  }
0x84: {  	[sflag:s12] =	ssyncadd.s32 $0xFFFFE000  }
0x85: {  	[spmem:s6] =	stream.linear.scatter [tilespmem:s10], [sflag:$0x2], $0x2000, $0x38;
	[tilespmem:$0x1A180] =	vst v63  }
0x86: {  	_ =	swait.ge [sflag:s12], $0x2000  }
0x87: {  	[sflag:s12] =	ssyncset.done $0x0  }
0x88: {  	[sflag:s12] =	ssyncadd.s32 $0xFFFFE000  }
0x89: {  	[spmem:s7] =	stream.linear.scatter [tilespmem:s10], [sflag:$0x2], $0x2000, $0x38;
	[tilespmem:$0x1A180] =	vst v63  }
0x8a: {  	_ =	swait.ge [sflag:s12], $0x2000  }
0x8b: {  	[sflag:s12] =	ssyncset.done $0x0  }
0x8c: {  	[sflag:s12] =	ssyncadd.s32 $0xFFFFE000  }
0x8d: {  	[spmem:s8] =	stream.linear.scatter [tilespmem:s10], [sflag:$0x2], $0x2000, $0x38;
	[tilespmem:$0x1A180] =	vst v63  }
0x8e: {  	_ =	swait.ge [sflag:s12], $0x2000  }
0x8f: {  	[sflag:s12] =	ssyncset.done $0x0  }
0x90: {  	[sflag:s12] =	ssyncadd.s32 $0xFFFFE000  }
0x91: {  	[spmem:s9] =	stream.linear.scatter [tilespmem:s10], [sflag:$0x2], $0x2000, $0x38;
	[tilespmem:$0x1A180] =	vst v63  }
.Ltmp3:
0x92: {  	_ =	swait.ge [sflag:s12], $0x2000;
	(pc) =	sbr.rel @p0 .LBB2_7-.Ltmp3, $4  }
0x93: {  	[sflag:s12] =	ssyncset.done $0x0  }
0x94: {  	[sflag:s12] =	ssyncadd.s32 $0xFFFFE000  }
0x95: {  	[bflag:$0x0] =	sbarrier.arrive $0xFFFF  }
0x96: {  	s23 =	rddreg [dreg:$0xe]  }
.LBB2_4:
0x97: {  	s24 =	sshll.u32 s23, $0x4  }
0x98: {  	s26 =	simm.s32 $0x0;
	s25 =	sadd.s32 s15, s24  }
0x99: {  	[tilespmem:s26], [sflag:$0x2] =	stream.linear.gather [hbm4b:s25+s26], $0x80, $0x38;
	[tilespmem:$0x1A180] =	vst v63  }
0x9a: {  	_ =	swait.ge [sflag:s12], $0x80  }
0x9b: {  	[sflag:s12] =	ssyncset.done $0x0  }
0x9c: {  	s28 =	sadd.s32 s16, s24;
	[sflag:s12] =	ssyncadd.s32 $0xFFFFFF80  }
0x9d: {  	[tilespmem:s14], [sflag:$0x2] =	stream.linear.gather [hbm4b:s28+s26], $0x80, $0x38;
	[tilespmem:$0x1A180] =	vst v63  }
0x9e: {  	_ =	swait.ge [sflag:s12], $0x80  }
0x9f: {  	[sflag:s12] =	ssyncset.done $0x0  }
0xa0: {  	s24 =	sadd.s32 s1, s24;
	[sflag:s12] =	ssyncadd.s32 $0xFFFFFF80  }
0xa1: {  	[tilespmem:s21], [sflag:$0x2] =	stream.linear.gather [hbm4b:s24+s26], $0x80, $0x38;
	[tilespmem:$0x1A180] =	vst v63  }
0xa2: {  	_ =	swait.ge [sflag:s12], $0x80  }
0xa3: {  	[sflag:s12] =	ssyncset.done $0x0  }
0xa4: {  	[sflag:s12] =	ssyncadd.s32 $0xFFFFFF80  }
0xa5: {  	[tilespmem:s19], [sflag:$0x1] =	stream.indirect.gather [hbm4b:s17+s14], $0x80, s26, s14, $0xb8;
	[tilespmem:$0x1A180] =	vst v63  }
0xa6: {  	_ =	swait.ge [sflag:s22], $0x4000  }
0xa7: {  	v1 =	vmov s26;
	[sflag:s22] =	ssyncset.done $0x0  }
0xa8: {  	s24 =	simm.s32 $0x1C0;
	[sflag:s22] =	ssyncadd.s32 $0xFFFFC000  }
0xa9: {  	v5 =	vld [tilespmem:s24+$0x30]  }
0xaa: {  	v8 =	vld [tilespmem:s24+$0x10]  }
0xab: {  	v6 =	vld [tilespmem:s24+$0xFFFFFFC0]  }
0xac: {  	v2 =	vld.idx.msk [tilespmem:v1+s21+$0x0], $0xffff  }
0xad: {  	v10 =	vld [tilespmem:s24+$0xFFFFFFE0]  }
0xae: {  	v1 =	vld [tilespmem:s24+$0xFFFFFFF0]  }
0xaf: {  	v3 =	vld [tilespmem:s24+$0x20]  }
0xb0: {  	v4 =	vld [tilespmem:s24+$0xFFFFFFD0]  }
0xb1: {  	v9 =	vmul.f32 v5, v2;
	v5 =	vld [tilespmem:s24+$0x0]  }
0xb2: {  	v7 =	vmul.f32 v6, v2  }
0xb3: {  	s25 =	simm.s32 $0x1;
	s26 =	simm.s32 $0x1C0;
	v6 =	vmul.f32 v10, v2;
	v8 =	vmul.f32 v8, v2  }
.LBB2_5:
0xb4: {  	p1 =	sne.s32 s25, $0x7F  }
0xb5: {  	v4 =	vmul.f32 v4, v2;
	v3 =	vmul.f32 v3, v2;
	[tilespmem:s24+$0x30] =	vst v9;
	s26 =	sadd.s32 $0x80, s26;
	s28 =	smov.u32 s25;
	s25 =	sadd.s32 $0x1, s25  }
0xb6: {  	[tilespmem:s24+$0xFFFFFFC0] =	vst v7;
	v7 =	vmul.f32 v1, v2;
	v2 =	vmul.f32 v5, v2  }
0xb7: {  	[tilespmem:s24+$0x10] =	vst v8  }
0xb8: {  	v5 =	vmov s28;
	[tilespmem:s24+$0xFFFFFFE0] =	vst v6  }
0xb9: {  	v1 =	vld [tilespmem:s26+$0xFFFFFFF0];
	[tilespmem:s24+$0xFFFFFFF0] =	vst v7  }
0xba: {  	v6 =	vld [tilespmem:s26+$0x30];
	[tilespmem:s24+$0x0] =	vst v2  }
0xbb: {  	v8 =	vld [tilespmem:s26+$0x10];
	[tilespmem:s24+$0x20] =	vst v3  }
0xbc: {  	v7 =	vld [tilespmem:s26+$0xFFFFFFC0];
	[tilespmem:s24+$0xFFFFFFD0] =	vst v4;
	s24 =	smov.u32 s26  }
0xbd: {  	v2 =	vld.idx.msk [tilespmem:v5+s21+$0x0], $0xffff  }
0xbe: {  	v10 =	vld [tilespmem:s26+$0xFFFFFFE0]  }
0xbf: {  	v3 =	vld [tilespmem:s26+$0x20]  }
.Ltmp4:
0xc0: {  	v4 =	vld [tilespmem:s26+$0xFFFFFFD0];
	(pc) =	sbr.rel @p1 .LBB2_5-.Ltmp4, $3  }
0xc1: {  	v5 =	vld [tilespmem:s26+$0x0];
	_ =	sdelay $0x1  }
0xc2: {  	v7 =	vmul.f32 v7, v2;
	v9 =	vmul.f32 v6, v2  }
0xc3: {  	v8 =	vmul.f32 v8, v2;
	v6 =	vmul.f32 v10, v2  }
0xc4: {  	[tilespmem:s24+$0x30] =	vst v9  }
0xc5: {  	[tilespmem:s24+$0xFFFFFFC0] =	vst v7  }
0xc6: {  	v1 =	vmul.f32 v1, v2;
	[tilespmem:s24+$0x10] =	vst v8  }
0xc7: {  	v3 =	vmul.f32 v3, v2;
	[tilespmem:s24+$0xFFFFFFE0] =	vst v6  }
0xc8: {  	v5 =	vmul.f32 v5, v2;
	[tilespmem:s24+$0xFFFFFFF0] =	vst v1  }
0xc9: {  	v1 =	vmul.f32 v4, v2;
	[tilespmem:s24+$0x20] =	vst v3  }
0xca: {  	s23 =	sadd.s32 $0x1, s23;
	[tilespmem:s24+$0x0] =	vst v5  }
0xcb: {  	p1 =	slt.u32 s23, s20;
	[tilespmem:s24+$0xFFFFFFD0] =	vst v1  }
0xcc: {  	[spmem:s13] =	stream.indirect.scatter.add.f32 [tilespmem:s19], [sflag:$0x2], $0x80, s14, s14, $0xb8;
	[tilespmem:$0x1A180] =	vst v63  }
.Ltmp5:
0xcd: {  	_ = 	snop;
	(pc) =	sbr.rel @p1 .LBB2_4-.Ltmp5, $4  }
.Ltmp6:
0xce: {  	_ = 	snop;
	(pc) =	sbr.rel @!p1 .LBB2_7-.Ltmp6, $4  }
0xcf: {  	_ =	swait.ge [sflag:s12], $0x4000  }
0xd0: {  	[sflag:s12] =	ssyncset.done $0x0  }
0xd1: {  	[sflag:s12] =	ssyncadd.s32 $0xFFFFC000  }
0xd2: {  	_ = 	snop  }
.LBB2_8:
0xd3: {  	_ =	sfence.sel $0x180000  }
0xd4: {  	[bflag:$0x0] =	sbarrier.arrive $0xFFFF  }
0xd5: {  	_ =	strace $0x90000050  }
0xd6: {  	s0 =	stileid.u32;
	[bflag:$0x2] =	sbarrier.arrive $0xFFFF  }
0xd7: {  	p0 =	sne.s32 s0, $0x0;
	s0 =	rddreg [dreg:$0x3]  }
0xd8: {  	s0 =	sadd.s32 @!p0 $0x100000, s0  }
0xd9: {  	[sflag:s0] =	ssyncadd.tile.s32 @!p0 $0x1;
	_ =	shalt  }
.Lfunc_end2:
_tile_overlayer_lowered:
.L_overlay_start_2:
0xda: {  	(tag) =	ssettag $0x2  }
0xdb: {  	s0 =	rddreg [dreg:$0x0];
	s2 =	stileid.u32  }
0xdc: {  	s1 =	rddreg [dreg:$0x1];
	p0 =	sne.s32 s2, $0x0  }
0xdd: {  	s3 =	rddreg [dreg:$0x2];
	[bflag:$0x3] =	sbarrier.arrive $0xFFFF;
	s2 =	simm.s32 @!p0 $0x1C02  }
0xde: {  	[timem:s3], [sflag:s2] =	dma.local @!p0 [hbm:s0], s1  }
0xdf: {  	s0 =	simm.s32 @!p0 $0x2  }
0xe0: {  	_ =	swait.ge @!p0 [sflag:s0], s1  }
0xe1: {  	s1 =	ssub.s32 @!p0 $0x0, s1;
	[sflag:s0] =	ssyncset.done @!p0 $0x0  }
0xe2: {  	[sflag:s0] =	ssyncadd.s32 @!p0 s1  }
0xe3: {  	[bflag:$0x3] =	sbarrier.arrive $0xFFFF  }
0xe4: {  	_ =	shalt  }

</sc_bundles>
